<compile_context>
chip_gen: v7x
topology: tpu7x:2x2x1
jax: 0.10.2.dev20260603
libtpu: 0.0.44.dev20260713+nightly
codegen_flags: <defaults>
</compile_context>

<pallas_src>
import functools

import jax
import jax.numpy as jnp
from jax import lax
from jax.experimental import pallas as pl
from jax.experimental.pallas import tpu as pltpu
from jax.experimental.pallas import tpu_sc as plsc

VOCAB = 30522
HIDDEN = 768
BATCH = 4
SEQ = 2048

NC, NS, L = 2, 16, 16
NW = NC * NS
TOK = BATCH * SEQ
TPW = TOK // NW
CH = 64
NCH = TPW // CH
WPR = SEQ // TPW
HB = HIDDEN // L

_mesh = plsc.VectorSubcoreMesh(core_axis_name="c", subcore_axis_name="s")


@functools.partial(
    pl.kernel,
    mesh=_mesh,
    out_type=[
        jax.ShapeDtypeStruct((TOK, HIDDEN), jnp.float32),
        jax.ShapeDtypeStruct((NW, HIDDEN), jnp.float32),
    ],
    scratch_types=[
        pltpu.VMEM((NCH, CH), jnp.int32),
        pltpu.VMEM((CH, HIDDEN), jnp.float32),
        pltpu.VMEM((L,), jnp.int32),
        pltpu.VMEM((HIDDEN,), jnp.float32),
        pltpu.SemaphoreType.DMA,
    ],
)
def _embed_pool_sc(ids_hbm, vlen_hbm, table_hbm, out_hbm, part_hbm,
                   idx_v, rows_v, vlen_v, acc_v, sem):
    wid = lax.axis_index("s") * NC + lax.axis_index("c")
    base = wid * TPW
    b = wid // WPR
    p0 = (wid % WPR) * TPW

    pltpu.sync_copy(ids_hbm.at[wid], idx_v)
    pltpu.sync_copy(vlen_hbm.at[b], vlen_v)
    vlen = vlen_v[...][0]

    for d in range(HB):
        acc_v[pl.ds(d * L, L)] = jnp.zeros((L,), jnp.float32)

    for c in range(NCH):
        pltpu.async_copy(table_hbm.at[idx_v.at[c]], rows_v, sem).wait()
        pltpu.sync_copy(rows_v, out_hbm.at[pl.ds(base + c * CH, CH)])
        n = jnp.clip(vlen - (p0 + c * CH), 0, CH)

        def _pool(i, _):
            for d in range(HB):
                plsc.addupdate(acc_v.at[pl.ds(d * L, L)],
                               rows_v[i, pl.ds(d * L, L)])
            return 0

        lax.fori_loop(0, n, _pool, 0)

    pltpu.sync_copy(acc_v, part_hbm.at[wid])


def _vlen_body(m_ref, o_ref):
    vl = jnp.sum(m_ref[...], axis=1)
    o_ref[...] = jnp.broadcast_to(vl[:, None], (BATCH, L))


def _combine_body(p_ref, o_ref):
    o_ref[...] = jnp.sum(p_ref[...], axis=1)


def kernel(input_ids, attn_mask, W):
    ids = input_ids.astype(jnp.int32).reshape(NW, NCH, CH)
    mask = attn_mask.astype(jnp.int32).reshape(BATCH, SEQ)
    vlen16 = pl.pallas_call(
        _vlen_body,
        out_shape=jax.ShapeDtypeStruct((BATCH, L), jnp.int32),
    )(mask)
    out_flat, part = _embed_pool_sc(ids, vlen16, W)
    pooled = pl.pallas_call(
        _combine_body,
        out_shape=jax.ShapeDtypeStruct((BATCH, HIDDEN), jnp.float32),
    )(part.reshape(BATCH, NW // BATCH, HIDDEN))
    return (out_flat.reshape(BATCH, SEQ, HIDDEN), pooled)

# --- scband reference (transcript-rebuilt; emitter-appended) ---
"""Pipeline reference for scband-one-hot-77275051590061 (READ-ONLY COPY).

The authoritative reference and input builder live on the scoring server;
editing this copy changes nothing except your own understanding.
"""

import jax, jax.numpy as jnp
import numpy as np

VOCAB = 30522
HIDDEN = 768
BATCH = 4
SEQ = 2048


def setup_inputs(seed: int = 0) -> dict:
    key = jax.random.key(seed)
    k1, k2, k3 = jax.random.split(key, 3)
    input_ids = jax.random.randint(k1, (BATCH, SEQ), 0, VOCAB, dtype=jnp.int64 if jax.config.jax_enable_x64 else jnp.int32)
    attn_mask = jax.random.randint(k2, (BATCH, SEQ), 0, 2, dtype=jnp.int64 if jax.config.jax_enable_x64 else jnp.int32)
    W = jax.random.normal(k3, (VOCAB, HIDDEN), dtype=jnp.float32)
    return {"input_ids": input_ids, "attn_mask": attn_mask, "W": W}


def reference(input_ids, attn_mask, W):
    # last_hidden_state = Embedding(input_ids)
    last_hidden_state = jnp.take(W, input_ids, axis=0)  # [B, S, H]
    # valid_length = attn_mask.sum(dim=1)
    valid_length = attn_mask.sum(axis=1)  # [B]
    # pooler_output[i] = last_hidden_state[i, :valid_length[i]].sum(0)
    # faithful vectorized form: sum over positions < valid_length[i]
    pos = jnp.arange(last_hidden_state.shape[1])  # [S]
    m = (pos[None, :] < valid_length[:, None]).astype(last_hidden_state.dtype)  # [B, S]
    pooler_output = (last_hidden_state * m[:, :, None]).sum(axis=1)  # [B, H]
    return (last_hidden_state, pooler_output)

if __name__ == "__main__":
    import jax
    _d = setup_inputs()
    print(jax.jit(kernel)(*tuple(_d.values())))

</pallas_src>

<mosaic_0001>
#map = affine_map<(d0, d1) -> (0, 0, 0)>
#map1 = affine_map<(d0, d1) -> (0, 0)>
module attributes {stable_mosaic.version = 14 : i64} {
  func.func @_embed_pool_sc(%arg0: i32, %arg1: i32, %arg2: memref<32x4x64xi32, #tpu.memory_space<hbm>>, %arg3: memref<4x16xi32, #tpu.memory_space<hbm>>, %arg4: memref<30522x768xf32, #tpu.memory_space<hbm>>, %arg5: memref<8192x768xf32, #tpu.memory_space<hbm>>, %arg6: memref<32x768xf32, #tpu.memory_space<hbm>>, %arg7: memref<4x64xi32, #tpu.memory_space<vmem>>, %arg8: memref<64x768xf32, #tpu.memory_space<vmem>>, %arg9: memref<16xi32, #tpu.memory_space<vmem>>, %arg10: memref<768xf32, #tpu.memory_space<vmem>>, %arg11: memref<!tpu.dma_semaphore, #tpu.memory_space<semaphore_mem>>) attributes {dimension_semantics = [#tpu.dimension_semantics<core_parallel>, #tpu.dimension_semantics<subcore_parallel>], iteration_bounds = array<i64: 2, 16>, scalar_prefetch = 0 : i64, scratch_operands = 5 : i64, tpu.core_type = #tpu.core_type<sc_vector_subcore>, window_params = [{transform_indices = #map}, {transform_indices = #map1}, {transform_indices = #map1}, {transform_indices = #map1}, {transform_indices = #map1}]} {
    %mul3A = arith.constant 2 : i32
    %mul3A_0 = arith.muli %arg1, %mul3A : i32
    %add3A = arith.addi %mul3A_0, %arg0 : i32
    %mul3A_1 = arith.constant 256 : i32
    %mul3A_2 = arith.muli %add3A, %mul3A_1 : i32
    %jit3A = arith.constant 8 : i32
    %div3A = arith.divsi %add3A, %jit3A : i32
    %sign3A = arith.constant 0 : i32
    %sign3A_3 = arith.cmpi sgt, %add3A, %sign3A : i32
    %sign3A_4 = arith.extui %sign3A_3 : i1 to i32
    %sign3A_5 = arith.constant 0 : i32
    %sign3A_6 = arith.cmpi slt, %add3A, %sign3A_5 : i32
    %sign3A_7 = arith.extui %sign3A_6 : i1 to i32
    %sign3A_8 = arith.subi %sign3A_4, %sign3A_7 : i32
    %sign3A_9 = arith.constant 0 : i32
    %sign3A_10 = arith.cmpi sgt, %jit3A, %sign3A_9 : i32
    %sign3A_11 = arith.extui %sign3A_10 : i1 to i32
    %sign3A_12 = arith.constant 0 : i32
    %sign3A_13 = arith.cmpi slt, %jit3A, %sign3A_12 : i32
    %sign3A_14 = arith.extui %sign3A_13 : i1 to i32
    %sign3A_15 = arith.subi %sign3A_11, %sign3A_14 : i32
    %ne3A = arith.cmpi ne, %sign3A_8, %sign3A_15 : i32
    %rem3A = arith.remsi %add3A, %jit3A : i32
    %ne3A_16 = arith.constant 0 : i32
    %ne3A_17 = arith.cmpi ne, %rem3A, %ne3A_16 : i32
    %and3A = arith.andi %ne3A, %ne3A_17 : i1
    %sub3A = arith.constant 1 : i32
    %sub3A_18 = arith.subi %div3A, %sub3A : i32
    %select_n3A = arith.select %and3A, %sub3A_18, %div3A : i32
    %jit3A_19 = arith.constant 8 : i32
    %eq3A = arith.constant 0 : i32
    %eq3A_20 = arith.cmpi eq, %jit3A_19, %eq3A : i32
    %jit3A_21 = arith.constant 1 : i32
    %select_n3A_22 = arith.select %eq3A_20, %jit3A_21, %jit3A_19 : i32
    %rem3A_23 = arith.remsi %add3A, %select_n3A_22 : i32
    %ne3A_24 = arith.constant 0 : i32
    %ne3A_25 = arith.cmpi ne, %rem3A_23, %ne3A_24 : i32
    %lt3A = arith.constant 0 : i32
    %lt3A_26 = arith.cmpi slt, %rem3A_23, %lt3A : i32
    %lt3A_27 = arith.constant 0 : i32
    %lt3A_28 = arith.cmpi slt, %select_n3A_22, %lt3A_27 : i32
    %ne3A_29 = arith.xori %lt3A_26, %lt3A_28 : i1
    %and3A_30 = arith.andi %ne3A_29, %ne3A_25 : i1
    %add3A_31 = arith.addi %rem3A_23, %select_n3A_22 : i32
    %select_n3A_32 = arith.select %and3A_30, %add3A_31, %rem3A_23 : i32
    %mul3A_33 = arith.constant 256 : i32
    %mul3A_34 = arith.muli %select_n3A_32, %mul3A_33 : i32
    "tpu.region"() ({
      %run_scoped3A = tpu.sem_alloc : memref<!tpu.dma_semaphore, #tpu.memory_space<semaphore_mem>>
      %dma_start3A_458 = arith.constant 0 : i32
      %dma_start3A_459 = arith.constant 0 : i32
      %dma_start3A_460 = tpu.memref_slice %arg2[%add3A, %dma_start3A_458, %dma_start3A_459] : memref<32x4x64xi32, #tpu.memory_space<hbm>> -> memref<1x4x64xi32, #tpu.memory_space<hbm>>
      %dma_start3A_461 = tpu.memref_squeeze %dma_start3A_460 : memref<1x4x64xi32, #tpu.memory_space<hbm>> -> memref<4x64xi32, #tpu.memory_space<hbm>>
      %dma_start3A_462 = arith.constant 0 : i32
      %dma_start3A_463 = arith.constant 0 : i32
      %dma_start3A_464 = tpu.memref_slice %arg2[%add3A, %dma_start3A_462, %dma_start3A_463] : memref<32x4x64xi32, #tpu.memory_space<hbm>> -> memref<1x4x64xi32, #tpu.memory_space<hbm>>
      %dma_start3A_465 = tpu.memref_squeeze %dma_start3A_464 : memref<1x4x64xi32, #tpu.memory_space<hbm>> -> memref<4x64xi32, #tpu.memory_space<hbm>>
      tpu.enqueue_dma source(%dma_start3A_465 : memref<4x64xi32, #tpu.memory_space<hbm>>) target(%arg7 : memref<4x64xi32, #tpu.memory_space<vmem>>) target_semaphore(%run_scoped3A : memref<!tpu.dma_semaphore, #tpu.memory_space<semaphore_mem>>)
      %dma_wait3A_466 = arith.constant 0 : i32
      %dma_wait3A_467 = arith.constant 0 : i32
      %dma_wait3A_468 = tpu.memref_slice %arg2[%add3A, %dma_wait3A_466, %dma_wait3A_467] : memref<32x4x64xi32, #tpu.memory_space<hbm>> -> memref<1x4x64xi32, #tpu.memory_space<hbm>>
      %dma_wait3A_469 = tpu.memref_squeeze %dma_wait3A_468 : memref<1x4x64xi32, #tpu.memory_space<hbm>> -> memref<4x64xi32, #tpu.memory_space<hbm>>
      %dma_wait3A_470 = arith.constant 0 : i32
      %dma_wait3A_471 = arith.constant 0 : i32
      %dma_wait3A_472 = tpu.memref_slice %arg2[%add3A, %dma_wait3A_470, %dma_wait3A_471] : memref<32x4x64xi32, #tpu.memory_space<hbm>> -> memref<1x4x64xi32, #tpu.memory_space<hbm>>
      %dma_wait3A_473 = tpu.memref_squeeze %dma_wait3A_472 : memref<1x4x64xi32, #tpu.memory_space<hbm>> -> memref<4x64xi32, #tpu.memory_space<hbm>>
      tpu.wait_dma2 semaphore(%run_scoped3A : memref<!tpu.dma_semaphore, #tpu.memory_space<semaphore_mem>>) src(%dma_wait3A_473 : memref<4x64xi32, #tpu.memory_space<hbm>>) dst(%arg7 : memref<4x64xi32, #tpu.memory_space<vmem>>)
      tpu.yield
    }) : () -> ()
    "tpu.region"() ({
      %run_scoped3A = tpu.sem_alloc : memref<!tpu.dma_semaphore, #tpu.memory_space<semaphore_mem>>
      %dma_start3A_458 = arith.constant 0 : i32
      %dma_start3A_459 = tpu.memref_slice %arg3[%select_n3A, %dma_start3A_458] : memref<4x16xi32, #tpu.memory_space<hbm>> -> memref<1x16xi32, #tpu.memory_space<hbm>>
      %dma_start3A_460 = tpu.memref_squeeze %dma_start3A_459 : memref<1x16xi32, #tpu.memory_space<hbm>> -> memref<16xi32, #tpu.memory_space<hbm>>
      %dma_start3A_461 = arith.constant 0 : i32
      %dma_start3A_462 = tpu.memref_slice %arg3[%select_n3A, %dma_start3A_461] : memref<4x16xi32, #tpu.memory_space<hbm>> -> memref<1x16xi32, #tpu.memory_space<hbm>>
      %dma_start3A_463 = tpu.memref_squeeze %dma_start3A_462 : memref<1x16xi32, #tpu.memory_space<hbm>> -> memref<16xi32, #tpu.memory_space<hbm>>
      tpu.enqueue_dma source(%dma_start3A_463 : memref<16xi32, #tpu.memory_space<hbm>>) target(%arg9 : memref<16xi32, #tpu.memory_space<vmem>>) target_semaphore(%run_scoped3A : memref<!tpu.dma_semaphore, #tpu.memory_space<semaphore_mem>>)
      %dma_wait3A_464 = arith.constant 0 : i32
      %dma_wait3A_465 = tpu.memref_slice %arg3[%select_n3A, %dma_wait3A_464] : memref<4x16xi32, #tpu.memory_space<hbm>> -> memref<1x16xi32, #tpu.memory_space<hbm>>
      %dma_wait3A_466 = tpu.memref_squeeze %dma_wait3A_465 : memref<1x16xi32, #tpu.memory_space<hbm>> -> memref<16xi32, #tpu.memory_space<hbm>>
      %dma_wait3A_467 = arith.constant 0 : i32
      %dma_wait3A_468 = tpu.memref_slice %arg3[%select_n3A, %dma_wait3A_467] : memref<4x16xi32, #tpu.memory_space<hbm>> -> memref<1x16xi32, #tpu.memory_space<hbm>>
      %dma_wait3A_469 = tpu.memref_squeeze %dma_wait3A_468 : memref<1x16xi32, #tpu.memory_space<hbm>> -> memref<16xi32, #tpu.memory_space<hbm>>
      tpu.wait_dma2 semaphore(%run_scoped3A : memref<!tpu.dma_semaphore, #tpu.memory_space<semaphore_mem>>) src(%dma_wait3A_469 : memref<16xi32, #tpu.memory_space<hbm>>) dst(%arg9 : memref<16xi32, #tpu.memory_space<vmem>>)
      tpu.yield
    }) : () -> ()
    %get3A = arith.constant 0 : index
    %get3A_35 = tpu.vector_load %arg9[%get3A] {strides = array<i32>} : memref<16xi32, #tpu.memory_space<vmem>>, vector<16xi32>,
    %get3A_36 = vector.shape_cast %get3A_35 : vector<16xi32> to vector<16xi32>
    %slice3A = vector.extract_strided_slice %get3A_36 {offsets = [0], sizes = [1], strides = [1]} : vector<16xi32> to vector<1xi32>
    %squeeze3A = vector.extract %slice3A[0] : i32 from vector<1xi32>
    %broadcast_in_dim3A = arith.constant 0.000000e+00 : f32
    %broadcast_in_dim3A_37 = vector.broadcast %broadcast_in_dim3A : f32 to vector<16xf32>
    %swap3A = arith.constant 0 : index
    %swap3A_38 = tpu.vector_load %arg10[%swap3A] {strides = array<i32>} : memref<768xf32, #tpu.memory_space<vmem>>, vector<16xf32>,
    %swap3A_39 = vector.shape_cast %swap3A_38 : vector<16xf32> to vector<16xf32>
    %swap3A_40 = vector.shape_cast %broadcast_in_dim3A_37 : vector<16xf32> to vector<16xf32>
    tpu.vector_store %arg10[%swap3A], %swap3A_40 {strides = array<i32>} : memref<768xf32, #tpu.memory_space<vmem>>, vector<16xf32>,
    %broadcast_in_dim3A_41 = arith.constant 0.000000e+00 : f32
    %broadcast_in_dim3A_42 = vector.broadcast %broadcast_in_dim3A_41 : f32 to vector<16xf32>
    %swap3A_43 = arith.constant 16 : index
    %swap3A_44 = tpu.vector_load %arg10[%swap3A_43] {strides = array<i32>} : memref<768xf32, #tpu.memory_space<vmem>>, vector<16xf32>,
    %swap3A_45 = vector.shape_cast %swap3A_44 : vector<16xf32> to vector<16xf32>
    %swap3A_46 = vector.shape_cast %broadcast_in_dim3A_42 : vector<16xf32> to vector<16xf32>
    tpu.vector_store %arg10[%swap3A_43], %swap3A_46 {strides = array<i32>} : memref<768xf32, #tpu.memory_space<vmem>>, vector<16xf32>,
    %broadcast_in_dim3A_47 = arith.constant 0.000000e+00 : f32
    %broadcast_in_dim3A_48 = vector.broadcast %broadcast_in_dim3A_47 : f32 to vector<16xf32>
    %swap3A_49 = arith.constant 32 : index
    %swap3A_50 = tpu.vector_load %arg10[%swap3A_49] {strides = array<i32>} : memref<768xf32, #tpu.memory_space<vmem>>, vector<16xf32>,
    %swap3A_51 = vector.shape_cast %swap3A_50 : vector<16xf32> to vector<16xf32>
    %swap3A_52 = vector.shape_cast %broadcast_in_dim3A_48 : vector<16xf32> to vector<16xf32>
    tpu.vector_store %arg10[%swap3A_49], %swap3A_52 {strides = array<i32>} : memref<768xf32, #tpu.memory_space<vmem>>, vector<16xf32>,
    %broadcast_in_dim3A_53 = arith.constant 0.000000e+00 : f32
    %broadcast_in_dim3A_54 = vector.broadcast %broadcast_in_dim3A_53 : f32 to vector<16xf32>
    %swap3A_55 = arith.constant 48 : index
    %swap3A_56 = tpu.vector_load %arg10[%swap3A_55] {strides = array<i32>} : memref<768xf32, #tpu.memory_space<vmem>>, vector<16xf32>,
    %swap3A_57 = vector.shape_cast %swap3A_56 : vector<16xf32> to vector<16xf32>
    %swap3A_58 = vector.shape_cast %broadcast_in_dim3A_54 : vector<16xf32> to vector<16xf32>
    tpu.vector_store %arg10[%swap3A_55], %swap3A_58 {strides = array<i32>} : memref<768xf32, #tpu.memory_space<vmem>>, vector<16xf32>,
    %broadcast_in_dim3A_59 = arith.constant 0.000000e+00 : f32
    %broadcast_in_dim3A_60 = vector.broadcast %broadcast_in_dim3A_59 : f32 to vector<16xf32>
    %swap3A_61 = arith.constant 64 : index
    %swap3A_62 = tpu.vector_load %arg10[%swap3A_61] {strides = array<i32>} : memref<768xf32, #tpu.memory_space<vmem>>, vector<16xf32>,
    %swap3A_63 = vector.shape_cast %swap3A_62 : vector<16xf32> to vector<16xf32>
    %swap3A_64 = vector.shape_cast %broadcast_in_dim3A_60 : vector<16xf32> to vector<16xf32>
    tpu.vector_store %arg10[%swap3A_61], %swap3A_64 {strides = array<i32>} : memref<768xf32, #tpu.memory_space<vmem>>, vector<16xf32>,
    %broadcast_in_dim3A_65 = arith.constant 0.000000e+00 : f32
    %broadcast_in_dim3A_66 = vector.broadcast %broadcast_in_dim3A_65 : f32 to vector<16xf32>
    %swap3A_67 = arith.constant 80 : index
    %swap3A_68 = tpu.vector_load %arg10[%swap3A_67] {strides = array<i32>} : memref<768xf32, #tpu.memory_space<vmem>>, vector<16xf32>,
    %swap3A_69 = vector.shape_cast %swap3A_68 : vector<16xf32> to vector<16xf32>
    %swap3A_70 = vector.shape_cast %broadcast_in_dim3A_66 : vector<16xf32> to vector<16xf32>
    tpu.vector_store %arg10[%swap3A_67], %swap3A_70 {strides = array<i32>} : memref<768xf32, #tpu.memory_space<vmem>>, vector<16xf32>,
    %broadcast_in_dim3A_71 = arith.constant 0.000000e+00 : f32
    %broadcast_in_dim3A_72 = vector.broadcast %broadcast_in_dim3A_71 : f32 to vector<16xf32>
    %swap3A_73 = arith.constant 96 : index
    %swap3A_74 = tpu.vector_load %arg10[%swap3A_73] {strides = array<i32>} : memref<768xf32, #tpu.memory_space<vmem>>, vector<16xf32>,
    %swap3A_75 = vector.shape_cast %swap3A_74 : vector<16xf32> to vector<16xf32>
    %swap3A_76 = vector.shape_cast %broadcast_in_dim3A_72 : vector<16xf32> to vector<16xf32>
    tpu.vector_store %arg10[%swap3A_73], %swap3A_76 {strides = array<i32>} : memref<768xf32, #tpu.memory_space<vmem>>, vector<16xf32>,
    %broadcast_in_dim3A_77 = arith.constant 0.000000e+00 : f32
    %broadcast_in_dim3A_78 = vector.broadcast %broadcast_in_dim3A_77 : f32 to vector<16xf32>
    %swap3A_79 = arith.constant 112 : index
    %swap3A_80 = tpu.vector_load %arg10[%swap3A_79] {strides = array<i32>} : memref<768xf32, #tpu.memory_space<vmem>>, vector<16xf32>,
    %swap3A_81 = vector.shape_cast %swap3A_80 : vector<16xf32> to vector<16xf32>
    %swap3A_82 = vector.shape_cast %broadcast_in_dim3A_78 : vector<16xf32> to vector<16xf32>
    tpu.vector_store %arg10[%swap3A_79], %swap3A_82 {strides = array<i32>} : memref<768xf32, #tpu.memory_space<vmem>>, vector<16xf32>,
    %broadcast_in_dim3A_83 = arith.constant 0.000000e+00 : f32
    %broadcast_in_dim3A_84 = vector.broadcast %broadcast_in_dim3A_83 : f32 to vector<16xf32>
    %swap3A_85 = arith.constant 128 : index
    %swap3A_86 = tpu.vector_load %arg10[%swap3A_85] {strides = array<i32>} : memref<768xf32, #tpu.memory_space<vmem>>, vector<16xf32>,
    %swap3A_87 = vector.shape_cast %swap3A_86 : vector<16xf32> to vector<16xf32>
    %swap3A_88 = vector.shape_cast %broadcast_in_dim3A_84 : vector<16xf32> to vector<16xf32>
    tpu.vector_store %arg10[%swap3A_85], %swap3A_88 {strides = array<i32>} : memref<768xf32, #tpu.memory_space<vmem>>, vector<16xf32>,
    %broadcast_in_dim3A_89 = arith.constant 0.000000e+00 : f32
    %broadcast_in_dim3A_90 = vector.broadcast %broadcast_in_dim3A_89 : f32 to vector<16xf32>
    %swap3A_91 = arith.constant 144 : index
    %swap3A_92 = tpu.vector_load %arg10[%swap3A_91] {strides = array<i32>} : memref<768xf32, #tpu.memory_space<vmem>>, vector<16xf32>,
    %swap3A_93 = vector.shape_cast %swap3A_92 : vector<16xf32> to vector<16xf32>
    %swap3A_94 = vector.shape_cast %broadcast_in_dim3A_90 : vector<16xf32> to vector<16xf32>
    tpu.vector_store %arg10[%swap3A_91], %swap3A_94 {strides = array<i32>} : memref<768xf32, #tpu.memory_space<vmem>>, vector<16xf32>,
    %broadcast_in_dim3A_95 = arith.constant 0.000000e+00 : f32
    %broadcast_in_dim3A_96 = vector.broadcast %broadcast_in_dim3A_95 : f32 to vector<16xf32>
    %swap3A_97 = arith.constant 160 : index
    %swap3A_98 = tpu.vector_load %arg10[%swap3A_97] {strides = array<i32>} : memref<768xf32, #tpu.memory_space<vmem>>, vector<16xf32>,
    %swap3A_99 = vector.shape_cast %swap3A_98 : vector<16xf32> to vector<16xf32>
    %swap3A_100 = vector.shape_cast %broadcast_in_dim3A_96 : vector<16xf32> to vector<16xf32>
    tpu.vector_store %arg10[%swap3A_97], %swap3A_100 {strides = array<i32>} : memref<768xf32, #tpu.memory_space<vmem>>, vector<16xf32>,
    %broadcast_in_dim3A_101 = arith.constant 0.000000e+00 : f32
    %broadcast_in_dim3A_102 = vector.broadcast %broadcast_in_dim3A_101 : f32 to vector<16xf32>
    %swap3A_103 = arith.constant 176 : index
    %swap3A_104 = tpu.vector_load %arg10[%swap3A_103] {strides = array<i32>} : memref<768xf32, #tpu.memory_space<vmem>>, vector<16xf32>,
    %swap3A_105 = vector.shape_cast %swap3A_104 : vector<16xf32> to vector<16xf32>
    %swap3A_106 = vector.shape_cast %broadcast_in_dim3A_102 : vector<16xf32> to vector<16xf32>
    tpu.vector_store %arg10[%swap3A_103], %swap3A_106 {strides = array<i32>} : memref<768xf32, #tpu.memory_space<vmem>>, vector<16xf32>,
    %broadcast_in_dim3A_107 = arith.constant 0.000000e+00 : f32
    %broadcast_in_dim3A_108 = vector.broadcast %broadcast_in_dim3A_107 : f32 to vector<16xf32>
    %swap3A_109 = arith.constant 192 : index
    %swap3A_110 = tpu.vector_load %arg10[%swap3A_109] {strides = array<i32>} : memref<768xf32, #tpu.memory_space<vmem>>, vector<16xf32>,
    %swap3A_111 = vector.shape_cast %swap3A_110 : vector<16xf32> to vector<16xf32>
    %swap3A_112 = vector.shape_cast %broadcast_in_dim3A_108 : vector<16xf32> to vector<16xf32>
    tpu.vector_store %arg10[%swap3A_109], %swap3A_112 {strides = array<i32>} : memref<768xf32, #tpu.memory_space<vmem>>, vector<16xf32>,
    %broadcast_in_dim3A_113 = arith.constant 0.000000e+00 : f32
    %broadcast_in_dim3A_114 = vector.broadcast %broadcast_in_dim3A_113 : f32 to vector<16xf32>
    %swap3A_115 = arith.constant 208 : index
    %swap3A_116 = tpu.vector_load %arg10[%swap3A_115] {strides = array<i32>} : memref<768xf32, #tpu.memory_space<vmem>>, vector<16xf32>,
    %swap3A_117 = vector.shape_cast %swap3A_116 : vector<16xf32> to vector<16xf32>
    %swap3A_118 = vector.shape_cast %broadcast_in_dim3A_114 : vector<16xf32> to vector<16xf32>
    tpu.vector_store %arg10[%swap3A_115], %swap3A_118 {strides = array<i32>} : memref<768xf32, #tpu.memory_space<vmem>>, vector<16xf32>,
    %broadcast_in_dim3A_119 = arith.constant 0.000000e+00 : f32
    %broadcast_in_dim3A_120 = vector.broadcast %broadcast_in_dim3A_119 : f32 to vector<16xf32>
    %swap3A_121 = arith.constant 224 : index
    %swap3A_122 = tpu.vector_load %arg10[%swap3A_121] {strides = array<i32>} : memref<768xf32, #tpu.memory_space<vmem>>, vector<16xf32>,
    %swap3A_123 = vector.shape_cast %swap3A_122 : vector<16xf32> to vector<16xf32>
    %swap3A_124 = vector.shape_cast %broadcast_in_dim3A_120 : vector<16xf32> to vector<16xf32>
    tpu.vector_store %arg10[%swap3A_121], %swap3A_124 {strides = array<i32>} : memref<768xf32, #tpu.memory_space<vmem>>, vector<16xf32>,
    %broadcast_in_dim3A_125 = arith.constant 0.000000e+00 : f32
    %broadcast_in_dim3A_126 = vector.broadcast %broadcast_in_dim3A_125 : f32 to vector<16xf32>
    %swap3A_127 = arith.constant 240 : index
    %swap3A_128 = tpu.vector_load %arg10[%swap3A_127] {strides = array<i32>} : memref<768xf32, #tpu.memory_space<vmem>>, vector<16xf32>,
    %swap3A_129 = vector.shape_cast %swap3A_128 : vector<16xf32> to vector<16xf32>
    %swap3A_130 = vector.shape_cast %broadcast_in_dim3A_126 : vector<16xf32> to vector<16xf32>
    tpu.vector_store %arg10[%swap3A_127], %swap3A_130 {strides = array<i32>} : memref<768xf32, #tpu.memory_space<vmem>>, vector<16xf32>,
    %broadcast_in_dim3A_131 = arith.constant 0.000000e+00 : f32
    %broadcast_in_dim3A_132 = vector.broadcast %broadcast_in_dim3A_131 : f32 to vector<16xf32>
    %swap3A_133 = arith.constant 256 : index
    %swap3A_134 = tpu.vector_load %arg10[%swap3A_133] {strides = array<i32>} : memref<768xf32, #tpu.memory_space<vmem>>, vector<16xf32>,
    %swap3A_135 = vector.shape_cast %swap3A_134 : vector<16xf32> to vector<16xf32>
    %swap3A_136 = vector.shape_cast %broadcast_in_dim3A_132 : vector<16xf32> to vector<16xf32>
    tpu.vector_store %arg10[%swap3A_133], %swap3A_136 {strides = array<i32>} : memref<768xf32, #tpu.memory_space<vmem>>, vector<16xf32>,
    %broadcast_in_dim3A_137 = arith.constant 0.000000e+00 : f32
    %broadcast_in_dim3A_138 = vector.broadcast %broadcast_in_dim3A_137 : f32 to vector<16xf32>
    %swap3A_139 = arith.constant 272 : index
    %swap3A_140 = tpu.vector_load %arg10[%swap3A_139] {strides = array<i32>} : memref<768xf32, #tpu.memory_space<vmem>>, vector<16xf32>,
    %swap3A_141 = vector.shape_cast %swap3A_140 : vector<16xf32> to vector<16xf32>
    %swap3A_142 = vector.shape_cast %broadcast_in_dim3A_138 : vector<16xf32> to vector<16xf32>
    tpu.vector_store %arg10[%swap3A_139], %swap3A_142 {strides = array<i32>} : memref<768xf32, #tpu.memory_space<vmem>>, vector<16xf32>,
    %broadcast_in_dim3A_143 = arith.constant 0.000000e+00 : f32
    %broadcast_in_dim3A_144 = vector.broadcast %broadcast_in_dim3A_143 : f32 to vector<16xf32>
    %swap3A_145 = arith.constant 288 : index
    %swap3A_146 = tpu.vector_load %arg10[%swap3A_145] {strides = array<i32>} : memref<768xf32, #tpu.memory_space<vmem>>, vector<16xf32>,
    %swap3A_147 = vector.shape_cast %swap3A_146 : vector<16xf32> to vector<16xf32>
    %swap3A_148 = vector.shape_cast %broadcast_in_dim3A_144 : vector<16xf32> to vector<16xf32>
    tpu.vector_store %arg10[%swap3A_145], %swap3A_148 {strides = array<i32>} : memref<768xf32, #tpu.memory_space<vmem>>, vector<16xf32>,
    %broadcast_in_dim3A_149 = arith.constant 0.000000e+00 : f32
    %broadcast_in_dim3A_150 = vector.broadcast %broadcast_in_dim3A_149 : f32 to vector<16xf32>
    %swap3A_151 = arith.constant 304 : index
    %swap3A_152 = tpu.vector_load %arg10[%swap3A_151] {strides = array<i32>} : memref<768xf32, #tpu.memory_space<vmem>>, vector<16xf32>,
    %swap3A_153 = vector.shape_cast %swap3A_152 : vector<16xf32> to vector<16xf32>
    %swap3A_154 = vector.shape_cast %broadcast_in_dim3A_150 : vector<16xf32> to vector<16xf32>
    tpu.vector_store %arg10[%swap3A_151], %swap3A_154 {strides = array<i32>} : memref<768xf32, #tpu.memory_space<vmem>>, vector<16xf32>,
    %broadcast_in_dim3A_155 = arith.constant 0.000000e+00 : f32
    %broadcast_in_dim3A_156 = vector.broadcast %broadcast_in_dim3A_155 : f32 to vector<16xf32>
    %swap3A_157 = arith.constant 320 : index
    %swap3A_158 = tpu.vector_load %arg10[%swap3A_157] {strides = array<i32>} : memref<768xf32, #tpu.memory_space<vmem>>, vector<16xf32>,
    %swap3A_159 = vector.shape_cast %swap3A_158 : vector<16xf32> to vector<16xf32>
    %swap3A_160 = vector.shape_cast %broadcast_in_dim3A_156 : vector<16xf32> to vector<16xf32>
    tpu.vector_store %arg10[%swap3A_157], %swap3A_160 {strides = array<i32>} : memref<768xf32, #tpu.memory_space<vmem>>, vector<16xf32>,
    %broadcast_in_dim3A_161 = arith.constant 0.000000e+00 : f32
    %broadcast_in_dim3A_162 = vector.broadcast %broadcast_in_dim3A_161 : f32 to vector<16xf32>
    %swap3A_163 = arith.constant 336 : index
    %swap3A_164 = tpu.vector_load %arg10[%swap3A_163] {strides = array<i32>} : memref<768xf32, #tpu.memory_space<vmem>>, vector<16xf32>,
    %swap3A_165 = vector.shape_cast %swap3A_164 : vector<16xf32> to vector<16xf32>
    %swap3A_166 = vector.shape_cast %broadcast_in_dim3A_162 : vector<16xf32> to vector<16xf32>
    tpu.vector_store %arg10[%swap3A_163], %swap3A_166 {strides = array<i32>} : memref<768xf32, #tpu.memory_space<vmem>>, vector<16xf32>,
    %broadcast_in_dim3A_167 = arith.constant 0.000000e+00 : f32
    %broadcast_in_dim3A_168 = vector.broadcast %broadcast_in_dim3A_167 : f32 to vector<16xf32>
    %swap3A_169 = arith.constant 352 : index
    %swap3A_170 = tpu.vector_load %arg10[%swap3A_169] {strides = array<i32>} : memref<768xf32, #tpu.memory_space<vmem>>, vector<16xf32>,
    %swap3A_171 = vector.shape_cast %swap3A_170 : vector<16xf32> to vector<16xf32>
    %swap3A_172 = vector.shape_cast %broadcast_in_dim3A_168 : vector<16xf32> to vector<16xf32>
    tpu.vector_store %arg10[%swap3A_169], %swap3A_172 {strides = array<i32>} : memref<768xf32, #tpu.memory_space<vmem>>, vector<16xf32>,
    %broadcast_in_dim3A_173 = arith.constant 0.000000e+00 : f32
    %broadcast_in_dim3A_174 = vector.broadcast %broadcast_in_dim3A_173 : f32 to vector<16xf32>
    %swap3A_175 = arith.constant 368 : index
    %swap3A_176 = tpu.vector_load %arg10[%swap3A_175] {strides = array<i32>} : memref<768xf32, #tpu.memory_space<vmem>>, vector<16xf32>,
    %swap3A_177 = vector.shape_cast %swap3A_176 : vector<16xf32> to vector<16xf32>
    %swap3A_178 = vector.shape_cast %broadcast_in_dim3A_174 : vector<16xf32> to vector<16xf32>
    tpu.vector_store %arg10[%swap3A_175], %swap3A_178 {strides = array<i32>} : memref<768xf32, #tpu.memory_space<vmem>>, vector<16xf32>,
    %broadcast_in_dim3A_179 = arith.constant 0.000000e+00 : f32
    %broadcast_in_dim3A_180 = vector.broadcast %broadcast_in_dim3A_179 : f32 to vector<16xf32>
    %swap3A_181 = arith.constant 384 : index
    %swap3A_182 = tpu.vector_load %arg10[%swap3A_181] {strides = array<i32>} : memref<768xf32, #tpu.memory_space<vmem>>, vector<16xf32>,
    %swap3A_183 = vector.shape_cast %swap3A_182 : vector<16xf32> to vector<16xf32>
    %swap3A_184 = vector.shape_cast %broadcast_in_dim3A_180 : vector<16xf32> to vector<16xf32>
    tpu.vector_store %arg10[%swap3A_181], %swap3A_184 {strides = array<i32>} : memref<768xf32, #tpu.memory_space<vmem>>, vector<16xf32>,
    %broadcast_in_dim3A_185 = arith.constant 0.000000e+00 : f32
    %broadcast_in_dim3A_186 = vector.broadcast %broadcast_in_dim3A_185 : f32 to vector<16xf32>
    %swap3A_187 = arith.constant 400 : index
    %swap3A_188 = tpu.vector_load %arg10[%swap3A_187] {strides = array<i32>} : memref<768xf32, #tpu.memory_space<vmem>>, vector<16xf32>,
    %swap3A_189 = vector.shape_cast %swap3A_188 : vector<16xf32> to vector<16xf32>
    %swap3A_190 = vector.shape_cast %broadcast_in_dim3A_186 : vector<16xf32> to vector<16xf32>
    tpu.vector_store %arg10[%swap3A_187], %swap3A_190 {strides = array<i32>} : memref<768xf32, #tpu.memory_space<vmem>>, vector<16xf32>,
    %broadcast_in_dim3A_191 = arith.constant 0.000000e+00 : f32
    %broadcast_in_dim3A_192 = vector.broadcast %broadcast_in_dim3A_191 : f32 to vector<16xf32>
    %swap3A_193 = arith.constant 416 : index
    %swap3A_194 = tpu.vector_load %arg10[%swap3A_193] {strides = array<i32>} : memref<768xf32, #tpu.memory_space<vmem>>, vector<16xf32>,
    %swap3A_195 = vector.shape_cast %swap3A_194 : vector<16xf32> to vector<16xf32>
    %swap3A_196 = vector.shape_cast %broadcast_in_dim3A_192 : vector<16xf32> to vector<16xf32>
    tpu.vector_store %arg10[%swap3A_193], %swap3A_196 {strides = array<i32>} : memref<768xf32, #tpu.memory_space<vmem>>, vector<16xf32>,
    %broadcast_in_dim3A_197 = arith.constant 0.000000e+00 : f32
    %broadcast_in_dim3A_198 = vector.broadcast %broadcast_in_dim3A_197 : f32 to vector<16xf32>
    %swap3A_199 = arith.constant 432 : index
    %swap3A_200 = tpu.vector_load %arg10[%swap3A_199] {strides = array<i32>} : memref<768xf32, #tpu.memory_space<vmem>>, vector<16xf32>,
    %swap3A_201 = vector.shape_cast %swap3A_200 : vector<16xf32> to vector<16xf32>
    %swap3A_202 = vector.shape_cast %broadcast_in_dim3A_198 : vector<16xf32> to vector<16xf32>
    tpu.vector_store %arg10[%swap3A_199], %swap3A_202 {strides = array<i32>} : memref<768xf32, #tpu.memory_space<vmem>>, vector<16xf32>,
    %broadcast_in_dim3A_203 = arith.constant 0.000000e+00 : f32
    %broadcast_in_dim3A_204 = vector.broadcast %broadcast_in_dim3A_203 : f32 to vector<16xf32>
    %swap3A_205 = arith.constant 448 : index
    %swap3A_206 = tpu.vector_load %arg10[%swap3A_205] {strides = array<i32>} : memref<768xf32, #tpu.memory_space<vmem>>, vector<16xf32>,
    %swap3A_207 = vector.shape_cast %swap3A_206 : vector<16xf32> to vector<16xf32>
    %swap3A_208 = vector.shape_cast %broadcast_in_dim3A_204 : vector<16xf32> to vector<16xf32>
    tpu.vector_store %arg10[%swap3A_205], %swap3A_208 {strides = array<i32>} : memref<768xf32, #tpu.memory_space<vmem>>, vector<16xf32>,
    %broadcast_in_dim3A_209 = arith.constant 0.000000e+00 : f32
    %broadcast_in_dim3A_210 = vector.broadcast %broadcast_in_dim3A_209 : f32 to vector<16xf32>
    %swap3A_211 = arith.constant 464 : index
    %swap3A_212 = tpu.vector_load %arg10[%swap3A_211] {strides = array<i32>} : memref<768xf32, #tpu.memory_space<vmem>>, vector<16xf32>,
    %swap3A_213 = vector.shape_cast %swap3A_212 : vector<16xf32> to vector<16xf32>
    %swap3A_214 = vector.shape_cast %broadcast_in_dim3A_210 : vector<16xf32> to vector<16xf32>
    tpu.vector_store %arg10[%swap3A_211], %swap3A_214 {strides = array<i32>} : memref<768xf32, #tpu.memory_space<vmem>>, vector<16xf32>,
    %broadcast_in_dim3A_215 = arith.constant 0.000000e+00 : f32
    %broadcast_in_dim3A_216 = vector.broadcast %broadcast_in_dim3A_215 : f32 to vector<16xf32>
    %swap3A_217 = arith.constant 480 : index
    %swap3A_218 = tpu.vector_load %arg10[%swap3A_217] {strides = array<i32>} : memref<768xf32, #tpu.memory_space<vmem>>, vector<16xf32>,
    %swap3A_219 = vector.shape_cast %swap3A_218 : vector<16xf32> to vector<16xf32>
    %swap3A_220 = vector.shape_cast %broadcast_in_dim3A_216 : vector<16xf32> to vector<16xf32>
    tpu.vector_store %arg10[%swap3A_217], %swap3A_220 {strides = array<i32>} : memref<768xf32, #tpu.memory_space<vmem>>, vector<16xf32>,
    %broadcast_in_dim3A_221 = arith.constant 0.000000e+00 : f32
    %broadcast_in_dim3A_222 = vector.broadcast %broadcast_in_dim3A_221 : f32 to vector<16xf32>
    %swap3A_223 = arith.constant 496 : index
    %swap3A_224 = tpu.vector_load %arg10[%swap3A_223] {strides = array<i32>} : memref<768xf32, #tpu.memory_space<vmem>>, vector<16xf32>,
    %swap3A_225 = vector.shape_cast %swap3A_224 : vector<16xf32> to vector<16xf32>
    %swap3A_226 = vector.shape_cast %broadcast_in_dim3A_222 : vector<16xf32> to vector<16xf32>
    tpu.vector_store %arg10[%swap3A_223], %swap3A_226 {strides = array<i32>} : memref<768xf32, #tpu.memory_space<vmem>>, vector<16xf32>,
    %broadcast_in_dim3A_227 = arith.constant 0.000000e+00 : f32
    %broadcast_in_dim3A_228 = vector.broadcast %broadcast_in_dim3A_227 : f32 to vector<16xf32>
    %swap3A_229 = arith.constant 512 : index
    %swap3A_230 = tpu.vector_load %arg10[%swap3A_229] {strides = array<i32>} : memref<768xf32, #tpu.memory_space<vmem>>, vector<16xf32>,
    %swap3A_231 = vector.shape_cast %swap3A_230 : vector<16xf32> to vector<16xf32>
    %swap3A_232 = vector.shape_cast %broadcast_in_dim3A_228 : vector<16xf32> to vector<16xf32>
    tpu.vector_store %arg10[%swap3A_229], %swap3A_232 {strides = array<i32>} : memref<768xf32, #tpu.memory_space<vmem>>, vector<16xf32>,
    %broadcast_in_dim3A_233 = arith.constant 0.000000e+00 : f32
    %broadcast_in_dim3A_234 = vector.broadcast %broadcast_in_dim3A_233 : f32 to vector<16xf32>
    %swap3A_235 = arith.constant 528 : index
    %swap3A_236 = tpu.vector_load %arg10[%swap3A_235] {strides = array<i32>} : memref<768xf32, #tpu.memory_space<vmem>>, vector<16xf32>,
    %swap3A_237 = vector.shape_cast %swap3A_236 : vector<16xf32> to vector<16xf32>
    %swap3A_238 = vector.shape_cast %broadcast_in_dim3A_234 : vector<16xf32> to vector<16xf32>
    tpu.vector_store %arg10[%swap3A_235], %swap3A_238 {strides = array<i32>} : memref<768xf32, #tpu.memory_space<vmem>>, vector<16xf32>,
    %broadcast_in_dim3A_239 = arith.constant 0.000000e+00 : f32
    %broadcast_in_dim3A_240 = vector.broadcast %broadcast_in_dim3A_239 : f32 to vector<16xf32>
    %swap3A_241 = arith.constant 544 : index
    %swap3A_242 = tpu.vector_load %arg10[%swap3A_241] {strides = array<i32>} : memref<768xf32, #tpu.memory_space<vmem>>, vector<16xf32>,
    %swap3A_243 = vector.shape_cast %swap3A_242 : vector<16xf32> to vector<16xf32>
    %swap3A_244 = vector.shape_cast %broadcast_in_dim3A_240 : vector<16xf32> to vector<16xf32>
    tpu.vector_store %arg10[%swap3A_241], %swap3A_244 {strides = array<i32>} : memref<768xf32, #tpu.memory_space<vmem>>, vector<16xf32>,
    %broadcast_in_dim3A_245 = arith.constant 0.000000e+00 : f32
    %broadcast_in_dim3A_246 = vector.broadcast %broadcast_in_dim3A_245 : f32 to vector<16xf32>
    %swap3A_247 = arith.constant 560 : index
    %swap3A_248 = tpu.vector_load %arg10[%swap3A_247] {strides = array<i32>} : memref<768xf32, #tpu.memory_space<vmem>>, vector<16xf32>,
    %swap3A_249 = vector.shape_cast %swap3A_248 : vector<16xf32> to vector<16xf32>
    %swap3A_250 = vector.shape_cast %broadcast_in_dim3A_246 : vector<16xf32> to vector<16xf32>
    tpu.vector_store %arg10[%swap3A_247], %swap3A_250 {strides = array<i32>} : memref<768xf32, #tpu.memory_space<vmem>>, vector<16xf32>,
    %broadcast_in_dim3A_251 = arith.constant 0.000000e+00 : f32
    %broadcast_in_dim3A_252 = vector.broadcast %broadcast_in_dim3A_251 : f32 to vector<16xf32>
    %swap3A_253 = arith.constant 576 : index
    %swap3A_254 = tpu.vector_load %arg10[%swap3A_253] {strides = array<i32>} : memref<768xf32, #tpu.memory_space<vmem>>, vector<16xf32>,
    %swap3A_255 = vector.shape_cast %swap3A_254 : vector<16xf32> to vector<16xf32>
    %swap3A_256 = vector.shape_cast %broadcast_in_dim3A_252 : vector<16xf32> to vector<16xf32>
    tpu.vector_store %arg10[%swap3A_253], %swap3A_256 {strides = array<i32>} : memref<768xf32, #tpu.memory_space<vmem>>, vector<16xf32>,
    %broadcast_in_dim3A_257 = arith.constant 0.000000e+00 : f32
    %broadcast_in_dim3A_258 = vector.broadcast %broadcast_in_dim3A_257 : f32 to vector<16xf32>
    %swap3A_259 = arith.constant 592 : index
    %swap3A_260 = tpu.vector_load %arg10[%swap3A_259] {strides = array<i32>} : memref<768xf32, #tpu.memory_space<vmem>>, vector<16xf32>,
    %swap3A_261 = vector.shape_cast %swap3A_260 : vector<16xf32> to vector<16xf32>
    %swap3A_262 = vector.shape_cast %broadcast_in_dim3A_258 : vector<16xf32> to vector<16xf32>
    tpu.vector_store %arg10[%swap3A_259], %swap3A_262 {strides = array<i32>} : memref<768xf32, #tpu.memory_space<vmem>>, vector<16xf32>,
    %broadcast_in_dim3A_263 = arith.constant 0.000000e+00 : f32
    %broadcast_in_dim3A_264 = vector.broadcast %broadcast_in_dim3A_263 : f32 to vector<16xf32>
    %swap3A_265 = arith.constant 608 : index
    %swap3A_266 = tpu.vector_load %arg10[%swap3A_265] {strides = array<i32>} : memref<768xf32, #tpu.memory_space<vmem>>, vector<16xf32>,
    %swap3A_267 = vector.shape_cast %swap3A_266 : vector<16xf32> to vector<16xf32>
    %swap3A_268 = vector.shape_cast %broadcast_in_dim3A_264 : vector<16xf32> to vector<16xf32>
    tpu.vector_store %arg10[%swap3A_265], %swap3A_268 {strides = array<i32>} : memref<768xf32, #tpu.memory_space<vmem>>, vector<16xf32>,
    %broadcast_in_dim3A_269 = arith.constant 0.000000e+00 : f32
    %broadcast_in_dim3A_270 = vector.broadcast %broadcast_in_dim3A_269 : f32 to vector<16xf32>
    %swap3A_271 = arith.constant 624 : index
    %swap3A_272 = tpu.vector_load %arg10[%swap3A_271] {strides = array<i32>} : memref<768xf32, #tpu.memory_space<vmem>>, vector<16xf32>,
    %swap3A_273 = vector.shape_cast %swap3A_272 : vector<16xf32> to vector<16xf32>
    %swap3A_274 = vector.shape_cast %broadcast_in_dim3A_270 : vector<16xf32> to vector<16xf32>
    tpu.vector_store %arg10[%swap3A_271], %swap3A_274 {strides = array<i32>} : memref<768xf32, #tpu.memory_space<vmem>>, vector<16xf32>,
    %broadcast_in_dim3A_275 = arith.constant 0.000000e+00 : f32
    %broadcast_in_dim3A_276 = vector.broadcast %broadcast_in_dim3A_275 : f32 to vector<16xf32>
    %swap3A_277 = arith.constant 640 : index
    %swap3A_278 = tpu.vector_load %arg10[%swap3A_277] {strides = array<i32>} : memref<768xf32, #tpu.memory_space<vmem>>, vector<16xf32>,
    %swap3A_279 = vector.shape_cast %swap3A_278 : vector<16xf32> to vector<16xf32>
    %swap3A_280 = vector.shape_cast %broadcast_in_dim3A_276 : vector<16xf32> to vector<16xf32>
    tpu.vector_store %arg10[%swap3A_277], %swap3A_280 {strides = array<i32>} : memref<768xf32, #tpu.memory_space<vmem>>, vector<16xf32>,
    %broadcast_in_dim3A_281 = arith.constant 0.000000e+00 : f32
    %broadcast_in_dim3A_282 = vector.broadcast %broadcast_in_dim3A_281 : f32 to vector<16xf32>
    %swap3A_283 = arith.constant 656 : index
    %swap3A_284 = tpu.vector_load %arg10[%swap3A_283] {strides = array<i32>} : memref<768xf32, #tpu.memory_space<vmem>>, vector<16xf32>,
    %swap3A_285 = vector.shape_cast %swap3A_284 : vector<16xf32> to vector<16xf32>
    %swap3A_286 = vector.shape_cast %broadcast_in_dim3A_282 : vector<16xf32> to vector<16xf32>
    tpu.vector_store %arg10[%swap3A_283], %swap3A_286 {strides = array<i32>} : memref<768xf32, #tpu.memory_space<vmem>>, vector<16xf32>,
    %broadcast_in_dim3A_287 = arith.constant 0.000000e+00 : f32
    %broadcast_in_dim3A_288 = vector.broadcast %broadcast_in_dim3A_287 : f32 to vector<16xf32>
    %swap3A_289 = arith.constant 672 : index
    %swap3A_290 = tpu.vector_load %arg10[%swap3A_289] {strides = array<i32>} : memref<768xf32, #tpu.memory_space<vmem>>, vector<16xf32>,
    %swap3A_291 = vector.shape_cast %swap3A_290 : vector<16xf32> to vector<16xf32>
    %swap3A_292 = vector.shape_cast %broadcast_in_dim3A_288 : vector<16xf32> to vector<16xf32>
    tpu.vector_store %arg10[%swap3A_289], %swap3A_292 {strides = array<i32>} : memref<768xf32, #tpu.memory_space<vmem>>, vector<16xf32>,
    %broadcast_in_dim3A_293 = arith.constant 0.000000e+00 : f32
    %broadcast_in_dim3A_294 = vector.broadcast %broadcast_in_dim3A_293 : f32 to vector<16xf32>
    %swap3A_295 = arith.constant 688 : index
    %swap3A_296 = tpu.vector_load %arg10[%swap3A_295] {strides = array<i32>} : memref<768xf32, #tpu.memory_space<vmem>>, vector<16xf32>,
    %swap3A_297 = vector.shape_cast %swap3A_296 : vector<16xf32> to vector<16xf32>
    %swap3A_298 = vector.shape_cast %broadcast_in_dim3A_294 : vector<16xf32> to vector<16xf32>
    tpu.vector_store %arg10[%swap3A_295], %swap3A_298 {strides = array<i32>} : memref<768xf32, #tpu.memory_space<vmem>>, vector<16xf32>,
    %broadcast_in_dim3A_299 = arith.constant 0.000000e+00 : f32
    %broadcast_in_dim3A_300 = vector.broadcast %broadcast_in_dim3A_299 : f32 to vector<16xf32>
    %swap3A_301 = arith.constant 704 : index
    %swap3A_302 = tpu.vector_load %arg10[%swap3A_301] {strides = array<i32>} : memref<768xf32, #tpu.memory_space<vmem>>, vector<16xf32>,
    %swap3A_303 = vector.shape_cast %swap3A_302 : vector<16xf32> to vector<16xf32>
    %swap3A_304 = vector.shape_cast %broadcast_in_dim3A_300 : vector<16xf32> to vector<16xf32>
    tpu.vector_store %arg10[%swap3A_301], %swap3A_304 {strides = array<i32>} : memref<768xf32, #tpu.memory_space<vmem>>, vector<16xf32>,
    %broadcast_in_dim3A_305 = arith.constant 0.000000e+00 : f32
    %broadcast_in_dim3A_306 = vector.broadcast %broadcast_in_dim3A_305 : f32 to vector<16xf32>
    %swap3A_307 = arith.constant 720 : index
    %swap3A_308 = tpu.vector_load %arg10[%swap3A_307] {strides = array<i32>} : memref<768xf32, #tpu.memory_space<vmem>>, vector<16xf32>,
    %swap3A_309 = vector.shape_cast %swap3A_308 : vector<16xf32> to vector<16xf32>
    %swap3A_310 = vector.shape_cast %broadcast_in_dim3A_306 : vector<16xf32> to vector<16xf32>
    tpu.vector_store %arg10[%swap3A_307], %swap3A_310 {strides = array<i32>} : memref<768xf32, #tpu.memory_space<vmem>>, vector<16xf32>,
    %broadcast_in_dim3A_311 = arith.constant 0.000000e+00 : f32
    %broadcast_in_dim3A_312 = vector.broadcast %broadcast_in_dim3A_311 : f32 to vector<16xf32>
    %swap3A_313 = arith.constant 736 : index
    %swap3A_314 = tpu.vector_load %arg10[%swap3A_313] {strides = array<i32>} : memref<768xf32, #tpu.memory_space<vmem>>, vector<16xf32>,
    %swap3A_315 = vector.shape_cast %swap3A_314 : vector<16xf32> to vector<16xf32>
    %swap3A_316 = vector.shape_cast %broadcast_in_dim3A_312 : vector<16xf32> to vector<16xf32>
    tpu.vector_store %arg10[%swap3A_313], %swap3A_316 {strides = array<i32>} : memref<768xf32, #tpu.memory_space<vmem>>, vector<16xf32>,
    %broadcast_in_dim3A_317 = arith.constant 0.000000e+00 : f32
    %broadcast_in_dim3A_318 = vector.broadcast %broadcast_in_dim3A_317 : f32 to vector<16xf32>
    %swap3A_319 = arith.constant 752 : index
    %swap3A_320 = tpu.vector_load %arg10[%swap3A_319] {strides = array<i32>} : memref<768xf32, #tpu.memory_space<vmem>>, vector<16xf32>,
    %swap3A_321 = vector.shape_cast %swap3A_320 : vector<16xf32> to vector<16xf32>
    %swap3A_322 = vector.shape_cast %broadcast_in_dim3A_318 : vector<16xf32> to vector<16xf32>
    tpu.vector_store %arg10[%swap3A_319], %swap3A_322 {strides = array<i32>} : memref<768xf32, #tpu.memory_space<vmem>>, vector<16xf32>,
    %dma_start3A = arith.constant 0 : i32
    %dma_start3A_323 = arith.constant 0 : i32
    %dma_start3A_324 = tpu.memref_slice %arg7[%dma_start3A, %dma_start3A_323] : memref<4x64xi32, #tpu.memory_space<vmem>> -> memref<1x64xi32, #tpu.memory_space<vmem>>
    %dma_start3A_325 = tpu.memref_squeeze %dma_start3A_324 : memref<1x64xi32, #tpu.memory_space<vmem>> -> memref<64xi32, #tpu.memory_space<vmem>>
    %dma_start3A_326 = arith.constant 0 : i32
    %dma_start3A_327 = arith.constant 0 : i32
    %dma_start3A_328 = tpu.memref_slice %arg4[%dma_start3A_326, %dma_start3A_327] : memref<30522x768xf32, #tpu.memory_space<hbm>> -> memref<30522x768xf32, #tpu.memory_space<hbm>>
    tpu.enqueue_indirect_dma source(%dma_start3A_328 : memref<30522x768xf32, #tpu.memory_space<hbm>>) target(%arg8 : memref<64x768xf32, #tpu.memory_space<vmem>>) offsets(%dma_start3A_325 : memref<64xi32, #tpu.memory_space<vmem>>) semaphore(%arg11 : memref<!tpu.dma_semaphore, #tpu.memory_space<semaphore_mem>>)
    %dma_wait3A = arith.constant 0 : i32
    %dma_wait3A_329 = arith.constant 0 : i32
    %dma_wait3A_330 = tpu.memref_slice %arg7[%dma_wait3A, %dma_wait3A_329] : memref<4x64xi32, #tpu.memory_space<vmem>> -> memref<1x64xi32, #tpu.memory_space<vmem>>
    %dma_wait3A_331 = tpu.memref_squeeze %dma_wait3A_330 : memref<1x64xi32, #tpu.memory_space<vmem>> -> memref<64xi32, #tpu.memory_space<vmem>>
    %dma_wait3A_332 = arith.constant 0 : i32
    %dma_wait3A_333 = arith.constant 0 : i32
    %dma_wait3A_334 = tpu.memref_slice %arg4[%dma_wait3A_332, %dma_wait3A_333] : memref<30522x768xf32, #tpu.memory_space<hbm>> -> memref<30522x768xf32, #tpu.memory_space<hbm>>
    tpu.wait_indirect_dma semaphore(%arg11 : memref<!tpu.dma_semaphore, #tpu.memory_space<semaphore_mem>>) src(%dma_wait3A_334 : memref<30522x768xf32, #tpu.memory_space<hbm>>) dst(%arg8 : memref<64x768xf32, #tpu.memory_space<vmem>>)
    %add3A_335 = arith.constant 0 : i32
    %add3A_336 = arith.addi %mul3A_2, %add3A_335 : i32
    "tpu.region"() ({
      %run_scoped3A = tpu.sem_alloc : memref<!tpu.dma_semaphore, #tpu.memory_space<semaphore_mem>>
      %dma_start3A_458 = arith.constant 0 : i32
      %dma_start3A_459 = tpu.memref_slice %arg5[%add3A_336, %dma_start3A_458] : memref<8192x768xf32, #tpu.memory_space<hbm>> -> memref<64x768xf32, #tpu.memory_space<hbm>>
      %dma_start3A_460 = arith.constant 0 : i32
      %dma_start3A_461 = tpu.memref_slice %arg5[%add3A_336, %dma_start3A_460] : memref<8192x768xf32, #tpu.memory_space<hbm>> -> memref<64x768xf32, #tpu.memory_space<hbm>>
      tpu.enqueue_dma source(%arg8 : memref<64x768xf32, #tpu.memory_space<vmem>>) target(%dma_start3A_461 : memref<64x768xf32, #tpu.memory_space<hbm>>) target_semaphore(%run_scoped3A : memref<!tpu.dma_semaphore, #tpu.memory_space<semaphore_mem>>)
      %dma_wait3A_462 = arith.constant 0 : i32
      %dma_wait3A_463 = tpu.memref_slice %arg5[%add3A_336, %dma_wait3A_462] : memref<8192x768xf32, #tpu.memory_space<hbm>> -> memref<64x768xf32, #tpu.memory_space<hbm>>
      %dma_wait3A_464 = arith.constant 0 : i32
      %dma_wait3A_465 = tpu.memref_slice %arg5[%add3A_336, %dma_wait3A_464] : memref<8192x768xf32, #tpu.memory_space<hbm>> -> memref<64x768xf32, #tpu.memory_space<hbm>>
      tpu.wait_dma2 semaphore(%run_scoped3A : memref<!tpu.dma_semaphore, #tpu.memory_space<semaphore_mem>>) src(%arg8 : memref<64x768xf32, #tpu.memory_space<vmem>>) dst(%dma_wait3A_465 : memref<64x768xf32, #tpu.memory_space<hbm>>)
      tpu.yield
    }) : () -> ()
    %add3A_337 = arith.constant 0 : i32
    %add3A_338 = arith.addi %mul3A_34, %add3A_337 : i32
    %sub3A_339 = arith.subi %squeeze3A, %add3A_338 : i32
    %jit3A_340 = arith.constant 0 : i32
    %jit3A_341 = arith.constant 64 : i32
    %max3A = arith.maxsi %jit3A_340, %sub3A_339 : i32
    %min3A = arith.minsi %jit3A_341, %max3A : i32
    %while3A = arith.constant 0 : i32
    %while3A_342 = arith.constant 0 : i32
    %while3A_343 = arith.subi %min3A, %while3A : i32
    %while3A_344 = arith.addi %while3A, %while3A_343 : i32
    %while3A_345 = arith.constant 1 : i32
    %while3A_346 = arith.divsi %while3A_343, %while3A_345 : i32
    %while3A_347 = arith.muli %while3A_346, %while3A_345 : i32
    %while3A_348 = arith.addi %while3A, %while3A_347 : i32
    %while3A_349 = arith.constant 1 : i32
    %while3A_350 = scf.for %while3A_458 = %while3A to %while3A_348 step %while3A_349 iter_args(%while3A_459 = %while3A_342) -> (i32)  : i32 {
      %get3A_460 = arith.index_cast %while3A_458 : i32 to index
      %get3A_461 = arith.constant 0 : index
      %get3A_462 = tpu.vector_load %arg8[%get3A_460, %get3A_461] {strides = array<i32>} : memref<64x768xf32, #tpu.memory_space<vmem>>, vector<1x16xf32>,
      %get3A_463 = vector.shape_cast %get3A_462 : vector<1x16xf32> to vector<16xf32>
      %swap3A_464 = arith.constant 0 : index
      %swap3A_465 = tpu.vector_load %arg10[%swap3A_464] {strides = array<i32>} : memref<768xf32, #tpu.memory_space<vmem>>, vector<16xf32>,
      %swap3A_466 = vector.shape_cast %swap3A_465 : vector<16xf32> to vector<16xf32>
      %swap3A_467 = vector.shape_cast %get3A_463 : vector<16xf32> to vector<16xf32>
      tpu.vector_store %arg10[%swap3A_464], %swap3A_467 {add = true, strides = array<i32>} : memref<768xf32, #tpu.memory_space<vmem>>, vector<16xf32>,
      %get3A_468 = arith.index_cast %while3A_458 : i32 to index
      %get3A_469 = arith.constant 16 : index
      %get3A_470 = tpu.vector_load %arg8[%get3A_468, %get3A_469] {strides = array<i32>} : memref<64x768xf32, #tpu.memory_space<vmem>>, vector<1x16xf32>,
      %get3A_471 = vector.shape_cast %get3A_470 : vector<1x16xf32> to vector<16xf32>
      %swap3A_472 = arith.constant 16 : index
      %swap3A_473 = tpu.vector_load %arg10[%swap3A_472] {strides = array<i32>} : memref<768xf32, #tpu.memory_space<vmem>>, vector<16xf32>,
      %swap3A_474 = vector.shape_cast %swap3A_473 : vector<16xf32> to vector<16xf32>
      %swap3A_475 = vector.shape_cast %get3A_471 : vector<16xf32> to vector<16xf32>
      tpu.vector_store %arg10[%swap3A_472], %swap3A_475 {add = true, strides = array<i32>} : memref<768xf32, #tpu.memory_space<vmem>>, vector<16xf32>,
      %get3A_476 = arith.index_cast %while3A_458 : i32 to index
      %get3A_477 = arith.constant 32 : index
      %get3A_478 = tpu.vector_load %arg8[%get3A_476, %get3A_477] {strides = array<i32>} : memref<64x768xf32, #tpu.memory_space<vmem>>, vector<1x16xf32>,
      %get3A_479 = vector.shape_cast %get3A_478 : vector<1x16xf32> to vector<16xf32>
      %swap3A_480 = arith.constant 32 : index
      %swap3A_481 = tpu.vector_load %arg10[%swap3A_480] {strides = array<i32>} : memref<768xf32, #tpu.memory_space<vmem>>, vector<16xf32>,
      %swap3A_482 = vector.shape_cast %swap3A_481 : vector<16xf32> to vector<16xf32>
      %swap3A_483 = vector.shape_cast %get3A_479 : vector<16xf32> to vector<16xf32>
      tpu.vector_store %arg10[%swap3A_480], %swap3A_483 {add = true, strides = array<i32>} : memref<768xf32, #tpu.memory_space<vmem>>, vector<16xf32>,
      %get3A_484 = arith.index_cast %while3A_458 : i32 to index
      %get3A_485 = arith.constant 48 : index
      %get3A_486 = tpu.vector_load %arg8[%get3A_484, %get3A_485] {strides = array<i32>} : memref<64x768xf32, #tpu.memory_space<vmem>>, vector<1x16xf32>,
      %get3A_487 = vector.shape_cast %get3A_486 : vector<1x16xf32> to vector<16xf32>
      %swap3A_488 = arith.constant 48 : index
      %swap3A_489 = tpu.vector_load %arg10[%swap3A_488] {strides = array<i32>} : memref<768xf32, #tpu.memory_space<vmem>>, vector<16xf32>,
      %swap3A_490 = vector.shape_cast %swap3A_489 : vector<16xf32> to vector<16xf32>
      %swap3A_491 = vector.shape_cast %get3A_487 : vector<16xf32> to vector<16xf32>
      tpu.vector_store %arg10[%swap3A_488], %swap3A_491 {add = true, strides = array<i32>} : memref<768xf32, #tpu.memory_space<vmem>>, vector<16xf32>,
      %get3A_492 = arith.index_cast %while3A_458 : i32 to index
      %get3A_493 = arith.constant 64 : index
      %get3A_494 = tpu.vector_load %arg8[%get3A_492, %get3A_493] {strides = array<i32>} : memref<64x768xf32, #tpu.memory_space<vmem>>, vector<1x16xf32>,
      %get3A_495 = vector.shape_cast %get3A_494 : vector<1x16xf32> to vector<16xf32>
      %swap3A_496 = arith.constant 64 : index
      %swap3A_497 = tpu.vector_load %arg10[%swap3A_496] {strides = array<i32>} : memref<768xf32, #tpu.memory_space<vmem>>, vector<16xf32>,
      %swap3A_498 = vector.shape_cast %swap3A_497 : vector<16xf32> to vector<16xf32>
      %swap3A_499 = vector.shape_cast %get3A_495 : vector<16xf32> to vector<16xf32>
      tpu.vector_store %arg10[%swap3A_496], %swap3A_499 {add = true, strides = array<i32>} : memref<768xf32, #tpu.memory_space<vmem>>, vector<16xf32>,
      %get3A_500 = arith.index_cast %while3A_458 : i32 to index
      %get3A_501 = arith.constant 80 : index
      %get3A_502 = tpu.vector_load %arg8[%get3A_500, %get3A_501] {strides = array<i32>} : memref<64x768xf32, #tpu.memory_space<vmem>>, vector<1x16xf32>,
      %get3A_503 = vector.shape_cast %get3A_502 : vector<1x16xf32> to vector<16xf32>
      %swap3A_504 = arith.constant 80 : index
      %swap3A_505 = tpu.vector_load %arg10[%swap3A_504] {strides = array<i32>} : memref<768xf32, #tpu.memory_space<vmem>>, vector<16xf32>,
      %swap3A_506 = vector.shape_cast %swap3A_505 : vector<16xf32> to vector<16xf32>
      %swap3A_507 = vector.shape_cast %get3A_503 : vector<16xf32> to vector<16xf32>
      tpu.vector_store %arg10[%swap3A_504], %swap3A_507 {add = true, strides = array<i32>} : memref<768xf32, #tpu.memory_space<vmem>>, vector<16xf32>,
      %get3A_508 = arith.index_cast %while3A_458 : i32 to index
      %get3A_509 = arith.constant 96 : index
      %get3A_510 = tpu.vector_load %arg8[%get3A_508, %get3A_509] {strides = array<i32>} : memref<64x768xf32, #tpu.memory_space<vmem>>, vector<1x16xf32>,
      %get3A_511 = vector.shape_cast %get3A_510 : vector<1x16xf32> to vector<16xf32>
      %swap3A_512 = arith.constant 96 : index
      %swap3A_513 = tpu.vector_load %arg10[%swap3A_512] {strides = array<i32>} : memref<768xf32, #tpu.memory_space<vmem>>, vector<16xf32>,
      %swap3A_514 = vector.shape_cast %swap3A_513 : vector<16xf32> to vector<16xf32>
      %swap3A_515 = vector.shape_cast %get3A_511 : vector<16xf32> to vector<16xf32>
      tpu.vector_store %arg10[%swap3A_512], %swap3A_515 {add = true, strides = array<i32>} : memref<768xf32, #tpu.memory_space<vmem>>, vector<16xf32>,
      %get3A_516 = arith.index_cast %while3A_458 : i32 to index
      %get3A_517 = arith.constant 112 : index
      %get3A_518 = tpu.vector_load %arg8[%get3A_516, %get3A_517] {strides = array<i32>} : memref<64x768xf32, #tpu.memory_space<vmem>>, vector<1x16xf32>,
      %get3A_519 = vector.shape_cast %get3A_518 : vector<1x16xf32> to vector<16xf32>
      %swap3A_520 = arith.constant 112 : index
      %swap3A_521 = tpu.vector_load %arg10[%swap3A_520] {strides = array<i32>} : memref<768xf32, #tpu.memory_space<vmem>>, vector<16xf32>,
      %swap3A_522 = vector.shape_cast %swap3A_521 : vector<16xf32> to vector<16xf32>
      %swap3A_523 = vector.shape_cast %get3A_519 : vector<16xf32> to vector<16xf32>
      tpu.vector_store %arg10[%swap3A_520], %swap3A_523 {add = true, strides = array<i32>} : memref<768xf32, #tpu.memory_space<vmem>>, vector<16xf32>,
      %get3A_524 = arith.index_cast %while3A_458 : i32 to index
      %get3A_525 = arith.constant 128 : index
      %get3A_526 = tpu.vector_load %arg8[%get3A_524, %get3A_525] {strides = array<i32>} : memref<64x768xf32, #tpu.memory_space<vmem>>, vector<1x16xf32>,
      %get3A_527 = vector.shape_cast %get3A_526 : vector<1x16xf32> to vector<16xf32>
      %swap3A_528 = arith.constant 128 : index
      %swap3A_529 = tpu.vector_load %arg10[%swap3A_528] {strides = array<i32>} : memref<768xf32, #tpu.memory_space<vmem>>, vector<16xf32>,
      %swap3A_530 = vector.shape_cast %swap3A_529 : vector<16xf32> to vector<16xf32>
      %swap3A_531 = vector.shape_cast %get3A_527 : vector<16xf32> to vector<16xf32>
      tpu.vector_store %arg10[%swap3A_528], %swap3A_531 {add = true, strides = array<i32>} : memref<768xf32, #tpu.memory_space<vmem>>, vector<16xf32>,
      %get3A_532 = arith.index_cast %while3A_458 : i32 to index
      %get3A_533 = arith.constant 144 : index
      %get3A_534 = tpu.vector_load %arg8[%get3A_532, %get3A_533] {strides = array<i32>} : memref<64x768xf32, #tpu.memory_space<vmem>>, vector<1x16xf32>,
      %get3A_535 = vector.shape_cast %get3A_534 : vector<1x16xf32> to vector<16xf32>
      %swap3A_536 = arith.constant 144 : index
      %swap3A_537 = tpu.vector_load %arg10[%swap3A_536] {strides = array<i32>} : memref<768xf32, #tpu.memory_space<vmem>>, vector<16xf32>,
      %swap3A_538 = vector.shape_cast %swap3A_537 : vector<16xf32> to vector<16xf32>
      %swap3A_539 = vector.shape_cast %get3A_535 : vector<16xf32> to vector<16xf32>
      tpu.vector_store %arg10[%swap3A_536], %swap3A_539 {add = true, strides = array<i32>} : memref<768xf32, #tpu.memory_space<vmem>>, vector<16xf32>,
      %get3A_540 = arith.index_cast %while3A_458 : i32 to index
      %get3A_541 = arith.constant 160 : index
      %get3A_542 = tpu.vector_load %arg8[%get3A_540, %get3A_541] {strides = array<i32>} : memref<64x768xf32, #tpu.memory_space<vmem>>, vector<1x16xf32>,
      %get3A_543 = vector.shape_cast %get3A_542 : vector<1x16xf32> to vector<16xf32>
      %swap3A_544 = arith.constant 160 : index
      %swap3A_545 = tpu.vector_load %arg10[%swap3A_544] {strides = array<i32>} : memref<768xf32, #tpu.memory_space<vmem>>, vector<16xf32>,
      %swap3A_546 = vector.shape_cast %swap3A_545 : vector<16xf32> to vector<16xf32>
      %swap3A_547 = vector.shape_cast %get3A_543 : vector<16xf32> to vector<16xf32>
      tpu.vector_store %arg10[%swap3A_544], %swap3A_547 {add = true, strides = array<i32>} : memref<768xf32, #tpu.memory_space<vmem>>, vector<16xf32>,
      %get3A_548 = arith.index_cast %while3A_458 : i32 to index
      %get3A_549 = arith.constant 176 : index
      %get3A_550 = tpu.vector_load %arg8[%get3A_548, %get3A_549] {strides = array<i32>} : memref<64x768xf32, #tpu.memory_space<vmem>>, vector<1x16xf32>,
      %get3A_551 = vector.shape_cast %get3A_550 : vector<1x16xf32> to vector<16xf32>
      %swap3A_552 = arith.constant 176 : index
      %swap3A_553 = tpu.vector_load %arg10[%swap3A_552] {strides = array<i32>} : memref<768xf32, #tpu.memory_space<vmem>>, vector<16xf32>,
      %swap3A_554 = vector.shape_cast %swap3A_553 : vector<16xf32> to vector<16xf32>
      %swap3A_555 = vector.shape_cast %get3A_551 : vector<16xf32> to vector<16xf32>
      tpu.vector_store %arg10[%swap3A_552], %swap3A_555 {add = true, strides = array<i32>} : memref<768xf32, #tpu.memory_space<vmem>>, vector<16xf32>,
      %get3A_556 = arith.index_cast %while3A_458 : i32 to index
      %get3A_557 = arith.constant 192 : index
      %get3A_558 = tpu.vector_load %arg8[%get3A_556, %get3A_557] {strides = array<i32>} : memref<64x768xf32, #tpu.memory_space<vmem>>, vector<1x16xf32>,
      %get3A_559 = vector.shape_cast %get3A_558 : vector<1x16xf32> to vector<16xf32>
      %swap3A_560 = arith.constant 192 : index
      %swap3A_561 = tpu.vector_load %arg10[%swap3A_560] {strides = array<i32>} : memref<768xf32, #tpu.memory_space<vmem>>, vector<16xf32>,
      %swap3A_562 = vector.shape_cast %swap3A_561 : vector<16xf32> to vector<16xf32>
      %swap3A_563 = vector.shape_cast %get3A_559 : vector<16xf32> to vector<16xf32>
      tpu.vector_store %arg10[%swap3A_560], %swap3A_563 {add = true, strides = array<i32>} : memref<768xf32, #tpu.memory_space<vmem>>, vector<16xf32>,
      %get3A_564 = arith.index_cast %while3A_458 : i32 to index
      %get3A_565 = arith.constant 208 : index
      %get3A_566 = tpu.vector_load %arg8[%get3A_564, %get3A_565] {strides = array<i32>} : memref<64x768xf32, #tpu.memory_space<vmem>>, vector<1x16xf32>,
      %get3A_567 = vector.shape_cast %get3A_566 : vector<1x16xf32> to vector<16xf32>
      %swap3A_568 = arith.constant 208 : index
      %swap3A_569 = tpu.vector_load %arg10[%swap3A_568] {strides = array<i32>} : memref<768xf32, #tpu.memory_space<vmem>>, vector<16xf32>,
      %swap3A_570 = vector.shape_cast %swap3A_569 : vector<16xf32> to vector<16xf32>
      %swap3A_571 = vector.shape_cast %get3A_567 : vector<16xf32> to vector<16xf32>
      tpu.vector_store %arg10[%swap3A_568], %swap3A_571 {add = true, strides = array<i32>} : memref<768xf32, #tpu.memory_space<vmem>>, vector<16xf32>,
      %get3A_572 = arith.index_cast %while3A_458 : i32 to index
      %get3A_573 = arith.constant 224 : index
      %get3A_574 = tpu.vector_load %arg8[%get3A_572, %get3A_573] {strides = array<i32>} : memref<64x768xf32, #tpu.memory_space<vmem>>, vector<1x16xf32>,
      %get3A_575 = vector.shape_cast %get3A_574 : vector<1x16xf32> to vector<16xf32>
      %swap3A_576 = arith.constant 224 : index
      %swap3A_577 = tpu.vector_load %arg10[%swap3A_576] {strides = array<i32>} : memref<768xf32, #tpu.memory_space<vmem>>, vector<16xf32>,
      %swap3A_578 = vector.shape_cast %swap3A_577 : vector<16xf32> to vector<16xf32>
      %swap3A_579 = vector.shape_cast %get3A_575 : vector<16xf32> to vector<16xf32>
      tpu.vector_store %arg10[%swap3A_576], %swap3A_579 {add = true, strides = array<i32>} : memref<768xf32, #tpu.memory_space<vmem>>, vector<16xf32>,
      %get3A_580 = arith.index_cast %while3A_458 : i32 to index
      %get3A_581 = arith.constant 240 : index
      %get3A_582 = tpu.vector_load %arg8[%get3A_580, %get3A_581] {strides = array<i32>} : memref<64x768xf32, #tpu.memory_space<vmem>>, vector<1x16xf32>,
      %get3A_583 = vector.shape_cast %get3A_582 : vector<1x16xf32> to vector<16xf32>
      %swap3A_584 = arith.constant 240 : index
      %swap3A_585 = tpu.vector_load %arg10[%swap3A_584] {strides = array<i32>} : memref<768xf32, #tpu.memory_space<vmem>>, vector<16xf32>,
      %swap3A_586 = vector.shape_cast %swap3A_585 : vector<16xf32> to vector<16xf32>
      %swap3A_587 = vector.shape_cast %get3A_583 : vector<16xf32> to vector<16xf32>
      tpu.vector_store %arg10[%swap3A_584], %swap3A_587 {add = true, strides = array<i32>} : memref<768xf32, #tpu.memory_space<vmem>>, vector<16xf32>,
      %get3A_588 = arith.index_cast %while3A_458 : i32 to index
      %get3A_589 = arith.constant 256 : index
      %get3A_590 = tpu.vector_load %arg8[%get3A_588, %get3A_589] {strides = array<i32>} : memref<64x768xf32, #tpu.memory_space<vmem>>, vector<1x16xf32>,
      %get3A_591 = vector.shape_cast %get3A_590 : vector<1x16xf32> to vector<16xf32>
      %swap3A_592 = arith.constant 256 : index
      %swap3A_593 = tpu.vector_load %arg10[%swap3A_592] {strides = array<i32>} : memref<768xf32, #tpu.memory_space<vmem>>, vector<16xf32>,
      %swap3A_594 = vector.shape_cast %swap3A_593 : vector<16xf32> to vector<16xf32>
      %swap3A_595 = vector.shape_cast %get3A_591 : vector<16xf32> to vector<16xf32>
      tpu.vector_store %arg10[%swap3A_592], %swap3A_595 {add = true, strides = array<i32>} : memref<768xf32, #tpu.memory_space<vmem>>, vector<16xf32>,
      %get3A_596 = arith.index_cast %while3A_458 : i32 to index
      %get3A_597 = arith.constant 272 : index
      %get3A_598 = tpu.vector_load %arg8[%get3A_596, %get3A_597] {strides = array<i32>} : memref<64x768xf32, #tpu.memory_space<vmem>>, vector<1x16xf32>,
      %get3A_599 = vector.shape_cast %get3A_598 : vector<1x16xf32> to vector<16xf32>
      %swap3A_600 = arith.constant 272 : index
      %swap3A_601 = tpu.vector_load %arg10[%swap3A_600] {strides = array<i32>} : memref<768xf32, #tpu.memory_space<vmem>>, vector<16xf32>,
      %swap3A_602 = vector.shape_cast %swap3A_601 : vector<16xf32> to vector<16xf32>
      %swap3A_603 = vector.shape_cast %get3A_599 : vector<16xf32> to vector<16xf32>
      tpu.vector_store %arg10[%swap3A_600], %swap3A_603 {add = true, strides = array<i32>} : memref<768xf32, #tpu.memory_space<vmem>>, vector<16xf32>,
      %get3A_604 = arith.index_cast %while3A_458 : i32 to index
      %get3A_605 = arith.constant 288 : index
      %get3A_606 = tpu.vector_load %arg8[%get3A_604, %get3A_605] {strides = array<i32>} : memref<64x768xf32, #tpu.memory_space<vmem>>, vector<1x16xf32>,
      %get3A_607 = vector.shape_cast %get3A_606 : vector<1x16xf32> to vector<16xf32>
      %swap3A_608 = arith.constant 288 : index
      %swap3A_609 = tpu.vector_load %arg10[%swap3A_608] {strides = array<i32>} : memref<768xf32, #tpu.memory_space<vmem>>, vector<16xf32>,
      %swap3A_610 = vector.shape_cast %swap3A_609 : vector<16xf32> to vector<16xf32>
      %swap3A_611 = vector.shape_cast %get3A_607 : vector<16xf32> to vector<16xf32>
      tpu.vector_store %arg10[%swap3A_608], %swap3A_611 {add = true, strides = array<i32>} : memref<768xf32, #tpu.memory_space<vmem>>, vector<16xf32>,
      %get3A_612 = arith.index_cast %while3A_458 : i32 to index
      %get3A_613 = arith.constant 304 : index
      %get3A_614 = tpu.vector_load %arg8[%get3A_612, %get3A_613] {strides = array<i32>} : memref<64x768xf32, #tpu.memory_space<vmem>>, vector<1x16xf32>,
      %get3A_615 = vector.shape_cast %get3A_614 : vector<1x16xf32> to vector<16xf32>
      %swap3A_616 = arith.constant 304 : index
      %swap3A_617 = tpu.vector_load %arg10[%swap3A_616] {strides = array<i32>} : memref<768xf32, #tpu.memory_space<vmem>>, vector<16xf32>,
      %swap3A_618 = vector.shape_cast %swap3A_617 : vector<16xf32> to vector<16xf32>
      %swap3A_619 = vector.shape_cast %get3A_615 : vector<16xf32> to vector<16xf32>
      tpu.vector_store %arg10[%swap3A_616], %swap3A_619 {add = true, strides = array<i32>} : memref<768xf32, #tpu.memory_space<vmem>>, vector<16xf32>,
      %get3A_620 = arith.index_cast %while3A_458 : i32 to index
      %get3A_621 = arith.constant 320 : index
      %get3A_622 = tpu.vector_load %arg8[%get3A_620, %get3A_621] {strides = array<i32>} : memref<64x768xf32, #tpu.memory_space<vmem>>, vector<1x16xf32>,
      %get3A_623 = vector.shape_cast %get3A_622 : vector<1x16xf32> to vector<16xf32>
      %swap3A_624 = arith.constant 320 : index
      %swap3A_625 = tpu.vector_load %arg10[%swap3A_624] {strides = array<i32>} : memref<768xf32, #tpu.memory_space<vmem>>, vector<16xf32>,
      %swap3A_626 = vector.shape_cast %swap3A_625 : vector<16xf32> to vector<16xf32>
      %swap3A_627 = vector.shape_cast %get3A_623 : vector<16xf32> to vector<16xf32>
      tpu.vector_store %arg10[%swap3A_624], %swap3A_627 {add = true, strides = array<i32>} : memref<768xf32, #tpu.memory_space<vmem>>, vector<16xf32>,
      %get3A_628 = arith.index_cast %while3A_458 : i32 to index
      %get3A_629 = arith.constant 336 : index
      %get3A_630 = tpu.vector_load %arg8[%get3A_628, %get3A_629] {strides = array<i32>} : memref<64x768xf32, #tpu.memory_space<vmem>>, vector<1x16xf32>,
      %get3A_631 = vector.shape_cast %get3A_630 : vector<1x16xf32> to vector<16xf32>
      %swap3A_632 = arith.constant 336 : index
      %swap3A_633 = tpu.vector_load %arg10[%swap3A_632] {strides = array<i32>} : memref<768xf32, #tpu.memory_space<vmem>>, vector<16xf32>,
      %swap3A_634 = vector.shape_cast %swap3A_633 : vector<16xf32> to vector<16xf32>
      %swap3A_635 = vector.shape_cast %get3A_631 : vector<16xf32> to vector<16xf32>
      tpu.vector_store %arg10[%swap3A_632], %swap3A_635 {add = true, strides = array<i32>} : memref<768xf32, #tpu.memory_space<vmem>>, vector<16xf32>,
      %get3A_636 = arith.index_cast %while3A_458 : i32 to index
      %get3A_637 = arith.constant 352 : index
      %get3A_638 = tpu.vector_load %arg8[%get3A_636, %get3A_637] {strides = array<i32>} : memref<64x768xf32, #tpu.memory_space<vmem>>, vector<1x16xf32>,
      %get3A_639 = vector.shape_cast %get3A_638 : vector<1x16xf32> to vector<16xf32>
      %swap3A_640 = arith.constant 352 : index
      %swap3A_641 = tpu.vector_load %arg10[%swap3A_640] {strides = array<i32>} : memref<768xf32, #tpu.memory_space<vmem>>, vector<16xf32>,
      %swap3A_642 = vector.shape_cast %swap3A_641 : vector<16xf32> to vector<16xf32>
      %swap3A_643 = vector.shape_cast %get3A_639 : vector<16xf32> to vector<16xf32>
      tpu.vector_store %arg10[%swap3A_640], %swap3A_643 {add = true, strides = array<i32>} : memref<768xf32, #tpu.memory_space<vmem>>, vector<16xf32>,
      %get3A_644 = arith.index_cast %while3A_458 : i32 to index
      %get3A_645 = arith.constant 368 : index
      %get3A_646 = tpu.vector_load %arg8[%get3A_644, %get3A_645] {strides = array<i32>} : memref<64x768xf32, #tpu.memory_space<vmem>>, vector<1x16xf32>,
      %get3A_647 = vector.shape_cast %get3A_646 : vector<1x16xf32> to vector<16xf32>
      %swap3A_648 = arith.constant 368 : index
      %swap3A_649 = tpu.vector_load %arg10[%swap3A_648] {strides = array<i32>} : memref<768xf32, #tpu.memory_space<vmem>>, vector<16xf32>,
      %swap3A_650 = vector.shape_cast %swap3A_649 : vector<16xf32> to vector<16xf32>
      %swap3A_651 = vector.shape_cast %get3A_647 : vector<16xf32> to vector<16xf32>
      tpu.vector_store %arg10[%swap3A_648], %swap3A_651 {add = true, strides = array<i32>} : memref<768xf32, #tpu.memory_space<vmem>>, vector<16xf32>,
      %get3A_652 = arith.index_cast %while3A_458 : i32 to index
      %get3A_653 = arith.constant 384 : index
      %get3A_654 = tpu.vector_load %arg8[%get3A_652, %get3A_653] {strides = array<i32>} : memref<64x768xf32, #tpu.memory_space<vmem>>, vector<1x16xf32>,
      %get3A_655 = vector.shape_cast %get3A_654 : vector<1x16xf32> to vector<16xf32>
      %swap3A_656 = arith.constant 384 : index
      %swap3A_657 = tpu.vector_load %arg10[%swap3A_656] {strides = array<i32>} : memref<768xf32, #tpu.memory_space<vmem>>, vector<16xf32>,
      %swap3A_658 = vector.shape_cast %swap3A_657 : vector<16xf32> to vector<16xf32>
      %swap3A_659 = vector.shape_cast %get3A_655 : vector<16xf32> to vector<16xf32>
      tpu.vector_store %arg10[%swap3A_656], %swap3A_659 {add = true, strides = array<i32>} : memref<768xf32, #tpu.memory_space<vmem>>, vector<16xf32>,
      %get3A_660 = arith.index_cast %while3A_458 : i32 to index
      %get3A_661 = arith.constant 400 : index
      %get3A_662 = tpu.vector_load %arg8[%get3A_660, %get3A_661] {strides = array<i32>} : memref<64x768xf32, #tpu.memory_space<vmem>>, vector<1x16xf32>,
      %get3A_663 = vector.shape_cast %get3A_662 : vector<1x16xf32> to vector<16xf32>
      %swap3A_664 = arith.constant 400 : index
      %swap3A_665 = tpu.vector_load %arg10[%swap3A_664] {strides = array<i32>} : memref<768xf32, #tpu.memory_space<vmem>>, vector<16xf32>,
      %swap3A_666 = vector.shape_cast %swap3A_665 : vector<16xf32> to vector<16xf32>
      %swap3A_667 = vector.shape_cast %get3A_663 : vector<16xf32> to vector<16xf32>
      tpu.vector_store %arg10[%swap3A_664], %swap3A_667 {add = true, strides = array<i32>} : memref<768xf32, #tpu.memory_space<vmem>>, vector<16xf32>,
      %get3A_668 = arith.index_cast %while3A_458 : i32 to index
      %get3A_669 = arith.constant 416 : index
      %get3A_670 = tpu.vector_load %arg8[%get3A_668, %get3A_669] {strides = array<i32>} : memref<64x768xf32, #tpu.memory_space<vmem>>, vector<1x16xf32>,
      %get3A_671 = vector.shape_cast %get3A_670 : vector<1x16xf32> to vector<16xf32>
      %swap3A_672 = arith.constant 416 : index
      %swap3A_673 = tpu.vector_load %arg10[%swap3A_672] {strides = array<i32>} : memref<768xf32, #tpu.memory_space<vmem>>, vector<16xf32>,
      %swap3A_674 = vector.shape_cast %swap3A_673 : vector<16xf32> to vector<16xf32>
      %swap3A_675 = vector.shape_cast %get3A_671 : vector<16xf32> to vector<16xf32>
      tpu.vector_store %arg10[%swap3A_672], %swap3A_675 {add = true, strides = array<i32>} : memref<768xf32, #tpu.memory_space<vmem>>, vector<16xf32>,
      %get3A_676 = arith.index_cast %while3A_458 : i32 to index
      %get3A_677 = arith.constant 432 : index
      %get3A_678 = tpu.vector_load %arg8[%get3A_676, %get3A_677] {strides = array<i32>} : memref<64x768xf32, #tpu.memory_space<vmem>>, vector<1x16xf32>,
      %get3A_679 = vector.shape_cast %get3A_678 : vector<1x16xf32> to vector<16xf32>
      %swap3A_680 = arith.constant 432 : index
      %swap3A_681 = tpu.vector_load %arg10[%swap3A_680] {strides = array<i32>} : memref<768xf32, #tpu.memory_space<vmem>>, vector<16xf32>,
      %swap3A_682 = vector.shape_cast %swap3A_681 : vector<16xf32> to vector<16xf32>
      %swap3A_683 = vector.shape_cast %get3A_679 : vector<16xf32> to vector<16xf32>
      tpu.vector_store %arg10[%swap3A_680], %swap3A_683 {add = true, strides = array<i32>} : memref<768xf32, #tpu.memory_space<vmem>>, vector<16xf32>,
      %get3A_684 = arith.index_cast %while3A_458 : i32 to index
      %get3A_685 = arith.constant 448 : index
      %get3A_686 = tpu.vector_load %arg8[%get3A_684, %get3A_685] {strides = array<i32>} : memref<64x768xf32, #tpu.memory_space<vmem>>, vector<1x16xf32>,
      %get3A_687 = vector.shape_cast %get3A_686 : vector<1x16xf32> to vector<16xf32>
      %swap3A_688 = arith.constant 448 : index
      %swap3A_689 = tpu.vector_load %arg10[%swap3A_688] {strides = array<i32>} : memref<768xf32, #tpu.memory_space<vmem>>, vector<16xf32>,
      %swap3A_690 = vector.shape_cast %swap3A_689 : vector<16xf32> to vector<16xf32>
      %swap3A_691 = vector.shape_cast %get3A_687 : vector<16xf32> to vector<16xf32>
      tpu.vector_store %arg10[%swap3A_688], %swap3A_691 {add = true, strides = array<i32>} : memref<768xf32, #tpu.memory_space<vmem>>, vector<16xf32>,
      %get3A_692 = arith.index_cast %while3A_458 : i32 to index
      %get3A_693 = arith.constant 464 : index
      %get3A_694 = tpu.vector_load %arg8[%get3A_692, %get3A_693] {strides = array<i32>} : memref<64x768xf32, #tpu.memory_space<vmem>>, vector<1x16xf32>,
      %get3A_695 = vector.shape_cast %get3A_694 : vector<1x16xf32> to vector<16xf32>
      %swap3A_696 = arith.constant 464 : index
      %swap3A_697 = tpu.vector_load %arg10[%swap3A_696] {strides = array<i32>} : memref<768xf32, #tpu.memory_space<vmem>>, vector<16xf32>,
      %swap3A_698 = vector.shape_cast %swap3A_697 : vector<16xf32> to vector<16xf32>
      %swap3A_699 = vector.shape_cast %get3A_695 : vector<16xf32> to vector<16xf32>
      tpu.vector_store %arg10[%swap3A_696], %swap3A_699 {add = true, strides = array<i32>} : memref<768xf32, #tpu.memory_space<vmem>>, vector<16xf32>,
      %get3A_700 = arith.index_cast %while3A_458 : i32 to index
      %get3A_701 = arith.constant 480 : index
      %get3A_702 = tpu.vector_load %arg8[%get3A_700, %get3A_701] {strides = array<i32>} : memref<64x768xf32, #tpu.memory_space<vmem>>, vector<1x16xf32>,
      %get3A_703 = vector.shape_cast %get3A_702 : vector<1x16xf32> to vector<16xf32>
      %swap3A_704 = arith.constant 480 : index
      %swap3A_705 = tpu.vector_load %arg10[%swap3A_704] {strides = array<i32>} : memref<768xf32, #tpu.memory_space<vmem>>, vector<16xf32>,
      %swap3A_706 = vector.shape_cast %swap3A_705 : vector<16xf32> to vector<16xf32>
      %swap3A_707 = vector.shape_cast %get3A_703 : vector<16xf32> to vector<16xf32>
      tpu.vector_store %arg10[%swap3A_704], %swap3A_707 {add = true, strides = array<i32>} : memref<768xf32, #tpu.memory_space<vmem>>, vector<16xf32>,
      %get3A_708 = arith.index_cast %while3A_458 : i32 to index
      %get3A_709 = arith.constant 496 : index
      %get3A_710 = tpu.vector_load %arg8[%get3A_708, %get3A_709] {strides = array<i32>} : memref<64x768xf32, #tpu.memory_space<vmem>>, vector<1x16xf32>,
      %get3A_711 = vector.shape_cast %get3A_710 : vector<1x16xf32> to vector<16xf32>
      %swap3A_712 = arith.constant 496 : index
      %swap3A_713 = tpu.vector_load %arg10[%swap3A_712] {strides = array<i32>} : memref<768xf32, #tpu.memory_space<vmem>>, vector<16xf32>,
      %swap3A_714 = vector.shape_cast %swap3A_713 : vector<16xf32> to vector<16xf32>
      %swap3A_715 = vector.shape_cast %get3A_711 : vector<16xf32> to vector<16xf32>
      tpu.vector_store %arg10[%swap3A_712], %swap3A_715 {add = true, strides = array<i32>} : memref<768xf32, #tpu.memory_space<vmem>>, vector<16xf32>,
      %get3A_716 = arith.index_cast %while3A_458 : i32 to index
      %get3A_717 = arith.constant 512 : index
      %get3A_718 = tpu.vector_load %arg8[%get3A_716, %get3A_717] {strides = array<i32>} : memref<64x768xf32, #tpu.memory_space<vmem>>, vector<1x16xf32>,
      %get3A_719 = vector.shape_cast %get3A_718 : vector<1x16xf32> to vector<16xf32>
      %swap3A_720 = arith.constant 512 : index
      %swap3A_721 = tpu.vector_load %arg10[%swap3A_720] {strides = array<i32>} : memref<768xf32, #tpu.memory_space<vmem>>, vector<16xf32>,
      %swap3A_722 = vector.shape_cast %swap3A_721 : vector<16xf32> to vector<16xf32>
      %swap3A_723 = vector.shape_cast %get3A_719 : vector<16xf32> to vector<16xf32>
      tpu.vector_store %arg10[%swap3A_720], %swap3A_723 {add = true, strides = array<i32>} : memref<768xf32, #tpu.memory_space<vmem>>, vector<16xf32>,
      %get3A_724 = arith.index_cast %while3A_458 : i32 to index
      %get3A_725 = arith.constant 528 : index
      %get3A_726 = tpu.vector_load %arg8[%get3A_724, %get3A_725] {strides = array<i32>} : memref<64x768xf32, #tpu.memory_space<vmem>>, vector<1x16xf32>,
      %get3A_727 = vector.shape_cast %get3A_726 : vector<1x16xf32> to vector<16xf32>
      %swap3A_728 = arith.constant 528 : index
      %swap3A_729 = tpu.vector_load %arg10[%swap3A_728] {strides = array<i32>} : memref<768xf32, #tpu.memory_space<vmem>>, vector<16xf32>,
      %swap3A_730 = vector.shape_cast %swap3A_729 : vector<16xf32> to vector<16xf32>
      %swap3A_731 = vector.shape_cast %get3A_727 : vector<16xf32> to vector<16xf32>
      tpu.vector_store %arg10[%swap3A_728], %swap3A_731 {add = true, strides = array<i32>} : memref<768xf32, #tpu.memory_space<vmem>>, vector<16xf32>,
      %get3A_732 = arith.index_cast %while3A_458 : i32 to index
      %get3A_733 = arith.constant 544 : index
      %get3A_734 = tpu.vector_load %arg8[%get3A_732, %get3A_733] {strides = array<i32>} : memref<64x768xf32, #tpu.memory_space<vmem>>, vector<1x16xf32>,
      %get3A_735 = vector.shape_cast %get3A_734 : vector<1x16xf32> to vector<16xf32>
      %swap3A_736 = arith.constant 544 : index
      %swap3A_737 = tpu.vector_load %arg10[%swap3A_736] {strides = array<i32>} : memref<768xf32, #tpu.memory_space<vmem>>, vector<16xf32>,
      %swap3A_738 = vector.shape_cast %swap3A_737 : vector<16xf32> to vector<16xf32>
      %swap3A_739 = vector.shape_cast %get3A_735 : vector<16xf32> to vector<16xf32>
      tpu.vector_store %arg10[%swap3A_736], %swap3A_739 {add = true, strides = array<i32>} : memref<768xf32, #tpu.memory_space<vmem>>, vector<16xf32>,
      %get3A_740 = arith.index_cast %while3A_458 : i32 to index
      %get3A_741 = arith.constant 560 : index
      %get3A_742 = tpu.vector_load %arg8[%get3A_740, %get3A_741] {strides = array<i32>} : memref<64x768xf32, #tpu.memory_space<vmem>>, vector<1x16xf32>,
      %get3A_743 = vector.shape_cast %get3A_742 : vector<1x16xf32> to vector<16xf32>
      %swap3A_744 = arith.constant 560 : index
      %swap3A_745 = tpu.vector_load %arg10[%swap3A_744] {strides = array<i32>} : memref<768xf32, #tpu.memory_space<vmem>>, vector<16xf32>,
      %swap3A_746 = vector.shape_cast %swap3A_745 : vector<16xf32> to vector<16xf32>
      %swap3A_747 = vector.shape_cast %get3A_743 : vector<16xf32> to vector<16xf32>
      tpu.vector_store %arg10[%swap3A_744], %swap3A_747 {add = true, strides = array<i32>} : memref<768xf32, #tpu.memory_space<vmem>>, vector<16xf32>,
      %get3A_748 = arith.index_cast %while3A_458 : i32 to index
      %get3A_749 = arith.constant 576 : index
      %get3A_750 = tpu.vector_load %arg8[%get3A_748, %get3A_749] {strides = array<i32>} : memref<64x768xf32, #tpu.memory_space<vmem>>, vector<1x16xf32>,
      %get3A_751 = vector.shape_cast %get3A_750 : vector<1x16xf32> to vector<16xf32>
      %swap3A_752 = arith.constant 576 : index
      %swap3A_753 = tpu.vector_load %arg10[%swap3A_752] {strides = array<i32>} : memref<768xf32, #tpu.memory_space<vmem>>, vector<16xf32>,
      %swap3A_754 = vector.shape_cast %swap3A_753 : vector<16xf32> to vector<16xf32>
      %swap3A_755 = vector.shape_cast %get3A_751 : vector<16xf32> to vector<16xf32>
      tpu.vector_store %arg10[%swap3A_752], %swap3A_755 {add = true, strides = array<i32>} : memref<768xf32, #tpu.memory_space<vmem>>, vector<16xf32>,
      %get3A_756 = arith.index_cast %while3A_458 : i32 to index
      %get3A_757 = arith.constant 592 : index
      %get3A_758 = tpu.vector_load %arg8[%get3A_756, %get3A_757] {strides = array<i32>} : memref<64x768xf32, #tpu.memory_space<vmem>>, vector<1x16xf32>,
      %get3A_759 = vector.shape_cast %get3A_758 : vector<1x16xf32> to vector<16xf32>
      %swap3A_760 = arith.constant 592 : index
      %swap3A_761 = tpu.vector_load %arg10[%swap3A_760] {strides = array<i32>} : memref<768xf32, #tpu.memory_space<vmem>>, vector<16xf32>,
      %swap3A_762 = vector.shape_cast %swap3A_761 : vector<16xf32> to vector<16xf32>
      %swap3A_763 = vector.shape_cast %get3A_759 : vector<16xf32> to vector<16xf32>
      tpu.vector_store %arg10[%swap3A_760], %swap3A_763 {add = true, strides = array<i32>} : memref<768xf32, #tpu.memory_space<vmem>>, vector<16xf32>,
      %get3A_764 = arith.index_cast %while3A_458 : i32 to index
      %get3A_765 = arith.constant 608 : index
      %get3A_766 = tpu.vector_load %arg8[%get3A_764, %get3A_765] {strides = array<i32>} : memref<64x768xf32, #tpu.memory_space<vmem>>, vector<1x16xf32>,
      %get3A_767 = vector.shape_cast %get3A_766 : vector<1x16xf32> to vector<16xf32>
      %swap3A_768 = arith.constant 608 : index
      %swap3A_769 = tpu.vector_load %arg10[%swap3A_768] {strides = array<i32>} : memref<768xf32, #tpu.memory_space<vmem>>, vector<16xf32>,
      %swap3A_770 = vector.shape_cast %swap3A_769 : vector<16xf32> to vector<16xf32>
      %swap3A_771 = vector.shape_cast %get3A_767 : vector<16xf32> to vector<16xf32>
      tpu.vector_store %arg10[%swap3A_768], %swap3A_771 {add = true, strides = array<i32>} : memref<768xf32, #tpu.memory_space<vmem>>, vector<16xf32>,
      %get3A_772 = arith.index_cast %while3A_458 : i32 to index
      %get3A_773 = arith.constant 624 : index
      %get3A_774 = tpu.vector_load %arg8[%get3A_772, %get3A_773] {strides = array<i32>} : memref<64x768xf32, #tpu.memory_space<vmem>>, vector<1x16xf32>,
      %get3A_775 = vector.shape_cast %get3A_774 : vector<1x16xf32> to vector<16xf32>
      %swap3A_776 = arith.constant 624 : index
      %swap3A_777 = tpu.vector_load %arg10[%swap3A_776] {strides = array<i32>} : memref<768xf32, #tpu.memory_space<vmem>>, vector<16xf32>,
      %swap3A_778 = vector.shape_cast %swap3A_777 : vector<16xf32> to vector<16xf32>
      %swap3A_779 = vector.shape_cast %get3A_775 : vector<16xf32> to vector<16xf32>
      tpu.vector_store %arg10[%swap3A_776], %swap3A_779 {add = true, strides = array<i32>} : memref<768xf32, #tpu.memory_space<vmem>>, vector<16xf32>,
      %get3A_780 = arith.index_cast %while3A_458 : i32 to index
      %get3A_781 = arith.constant 640 : index
      %get3A_782 = tpu.vector_load %arg8[%get3A_780, %get3A_781] {strides = array<i32>} : memref<64x768xf32, #tpu.memory_space<vmem>>, vector<1x16xf32>,
      %get3A_783 = vector.shape_cast %get3A_782 : vector<1x16xf32> to vector<16xf32>
      %swap3A_784 = arith.constant 640 : index
      %swap3A_785 = tpu.vector_load %arg10[%swap3A_784] {strides = array<i32>} : memref<768xf32, #tpu.memory_space<vmem>>, vector<16xf32>,
      %swap3A_786 = vector.shape_cast %swap3A_785 : vector<16xf32> to vector<16xf32>
      %swap3A_787 = vector.shape_cast %get3A_783 : vector<16xf32> to vector<16xf32>
      tpu.vector_store %arg10[%swap3A_784], %swap3A_787 {add = true, strides = array<i32>} : memref<768xf32, #tpu.memory_space<vmem>>, vector<16xf32>,
      %get3A_788 = arith.index_cast %while3A_458 : i32 to index
      %get3A_789 = arith.constant 656 : index
      %get3A_790 = tpu.vector_load %arg8[%get3A_788, %get3A_789] {strides = array<i32>} : memref<64x768xf32, #tpu.memory_space<vmem>>, vector<1x16xf32>,
      %get3A_791 = vector.shape_cast %get3A_790 : vector<1x16xf32> to vector<16xf32>
      %swap3A_792 = arith.constant 656 : index
      %swap3A_793 = tpu.vector_load %arg10[%swap3A_792] {strides = array<i32>} : memref<768xf32, #tpu.memory_space<vmem>>, vector<16xf32>,
      %swap3A_794 = vector.shape_cast %swap3A_793 : vector<16xf32> to vector<16xf32>
      %swap3A_795 = vector.shape_cast %get3A_791 : vector<16xf32> to vector<16xf32>
      tpu.vector_store %arg10[%swap3A_792], %swap3A_795 {add = true, strides = array<i32>} : memref<768xf32, #tpu.memory_space<vmem>>, vector<16xf32>,
      %get3A_796 = arith.index_cast %while3A_458 : i32 to index
      %get3A_797 = arith.constant 672 : index
      %get3A_798 = tpu.vector_load %arg8[%get3A_796, %get3A_797] {strides = array<i32>} : memref<64x768xf32, #tpu.memory_space<vmem>>, vector<1x16xf32>,
      %get3A_799 = vector.shape_cast %get3A_798 : vector<1x16xf32> to vector<16xf32>
      %swap3A_800 = arith.constant 672 : index
      %swap3A_801 = tpu.vector_load %arg10[%swap3A_800] {strides = array<i32>} : memref<768xf32, #tpu.memory_space<vmem>>, vector<16xf32>,
      %swap3A_802 = vector.shape_cast %swap3A_801 : vector<16xf32> to vector<16xf32>
      %swap3A_803 = vector.shape_cast %get3A_799 : vector<16xf32> to vector<16xf32>
      tpu.vector_store %arg10[%swap3A_800], %swap3A_803 {add = true, strides = array<i32>} : memref<768xf32, #tpu.memory_space<vmem>>, vector<16xf32>,
      %get3A_804 = arith.index_cast %while3A_458 : i32 to index
      %get3A_805 = arith.constant 688 : index
      %get3A_806 = tpu.vector_load %arg8[%get3A_804, %get3A_805] {strides = array<i32>} : memref<64x768xf32, #tpu.memory_space<vmem>>, vector<1x16xf32>,
      %get3A_807 = vector.shape_cast %get3A_806 : vector<1x16xf32> to vector<16xf32>
      %swap3A_808 = arith.constant 688 : index
      %swap3A_809 = tpu.vector_load %arg10[%swap3A_808] {strides = array<i32>} : memref<768xf32, #tpu.memory_space<vmem>>, vector<16xf32>,
      %swap3A_810 = vector.shape_cast %swap3A_809 : vector<16xf32> to vector<16xf32>
      %swap3A_811 = vector.shape_cast %get3A_807 : vector<16xf32> to vector<16xf32>
      tpu.vector_store %arg10[%swap3A_808], %swap3A_811 {add = true, strides = array<i32>} : memref<768xf32, #tpu.memory_space<vmem>>, vector<16xf32>,
      %get3A_812 = arith.index_cast %while3A_458 : i32 to index
      %get3A_813 = arith.constant 704 : index
      %get3A_814 = tpu.vector_load %arg8[%get3A_812, %get3A_813] {strides = array<i32>} : memref<64x768xf32, #tpu.memory_space<vmem>>, vector<1x16xf32>,
      %get3A_815 = vector.shape_cast %get3A_814 : vector<1x16xf32> to vector<16xf32>
      %swap3A_816 = arith.constant 704 : index
      %swap3A_817 = tpu.vector_load %arg10[%swap3A_816] {strides = array<i32>} : memref<768xf32, #tpu.memory_space<vmem>>, vector<16xf32>,
      %swap3A_818 = vector.shape_cast %swap3A_817 : vector<16xf32> to vector<16xf32>
      %swap3A_819 = vector.shape_cast %get3A_815 : vector<16xf32> to vector<16xf32>
      tpu.vector_store %arg10[%swap3A_816], %swap3A_819 {add = true, strides = array<i32>} : memref<768xf32, #tpu.memory_space<vmem>>, vector<16xf32>,
      %get3A_820 = arith.index_cast %while3A_458 : i32 to index
      %get3A_821 = arith.constant 720 : index
      %get3A_822 = tpu.vector_load %arg8[%get3A_820, %get3A_821] {strides = array<i32>} : memref<64x768xf32, #tpu.memory_space<vmem>>, vector<1x16xf32>,
      %get3A_823 = vector.shape_cast %get3A_822 : vector<1x16xf32> to vector<16xf32>
      %swap3A_824 = arith.constant 720 : index
      %swap3A_825 = tpu.vector_load %arg10[%swap3A_824] {strides = array<i32>} : memref<768xf32, #tpu.memory_space<vmem>>, vector<16xf32>,
      %swap3A_826 = vector.shape_cast %swap3A_825 : vector<16xf32> to vector<16xf32>
      %swap3A_827 = vector.shape_cast %get3A_823 : vector<16xf32> to vector<16xf32>
      tpu.vector_store %arg10[%swap3A_824], %swap3A_827 {add = true, strides = array<i32>} : memref<768xf32, #tpu.memory_space<vmem>>, vector<16xf32>,
      %get3A_828 = arith.index_cast %while3A_458 : i32 to index
      %get3A_829 = arith.constant 736 : index
      %get3A_830 = tpu.vector_load %arg8[%get3A_828, %get3A_829] {strides = array<i32>} : memref<64x768xf32, #tpu.memory_space<vmem>>, vector<1x16xf32>,
      %get3A_831 = vector.shape_cast %get3A_830 : vector<1x16xf32> to vector<16xf32>
      %swap3A_832 = arith.constant 736 : index
      %swap3A_833 = tpu.vector_load %arg10[%swap3A_832] {strides = array<i32>} : memref<768xf32, #tpu.memory_space<vmem>>, vector<16xf32>,
      %swap3A_834 = vector.shape_cast %swap3A_833 : vector<16xf32> to vector<16xf32>
      %swap3A_835 = vector.shape_cast %get3A_831 : vector<16xf32> to vector<16xf32>
      tpu.vector_store %arg10[%swap3A_832], %swap3A_835 {add = true, strides = array<i32>} : memref<768xf32, #tpu.memory_space<vmem>>, vector<16xf32>,
      %get3A_836 = arith.index_cast %while3A_458 : i32 to index
      %get3A_837 = arith.constant 752 : index
      %get3A_838 = tpu.vector_load %arg8[%get3A_836, %get3A_837] {strides = array<i32>} : memref<64x768xf32, #tpu.memory_space<vmem>>, vector<1x16xf32>,
      %get3A_839 = vector.shape_cast %get3A_838 : vector<1x16xf32> to vector<16xf32>
      %swap3A_840 = arith.constant 752 : index
      %swap3A_841 = tpu.vector_load %arg10[%swap3A_840] {strides = array<i32>} : memref<768xf32, #tpu.memory_space<vmem>>, vector<16xf32>,
      %swap3A_842 = vector.shape_cast %swap3A_841 : vector<16xf32> to vector<16xf32>
      %swap3A_843 = vector.shape_cast %get3A_839 : vector<16xf32> to vector<16xf32>
      tpu.vector_store %arg10[%swap3A_840], %swap3A_843 {add = true, strides = array<i32>} : memref<768xf32, #tpu.memory_space<vmem>>, vector<16xf32>,
      %while3A_844 = arith.constant 0 : i32
      scf.yield %while3A_844 : i32
    }
    %while3A_351 = arith.constant 1 : i32
    %while3A_352 = scf.for %while3A_458 = %while3A_348 to %while3A_344 step %while3A_351 iter_args(%while3A_459 = %while3A_350) -> (i32)  : i32 {
      %get3A_460 = arith.index_cast %while3A_458 : i32 to index
      %get3A_461 = arith.constant 0 : index
      %get3A_462 = tpu.vector_load %arg8[%get3A_460, %get3A_461] {strides = array<i32>} : memref<64x768xf32, #tpu.memory_space<vmem>>, vector<1x16xf32>,
      %get3A_463 = vector.shape_cast %get3A_462 : vector<1x16xf32> to vector<16xf32>
      %swap3A_464 = arith.constant 0 : index
      %swap3A_465 = tpu.vector_load %arg10[%swap3A_464] {strides = array<i32>} : memref<768xf32, #tpu.memory_space<vmem>>, vector<16xf32>,
      %swap3A_466 = vector.shape_cast %swap3A_465 : vector<16xf32> to vector<16xf32>
      %swap3A_467 = vector.shape_cast %get3A_463 : vector<16xf32> to vector<16xf32>
      tpu.vector_store %arg10[%swap3A_464], %swap3A_467 {add = true, strides = array<i32>} : memref<768xf32, #tpu.memory_space<vmem>>, vector<16xf32>,
      %get3A_468 = arith.index_cast %while3A_458 : i32 to index
      %get3A_469 = arith.constant 16 : index
      %get3A_470 = tpu.vector_load %arg8[%get3A_468, %get3A_469] {strides = array<i32>} : memref<64x768xf32, #tpu.memory_space<vmem>>, vector<1x16xf32>,
      %get3A_471 = vector.shape_cast %get3A_470 : vector<1x16xf32> to vector<16xf32>
      %swap3A_472 = arith.constant 16 : index
      %swap3A_473 = tpu.vector_load %arg10[%swap3A_472] {strides = array<i32>} : memref<768xf32, #tpu.memory_space<vmem>>, vector<16xf32>,
      %swap3A_474 = vector.shape_cast %swap3A_473 : vector<16xf32> to vector<16xf32>
      %swap3A_475 = vector.shape_cast %get3A_471 : vector<16xf32> to vector<16xf32>
      tpu.vector_store %arg10[%swap3A_472], %swap3A_475 {add = true, strides = array<i32>} : memref<768xf32, #tpu.memory_space<vmem>>, vector<16xf32>,
      %get3A_476 = arith.index_cast %while3A_458 : i32 to index
      %get3A_477 = arith.constant 32 : index
      %get3A_478 = tpu.vector_load %arg8[%get3A_476, %get3A_477] {strides = array<i32>} : memref<64x768xf32, #tpu.memory_space<vmem>>, vector<1x16xf32>,
      %get3A_479 = vector.shape_cast %get3A_478 : vector<1x16xf32> to vector<16xf32>
      %swap3A_480 = arith.constant 32 : index
      %swap3A_481 = tpu.vector_load %arg10[%swap3A_480] {strides = array<i32>} : memref<768xf32, #tpu.memory_space<vmem>>, vector<16xf32>,
      %swap3A_482 = vector.shape_cast %swap3A_481 : vector<16xf32> to vector<16xf32>
      %swap3A_483 = vector.shape_cast %get3A_479 : vector<16xf32> to vector<16xf32>
      tpu.vector_store %arg10[%swap3A_480], %swap3A_483 {add = true, strides = array<i32>} : memref<768xf32, #tpu.memory_space<vmem>>, vector<16xf32>,
      %get3A_484 = arith.index_cast %while3A_458 : i32 to index
      %get3A_485 = arith.constant 48 : index
      %get3A_486 = tpu.vector_load %arg8[%get3A_484, %get3A_485] {strides = array<i32>} : memref<64x768xf32, #tpu.memory_space<vmem>>, vector<1x16xf32>,
      %get3A_487 = vector.shape_cast %get3A_486 : vector<1x16xf32> to vector<16xf32>
      %swap3A_488 = arith.constant 48 : index
      %swap3A_489 = tpu.vector_load %arg10[%swap3A_488] {strides = array<i32>} : memref<768xf32, #tpu.memory_space<vmem>>, vector<16xf32>,
      %swap3A_490 = vector.shape_cast %swap3A_489 : vector<16xf32> to vector<16xf32>
      %swap3A_491 = vector.shape_cast %get3A_487 : vector<16xf32> to vector<16xf32>
      tpu.vector_store %arg10[%swap3A_488], %swap3A_491 {add = true, strides = array<i32>} : memref<768xf32, #tpu.memory_space<vmem>>, vector<16xf32>,
      %get3A_492 = arith.index_cast %while3A_458 : i32 to index
      %get3A_493 = arith.constant 64 : index
      %get3A_494 = tpu.vector_load %arg8[%get3A_492, %get3A_493] {strides = array<i32>} : memref<64x768xf32, #tpu.memory_space<vmem>>, vector<1x16xf32>,
      %get3A_495 = vector.shape_cast %get3A_494 : vector<1x16xf32> to vector<16xf32>
      %swap3A_496 = arith.constant 64 : index
      %swap3A_497 = tpu.vector_load %arg10[%swap3A_496] {strides = array<i32>} : memref<768xf32, #tpu.memory_space<vmem>>, vector<16xf32>,
      %swap3A_498 = vector.shape_cast %swap3A_497 : vector<16xf32> to vector<16xf32>
      %swap3A_499 = vector.shape_cast %get3A_495 : vector<16xf32> to vector<16xf32>
      tpu.vector_store %arg10[%swap3A_496], %swap3A_499 {add = true, strides = array<i32>} : memref<768xf32, #tpu.memory_space<vmem>>, vector<16xf32>,
      %get3A_500 = arith.index_cast %while3A_458 : i32 to index
      %get3A_501 = arith.constant 80 : index
      %get3A_502 = tpu.vector_load %arg8[%get3A_500, %get3A_501] {strides = array<i32>} : memref<64x768xf32, #tpu.memory_space<vmem>>, vector<1x16xf32>,
      %get3A_503 = vector.shape_cast %get3A_502 : vector<1x16xf32> to vector<16xf32>
      %swap3A_504 = arith.constant 80 : index
      %swap3A_505 = tpu.vector_load %arg10[%swap3A_504] {strides = array<i32>} : memref<768xf32, #tpu.memory_space<vmem>>, vector<16xf32>,
      %swap3A_506 = vector.shape_cast %swap3A_505 : vector<16xf32> to vector<16xf32>
      %swap3A_507 = vector.shape_cast %get3A_503 : vector<16xf32> to vector<16xf32>
      tpu.vector_store %arg10[%swap3A_504], %swap3A_507 {add = true, strides = array<i32>} : memref<768xf32, #tpu.memory_space<vmem>>, vector<16xf32>,
      %get3A_508 = arith.index_cast %while3A_458 : i32 to index
      %get3A_509 = arith.constant 96 : index
      %get3A_510 = tpu.vector_load %arg8[%get3A_508, %get3A_509] {strides = array<i32>} : memref<64x768xf32, #tpu.memory_space<vmem>>, vector<1x16xf32>,
      %get3A_511 = vector.shape_cast %get3A_510 : vector<1x16xf32> to vector<16xf32>
      %swap3A_512 = arith.constant 96 : index
      %swap3A_513 = tpu.vector_load %arg10[%swap3A_512] {strides = array<i32>} : memref<768xf32, #tpu.memory_space<vmem>>, vector<16xf32>,
      %swap3A_514 = vector.shape_cast %swap3A_513 : vector<16xf32> to vector<16xf32>
      %swap3A_515 = vector.shape_cast %get3A_511 : vector<16xf32> to vector<16xf32>
      tpu.vector_store %arg10[%swap3A_512], %swap3A_515 {add = true, strides = array<i32>} : memref<768xf32, #tpu.memory_space<vmem>>, vector<16xf32>,
      %get3A_516 = arith.index_cast %while3A_458 : i32 to index
      %get3A_517 = arith.constant 112 : index
      %get3A_518 = tpu.vector_load %arg8[%get3A_516, %get3A_517] {strides = array<i32>} : memref<64x768xf32, #tpu.memory_space<vmem>>, vector<1x16xf32>,
      %get3A_519 = vector.shape_cast %get3A_518 : vector<1x16xf32> to vector<16xf32>
      %swap3A_520 = arith.constant 112 : index
      %swap3A_521 = tpu.vector_load %arg10[%swap3A_520] {strides = array<i32>} : memref<768xf32, #tpu.memory_space<vmem>>, vector<16xf32>,
      %swap3A_522 = vector.shape_cast %swap3A_521 : vector<16xf32> to vector<16xf32>
      %swap3A_523 = vector.shape_cast %get3A_519 : vector<16xf32> to vector<16xf32>
      tpu.vector_store %arg10[%swap3A_520], %swap3A_523 {add = true, strides = array<i32>} : memref<768xf32, #tpu.memory_space<vmem>>, vector<16xf32>,
      %get3A_524 = arith.index_cast %while3A_458 : i32 to index
      %get3A_525 = arith.constant 128 : index
      %get3A_526 = tpu.vector_load %arg8[%get3A_524, %get3A_525] {strides = array<i32>} : memref<64x768xf32, #tpu.memory_space<vmem>>, vector<1x16xf32>,
      %get3A_527 = vector.shape_cast %get3A_526 : vector<1x16xf32> to vector<16xf32>
      %swap3A_528 = arith.constant 128 : index
      %swap3A_529 = tpu.vector_load %arg10[%swap3A_528] {strides = array<i32>} : memref<768xf32, #tpu.memory_space<vmem>>, vector<16xf32>,
      %swap3A_530 = vector.shape_cast %swap3A_529 : vector<16xf32> to vector<16xf32>
      %swap3A_531 = vector.shape_cast %get3A_527 : vector<16xf32> to vector<16xf32>
      tpu.vector_store %arg10[%swap3A_528], %swap3A_531 {add = true, strides = array<i32>} : memref<768xf32, #tpu.memory_space<vmem>>, vector<16xf32>,
      %get3A_532 = arith.index_cast %while3A_458 : i32 to index
      %get3A_533 = arith.constant 144 : index
      %get3A_534 = tpu.vector_load %arg8[%get3A_532, %get3A_533] {strides = array<i32>} : memref<64x768xf32, #tpu.memory_space<vmem>>, vector<1x16xf32>,
      %get3A_535 = vector.shape_cast %get3A_534 : vector<1x16xf32> to vector<16xf32>
      %swap3A_536 = arith.constant 144 : index
      %swap3A_537 = tpu.vector_load %arg10[%swap3A_536] {strides = array<i32>} : memref<768xf32, #tpu.memory_space<vmem>>, vector<16xf32>,
      %swap3A_538 = vector.shape_cast %swap3A_537 : vector<16xf32> to vector<16xf32>
      %swap3A_539 = vector.shape_cast %get3A_535 : vector<16xf32> to vector<16xf32>
      tpu.vector_store %arg10[%swap3A_536], %swap3A_539 {add = true, strides = array<i32>} : memref<768xf32, #tpu.memory_space<vmem>>, vector<16xf32>,
      %get3A_540 = arith.index_cast %while3A_458 : i32 to index
      %get3A_541 = arith.constant 160 : index
      %get3A_542 = tpu.vector_load %arg8[%get3A_540, %get3A_541] {strides = array<i32>} : memref<64x768xf32, #tpu.memory_space<vmem>>, vector<1x16xf32>,
      %get3A_543 = vector.shape_cast %get3A_542 : vector<1x16xf32> to vector<16xf32>
      %swap3A_544 = arith.constant 160 : index
      %swap3A_545 = tpu.vector_load %arg10[%swap3A_544] {strides = array<i32>} : memref<768xf32, #tpu.memory_space<vmem>>, vector<16xf32>,
      %swap3A_546 = vector.shape_cast %swap3A_545 : vector<16xf32> to vector<16xf32>
      %swap3A_547 = vector.shape_cast %get3A_543 : vector<16xf32> to vector<16xf32>
      tpu.vector_store %arg10[%swap3A_544], %swap3A_547 {add = true, strides = array<i32>} : memref<768xf32, #tpu.memory_space<vmem>>, vector<16xf32>,
      %get3A_548 = arith.index_cast %while3A_458 : i32 to index
      %get3A_549 = arith.constant 176 : index
      %get3A_550 = tpu.vector_load %arg8[%get3A_548, %get3A_549] {strides = array<i32>} : memref<64x768xf32, #tpu.memory_space<vmem>>, vector<1x16xf32>,
      %get3A_551 = vector.shape_cast %get3A_550 : vector<1x16xf32> to vector<16xf32>
      %swap3A_552 = arith.constant 176 : index
      %swap3A_553 = tpu.vector_load %arg10[%swap3A_552] {strides = array<i32>} : memref<768xf32, #tpu.memory_space<vmem>>, vector<16xf32>,
      %swap3A_554 = vector.shape_cast %swap3A_553 : vector<16xf32> to vector<16xf32>
      %swap3A_555 = vector.shape_cast %get3A_551 : vector<16xf32> to vector<16xf32>
      tpu.vector_store %arg10[%swap3A_552], %swap3A_555 {add = true, strides = array<i32>} : memref<768xf32, #tpu.memory_space<vmem>>, vector<16xf32>,
      %get3A_556 = arith.index_cast %while3A_458 : i32 to index
      %get3A_557 = arith.constant 192 : index
      %get3A_558 = tpu.vector_load %arg8[%get3A_556, %get3A_557] {strides = array<i32>} : memref<64x768xf32, #tpu.memory_space<vmem>>, vector<1x16xf32>,
      %get3A_559 = vector.shape_cast %get3A_558 : vector<1x16xf32> to vector<16xf32>
      %swap3A_560 = arith.constant 192 : index
      %swap3A_561 = tpu.vector_load %arg10[%swap3A_560] {strides = array<i32>} : memref<768xf32, #tpu.memory_space<vmem>>, vector<16xf32>,
      %swap3A_562 = vector.shape_cast %swap3A_561 : vector<16xf32> to vector<16xf32>
      %swap3A_563 = vector.shape_cast %get3A_559 : vector<16xf32> to vector<16xf32>
      tpu.vector_store %arg10[%swap3A_560], %swap3A_563 {add = true, strides = array<i32>} : memref<768xf32, #tpu.memory_space<vmem>>, vector<16xf32>,
      %get3A_564 = arith.index_cast %while3A_458 : i32 to index
      %get3A_565 = arith.constant 208 : index
      %get3A_566 = tpu.vector_load %arg8[%get3A_564, %get3A_565] {strides = array<i32>} : memref<64x768xf32, #tpu.memory_space<vmem>>, vector<1x16xf32>,
      %get3A_567 = vector.shape_cast %get3A_566 : vector<1x16xf32> to vector<16xf32>
      %swap3A_568 = arith.constant 208 : index
      %swap3A_569 = tpu.vector_load %arg10[%swap3A_568] {strides = array<i32>} : memref<768xf32, #tpu.memory_space<vmem>>, vector<16xf32>,
      %swap3A_570 = vector.shape_cast %swap3A_569 : vector<16xf32> to vector<16xf32>
      %swap3A_571 = vector.shape_cast %get3A_567 : vector<16xf32> to vector<16xf32>
      tpu.vector_store %arg10[%swap3A_568], %swap3A_571 {add = true, strides = array<i32>} : memref<768xf32, #tpu.memory_space<vmem>>, vector<16xf32>,
      %get3A_572 = arith.index_cast %while3A_458 : i32 to index
      %get3A_573 = arith.constant 224 : index
      %get3A_574 = tpu.vector_load %arg8[%get3A_572, %get3A_573] {strides = array<i32>} : memref<64x768xf32, #tpu.memory_space<vmem>>, vector<1x16xf32>,
      %get3A_575 = vector.shape_cast %get3A_574 : vector<1x16xf32> to vector<16xf32>
      %swap3A_576 = arith.constant 224 : index
      %swap3A_577 = tpu.vector_load %arg10[%swap3A_576] {strides = array<i32>} : memref<768xf32, #tpu.memory_space<vmem>>, vector<16xf32>,
      %swap3A_578 = vector.shape_cast %swap3A_577 : vector<16xf32> to vector<16xf32>
      %swap3A_579 = vector.shape_cast %get3A_575 : vector<16xf32> to vector<16xf32>
      tpu.vector_store %arg10[%swap3A_576], %swap3A_579 {add = true, strides = array<i32>} : memref<768xf32, #tpu.memory_space<vmem>>, vector<16xf32>,
      %get3A_580 = arith.index_cast %while3A_458 : i32 to index
      %get3A_581 = arith.constant 240 : index
      %get3A_582 = tpu.vector_load %arg8[%get3A_580, %get3A_581] {strides = array<i32>} : memref<64x768xf32, #tpu.memory_space<vmem>>, vector<1x16xf32>,
      %get3A_583 = vector.shape_cast %get3A_582 : vector<1x16xf32> to vector<16xf32>
      %swap3A_584 = arith.constant 240 : index
      %swap3A_585 = tpu.vector_load %arg10[%swap3A_584] {strides = array<i32>} : memref<768xf32, #tpu.memory_space<vmem>>, vector<16xf32>,
      %swap3A_586 = vector.shape_cast %swap3A_585 : vector<16xf32> to vector<16xf32>
      %swap3A_587 = vector.shape_cast %get3A_583 : vector<16xf32> to vector<16xf32>
      tpu.vector_store %arg10[%swap3A_584], %swap3A_587 {add = true, strides = array<i32>} : memref<768xf32, #tpu.memory_space<vmem>>, vector<16xf32>,
      %get3A_588 = arith.index_cast %while3A_458 : i32 to index
      %get3A_589 = arith.constant 256 : index
      %get3A_590 = tpu.vector_load %arg8[%get3A_588, %get3A_589] {strides = array<i32>} : memref<64x768xf32, #tpu.memory_space<vmem>>, vector<1x16xf32>,
      %get3A_591 = vector.shape_cast %get3A_590 : vector<1x16xf32> to vector<16xf32>
      %swap3A_592 = arith.constant 256 : index
      %swap3A_593 = tpu.vector_load %arg10[%swap3A_592] {strides = array<i32>} : memref<768xf32, #tpu.memory_space<vmem>>, vector<16xf32>,
      %swap3A_594 = vector.shape_cast %swap3A_593 : vector<16xf32> to vector<16xf32>
      %swap3A_595 = vector.shape_cast %get3A_591 : vector<16xf32> to vector<16xf32>
      tpu.vector_store %arg10[%swap3A_592], %swap3A_595 {add = true, strides = array<i32>} : memref<768xf32, #tpu.memory_space<vmem>>, vector<16xf32>,
      %get3A_596 = arith.index_cast %while3A_458 : i32 to index
      %get3A_597 = arith.constant 272 : index
      %get3A_598 = tpu.vector_load %arg8[%get3A_596, %get3A_597] {strides = array<i32>} : memref<64x768xf32, #tpu.memory_space<vmem>>, vector<1x16xf32>,
      %get3A_599 = vector.shape_cast %get3A_598 : vector<1x16xf32> to vector<16xf32>
      %swap3A_600 = arith.constant 272 : index
      %swap3A_601 = tpu.vector_load %arg10[%swap3A_600] {strides = array<i32>} : memref<768xf32, #tpu.memory_space<vmem>>, vector<16xf32>,
      %swap3A_602 = vector.shape_cast %swap3A_601 : vector<16xf32> to vector<16xf32>
      %swap3A_603 = vector.shape_cast %get3A_599 : vector<16xf32> to vector<16xf32>
      tpu.vector_store %arg10[%swap3A_600], %swap3A_603 {add = true, strides = array<i32>} : memref<768xf32, #tpu.memory_space<vmem>>, vector<16xf32>,
      %get3A_604 = arith.index_cast %while3A_458 : i32 to index
      %get3A_605 = arith.constant 288 : index
      %get3A_606 = tpu.vector_load %arg8[%get3A_604, %get3A_605] {strides = array<i32>} : memref<64x768xf32, #tpu.memory_space<vmem>>, vector<1x16xf32>,
      %get3A_607 = vector.shape_cast %get3A_606 : vector<1x16xf32> to vector<16xf32>
      %swap3A_608 = arith.constant 288 : index
      %swap3A_609 = tpu.vector_load %arg10[%swap3A_608] {strides = array<i32>} : memref<768xf32, #tpu.memory_space<vmem>>, vector<16xf32>,
      %swap3A_610 = vector.shape_cast %swap3A_609 : vector<16xf32> to vector<16xf32>
      %swap3A_611 = vector.shape_cast %get3A_607 : vector<16xf32> to vector<16xf32>
      tpu.vector_store %arg10[%swap3A_608], %swap3A_611 {add = true, strides = array<i32>} : memref<768xf32, #tpu.memory_space<vmem>>, vector<16xf32>,
      %get3A_612 = arith.index_cast %while3A_458 : i32 to index
      %get3A_613 = arith.constant 304 : index
      %get3A_614 = tpu.vector_load %arg8[%get3A_612, %get3A_613] {strides = array<i32>} : memref<64x768xf32, #tpu.memory_space<vmem>>, vector<1x16xf32>,
      %get3A_615 = vector.shape_cast %get3A_614 : vector<1x16xf32> to vector<16xf32>
      %swap3A_616 = arith.constant 304 : index
      %swap3A_617 = tpu.vector_load %arg10[%swap3A_616] {strides = array<i32>} : memref<768xf32, #tpu.memory_space<vmem>>, vector<16xf32>,
      %swap3A_618 = vector.shape_cast %swap3A_617 : vector<16xf32> to vector<16xf32>
      %swap3A_619 = vector.shape_cast %get3A_615 : vector<16xf32> to vector<16xf32>
      tpu.vector_store %arg10[%swap3A_616], %swap3A_619 {add = true, strides = array<i32>} : memref<768xf32, #tpu.memory_space<vmem>>, vector<16xf32>,
      %get3A_620 = arith.index_cast %while3A_458 : i32 to index
      %get3A_621 = arith.constant 320 : index
      %get3A_622 = tpu.vector_load %arg8[%get3A_620, %get3A_621] {strides = array<i32>} : memref<64x768xf32, #tpu.memory_space<vmem>>, vector<1x16xf32>,
      %get3A_623 = vector.shape_cast %get3A_622 : vector<1x16xf32> to vector<16xf32>
      %swap3A_624 = arith.constant 320 : index
      %swap3A_625 = tpu.vector_load %arg10[%swap3A_624] {strides = array<i32>} : memref<768xf32, #tpu.memory_space<vmem>>, vector<16xf32>,
      %swap3A_626 = vector.shape_cast %swap3A_625 : vector<16xf32> to vector<16xf32>
      %swap3A_627 = vector.shape_cast %get3A_623 : vector<16xf32> to vector<16xf32>
      tpu.vector_store %arg10[%swap3A_624], %swap3A_627 {add = true, strides = array<i32>} : memref<768xf32, #tpu.memory_space<vmem>>, vector<16xf32>,
      %get3A_628 = arith.index_cast %while3A_458 : i32 to index
      %get3A_629 = arith.constant 336 : index
      %get3A_630 = tpu.vector_load %arg8[%get3A_628, %get3A_629] {strides = array<i32>} : memref<64x768xf32, #tpu.memory_space<vmem>>, vector<1x16xf32>,
      %get3A_631 = vector.shape_cast %get3A_630 : vector<1x16xf32> to vector<16xf32>
      %swap3A_632 = arith.constant 336 : index
      %swap3A_633 = tpu.vector_load %arg10[%swap3A_632] {strides = array<i32>} : memref<768xf32, #tpu.memory_space<vmem>>, vector<16xf32>,
      %swap3A_634 = vector.shape_cast %swap3A_633 : vector<16xf32> to vector<16xf32>
      %swap3A_635 = vector.shape_cast %get3A_631 : vector<16xf32> to vector<16xf32>
      tpu.vector_store %arg10[%swap3A_632], %swap3A_635 {add = true, strides = array<i32>} : memref<768xf32, #tpu.memory_space<vmem>>, vector<16xf32>,
      %get3A_636 = arith.index_cast %while3A_458 : i32 to index
      %get3A_637 = arith.constant 352 : index
      %get3A_638 = tpu.vector_load %arg8[%get3A_636, %get3A_637] {strides = array<i32>} : memref<64x768xf32, #tpu.memory_space<vmem>>, vector<1x16xf32>,
      %get3A_639 = vector.shape_cast %get3A_638 : vector<1x16xf32> to vector<16xf32>
      %swap3A_640 = arith.constant 352 : index
      %swap3A_641 = tpu.vector_load %arg10[%swap3A_640] {strides = array<i32>} : memref<768xf32, #tpu.memory_space<vmem>>, vector<16xf32>,
      %swap3A_642 = vector.shape_cast %swap3A_641 : vector<16xf32> to vector<16xf32>
      %swap3A_643 = vector.shape_cast %get3A_639 : vector<16xf32> to vector<16xf32>
      tpu.vector_store %arg10[%swap3A_640], %swap3A_643 {add = true, strides = array<i32>} : memref<768xf32, #tpu.memory_space<vmem>>, vector<16xf32>,
      %get3A_644 = arith.index_cast %while3A_458 : i32 to index
      %get3A_645 = arith.constant 368 : index
      %get3A_646 = tpu.vector_load %arg8[%get3A_644, %get3A_645] {strides = array<i32>} : memref<64x768xf32, #tpu.memory_space<vmem>>, vector<1x16xf32>,
      %get3A_647 = vector.shape_cast %get3A_646 : vector<1x16xf32> to vector<16xf32>
      %swap3A_648 = arith.constant 368 : index
      %swap3A_649 = tpu.vector_load %arg10[%swap3A_648] {strides = array<i32>} : memref<768xf32, #tpu.memory_space<vmem>>, vector<16xf32>,
      %swap3A_650 = vector.shape_cast %swap3A_649 : vector<16xf32> to vector<16xf32>
      %swap3A_651 = vector.shape_cast %get3A_647 : vector<16xf32> to vector<16xf32>
      tpu.vector_store %arg10[%swap3A_648], %swap3A_651 {add = true, strides = array<i32>} : memref<768xf32, #tpu.memory_space<vmem>>, vector<16xf32>,
      %get3A_652 = arith.index_cast %while3A_458 : i32 to index
      %get3A_653 = arith.constant 384 : index
      %get3A_654 = tpu.vector_load %arg8[%get3A_652, %get3A_653] {strides = array<i32>} : memref<64x768xf32, #tpu.memory_space<vmem>>, vector<1x16xf32>,
      %get3A_655 = vector.shape_cast %get3A_654 : vector<1x16xf32> to vector<16xf32>
      %swap3A_656 = arith.constant 384 : index
      %swap3A_657 = tpu.vector_load %arg10[%swap3A_656] {strides = array<i32>} : memref<768xf32, #tpu.memory_space<vmem>>, vector<16xf32>,
      %swap3A_658 = vector.shape_cast %swap3A_657 : vector<16xf32> to vector<16xf32>
      %swap3A_659 = vector.shape_cast %get3A_655 : vector<16xf32> to vector<16xf32>
      tpu.vector_store %arg10[%swap3A_656], %swap3A_659 {add = true, strides = array<i32>} : memref<768xf32, #tpu.memory_space<vmem>>, vector<16xf32>,
      %get3A_660 = arith.index_cast %while3A_458 : i32 to index
      %get3A_661 = arith.constant 400 : index
      %get3A_662 = tpu.vector_load %arg8[%get3A_660, %get3A_661] {strides = array<i32>} : memref<64x768xf32, #tpu.memory_space<vmem>>, vector<1x16xf32>,
      %get3A_663 = vector.shape_cast %get3A_662 : vector<1x16xf32> to vector<16xf32>
      %swap3A_664 = arith.constant 400 : index
      %swap3A_665 = tpu.vector_load %arg10[%swap3A_664] {strides = array<i32>} : memref<768xf32, #tpu.memory_space<vmem>>, vector<16xf32>,
      %swap3A_666 = vector.shape_cast %swap3A_665 : vector<16xf32> to vector<16xf32>
      %swap3A_667 = vector.shape_cast %get3A_663 : vector<16xf32> to vector<16xf32>
      tpu.vector_store %arg10[%swap3A_664], %swap3A_667 {add = true, strides = array<i32>} : memref<768xf32, #tpu.memory_space<vmem>>, vector<16xf32>,
      %get3A_668 = arith.index_cast %while3A_458 : i32 to index
      %get3A_669 = arith.constant 416 : index
      %get3A_670 = tpu.vector_load %arg8[%get3A_668, %get3A_669] {strides = array<i32>} : memref<64x768xf32, #tpu.memory_space<vmem>>, vector<1x16xf32>,
      %get3A_671 = vector.shape_cast %get3A_670 : vector<1x16xf32> to vector<16xf32>
      %swap3A_672 = arith.constant 416 : index
      %swap3A_673 = tpu.vector_load %arg10[%swap3A_672] {strides = array<i32>} : memref<768xf32, #tpu.memory_space<vmem>>, vector<16xf32>,
      %swap3A_674 = vector.shape_cast %swap3A_673 : vector<16xf32> to vector<16xf32>
      %swap3A_675 = vector.shape_cast %get3A_671 : vector<16xf32> to vector<16xf32>
      tpu.vector_store %arg10[%swap3A_672], %swap3A_675 {add = true, strides = array<i32>} : memref<768xf32, #tpu.memory_space<vmem>>, vector<16xf32>,
      %get3A_676 = arith.index_cast %while3A_458 : i32 to index
      %get3A_677 = arith.constant 432 : index
      %get3A_678 = tpu.vector_load %arg8[%get3A_676, %get3A_677] {strides = array<i32>} : memref<64x768xf32, #tpu.memory_space<vmem>>, vector<1x16xf32>,
      %get3A_679 = vector.shape_cast %get3A_678 : vector<1x16xf32> to vector<16xf32>
      %swap3A_680 = arith.constant 432 : index
      %swap3A_681 = tpu.vector_load %arg10[%swap3A_680] {strides = array<i32>} : memref<768xf32, #tpu.memory_space<vmem>>, vector<16xf32>,
      %swap3A_682 = vector.shape_cast %swap3A_681 : vector<16xf32> to vector<16xf32>
      %swap3A_683 = vector.shape_cast %get3A_679 : vector<16xf32> to vector<16xf32>
      tpu.vector_store %arg10[%swap3A_680], %swap3A_683 {add = true, strides = array<i32>} : memref<768xf32, #tpu.memory_space<vmem>>, vector<16xf32>,
      %get3A_684 = arith.index_cast %while3A_458 : i32 to index
      %get3A_685 = arith.constant 448 : index
      %get3A_686 = tpu.vector_load %arg8[%get3A_684, %get3A_685] {strides = array<i32>} : memref<64x768xf32, #tpu.memory_space<vmem>>, vector<1x16xf32>,
      %get3A_687 = vector.shape_cast %get3A_686 : vector<1x16xf32> to vector<16xf32>
      %swap3A_688 = arith.constant 448 : index
      %swap3A_689 = tpu.vector_load %arg10[%swap3A_688] {strides = array<i32>} : memref<768xf32, #tpu.memory_space<vmem>>, vector<16xf32>,
      %swap3A_690 = vector.shape_cast %swap3A_689 : vector<16xf32> to vector<16xf32>
      %swap3A_691 = vector.shape_cast %get3A_687 : vector<16xf32> to vector<16xf32>
      tpu.vector_store %arg10[%swap3A_688], %swap3A_691 {add = true, strides = array<i32>} : memref<768xf32, #tpu.memory_space<vmem>>, vector<16xf32>,
      %get3A_692 = arith.index_cast %while3A_458 : i32 to index
      %get3A_693 = arith.constant 464 : index
      %get3A_694 = tpu.vector_load %arg8[%get3A_692, %get3A_693] {strides = array<i32>} : memref<64x768xf32, #tpu.memory_space<vmem>>, vector<1x16xf32>,
      %get3A_695 = vector.shape_cast %get3A_694 : vector<1x16xf32> to vector<16xf32>
      %swap3A_696 = arith.constant 464 : index
      %swap3A_697 = tpu.vector_load %arg10[%swap3A_696] {strides = array<i32>} : memref<768xf32, #tpu.memory_space<vmem>>, vector<16xf32>,
      %swap3A_698 = vector.shape_cast %swap3A_697 : vector<16xf32> to vector<16xf32>
      %swap3A_699 = vector.shape_cast %get3A_695 : vector<16xf32> to vector<16xf32>
      tpu.vector_store %arg10[%swap3A_696], %swap3A_699 {add = true, strides = array<i32>} : memref<768xf32, #tpu.memory_space<vmem>>, vector<16xf32>,
      %get3A_700 = arith.index_cast %while3A_458 : i32 to index
      %get3A_701 = arith.constant 480 : index
      %get3A_702 = tpu.vector_load %arg8[%get3A_700, %get3A_701] {strides = array<i32>} : memref<64x768xf32, #tpu.memory_space<vmem>>, vector<1x16xf32>,
      %get3A_703 = vector.shape_cast %get3A_702 : vector<1x16xf32> to vector<16xf32>
      %swap3A_704 = arith.constant 480 : index
      %swap3A_705 = tpu.vector_load %arg10[%swap3A_704] {strides = array<i32>} : memref<768xf32, #tpu.memory_space<vmem>>, vector<16xf32>,
      %swap3A_706 = vector.shape_cast %swap3A_705 : vector<16xf32> to vector<16xf32>
      %swap3A_707 = vector.shape_cast %get3A_703 : vector<16xf32> to vector<16xf32>
      tpu.vector_store %arg10[%swap3A_704], %swap3A_707 {add = true, strides = array<i32>} : memref<768xf32, #tpu.memory_space<vmem>>, vector<16xf32>,
      %get3A_708 = arith.index_cast %while3A_458 : i32 to index
      %get3A_709 = arith.constant 496 : index
      %get3A_710 = tpu.vector_load %arg8[%get3A_708, %get3A_709] {strides = array<i32>} : memref<64x768xf32, #tpu.memory_space<vmem>>, vector<1x16xf32>,
      %get3A_711 = vector.shape_cast %get3A_710 : vector<1x16xf32> to vector<16xf32>
      %swap3A_712 = arith.constant 496 : index
      %swap3A_713 = tpu.vector_load %arg10[%swap3A_712] {strides = array<i32>} : memref<768xf32, #tpu.memory_space<vmem>>, vector<16xf32>,
      %swap3A_714 = vector.shape_cast %swap3A_713 : vector<16xf32> to vector<16xf32>
      %swap3A_715 = vector.shape_cast %get3A_711 : vector<16xf32> to vector<16xf32>
      tpu.vector_store %arg10[%swap3A_712], %swap3A_715 {add = true, strides = array<i32>} : memref<768xf32, #tpu.memory_space<vmem>>, vector<16xf32>,
      %get3A_716 = arith.index_cast %while3A_458 : i32 to index
      %get3A_717 = arith.constant 512 : index
      %get3A_718 = tpu.vector_load %arg8[%get3A_716, %get3A_717] {strides = array<i32>} : memref<64x768xf32, #tpu.memory_space<vmem>>, vector<1x16xf32>,
      %get3A_719 = vector.shape_cast %get3A_718 : vector<1x16xf32> to vector<16xf32>
      %swap3A_720 = arith.constant 512 : index
      %swap3A_721 = tpu.vector_load %arg10[%swap3A_720] {strides = array<i32>} : memref<768xf32, #tpu.memory_space<vmem>>, vector<16xf32>,
      %swap3A_722 = vector.shape_cast %swap3A_721 : vector<16xf32> to vector<16xf32>
      %swap3A_723 = vector.shape_cast %get3A_719 : vector<16xf32> to vector<16xf32>
      tpu.vector_store %arg10[%swap3A_720], %swap3A_723 {add = true, strides = array<i32>} : memref<768xf32, #tpu.memory_space<vmem>>, vector<16xf32>,
      %get3A_724 = arith.index_cast %while3A_458 : i32 to index
      %get3A_725 = arith.constant 528 : index
      %get3A_726 = tpu.vector_load %arg8[%get3A_724, %get3A_725] {strides = array<i32>} : memref<64x768xf32, #tpu.memory_space<vmem>>, vector<1x16xf32>,
      %get3A_727 = vector.shape_cast %get3A_726 : vector<1x16xf32> to vector<16xf32>
      %swap3A_728 = arith.constant 528 : index
      %swap3A_729 = tpu.vector_load %arg10[%swap3A_728] {strides = array<i32>} : memref<768xf32, #tpu.memory_space<vmem>>, vector<16xf32>,
      %swap3A_730 = vector.shape_cast %swap3A_729 : vector<16xf32> to vector<16xf32>
      %swap3A_731 = vector.shape_cast %get3A_727 : vector<16xf32> to vector<16xf32>
      tpu.vector_store %arg10[%swap3A_728], %swap3A_731 {add = true, strides = array<i32>} : memref<768xf32, #tpu.memory_space<vmem>>, vector<16xf32>,
      %get3A_732 = arith.index_cast %while3A_458 : i32 to index
      %get3A_733 = arith.constant 544 : index
      %get3A_734 = tpu.vector_load %arg8[%get3A_732, %get3A_733] {strides = array<i32>} : memref<64x768xf32, #tpu.memory_space<vmem>>, vector<1x16xf32>,
      %get3A_735 = vector.shape_cast %get3A_734 : vector<1x16xf32> to vector<16xf32>
      %swap3A_736 = arith.constant 544 : index
      %swap3A_737 = tpu.vector_load %arg10[%swap3A_736] {strides = array<i32>} : memref<768xf32, #tpu.memory_space<vmem>>, vector<16xf32>,
      %swap3A_738 = vector.shape_cast %swap3A_737 : vector<16xf32> to vector<16xf32>
      %swap3A_739 = vector.shape_cast %get3A_735 : vector<16xf32> to vector<16xf32>
      tpu.vector_store %arg10[%swap3A_736], %swap3A_739 {add = true, strides = array<i32>} : memref<768xf32, #tpu.memory_space<vmem>>, vector<16xf32>,
      %get3A_740 = arith.index_cast %while3A_458 : i32 to index
      %get3A_741 = arith.constant 560 : index
      %get3A_742 = tpu.vector_load %arg8[%get3A_740, %get3A_741] {strides = array<i32>} : memref<64x768xf32, #tpu.memory_space<vmem>>, vector<1x16xf32>,
      %get3A_743 = vector.shape_cast %get3A_742 : vector<1x16xf32> to vector<16xf32>
      %swap3A_744 = arith.constant 560 : index
      %swap3A_745 = tpu.vector_load %arg10[%swap3A_744] {strides = array<i32>} : memref<768xf32, #tpu.memory_space<vmem>>, vector<16xf32>,
      %swap3A_746 = vector.shape_cast %swap3A_745 : vector<16xf32> to vector<16xf32>
      %swap3A_747 = vector.shape_cast %get3A_743 : vector<16xf32> to vector<16xf32>
      tpu.vector_store %arg10[%swap3A_744], %swap3A_747 {add = true, strides = array<i32>} : memref<768xf32, #tpu.memory_space<vmem>>, vector<16xf32>,
      %get3A_748 = arith.index_cast %while3A_458 : i32 to index
      %get3A_749 = arith.constant 576 : index
      %get3A_750 = tpu.vector_load %arg8[%get3A_748, %get3A_749] {strides = array<i32>} : memref<64x768xf32, #tpu.memory_space<vmem>>, vector<1x16xf32>,
      %get3A_751 = vector.shape_cast %get3A_750 : vector<1x16xf32> to vector<16xf32>
      %swap3A_752 = arith.constant 576 : index
      %swap3A_753 = tpu.vector_load %arg10[%swap3A_752] {strides = array<i32>} : memref<768xf32, #tpu.memory_space<vmem>>, vector<16xf32>,
      %swap3A_754 = vector.shape_cast %swap3A_753 : vector<16xf32> to vector<16xf32>
      %swap3A_755 = vector.shape_cast %get3A_751 : vector<16xf32> to vector<16xf32>
      tpu.vector_store %arg10[%swap3A_752], %swap3A_755 {add = true, strides = array<i32>} : memref<768xf32, #tpu.memory_space<vmem>>, vector<16xf32>,
      %get3A_756 = arith.index_cast %while3A_458 : i32 to index
      %get3A_757 = arith.constant 592 : index
      %get3A_758 = tpu.vector_load %arg8[%get3A_756, %get3A_757] {strides = array<i32>} : memref<64x768xf32, #tpu.memory_space<vmem>>, vector<1x16xf32>,
      %get3A_759 = vector.shape_cast %get3A_758 : vector<1x16xf32> to vector<16xf32>
      %swap3A_760 = arith.constant 592 : index
      %swap3A_761 = tpu.vector_load %arg10[%swap3A_760] {strides = array<i32>} : memref<768xf32, #tpu.memory_space<vmem>>, vector<16xf32>,
      %swap3A_762 = vector.shape_cast %swap3A_761 : vector<16xf32> to vector<16xf32>
      %swap3A_763 = vector.shape_cast %get3A_759 : vector<16xf32> to vector<16xf32>
      tpu.vector_store %arg10[%swap3A_760], %swap3A_763 {add = true, strides = array<i32>} : memref<768xf32, #tpu.memory_space<vmem>>, vector<16xf32>,
      %get3A_764 = arith.index_cast %while3A_458 : i32 to index
      %get3A_765 = arith.constant 608 : index
      %get3A_766 = tpu.vector_load %arg8[%get3A_764, %get3A_765] {strides = array<i32>} : memref<64x768xf32, #tpu.memory_space<vmem>>, vector<1x16xf32>,
      %get3A_767 = vector.shape_cast %get3A_766 : vector<1x16xf32> to vector<16xf32>
      %swap3A_768 = arith.constant 608 : index
      %swap3A_769 = tpu.vector_load %arg10[%swap3A_768] {strides = array<i32>} : memref<768xf32, #tpu.memory_space<vmem>>, vector<16xf32>,
      %swap3A_770 = vector.shape_cast %swap3A_769 : vector<16xf32> to vector<16xf32>
      %swap3A_771 = vector.shape_cast %get3A_767 : vector<16xf32> to vector<16xf32>
      tpu.vector_store %arg10[%swap3A_768], %swap3A_771 {add = true, strides = array<i32>} : memref<768xf32, #tpu.memory_space<vmem>>, vector<16xf32>,
      %get3A_772 = arith.index_cast %while3A_458 : i32 to index
      %get3A_773 = arith.constant 624 : index
      %get3A_774 = tpu.vector_load %arg8[%get3A_772, %get3A_773] {strides = array<i32>} : memref<64x768xf32, #tpu.memory_space<vmem>>, vector<1x16xf32>,
      %get3A_775 = vector.shape_cast %get3A_774 : vector<1x16xf32> to vector<16xf32>
      %swap3A_776 = arith.constant 624 : index
      %swap3A_777 = tpu.vector_load %arg10[%swap3A_776] {strides = array<i32>} : memref<768xf32, #tpu.memory_space<vmem>>, vector<16xf32>,
      %swap3A_778 = vector.shape_cast %swap3A_777 : vector<16xf32> to vector<16xf32>
      %swap3A_779 = vector.shape_cast %get3A_775 : vector<16xf32> to vector<16xf32>
      tpu.vector_store %arg10[%swap3A_776], %swap3A_779 {add = true, strides = array<i32>} : memref<768xf32, #tpu.memory_space<vmem>>, vector<16xf32>,
      %get3A_780 = arith.index_cast %while3A_458 : i32 to index
      %get3A_781 = arith.constant 640 : index
      %get3A_782 = tpu.vector_load %arg8[%get3A_780, %get3A_781] {strides = array<i32>} : memref<64x768xf32, #tpu.memory_space<vmem>>, vector<1x16xf32>,
      %get3A_783 = vector.shape_cast %get3A_782 : vector<1x16xf32> to vector<16xf32>
      %swap3A_784 = arith.constant 640 : index
      %swap3A_785 = tpu.vector_load %arg10[%swap3A_784] {strides = array<i32>} : memref<768xf32, #tpu.memory_space<vmem>>, vector<16xf32>,
      %swap3A_786 = vector.shape_cast %swap3A_785 : vector<16xf32> to vector<16xf32>
      %swap3A_787 = vector.shape_cast %get3A_783 : vector<16xf32> to vector<16xf32>
      tpu.vector_store %arg10[%swap3A_784], %swap3A_787 {add = true, strides = array<i32>} : memref<768xf32, #tpu.memory_space<vmem>>, vector<16xf32>,
      %get3A_788 = arith.index_cast %while3A_458 : i32 to index
      %get3A_789 = arith.constant 656 : index
      %get3A_790 = tpu.vector_load %arg8[%get3A_788, %get3A_789] {strides = array<i32>} : memref<64x768xf32, #tpu.memory_space<vmem>>, vector<1x16xf32>,
      %get3A_791 = vector.shape_cast %get3A_790 : vector<1x16xf32> to vector<16xf32>
      %swap3A_792 = arith.constant 656 : index
      %swap3A_793 = tpu.vector_load %arg10[%swap3A_792] {strides = array<i32>} : memref<768xf32, #tpu.memory_space<vmem>>, vector<16xf32>,
      %swap3A_794 = vector.shape_cast %swap3A_793 : vector<16xf32> to vector<16xf32>
      %swap3A_795 = vector.shape_cast %get3A_791 : vector<16xf32> to vector<16xf32>
      tpu.vector_store %arg10[%swap3A_792], %swap3A_795 {add = true, strides = array<i32>} : memref<768xf32, #tpu.memory_space<vmem>>, vector<16xf32>,
      %get3A_796 = arith.index_cast %while3A_458 : i32 to index
      %get3A_797 = arith.constant 672 : index
      %get3A_798 = tpu.vector_load %arg8[%get3A_796, %get3A_797] {strides = array<i32>} : memref<64x768xf32, #tpu.memory_space<vmem>>, vector<1x16xf32>,
      %get3A_799 = vector.shape_cast %get3A_798 : vector<1x16xf32> to vector<16xf32>
      %swap3A_800 = arith.constant 672 : index
      %swap3A_801 = tpu.vector_load %arg10[%swap3A_800] {strides = array<i32>} : memref<768xf32, #tpu.memory_space<vmem>>, vector<16xf32>,
      %swap3A_802 = vector.shape_cast %swap3A_801 : vector<16xf32> to vector<16xf32>
      %swap3A_803 = vector.shape_cast %get3A_799 : vector<16xf32> to vector<16xf32>
      tpu.vector_store %arg10[%swap3A_800], %swap3A_803 {add = true, strides = array<i32>} : memref<768xf32, #tpu.memory_space<vmem>>, vector<16xf32>,
      %get3A_804 = arith.index_cast %while3A_458 : i32 to index
      %get3A_805 = arith.constant 688 : index
      %get3A_806 = tpu.vector_load %arg8[%get3A_804, %get3A_805] {strides = array<i32>} : memref<64x768xf32, #tpu.memory_space<vmem>>, vector<1x16xf32>,
      %get3A_807 = vector.shape_cast %get3A_806 : vector<1x16xf32> to vector<16xf32>
      %swap3A_808 = arith.constant 688 : index
      %swap3A_809 = tpu.vector_load %arg10[%swap3A_808] {strides = array<i32>} : memref<768xf32, #tpu.memory_space<vmem>>, vector<16xf32>,
      %swap3A_810 = vector.shape_cast %swap3A_809 : vector<16xf32> to vector<16xf32>
      %swap3A_811 = vector.shape_cast %get3A_807 : vector<16xf32> to vector<16xf32>
      tpu.vector_store %arg10[%swap3A_808], %swap3A_811 {add = true, strides = array<i32>} : memref<768xf32, #tpu.memory_space<vmem>>, vector<16xf32>,
      %get3A_812 = arith.index_cast %while3A_458 : i32 to index
      %get3A_813 = arith.constant 704 : index
      %get3A_814 = tpu.vector_load %arg8[%get3A_812, %get3A_813] {strides = array<i32>} : memref<64x768xf32, #tpu.memory_space<vmem>>, vector<1x16xf32>,
      %get3A_815 = vector.shape_cast %get3A_814 : vector<1x16xf32> to vector<16xf32>
      %swap3A_816 = arith.constant 704 : index
      %swap3A_817 = tpu.vector_load %arg10[%swap3A_816] {strides = array<i32>} : memref<768xf32, #tpu.memory_space<vmem>>, vector<16xf32>,
      %swap3A_818 = vector.shape_cast %swap3A_817 : vector<16xf32> to vector<16xf32>
      %swap3A_819 = vector.shape_cast %get3A_815 : vector<16xf32> to vector<16xf32>
      tpu.vector_store %arg10[%swap3A_816], %swap3A_819 {add = true, strides = array<i32>} : memref<768xf32, #tpu.memory_space<vmem>>, vector<16xf32>,
      %get3A_820 = arith.index_cast %while3A_458 : i32 to index
      %get3A_821 = arith.constant 720 : index
      %get3A_822 = tpu.vector_load %arg8[%get3A_820, %get3A_821] {strides = array<i32>} : memref<64x768xf32, #tpu.memory_space<vmem>>, vector<1x16xf32>,
      %get3A_823 = vector.shape_cast %get3A_822 : vector<1x16xf32> to vector<16xf32>
      %swap3A_824 = arith.constant 720 : index
      %swap3A_825 = tpu.vector_load %arg10[%swap3A_824] {strides = array<i32>} : memref<768xf32, #tpu.memory_space<vmem>>, vector<16xf32>,
      %swap3A_826 = vector.shape_cast %swap3A_825 : vector<16xf32> to vector<16xf32>
      %swap3A_827 = vector.shape_cast %get3A_823 : vector<16xf32> to vector<16xf32>
      tpu.vector_store %arg10[%swap3A_824], %swap3A_827 {add = true, strides = array<i32>} : memref<768xf32, #tpu.memory_space<vmem>>, vector<16xf32>,
      %get3A_828 = arith.index_cast %while3A_458 : i32 to index
      %get3A_829 = arith.constant 736 : index
      %get3A_830 = tpu.vector_load %arg8[%get3A_828, %get3A_829] {strides = array<i32>} : memref<64x768xf32, #tpu.memory_space<vmem>>, vector<1x16xf32>,
      %get3A_831 = vector.shape_cast %get3A_830 : vector<1x16xf32> to vector<16xf32>
      %swap3A_832 = arith.constant 736 : index
      %swap3A_833 = tpu.vector_load %arg10[%swap3A_832] {strides = array<i32>} : memref<768xf32, #tpu.memory_space<vmem>>, vector<16xf32>,
      %swap3A_834 = vector.shape_cast %swap3A_833 : vector<16xf32> to vector<16xf32>
      %swap3A_835 = vector.shape_cast %get3A_831 : vector<16xf32> to vector<16xf32>
      tpu.vector_store %arg10[%swap3A_832], %swap3A_835 {add = true, strides = array<i32>} : memref<768xf32, #tpu.memory_space<vmem>>, vector<16xf32>,
      %get3A_836 = arith.index_cast %while3A_458 : i32 to index
      %get3A_837 = arith.constant 752 : index
      %get3A_838 = tpu.vector_load %arg8[%get3A_836, %get3A_837] {strides = array<i32>} : memref<64x768xf32, #tpu.memory_space<vmem>>, vector<1x16xf32>,
      %get3A_839 = vector.shape_cast %get3A_838 : vector<1x16xf32> to vector<16xf32>
      %swap3A_840 = arith.constant 752 : index
      %swap3A_841 = tpu.vector_load %arg10[%swap3A_840] {strides = array<i32>} : memref<768xf32, #tpu.memory_space<vmem>>, vector<16xf32>,
      %swap3A_842 = vector.shape_cast %swap3A_841 : vector<16xf32> to vector<16xf32>
      %swap3A_843 = vector.shape_cast %get3A_839 : vector<16xf32> to vector<16xf32>
      tpu.vector_store %arg10[%swap3A_840], %swap3A_843 {add = true, strides = array<i32>} : memref<768xf32, #tpu.memory_space<vmem>>, vector<16xf32>,
      %while3A_844 = arith.constant 0 : i32
      scf.yield %while3A_844 : i32
    }
    %dma_start3A_353 = arith.constant 1 : i32
    %dma_start3A_354 = arith.constant 0 : i32
    %dma_start3A_355 = tpu.memref_slice %arg7[%dma_start3A_353, %dma_start3A_354] : memref<4x64xi32, #tpu.memory_space<vmem>> -> memref<1x64xi32, #tpu.memory_space<vmem>>
    %dma_start3A_356 = tpu.memref_squeeze %dma_start3A_355 : memref<1x64xi32, #tpu.memory_space<vmem>> -> memref<64xi32, #tpu.memory_space<vmem>>
    %dma_start3A_357 = arith.constant 0 : i32
    %dma_start3A_358 = arith.constant 0 : i32
    %dma_start3A_359 = tpu.memref_slice %arg4[%dma_start3A_357, %dma_start3A_358] : memref<30522x768xf32, #tpu.memory_space<hbm>> -> memref<30522x768xf32, #tpu.memory_space<hbm>>
    tpu.enqueue_indirect_dma source(%dma_start3A_359 : memref<30522x768xf32, #tpu.memory_space<hbm>>) target(%arg8 : memref<64x768xf32, #tpu.memory_space<vmem>>) offsets(%dma_start3A_356 : memref<64xi32, #tpu.memory_space<vmem>>) semaphore(%arg11 : memref<!tpu.dma_semaphore, #tpu.memory_space<semaphore_mem>>)
    %dma_wait3A_360 = arith.constant 1 : i32
    %dma_wait3A_361 = arith.constant 0 : i32
    %dma_wait3A_362 = tpu.memref_slice %arg7[%dma_wait3A_360, %dma_wait3A_361] : memref<4x64xi32, #tpu.memory_space<vmem>> -> memref<1x64xi32, #tpu.memory_space<vmem>>
    %dma_wait3A_363 = tpu.memref_squeeze %dma_wait3A_362 : memref<1x64xi32, #tpu.memory_space<vmem>> -> memref<64xi32, #tpu.memory_space<vmem>>
    %dma_wait3A_364 = arith.constant 0 : i32
    %dma_wait3A_365 = arith.constant 0 : i32
    %dma_wait3A_366 = tpu.memref_slice %arg4[%dma_wait3A_364, %dma_wait3A_365] : memref<30522x768xf32, #tpu.memory_space<hbm>> -> memref<30522x768xf32, #tpu.memory_space<hbm>>
    tpu.wait_indirect_dma semaphore(%arg11 : memref<!tpu.dma_semaphore, #tpu.memory_space<semaphore_mem>>) src(%dma_wait3A_366 : memref<30522x768xf32, #tpu.memory_space<hbm>>) dst(%arg8 : memref<64x768xf32, #tpu.memory_space<vmem>>)
    %add3A_367 = arith.constant 64 : i32
    %add3A_368 = arith.addi %mul3A_2, %add3A_367 : i32
    "tpu.region"() ({
      %run_scoped3A = tpu.sem_alloc : memref<!tpu.dma_semaphore, #tpu.memory_space<semaphore_mem>>
      %dma_start3A_458 = arith.constant 0 : i32
      %dma_start3A_459 = tpu.memref_slice %arg5[%add3A_368, %dma_start3A_458] : memref<8192x768xf32, #tpu.memory_space<hbm>> -> memref<64x768xf32, #tpu.memory_space<hbm>>
      %dma_start3A_460 = arith.constant 0 : i32
      %dma_start3A_461 = tpu.memref_slice %arg5[%add3A_368, %dma_start3A_460] : memref<8192x768xf32, #tpu.memory_space<hbm>> -> memref<64x768xf32, #tpu.memory_space<hbm>>
      tpu.enqueue_dma source(%arg8 : memref<64x768xf32, #tpu.memory_space<vmem>>) target(%dma_start3A_461 : memref<64x768xf32, #tpu.memory_space<hbm>>) target_semaphore(%run_scoped3A : memref<!tpu.dma_semaphore, #tpu.memory_space<semaphore_mem>>)
      %dma_wait3A_462 = arith.constant 0 : i32
      %dma_wait3A_463 = tpu.memref_slice %arg5[%add3A_368, %dma_wait3A_462] : memref<8192x768xf32, #tpu.memory_space<hbm>> -> memref<64x768xf32, #tpu.memory_space<hbm>>
      %dma_wait3A_464 = arith.constant 0 : i32
      %dma_wait3A_465 = tpu.memref_slice %arg5[%add3A_368, %dma_wait3A_464] : memref<8192x768xf32, #tpu.memory_space<hbm>> -> memref<64x768xf32, #tpu.memory_space<hbm>>
      tpu.wait_dma2 semaphore(%run_scoped3A : memref<!tpu.dma_semaphore, #tpu.memory_space<semaphore_mem>>) src(%arg8 : memref<64x768xf32, #tpu.memory_space<vmem>>) dst(%dma_wait3A_465 : memref<64x768xf32, #tpu.memory_space<hbm>>)
      tpu.yield
    }) : () -> ()
    %add3A_369 = arith.constant 64 : i32
    %add3A_370 = arith.addi %mul3A_34, %add3A_369 : i32
    %sub3A_371 = arith.subi %squeeze3A, %add3A_370 : i32
    %jit3A_372 = arith.constant 0 : i32
    %jit3A_373 = arith.constant 64 : i32
    %max3A_374 = arith.maxsi %jit3A_372, %sub3A_371 : i32
    %min3A_375 = arith.minsi %jit3A_373, %max3A_374 : i32
    %while3A_376 = arith.constant 0 : i32
    %while3A_377 = arith.constant 0 : i32
    %while3A_378 = arith.subi %min3A_375, %while3A_376 : i32
    %while3A_379 = arith.addi %while3A_376, %while3A_378 : i32
    %while3A_380 = arith.constant 1 : i32
    %while3A_381 = arith.divsi %while3A_378, %while3A_380 : i32
    %while3A_382 = arith.muli %while3A_381, %while3A_380 : i32
    %while3A_383 = arith.addi %while3A_376, %while3A_382 : i32
    %while3A_384 = arith.constant 1 : i32
    %while3A_385 = scf.for %while3A_458 = %while3A_376 to %while3A_383 step %while3A_384 iter_args(%while3A_459 = %while3A_377) -> (i32)  : i32 {
      %get3A_460 = arith.index_cast %while3A_458 : i32 to index
      %get3A_461 = arith.constant 0 : index
      %get3A_462 = tpu.vector_load %arg8[%get3A_460, %get3A_461] {strides = array<i32>} : memref<64x768xf32, #tpu.memory_space<vmem>>, vector<1x16xf32>,
      %get3A_463 = vector.shape_cast %get3A_462 : vector<1x16xf32> to vector<16xf32>
      %swap3A_464 = arith.constant 0 : index
      %swap3A_465 = tpu.vector_load %arg10[%swap3A_464] {strides = array<i32>} : memref<768xf32, #tpu.memory_space<vmem>>, vector<16xf32>,
      %swap3A_466 = vector.shape_cast %swap3A_465 : vector<16xf32> to vector<16xf32>
      %swap3A_467 = vector.shape_cast %get3A_463 : vector<16xf32> to vector<16xf32>
      tpu.vector_store %arg10[%swap3A_464], %swap3A_467 {add = true, strides = array<i32>} : memref<768xf32, #tpu.memory_space<vmem>>, vector<16xf32>,
      %get3A_468 = arith.index_cast %while3A_458 : i32 to index
      %get3A_469 = arith.constant 16 : index
      %get3A_470 = tpu.vector_load %arg8[%get3A_468, %get3A_469] {strides = array<i32>} : memref<64x768xf32, #tpu.memory_space<vmem>>, vector<1x16xf32>,
      %get3A_471 = vector.shape_cast %get3A_470 : vector<1x16xf32> to vector<16xf32>
      %swap3A_472 = arith.constant 16 : index
      %swap3A_473 = tpu.vector_load %arg10[%swap3A_472] {strides = array<i32>} : memref<768xf32, #tpu.memory_space<vmem>>, vector<16xf32>,
      %swap3A_474 = vector.shape_cast %swap3A_473 : vector<16xf32> to vector<16xf32>
      %swap3A_475 = vector.shape_cast %get3A_471 : vector<16xf32> to vector<16xf32>
      tpu.vector_store %arg10[%swap3A_472], %swap3A_475 {add = true, strides = array<i32>} : memref<768xf32, #tpu.memory_space<vmem>>, vector<16xf32>,
      %get3A_476 = arith.index_cast %while3A_458 : i32 to index
      %get3A_477 = arith.constant 32 : index
      %get3A_478 = tpu.vector_load %arg8[%get3A_476, %get3A_477] {strides = array<i32>} : memref<64x768xf32, #tpu.memory_space<vmem>>, vector<1x16xf32>,
      %get3A_479 = vector.shape_cast %get3A_478 : vector<1x16xf32> to vector<16xf32>
      %swap3A_480 = arith.constant 32 : index
      %swap3A_481 = tpu.vector_load %arg10[%swap3A_480] {strides = array<i32>} : memref<768xf32, #tpu.memory_space<vmem>>, vector<16xf32>,
      %swap3A_482 = vector.shape_cast %swap3A_481 : vector<16xf32> to vector<16xf32>
      %swap3A_483 = vector.shape_cast %get3A_479 : vector<16xf32> to vector<16xf32>
      tpu.vector_store %arg10[%swap3A_480], %swap3A_483 {add = true, strides = array<i32>} : memref<768xf32, #tpu.memory_space<vmem>>, vector<16xf32>,
      %get3A_484 = arith.index_cast %while3A_458 : i32 to index
      %get3A_485 = arith.constant 48 : index
      %get3A_486 = tpu.vector_load %arg8[%get3A_484, %get3A_485] {strides = array<i32>} : memref<64x768xf32, #tpu.memory_space<vmem>>, vector<1x16xf32>,
      %get3A_487 = vector.shape_cast %get3A_486 : vector<1x16xf32> to vector<16xf32>
      %swap3A_488 = arith.constant 48 : index
      %swap3A_489 = tpu.vector_load %arg10[%swap3A_488] {strides = array<i32>} : memref<768xf32, #tpu.memory_space<vmem>>, vector<16xf32>,
      %swap3A_490 = vector.shape_cast %swap3A_489 : vector<16xf32> to vector<16xf32>
      %swap3A_491 = vector.shape_cast %get3A_487 : vector<16xf32> to vector<16xf32>
      tpu.vector_store %arg10[%swap3A_488], %swap3A_491 {add = true, strides = array<i32>} : memref<768xf32, #tpu.memory_space<vmem>>, vector<16xf32>,
      %get3A_492 = arith.index_cast %while3A_458 : i32 to index
      %get3A_493 = arith.constant 64 : index
      %get3A_494 = tpu.vector_load %arg8[%get3A_492, %get3A_493] {strides = array<i32>} : memref<64x768xf32, #tpu.memory_space<vmem>>, vector<1x16xf32>,
      %get3A_495 = vector.shape_cast %get3A_494 : vector<1x16xf32> to vector<16xf32>
      %swap3A_496 = arith.constant 64 : index
      %swap3A_497 = tpu.vector_load %arg10[%swap3A_496] {strides = array<i32>} : memref<768xf32, #tpu.memory_space<vmem>>, vector<16xf32>,
      %swap3A_498 = vector.shape_cast %swap3A_497 : vector<16xf32> to vector<16xf32>
      %swap3A_499 = vector.shape_cast %get3A_495 : vector<16xf32> to vector<16xf32>
      tpu.vector_store %arg10[%swap3A_496], %swap3A_499 {add = true, strides = array<i32>} : memref<768xf32, #tpu.memory_space<vmem>>, vector<16xf32>,
      %get3A_500 = arith.index_cast %while3A_458 : i32 to index
      %get3A_501 = arith.constant 80 : index
      %get3A_502 = tpu.vector_load %arg8[%get3A_500, %get3A_501] {strides = array<i32>} : memref<64x768xf32, #tpu.memory_space<vmem>>, vector<1x16xf32>,
      %get3A_503 = vector.shape_cast %get3A_502 : vector<1x16xf32> to vector<16xf32>
      %swap3A_504 = arith.constant 80 : index
      %swap3A_505 = tpu.vector_load %arg10[%swap3A_504] {strides = array<i32>} : memref<768xf32, #tpu.memory_space<vmem>>, vector<16xf32>,
      %swap3A_506 = vector.shape_cast %swap3A_505 : vector<16xf32> to vector<16xf32>
      %swap3A_507 = vector.shape_cast %get3A_503 : vector<16xf32> to vector<16xf32>
      tpu.vector_store %arg10[%swap3A_504], %swap3A_507 {add = true, strides = array<i32>} : memref<768xf32, #tpu.memory_space<vmem>>, vector<16xf32>,
      %get3A_508 = arith.index_cast %while3A_458 : i32 to index
      %get3A_509 = arith.constant 96 : index
      %get3A_510 = tpu.vector_load %arg8[%get3A_508, %get3A_509] {strides = array<i32>} : memref<64x768xf32, #tpu.memory_space<vmem>>, vector<1x16xf32>,
      %get3A_511 = vector.shape_cast %get3A_510 : vector<1x16xf32> to vector<16xf32>
      %swap3A_512 = arith.constant 96 : index
      %swap3A_513 = tpu.vector_load %arg10[%swap3A_512] {strides = array<i32>} : memref<768xf32, #tpu.memory_space<vmem>>, vector<16xf32>,
      %swap3A_514 = vector.shape_cast %swap3A_513 : vector<16xf32> to vector<16xf32>
      %swap3A_515 = vector.shape_cast %get3A_511 : vector<16xf32> to vector<16xf32>
      tpu.vector_store %arg10[%swap3A_512], %swap3A_515 {add = true, strides = array<i32>} : memref<768xf32, #tpu.memory_space<vmem>>, vector<16xf32>,
      %get3A_516 = arith.index_cast %while3A_458 : i32 to index
      %get3A_517 = arith.constant 112 : index
      %get3A_518 = tpu.vector_load %arg8[%get3A_516, %get3A_517] {strides = array<i32>} : memref<64x768xf32, #tpu.memory_space<vmem>>, vector<1x16xf32>,
      %get3A_519 = vector.shape_cast %get3A_518 : vector<1x16xf32> to vector<16xf32>
      %swap3A_520 = arith.constant 112 : index
      %swap3A_521 = tpu.vector_load %arg10[%swap3A_520] {strides = array<i32>} : memref<768xf32, #tpu.memory_space<vmem>>, vector<16xf32>,
      %swap3A_522 = vector.shape_cast %swap3A_521 : vector<16xf32> to vector<16xf32>
      %swap3A_523 = vector.shape_cast %get3A_519 : vector<16xf32> to vector<16xf32>
      tpu.vector_store %arg10[%swap3A_520], %swap3A_523 {add = true, strides = array<i32>} : memref<768xf32, #tpu.memory_space<vmem>>, vector<16xf32>,
      %get3A_524 = arith.index_cast %while3A_458 : i32 to index
      %get3A_525 = arith.constant 128 : index
      %get3A_526 = tpu.vector_load %arg8[%get3A_524, %get3A_525] {strides = array<i32>} : memref<64x768xf32, #tpu.memory_space<vmem>>, vector<1x16xf32>,
      %get3A_527 = vector.shape_cast %get3A_526 : vector<1x16xf32> to vector<16xf32>
      %swap3A_528 = arith.constant 128 : index
      %swap3A_529 = tpu.vector_load %arg10[%swap3A_528] {strides = array<i32>} : memref<768xf32, #tpu.memory_space<vmem>>, vector<16xf32>,
      %swap3A_530 = vector.shape_cast %swap3A_529 : vector<16xf32> to vector<16xf32>
      %swap3A_531 = vector.shape_cast %get3A_527 : vector<16xf32> to vector<16xf32>
      tpu.vector_store %arg10[%swap3A_528], %swap3A_531 {add = true, strides = array<i32>} : memref<768xf32, #tpu.memory_space<vmem>>, vector<16xf32>,
      %get3A_532 = arith.index_cast %while3A_458 : i32 to index
      %get3A_533 = arith.constant 144 : index
      %get3A_534 = tpu.vector_load %arg8[%get3A_532, %get3A_533] {strides = array<i32>} : memref<64x768xf32, #tpu.memory_space<vmem>>, vector<1x16xf32>,
      %get3A_535 = vector.shape_cast %get3A_534 : vector<1x16xf32> to vector<16xf32>
      %swap3A_536 = arith.constant 144 : index
      %swap3A_537 = tpu.vector_load %arg10[%swap3A_536] {strides = array<i32>} : memref<768xf32, #tpu.memory_space<vmem>>, vector<16xf32>,
      %swap3A_538 = vector.shape_cast %swap3A_537 : vector<16xf32> to vector<16xf32>
      %swap3A_539 = vector.shape_cast %get3A_535 : vector<16xf32> to vector<16xf32>
      tpu.vector_store %arg10[%swap3A_536], %swap3A_539 {add = true, strides = array<i32>} : memref<768xf32, #tpu.memory_space<vmem>>, vector<16xf32>,
      %get3A_540 = arith.index_cast %while3A_458 : i32 to index
      %get3A_541 = arith.constant 160 : index
      %get3A_542 = tpu.vector_load %arg8[%get3A_540, %get3A_541] {strides = array<i32>} : memref<64x768xf32, #tpu.memory_space<vmem>>, vector<1x16xf32>,
      %get3A_543 = vector.shape_cast %get3A_542 : vector<1x16xf32> to vector<16xf32>
      %swap3A_544 = arith.constant 160 : index
      %swap3A_545 = tpu.vector_load %arg10[%swap3A_544] {strides = array<i32>} : memref<768xf32, #tpu.memory_space<vmem>>, vector<16xf32>,
      %swap3A_546 = vector.shape_cast %swap3A_545 : vector<16xf32> to vector<16xf32>
      %swap3A_547 = vector.shape_cast %get3A_543 : vector<16xf32> to vector<16xf32>
      tpu.vector_store %arg10[%swap3A_544], %swap3A_547 {add = true, strides = array<i32>} : memref<768xf32, #tpu.memory_space<vmem>>, vector<16xf32>,
      %get3A_548 = arith.index_cast %while3A_458 : i32 to index
      %get3A_549 = arith.constant 176 : index
      %get3A_550 = tpu.vector_load %arg8[%get3A_548, %get3A_549] {strides = array<i32>} : memref<64x768xf32, #tpu.memory_space<vmem>>, vector<1x16xf32>,
      %get3A_551 = vector.shape_cast %get3A_550 : vector<1x16xf32> to vector<16xf32>
      %swap3A_552 = arith.constant 176 : index
      %swap3A_553 = tpu.vector_load %arg10[%swap3A_552] {strides = array<i32>} : memref<768xf32, #tpu.memory_space<vmem>>, vector<16xf32>,
      %swap3A_554 = vector.shape_cast %swap3A_553 : vector<16xf32> to vector<16xf32>
      %swap3A_555 = vector.shape_cast %get3A_551 : vector<16xf32> to vector<16xf32>
      tpu.vector_store %arg10[%swap3A_552], %swap3A_555 {add = true, strides = array<i32>} : memref<768xf32, #tpu.memory_space<vmem>>, vector<16xf32>,
      %get3A_556 = arith.index_cast %while3A_458 : i32 to index
      %get3A_557 = arith.constant 192 : index
      %get3A_558 = tpu.vector_load %arg8[%get3A_556, %get3A_557] {strides = array<i32>} : memref<64x768xf32, #tpu.memory_space<vmem>>, vector<1x16xf32>,
      %get3A_559 = vector.shape_cast %get3A_558 : vector<1x16xf32> to vector<16xf32>
      %swap3A_560 = arith.constant 192 : index
      %swap3A_561 = tpu.vector_load %arg10[%swap3A_560] {strides = array<i32>} : memref<768xf32, #tpu.memory_space<vmem>>, vector<16xf32>,
      %swap3A_562 = vector.shape_cast %swap3A_561 : vector<16xf32> to vector<16xf32>
      %swap3A_563 = vector.shape_cast %get3A_559 : vector<16xf32> to vector<16xf32>
      tpu.vector_store %arg10[%swap3A_560], %swap3A_563 {add = true, strides = array<i32>} : memref<768xf32, #tpu.memory_space<vmem>>, vector<16xf32>,
      %get3A_564 = arith.index_cast %while3A_458 : i32 to index
      %get3A_565 = arith.constant 208 : index
      %get3A_566 = tpu.vector_load %arg8[%get3A_564, %get3A_565] {strides = array<i32>} : memref<64x768xf32, #tpu.memory_space<vmem>>, vector<1x16xf32>,
      %get3A_567 = vector.shape_cast %get3A_566 : vector<1x16xf32> to vector<16xf32>
      %swap3A_568 = arith.constant 208 : index
      %swap3A_569 = tpu.vector_load %arg10[%swap3A_568] {strides = array<i32>} : memref<768xf32, #tpu.memory_space<vmem>>, vector<16xf32>,
      %swap3A_570 = vector.shape_cast %swap3A_569 : vector<16xf32> to vector<16xf32>
      %swap3A_571 = vector.shape_cast %get3A_567 : vector<16xf32> to vector<16xf32>
      tpu.vector_store %arg10[%swap3A_568], %swap3A_571 {add = true, strides = array<i32>} : memref<768xf32, #tpu.memory_space<vmem>>, vector<16xf32>,
      %get3A_572 = arith.index_cast %while3A_458 : i32 to index
      %get3A_573 = arith.constant 224 : index
      %get3A_574 = tpu.vector_load %arg8[%get3A_572, %get3A_573] {strides = array<i32>} : memref<64x768xf32, #tpu.memory_space<vmem>>, vector<1x16xf32>,
      %get3A_575 = vector.shape_cast %get3A_574 : vector<1x16xf32> to vector<16xf32>
      %swap3A_576 = arith.constant 224 : index
      %swap3A_577 = tpu.vector_load %arg10[%swap3A_576] {strides = array<i32>} : memref<768xf32, #tpu.memory_space<vmem>>, vector<16xf32>,
      %swap3A_578 = vector.shape_cast %swap3A_577 : vector<16xf32> to vector<16xf32>
      %swap3A_579 = vector.shape_cast %get3A_575 : vector<16xf32> to vector<16xf32>
      tpu.vector_store %arg10[%swap3A_576], %swap3A_579 {add = true, strides = array<i32>} : memref<768xf32, #tpu.memory_space<vmem>>, vector<16xf32>,
      %get3A_580 = arith.index_cast %while3A_458 : i32 to index
      %get3A_581 = arith.constant 240 : index
      %get3A_582 = tpu.vector_load %arg8[%get3A_580, %get3A_581] {strides = array<i32>} : memref<64x768xf32, #tpu.memory_space<vmem>>, vector<1x16xf32>,
      %get3A_583 = vector.shape_cast %get3A_582 : vector<1x16xf32> to vector<16xf32>
      %swap3A_584 = arith.constant 240 : index
      %swap3A_585 = tpu.vector_load %arg10[%swap3A_584] {strides = array<i32>} : memref<768xf32, #tpu.memory_space<vmem>>, vector<16xf32>,
      %swap3A_586 = vector.shape_cast %swap3A_585 : vector<16xf32> to vector<16xf32>
      %swap3A_587 = vector.shape_cast %get3A_583 : vector<16xf32> to vector<16xf32>
      tpu.vector_store %arg10[%swap3A_584], %swap3A_587 {add = true, strides = array<i32>} : memref<768xf32, #tpu.memory_space<vmem>>, vector<16xf32>,
      %get3A_588 = arith.index_cast %while3A_458 : i32 to index
      %get3A_589 = arith.constant 256 : index
      %get3A_590 = tpu.vector_load %arg8[%get3A_588, %get3A_589] {strides = array<i32>} : memref<64x768xf32, #tpu.memory_space<vmem>>, vector<1x16xf32>,
      %get3A_591 = vector.shape_cast %get3A_590 : vector<1x16xf32> to vector<16xf32>
      %swap3A_592 = arith.constant 256 : index
      %swap3A_593 = tpu.vector_load %arg10[%swap3A_592] {strides = array<i32>} : memref<768xf32, #tpu.memory_space<vmem>>, vector<16xf32>,
      %swap3A_594 = vector.shape_cast %swap3A_593 : vector<16xf32> to vector<16xf32>
      %swap3A_595 = vector.shape_cast %get3A_591 : vector<16xf32> to vector<16xf32>
      tpu.vector_store %arg10[%swap3A_592], %swap3A_595 {add = true, strides = array<i32>} : memref<768xf32, #tpu.memory_space<vmem>>, vector<16xf32>,
      %get3A_596 = arith.index_cast %while3A_458 : i32 to index
      %get3A_597 = arith.constant 272 : index
      %get3A_598 = tpu.vector_load %arg8[%get3A_596, %get3A_597] {strides = array<i32>} : memref<64x768xf32, #tpu.memory_space<vmem>>, vector<1x16xf32>,
      %get3A_599 = vector.shape_cast %get3A_598 : vector<1x16xf32> to vector<16xf32>
      %swap3A_600 = arith.constant 272 : index
      %swap3A_601 = tpu.vector_load %arg10[%swap3A_600] {strides = array<i32>} : memref<768xf32, #tpu.memory_space<vmem>>, vector<16xf32>,
      %swap3A_602 = vector.shape_cast %swap3A_601 : vector<16xf32> to vector<16xf32>
      %swap3A_603 = vector.shape_cast %get3A_599 : vector<16xf32> to vector<16xf32>
      tpu.vector_store %arg10[%swap3A_600], %swap3A_603 {add = true, strides = array<i32>} : memref<768xf32, #tpu.memory_space<vmem>>, vector<16xf32>,
      %get3A_604 = arith.index_cast %while3A_458 : i32 to index
      %get3A_605 = arith.constant 288 : index
      %get3A_606 = tpu.vector_load %arg8[%get3A_604, %get3A_605] {strides = array<i32>} : memref<64x768xf32, #tpu.memory_space<vmem>>, vector<1x16xf32>,
      %get3A_607 = vector.shape_cast %get3A_606 : vector<1x16xf32> to vector<16xf32>
      %swap3A_608 = arith.constant 288 : index
      %swap3A_609 = tpu.vector_load %arg10[%swap3A_608] {strides = array<i32>} : memref<768xf32, #tpu.memory_space<vmem>>, vector<16xf32>,
      %swap3A_610 = vector.shape_cast %swap3A_609 : vector<16xf32> to vector<16xf32>
      %swap3A_611 = vector.shape_cast %get3A_607 : vector<16xf32> to vector<16xf32>
      tpu.vector_store %arg10[%swap3A_608], %swap3A_611 {add = true, strides = array<i32>} : memref<768xf32, #tpu.memory_space<vmem>>, vector<16xf32>,
      %get3A_612 = arith.index_cast %while3A_458 : i32 to index
      %get3A_613 = arith.constant 304 : index
      %get3A_614 = tpu.vector_load %arg8[%get3A_612, %get3A_613] {strides = array<i32>} : memref<64x768xf32, #tpu.memory_space<vmem>>, vector<1x16xf32>,
      %get3A_615 = vector.shape_cast %get3A_614 : vector<1x16xf32> to vector<16xf32>
      %swap3A_616 = arith.constant 304 : index
      %swap3A_617 = tpu.vector_load %arg10[%swap3A_616] {strides = array<i32>} : memref<768xf32, #tpu.memory_space<vmem>>, vector<16xf32>,
      %swap3A_618 = vector.shape_cast %swap3A_617 : vector<16xf32> to vector<16xf32>
      %swap3A_619 = vector.shape_cast %get3A_615 : vector<16xf32> to vector<16xf32>
      tpu.vector_store %arg10[%swap3A_616], %swap3A_619 {add = true, strides = array<i32>} : memref<768xf32, #tpu.memory_space<vmem>>, vector<16xf32>,
      %get3A_620 = arith.index_cast %while3A_458 : i32 to index
      %get3A_621 = arith.constant 320 : index
      %get3A_622 = tpu.vector_load %arg8[%get3A_620, %get3A_621] {strides = array<i32>} : memref<64x768xf32, #tpu.memory_space<vmem>>, vector<1x16xf32>,
      %get3A_623 = vector.shape_cast %get3A_622 : vector<1x16xf32> to vector<16xf32>
      %swap3A_624 = arith.constant 320 : index
      %swap3A_625 = tpu.vector_load %arg10[%swap3A_624] {strides = array<i32>} : memref<768xf32, #tpu.memory_space<vmem>>, vector<16xf32>,
      %swap3A_626 = vector.shape_cast %swap3A_625 : vector<16xf32> to vector<16xf32>
      %swap3A_627 = vector.shape_cast %get3A_623 : vector<16xf32> to vector<16xf32>
      tpu.vector_store %arg10[%swap3A_624], %swap3A_627 {add = true, strides = array<i32>} : memref<768xf32, #tpu.memory_space<vmem>>, vector<16xf32>,
      %get3A_628 = arith.index_cast %while3A_458 : i32 to index
      %get3A_629 = arith.constant 336 : index
      %get3A_630 = tpu.vector_load %arg8[%get3A_628, %get3A_629] {strides = array<i32>} : memref<64x768xf32, #tpu.memory_space<vmem>>, vector<1x16xf32>,
      %get3A_631 = vector.shape_cast %get3A_630 : vector<1x16xf32> to vector<16xf32>
      %swap3A_632 = arith.constant 336 : index
      %swap3A_633 = tpu.vector_load %arg10[%swap3A_632] {strides = array<i32>} : memref<768xf32, #tpu.memory_space<vmem>>, vector<16xf32>,
      %swap3A_634 = vector.shape_cast %swap3A_633 : vector<16xf32> to vector<16xf32>
      %swap3A_635 = vector.shape_cast %get3A_631 : vector<16xf32> to vector<16xf32>
      tpu.vector_store %arg10[%swap3A_632], %swap3A_635 {add = true, strides = array<i32>} : memref<768xf32, #tpu.memory_space<vmem>>, vector<16xf32>,
      %get3A_636 = arith.index_cast %while3A_458 : i32 to index
      %get3A_637 = arith.constant 352 : index
      %get3A_638 = tpu.vector_load %arg8[%get3A_636, %get3A_637] {strides = array<i32>} : memref<64x768xf32, #tpu.memory_space<vmem>>, vector<1x16xf32>,
      %get3A_639 = vector.shape_cast %get3A_638 : vector<1x16xf32> to vector<16xf32>
      %swap3A_640 = arith.constant 352 : index
      %swap3A_641 = tpu.vector_load %arg10[%swap3A_640] {strides = array<i32>} : memref<768xf32, #tpu.memory_space<vmem>>, vector<16xf32>,
      %swap3A_642 = vector.shape_cast %swap3A_641 : vector<16xf32> to vector<16xf32>
      %swap3A_643 = vector.shape_cast %get3A_639 : vector<16xf32> to vector<16xf32>
      tpu.vector_store %arg10[%swap3A_640], %swap3A_643 {add = true, strides = array<i32>} : memref<768xf32, #tpu.memory_space<vmem>>, vector<16xf32>,
      %get3A_644 = arith.index_cast %while3A_458 : i32 to index
      %get3A_645 = arith.constant 368 : index
      %get3A_646 = tpu.vector_load %arg8[%get3A_644, %get3A_645] {strides = array<i32>} : memref<64x768xf32, #tpu.memory_space<vmem>>, vector<1x16xf32>,
      %get3A_647 = vector.shape_cast %get3A_646 : vector<1x16xf32> to vector<16xf32>
      %swap3A_648 = arith.constant 368 : index
      %swap3A_649 = tpu.vector_load %arg10[%swap3A_648] {strides = array<i32>} : memref<768xf32, #tpu.memory_space<vmem>>, vector<16xf32>,
      %swap3A_650 = vector.shape_cast %swap3A_649 : vector<16xf32> to vector<16xf32>
      %swap3A_651 = vector.shape_cast %get3A_647 : vector<16xf32> to vector<16xf32>
      tpu.vector_store %arg10[%swap3A_648], %swap3A_651 {add = true, strides = array<i32>} : memref<768xf32, #tpu.memory_space<vmem>>, vector<16xf32>,
      %get3A_652 = arith.index_cast %while3A_458 : i32 to index
      %get3A_653 = arith.constant 384 : index
      %get3A_654 = tpu.vector_load %arg8[%get3A_652, %get3A_653] {strides = array<i32>} : memref<64x768xf32, #tpu.memory_space<vmem>>, vector<1x16xf32>,
      %get3A_655 = vector.shape_cast %get3A_654 : vector<1x16xf32> to vector<16xf32>
      %swap3A_656 = arith.constant 384 : index
      %swap3A_657 = tpu.vector_load %arg10[%swap3A_656] {strides = array<i32>} : memref<768xf32, #tpu.memory_space<vmem>>, vector<16xf32>,
      %swap3A_658 = vector.shape_cast %swap3A_657 : vector<16xf32> to vector<16xf32>
      %swap3A_659 = vector.shape_cast %get3A_655 : vector<16xf32> to vector<16xf32>
      tpu.vector_store %arg10[%swap3A_656], %swap3A_659 {add = true, strides = array<i32>} : memref<768xf32, #tpu.memory_space<vmem>>, vector<16xf32>,
      %get3A_660 = arith.index_cast %while3A_458 : i32 to index
      %get3A_661 = arith.constant 400 : index
      %get3A_662 = tpu.vector_load %arg8[%get3A_660, %get3A_661] {strides = array<i32>} : memref<64x768xf32, #tpu.memory_space<vmem>>, vector<1x16xf32>,
      %get3A_663 = vector.shape_cast %get3A_662 : vector<1x16xf32> to vector<16xf32>
      %swap3A_664 = arith.constant 400 : index
      %swap3A_665 = tpu.vector_load %arg10[%swap3A_664] {strides = array<i32>} : memref<768xf32, #tpu.memory_space<vmem>>, vector<16xf32>,
      %swap3A_666 = vector.shape_cast %swap3A_665 : vector<16xf32> to vector<16xf32>
      %swap3A_667 = vector.shape_cast %get3A_663 : vector<16xf32> to vector<16xf32>
      tpu.vector_store %arg10[%swap3A_664], %swap3A_667 {add = true, strides = array<i32>} : memref<768xf32, #tpu.memory_space<vmem>>, vector<16xf32>,
      %get3A_668 = arith.index_cast %while3A_458 : i32 to index
      %get3A_669 = arith.constant 416 : index
      %get3A_670 = tpu.vector_load %arg8[%get3A_668, %get3A_669] {strides = array<i32>} : memref<64x768xf32, #tpu.memory_space<vmem>>, vector<1x16xf32>,
      %get3A_671 = vector.shape_cast %get3A_670 : vector<1x16xf32> to vector<16xf32>
      %swap3A_672 = arith.constant 416 : index
      %swap3A_673 = tpu.vector_load %arg10[%swap3A_672] {strides = array<i32>} : memref<768xf32, #tpu.memory_space<vmem>>, vector<16xf32>,
      %swap3A_674 = vector.shape_cast %swap3A_673 : vector<16xf32> to vector<16xf32>
      %swap3A_675 = vector.shape_cast %get3A_671 : vector<16xf32> to vector<16xf32>
      tpu.vector_store %arg10[%swap3A_672], %swap3A_675 {add = true, strides = array<i32>} : memref<768xf32, #tpu.memory_space<vmem>>, vector<16xf32>,
      %get3A_676 = arith.index_cast %while3A_458 : i32 to index
      %get3A_677 = arith.constant 432 : index
      %get3A_678 = tpu.vector_load %arg8[%get3A_676, %get3A_677] {strides = array<i32>} : memref<64x768xf32, #tpu.memory_space<vmem>>, vector<1x16xf32>,
      %get3A_679 = vector.shape_cast %get3A_678 : vector<1x16xf32> to vector<16xf32>
      %swap3A_680 = arith.constant 432 : index
      %swap3A_681 = tpu.vector_load %arg10[%swap3A_680] {strides = array<i32>} : memref<768xf32, #tpu.memory_space<vmem>>, vector<16xf32>,
      %swap3A_682 = vector.shape_cast %swap3A_681 : vector<16xf32> to vector<16xf32>
      %swap3A_683 = vector.shape_cast %get3A_679 : vector<16xf32> to vector<16xf32>
      tpu.vector_store %arg10[%swap3A_680], %swap3A_683 {add = true, strides = array<i32>} : memref<768xf32, #tpu.memory_space<vmem>>, vector<16xf32>,
      %get3A_684 = arith.index_cast %while3A_458 : i32 to index
      %get3A_685 = arith.constant 448 : index
      %get3A_686 = tpu.vector_load %arg8[%get3A_684, %get3A_685] {strides = array<i32>} : memref<64x768xf32, #tpu.memory_space<vmem>>, vector<1x16xf32>,
      %get3A_687 = vector.shape_cast %get3A_686 : vector<1x16xf32> to vector<16xf32>
      %swap3A_688 = arith.constant 448 : index
      %swap3A_689 = tpu.vector_load %arg10[%swap3A_688] {strides = array<i32>} : memref<768xf32, #tpu.memory_space<vmem>>, vector<16xf32>,
      %swap3A_690 = vector.shape_cast %swap3A_689 : vector<16xf32> to vector<16xf32>
      %swap3A_691 = vector.shape_cast %get3A_687 : vector<16xf32> to vector<16xf32>
      tpu.vector_store %arg10[%swap3A_688], %swap3A_691 {add = true, strides = array<i32>} : memref<768xf32, #tpu.memory_space<vmem>>, vector<16xf32>,
      %get3A_692 = arith.index_cast %while3A_458 : i32 to index
      %get3A_693 = arith.constant 464 : index
      %get3A_694 = tpu.vector_load %arg8[%get3A_692, %get3A_693] {strides = array<i32>} : memref<64x768xf32, #tpu.memory_space<vmem>>, vector<1x16xf32>,
      %get3A_695 = vector.shape_cast %get3A_694 : vector<1x16xf32> to vector<16xf32>
      %swap3A_696 = arith.constant 464 : index
      %swap3A_697 = tpu.vector_load %arg10[%swap3A_696] {strides = array<i32>} : memref<768xf32, #tpu.memory_space<vmem>>, vector<16xf32>,
      %swap3A_698 = vector.shape_cast %swap3A_697 : vector<16xf32> to vector<16xf32>
      %swap3A_699 = vector.shape_cast %get3A_695 : vector<16xf32> to vector<16xf32>
      tpu.vector_store %arg10[%swap3A_696], %swap3A_699 {add = true, strides = array<i32>} : memref<768xf32, #tpu.memory_space<vmem>>, vector<16xf32>,
      %get3A_700 = arith.index_cast %while3A_458 : i32 to index
      %get3A_701 = arith.constant 480 : index
      %get3A_702 = tpu.vector_load %arg8[%get3A_700, %get3A_701] {strides = array<i32>} : memref<64x768xf32, #tpu.memory_space<vmem>>, vector<1x16xf32>,
      %get3A_703 = vector.shape_cast %get3A_702 : vector<1x16xf32> to vector<16xf32>
      %swap3A_704 = arith.constant 480 : index
      %swap3A_705 = tpu.vector_load %arg10[%swap3A_704] {strides = array<i32>} : memref<768xf32, #tpu.memory_space<vmem>>, vector<16xf32>,
      %swap3A_706 = vector.shape_cast %swap3A_705 : vector<16xf32> to vector<16xf32>
      %swap3A_707 = vector.shape_cast %get3A_703 : vector<16xf32> to vector<16xf32>
      tpu.vector_store %arg10[%swap3A_704], %swap3A_707 {add = true, strides = array<i32>} : memref<768xf32, #tpu.memory_space<vmem>>, vector<16xf32>,
      %get3A_708 = arith.index_cast %while3A_458 : i32 to index
      %get3A_709 = arith.constant 496 : index
      %get3A_710 = tpu.vector_load %arg8[%get3A_708, %get3A_709] {strides = array<i32>} : memref<64x768xf32, #tpu.memory_space<vmem>>, vector<1x16xf32>,
      %get3A_711 = vector.shape_cast %get3A_710 : vector<1x16xf32> to vector<16xf32>
      %swap3A_712 = arith.constant 496 : index
      %swap3A_713 = tpu.vector_load %arg10[%swap3A_712] {strides = array<i32>} : memref<768xf32, #tpu.memory_space<vmem>>, vector<16xf32>,
      %swap3A_714 = vector.shape_cast %swap3A_713 : vector<16xf32> to vector<16xf32>
      %swap3A_715 = vector.shape_cast %get3A_711 : vector<16xf32> to vector<16xf32>
      tpu.vector_store %arg10[%swap3A_712], %swap3A_715 {add = true, strides = array<i32>} : memref<768xf32, #tpu.memory_space<vmem>>, vector<16xf32>,
      %get3A_716 = arith.index_cast %while3A_458 : i32 to index
      %get3A_717 = arith.constant 512 : index
      %get3A_718 = tpu.vector_load %arg8[%get3A_716, %get3A_717] {strides = array<i32>} : memref<64x768xf32, #tpu.memory_space<vmem>>, vector<1x16xf32>,
      %get3A_719 = vector.shape_cast %get3A_718 : vector<1x16xf32> to vector<16xf32>
      %swap3A_720 = arith.constant 512 : index
      %swap3A_721 = tpu.vector_load %arg10[%swap3A_720] {strides = array<i32>} : memref<768xf32, #tpu.memory_space<vmem>>, vector<16xf32>,
      %swap3A_722 = vector.shape_cast %swap3A_721 : vector<16xf32> to vector<16xf32>
      %swap3A_723 = vector.shape_cast %get3A_719 : vector<16xf32> to vector<16xf32>
      tpu.vector_store %arg10[%swap3A_720], %swap3A_723 {add = true, strides = array<i32>} : memref<768xf32, #tpu.memory_space<vmem>>, vector<16xf32>,
      %get3A_724 = arith.index_cast %while3A_458 : i32 to index
      %get3A_725 = arith.constant 528 : index
      %get3A_726 = tpu.vector_load %arg8[%get3A_724, %get3A_725] {strides = array<i32>} : memref<64x768xf32, #tpu.memory_space<vmem>>, vector<1x16xf32>,
      %get3A_727 = vector.shape_cast %get3A_726 : vector<1x16xf32> to vector<16xf32>
      %swap3A_728 = arith.constant 528 : index
      %swap3A_729 = tpu.vector_load %arg10[%swap3A_728] {strides = array<i32>} : memref<768xf32, #tpu.memory_space<vmem>>, vector<16xf32>,
      %swap3A_730 = vector.shape_cast %swap3A_729 : vector<16xf32> to vector<16xf32>
      %swap3A_731 = vector.shape_cast %get3A_727 : vector<16xf32> to vector<16xf32>
      tpu.vector_store %arg10[%swap3A_728], %swap3A_731 {add = true, strides = array<i32>} : memref<768xf32, #tpu.memory_space<vmem>>, vector<16xf32>,
      %get3A_732 = arith.index_cast %while3A_458 : i32 to index
      %get3A_733 = arith.constant 544 : index
      %get3A_734 = tpu.vector_load %arg8[%get3A_732, %get3A_733] {strides = array<i32>} : memref<64x768xf32, #tpu.memory_space<vmem>>, vector<1x16xf32>,
      %get3A_735 = vector.shape_cast %get3A_734 : vector<1x16xf32> to vector<16xf32>
      %swap3A_736 = arith.constant 544 : index
      %swap3A_737 = tpu.vector_load %arg10[%swap3A_736] {strides = array<i32>} : memref<768xf32, #tpu.memory_space<vmem>>, vector<16xf32>,
      %swap3A_738 = vector.shape_cast %swap3A_737 : vector<16xf32> to vector<16xf32>
      %swap3A_739 = vector.shape_cast %get3A_735 : vector<16xf32> to vector<16xf32>
      tpu.vector_store %arg10[%swap3A_736], %swap3A_739 {add = true, strides = array<i32>} : memref<768xf32, #tpu.memory_space<vmem>>, vector<16xf32>,
      %get3A_740 = arith.index_cast %while3A_458 : i32 to index
      %get3A_741 = arith.constant 560 : index
      %get3A_742 = tpu.vector_load %arg8[%get3A_740, %get3A_741] {strides = array<i32>} : memref<64x768xf32, #tpu.memory_space<vmem>>, vector<1x16xf32>,
      %get3A_743 = vector.shape_cast %get3A_742 : vector<1x16xf32> to vector<16xf32>
      %swap3A_744 = arith.constant 560 : index
      %swap3A_745 = tpu.vector_load %arg10[%swap3A_744] {strides = array<i32>} : memref<768xf32, #tpu.memory_space<vmem>>, vector<16xf32>,
      %swap3A_746 = vector.shape_cast %swap3A_745 : vector<16xf32> to vector<16xf32>
      %swap3A_747 = vector.shape_cast %get3A_743 : vector<16xf32> to vector<16xf32>
      tpu.vector_store %arg10[%swap3A_744], %swap3A_747 {add = true, strides = array<i32>} : memref<768xf32, #tpu.memory_space<vmem>>, vector<16xf32>,
      %get3A_748 = arith.index_cast %while3A_458 : i32 to index
      %get3A_749 = arith.constant 576 : index
      %get3A_750 = tpu.vector_load %arg8[%get3A_748, %get3A_749] {strides = array<i32>} : memref<64x768xf32, #tpu.memory_space<vmem>>, vector<1x16xf32>,
      %get3A_751 = vector.shape_cast %get3A_750 : vector<1x16xf32> to vector<16xf32>
      %swap3A_752 = arith.constant 576 : index
      %swap3A_753 = tpu.vector_load %arg10[%swap3A_752] {strides = array<i32>} : memref<768xf32, #tpu.memory_space<vmem>>, vector<16xf32>,
      %swap3A_754 = vector.shape_cast %swap3A_753 : vector<16xf32> to vector<16xf32>
      %swap3A_755 = vector.shape_cast %get3A_751 : vector<16xf32> to vector<16xf32>
      tpu.vector_store %arg10[%swap3A_752], %swap3A_755 {add = true, strides = array<i32>} : memref<768xf32, #tpu.memory_space<vmem>>, vector<16xf32>,
      %get3A_756 = arith.index_cast %while3A_458 : i32 to index
      %get3A_757 = arith.constant 592 : index
      %get3A_758 = tpu.vector_load %arg8[%get3A_756, %get3A_757] {strides = array<i32>} : memref<64x768xf32, #tpu.memory_space<vmem>>, vector<1x16xf32>,
      %get3A_759 = vector.shape_cast %get3A_758 : vector<1x16xf32> to vector<16xf32>
      %swap3A_760 = arith.constant 592 : index
      %swap3A_761 = tpu.vector_load %arg10[%swap3A_760] {strides = array<i32>} : memref<768xf32, #tpu.memory_space<vmem>>, vector<16xf32>,
      %swap3A_762 = vector.shape_cast %swap3A_761 : vector<16xf32> to vector<16xf32>
      %swap3A_763 = vector.shape_cast %get3A_759 : vector<16xf32> to vector<16xf32>
      tpu.vector_store %arg10[%swap3A_760], %swap3A_763 {add = true, strides = array<i32>} : memref<768xf32, #tpu.memory_space<vmem>>, vector<16xf32>,
      %get3A_764 = arith.index_cast %while3A_458 : i32 to index
      %get3A_765 = arith.constant 608 : index
      %get3A_766 = tpu.vector_load %arg8[%get3A_764, %get3A_765] {strides = array<i32>} : memref<64x768xf32, #tpu.memory_space<vmem>>, vector<1x16xf32>,
      %get3A_767 = vector.shape_cast %get3A_766 : vector<1x16xf32> to vector<16xf32>
      %swap3A_768 = arith.constant 608 : index
      %swap3A_769 = tpu.vector_load %arg10[%swap3A_768] {strides = array<i32>} : memref<768xf32, #tpu.memory_space<vmem>>, vector<16xf32>,
      %swap3A_770 = vector.shape_cast %swap3A_769 : vector<16xf32> to vector<16xf32>
      %swap3A_771 = vector.shape_cast %get3A_767 : vector<16xf32> to vector<16xf32>
      tpu.vector_store %arg10[%swap3A_768], %swap3A_771 {add = true, strides = array<i32>} : memref<768xf32, #tpu.memory_space<vmem>>, vector<16xf32>,
      %get3A_772 = arith.index_cast %while3A_458 : i32 to index
      %get3A_773 = arith.constant 624 : index
      %get3A_774 = tpu.vector_load %arg8[%get3A_772, %get3A_773] {strides = array<i32>} : memref<64x768xf32, #tpu.memory_space<vmem>>, vector<1x16xf32>,
      %get3A_775 = vector.shape_cast %get3A_774 : vector<1x16xf32> to vector<16xf32>
      %swap3A_776 = arith.constant 624 : index
      %swap3A_777 = tpu.vector_load %arg10[%swap3A_776] {strides = array<i32>} : memref<768xf32, #tpu.memory_space<vmem>>, vector<16xf32>,
      %swap3A_778 = vector.shape_cast %swap3A_777 : vector<16xf32> to vector<16xf32>
      %swap3A_779 = vector.shape_cast %get3A_775 : vector<16xf32> to vector<16xf32>
      tpu.vector_store %arg10[%swap3A_776], %swap3A_779 {add = true, strides = array<i32>} : memref<768xf32, #tpu.memory_space<vmem>>, vector<16xf32>,
      %get3A_780 = arith.index_cast %while3A_458 : i32 to index
      %get3A_781 = arith.constant 640 : index
      %get3A_782 = tpu.vector_load %arg8[%get3A_780, %get3A_781] {strides = array<i32>} : memref<64x768xf32, #tpu.memory_space<vmem>>, vector<1x16xf32>,
      %get3A_783 = vector.shape_cast %get3A_782 : vector<1x16xf32> to vector<16xf32>
      %swap3A_784 = arith.constant 640 : index
      %swap3A_785 = tpu.vector_load %arg10[%swap3A_784] {strides = array<i32>} : memref<768xf32, #tpu.memory_space<vmem>>, vector<16xf32>,
      %swap3A_786 = vector.shape_cast %swap3A_785 : vector<16xf32> to vector<16xf32>
      %swap3A_787 = vector.shape_cast %get3A_783 : vector<16xf32> to vector<16xf32>
      tpu.vector_store %arg10[%swap3A_784], %swap3A_787 {add = true, strides = array<i32>} : memref<768xf32, #tpu.memory_space<vmem>>, vector<16xf32>,
      %get3A_788 = arith.index_cast %while3A_458 : i32 to index
      %get3A_789 = arith.constant 656 : index
      %get3A_790 = tpu.vector_load %arg8[%get3A_788, %get3A_789] {strides = array<i32>} : memref<64x768xf32, #tpu.memory_space<vmem>>, vector<1x16xf32>,
      %get3A_791 = vector.shape_cast %get3A_790 : vector<1x16xf32> to vector<16xf32>
      %swap3A_792 = arith.constant 656 : index
      %swap3A_793 = tpu.vector_load %arg10[%swap3A_792] {strides = array<i32>} : memref<768xf32, #tpu.memory_space<vmem>>, vector<16xf32>,
      %swap3A_794 = vector.shape_cast %swap3A_793 : vector<16xf32> to vector<16xf32>
      %swap3A_795 = vector.shape_cast %get3A_791 : vector<16xf32> to vector<16xf32>
      tpu.vector_store %arg10[%swap3A_792], %swap3A_795 {add = true, strides = array<i32>} : memref<768xf32, #tpu.memory_space<vmem>>, vector<16xf32>,
      %get3A_796 = arith.index_cast %while3A_458 : i32 to index
      %get3A_797 = arith.constant 672 : index
      %get3A_798 = tpu.vector_load %arg8[%get3A_796, %get3A_797] {strides = array<i32>} : memref<64x768xf32, #tpu.memory_space<vmem>>, vector<1x16xf32>,
      %get3A_799 = vector.shape_cast %get3A_798 : vector<1x16xf32> to vector<16xf32>
      %swap3A_800 = arith.constant 672 : index
      %swap3A_801 = tpu.vector_load %arg10[%swap3A_800] {strides = array<i32>} : memref<768xf32, #tpu.memory_space<vmem>>, vector<16xf32>,
      %swap3A_802 = vector.shape_cast %swap3A_801 : vector<16xf32> to vector<16xf32>
      %swap3A_803 = vector.shape_cast %get3A_799 : vector<16xf32> to vector<16xf32>
      tpu.vector_store %arg10[%swap3A_800], %swap3A_803 {add = true, strides = array<i32>} : memref<768xf32, #tpu.memory_space<vmem>>, vector<16xf32>,
      %get3A_804 = arith.index_cast %while3A_458 : i32 to index
      %get3A_805 = arith.constant 688 : index
      %get3A_806 = tpu.vector_load %arg8[%get3A_804, %get3A_805] {strides = array<i32>} : memref<64x768xf32, #tpu.memory_space<vmem>>, vector<1x16xf32>,
      %get3A_807 = vector.shape_cast %get3A_806 : vector<1x16xf32> to vector<16xf32>
      %swap3A_808 = arith.constant 688 : index
      %swap3A_809 = tpu.vector_load %arg10[%swap3A_808] {strides = array<i32>} : memref<768xf32, #tpu.memory_space<vmem>>, vector<16xf32>,
      %swap3A_810 = vector.shape_cast %swap3A_809 : vector<16xf32> to vector<16xf32>
      %swap3A_811 = vector.shape_cast %get3A_807 : vector<16xf32> to vector<16xf32>
      tpu.vector_store %arg10[%swap3A_808], %swap3A_811 {add = true, strides = array<i32>} : memref<768xf32, #tpu.memory_space<vmem>>, vector<16xf32>,
      %get3A_812 = arith.index_cast %while3A_458 : i32 to index
      %get3A_813 = arith.constant 704 : index
      %get3A_814 = tpu.vector_load %arg8[%get3A_812, %get3A_813] {strides = array<i32>} : memref<64x768xf32, #tpu.memory_space<vmem>>, vector<1x16xf32>,
      %get3A_815 = vector.shape_cast %get3A_814 : vector<1x16xf32> to vector<16xf32>
      %swap3A_816 = arith.constant 704 : index
      %swap3A_817 = tpu.vector_load %arg10[%swap3A_816] {strides = array<i32>} : memref<768xf32, #tpu.memory_space<vmem>>, vector<16xf32>,
      %swap3A_818 = vector.shape_cast %swap3A_817 : vector<16xf32> to vector<16xf32>
      %swap3A_819 = vector.shape_cast %get3A_815 : vector<16xf32> to vector<16xf32>
      tpu.vector_store %arg10[%swap3A_816], %swap3A_819 {add = true, strides = array<i32>} : memref<768xf32, #tpu.memory_space<vmem>>, vector<16xf32>,
      %get3A_820 = arith.index_cast %while3A_458 : i32 to index
      %get3A_821 = arith.constant 720 : index
      %get3A_822 = tpu.vector_load %arg8[%get3A_820, %get3A_821] {strides = array<i32>} : memref<64x768xf32, #tpu.memory_space<vmem>>, vector<1x16xf32>,
      %get3A_823 = vector.shape_cast %get3A_822 : vector<1x16xf32> to vector<16xf32>
      %swap3A_824 = arith.constant 720 : index
      %swap3A_825 = tpu.vector_load %arg10[%swap3A_824] {strides = array<i32>} : memref<768xf32, #tpu.memory_space<vmem>>, vector<16xf32>,
      %swap3A_826 = vector.shape_cast %swap3A_825 : vector<16xf32> to vector<16xf32>
      %swap3A_827 = vector.shape_cast %get3A_823 : vector<16xf32> to vector<16xf32>
      tpu.vector_store %arg10[%swap3A_824], %swap3A_827 {add = true, strides = array<i32>} : memref<768xf32, #tpu.memory_space<vmem>>, vector<16xf32>,
      %get3A_828 = arith.index_cast %while3A_458 : i32 to index
      %get3A_829 = arith.constant 736 : index
      %get3A_830 = tpu.vector_load %arg8[%get3A_828, %get3A_829] {strides = array<i32>} : memref<64x768xf32, #tpu.memory_space<vmem>>, vector<1x16xf32>,
      %get3A_831 = vector.shape_cast %get3A_830 : vector<1x16xf32> to vector<16xf32>
      %swap3A_832 = arith.constant 736 : index
      %swap3A_833 = tpu.vector_load %arg10[%swap3A_832] {strides = array<i32>} : memref<768xf32, #tpu.memory_space<vmem>>, vector<16xf32>,
      %swap3A_834 = vector.shape_cast %swap3A_833 : vector<16xf32> to vector<16xf32>
      %swap3A_835 = vector.shape_cast %get3A_831 : vector<16xf32> to vector<16xf32>
      tpu.vector_store %arg10[%swap3A_832], %swap3A_835 {add = true, strides = array<i32>} : memref<768xf32, #tpu.memory_space<vmem>>, vector<16xf32>,
      %get3A_836 = arith.index_cast %while3A_458 : i32 to index
      %get3A_837 = arith.constant 752 : index
      %get3A_838 = tpu.vector_load %arg8[%get3A_836, %get3A_837] {strides = array<i32>} : memref<64x768xf32, #tpu.memory_space<vmem>>, vector<1x16xf32>,
      %get3A_839 = vector.shape_cast %get3A_838 : vector<1x16xf32> to vector<16xf32>
      %swap3A_840 = arith.constant 752 : index
      %swap3A_841 = tpu.vector_load %arg10[%swap3A_840] {strides = array<i32>} : memref<768xf32, #tpu.memory_space<vmem>>, vector<16xf32>,
      %swap3A_842 = vector.shape_cast %swap3A_841 : vector<16xf32> to vector<16xf32>
      %swap3A_843 = vector.shape_cast %get3A_839 : vector<16xf32> to vector<16xf32>
      tpu.vector_store %arg10[%swap3A_840], %swap3A_843 {add = true, strides = array<i32>} : memref<768xf32, #tpu.memory_space<vmem>>, vector<16xf32>,
      %while3A_844 = arith.constant 0 : i32
      scf.yield %while3A_844 : i32
    }
    %while3A_386 = arith.constant 1 : i32
    %while3A_387 = scf.for %while3A_458 = %while3A_383 to %while3A_379 step %while3A_386 iter_args(%while3A_459 = %while3A_385) -> (i32)  : i32 {
      %get3A_460 = arith.index_cast %while3A_458 : i32 to index
      %get3A_461 = arith.constant 0 : index
      %get3A_462 = tpu.vector_load %arg8[%get3A_460, %get3A_461] {strides = array<i32>} : memref<64x768xf32, #tpu.memory_space<vmem>>, vector<1x16xf32>,
      %get3A_463 = vector.shape_cast %get3A_462 : vector<1x16xf32> to vector<16xf32>
      %swap3A_464 = arith.constant 0 : index
      %swap3A_465 = tpu.vector_load %arg10[%swap3A_464] {strides = array<i32>} : memref<768xf32, #tpu.memory_space<vmem>>, vector<16xf32>,
      %swap3A_466 = vector.shape_cast %swap3A_465 : vector<16xf32> to vector<16xf32>
      %swap3A_467 = vector.shape_cast %get3A_463 : vector<16xf32> to vector<16xf32>
      tpu.vector_store %arg10[%swap3A_464], %swap3A_467 {add = true, strides = array<i32>} : memref<768xf32, #tpu.memory_space<vmem>>, vector<16xf32>,
      %get3A_468 = arith.index_cast %while3A_458 : i32 to index
      %get3A_469 = arith.constant 16 : index
      %get3A_470 = tpu.vector_load %arg8[%get3A_468, %get3A_469] {strides = array<i32>} : memref<64x768xf32, #tpu.memory_space<vmem>>, vector<1x16xf32>,
      %get3A_471 = vector.shape_cast %get3A_470 : vector<1x16xf32> to vector<16xf32>
      %swap3A_472 = arith.constant 16 : index
      %swap3A_473 = tpu.vector_load %arg10[%swap3A_472] {strides = array<i32>} : memref<768xf32, #tpu.memory_space<vmem>>, vector<16xf32>,
      %swap3A_474 = vector.shape_cast %swap3A_473 : vector<16xf32> to vector<16xf32>
      %swap3A_475 = vector.shape_cast %get3A_471 : vector<16xf32> to vector<16xf32>
      tpu.vector_store %arg10[%swap3A_472], %swap3A_475 {add = true, strides = array<i32>} : memref<768xf32, #tpu.memory_space<vmem>>, vector<16xf32>,
      %get3A_476 = arith.index_cast %while3A_458 : i32 to index
      %get3A_477 = arith.constant 32 : index
      %get3A_478 = tpu.vector_load %arg8[%get3A_476, %get3A_477] {strides = array<i32>} : memref<64x768xf32, #tpu.memory_space<vmem>>, vector<1x16xf32>,
      %get3A_479 = vector.shape_cast %get3A_478 : vector<1x16xf32> to vector<16xf32>
      %swap3A_480 = arith.constant 32 : index
      %swap3A_481 = tpu.vector_load %arg10[%swap3A_480] {strides = array<i32>} : memref<768xf32, #tpu.memory_space<vmem>>, vector<16xf32>,
      %swap3A_482 = vector.shape_cast %swap3A_481 : vector<16xf32> to vector<16xf32>
      %swap3A_483 = vector.shape_cast %get3A_479 : vector<16xf32> to vector<16xf32>
      tpu.vector_store %arg10[%swap3A_480], %swap3A_483 {add = true, strides = array<i32>} : memref<768xf32, #tpu.memory_space<vmem>>, vector<16xf32>,
      %get3A_484 = arith.index_cast %while3A_458 : i32 to index
      %get3A_485 = arith.constant 48 : index
      %get3A_486 = tpu.vector_load %arg8[%get3A_484, %get3A_485] {strides = array<i32>} : memref<64x768xf32, #tpu.memory_space<vmem>>, vector<1x16xf32>,
      %get3A_487 = vector.shape_cast %get3A_486 : vector<1x16xf32> to vector<16xf32>
      %swap3A_488 = arith.constant 48 : index
      %swap3A_489 = tpu.vector_load %arg10[%swap3A_488] {strides = array<i32>} : memref<768xf32, #tpu.memory_space<vmem>>, vector<16xf32>,
      %swap3A_490 = vector.shape_cast %swap3A_489 : vector<16xf32> to vector<16xf32>
      %swap3A_491 = vector.shape_cast %get3A_487 : vector<16xf32> to vector<16xf32>
      tpu.vector_store %arg10[%swap3A_488], %swap3A_491 {add = true, strides = array<i32>} : memref<768xf32, #tpu.memory_space<vmem>>, vector<16xf32>,
      %get3A_492 = arith.index_cast %while3A_458 : i32 to index
      %get3A_493 = arith.constant 64 : index
      %get3A_494 = tpu.vector_load %arg8[%get3A_492, %get3A_493] {strides = array<i32>} : memref<64x768xf32, #tpu.memory_space<vmem>>, vector<1x16xf32>,
      %get3A_495 = vector.shape_cast %get3A_494 : vector<1x16xf32> to vector<16xf32>
      %swap3A_496 = arith.constant 64 : index
      %swap3A_497 = tpu.vector_load %arg10[%swap3A_496] {strides = array<i32>} : memref<768xf32, #tpu.memory_space<vmem>>, vector<16xf32>,
      %swap3A_498 = vector.shape_cast %swap3A_497 : vector<16xf32> to vector<16xf32>
      %swap3A_499 = vector.shape_cast %get3A_495 : vector<16xf32> to vector<16xf32>
      tpu.vector_store %arg10[%swap3A_496], %swap3A_499 {add = true, strides = array<i32>} : memref<768xf32, #tpu.memory_space<vmem>>, vector<16xf32>,
      %get3A_500 = arith.index_cast %while3A_458 : i32 to index
      %get3A_501 = arith.constant 80 : index
      %get3A_502 = tpu.vector_load %arg8[%get3A_500, %get3A_501] {strides = array<i32>} : memref<64x768xf32, #tpu.memory_space<vmem>>, vector<1x16xf32>,
      %get3A_503 = vector.shape_cast %get3A_502 : vector<1x16xf32> to vector<16xf32>
      %swap3A_504 = arith.constant 80 : index
      %swap3A_505 = tpu.vector_load %arg10[%swap3A_504] {strides = array<i32>} : memref<768xf32, #tpu.memory_space<vmem>>, vector<16xf32>,
      %swap3A_506 = vector.shape_cast %swap3A_505 : vector<16xf32> to vector<16xf32>
      %swap3A_507 = vector.shape_cast %get3A_503 : vector<16xf32> to vector<16xf32>
      tpu.vector_store %arg10[%swap3A_504], %swap3A_507 {add = true, strides = array<i32>} : memref<768xf32, #tpu.memory_space<vmem>>, vector<16xf32>,
      %get3A_508 = arith.index_cast %while3A_458 : i32 to index
      %get3A_509 = arith.constant 96 : index
      %get3A_510 = tpu.vector_load %arg8[%get3A_508, %get3A_509] {strides = array<i32>} : memref<64x768xf32, #tpu.memory_space<vmem>>, vector<1x16xf32>,
      %get3A_511 = vector.shape_cast %get3A_510 : vector<1x16xf32> to vector<16xf32>
      %swap3A_512 = arith.constant 96 : index
      %swap3A_513 = tpu.vector_load %arg10[%swap3A_512] {strides = array<i32>} : memref<768xf32, #tpu.memory_space<vmem>>, vector<16xf32>,
      %swap3A_514 = vector.shape_cast %swap3A_513 : vector<16xf32> to vector<16xf32>
      %swap3A_515 = vector.shape_cast %get3A_511 : vector<16xf32> to vector<16xf32>
      tpu.vector_store %arg10[%swap3A_512], %swap3A_515 {add = true, strides = array<i32>} : memref<768xf32, #tpu.memory_space<vmem>>, vector<16xf32>,
      %get3A_516 = arith.index_cast %while3A_458 : i32 to index
      %get3A_517 = arith.constant 112 : index
      %get3A_518 = tpu.vector_load %arg8[%get3A_516, %get3A_517] {strides = array<i32>} : memref<64x768xf32, #tpu.memory_space<vmem>>, vector<1x16xf32>,
      %get3A_519 = vector.shape_cast %get3A_518 : vector<1x16xf32> to vector<16xf32>
      %swap3A_520 = arith.constant 112 : index
      %swap3A_521 = tpu.vector_load %arg10[%swap3A_520] {strides = array<i32>} : memref<768xf32, #tpu.memory_space<vmem>>, vector<16xf32>,
      %swap3A_522 = vector.shape_cast %swap3A_521 : vector<16xf32> to vector<16xf32>
      %swap3A_523 = vector.shape_cast %get3A_519 : vector<16xf32> to vector<16xf32>
      tpu.vector_store %arg10[%swap3A_520], %swap3A_523 {add = true, strides = array<i32>} : memref<768xf32, #tpu.memory_space<vmem>>, vector<16xf32>,
      %get3A_524 = arith.index_cast %while3A_458 : i32 to index
      %get3A_525 = arith.constant 128 : index
      %get3A_526 = tpu.vector_load %arg8[%get3A_524, %get3A_525] {strides = array<i32>} : memref<64x768xf32, #tpu.memory_space<vmem>>, vector<1x16xf32>,
      %get3A_527 = vector.shape_cast %get3A_526 : vector<1x16xf32> to vector<16xf32>
      %swap3A_528 = arith.constant 128 : index
      %swap3A_529 = tpu.vector_load %arg10[%swap3A_528] {strides = array<i32>} : memref<768xf32, #tpu.memory_space<vmem>>, vector<16xf32>,
      %swap3A_530 = vector.shape_cast %swap3A_529 : vector<16xf32> to vector<16xf32>
      %swap3A_531 = vector.shape_cast %get3A_527 : vector<16xf32> to vector<16xf32>
      tpu.vector_store %arg10[%swap3A_528], %swap3A_531 {add = true, strides = array<i32>} : memref<768xf32, #tpu.memory_space<vmem>>, vector<16xf32>,
      %get3A_532 = arith.index_cast %while3A_458 : i32 to index
      %get3A_533 = arith.constant 144 : index
      %get3A_534 = tpu.vector_load %arg8[%get3A_532, %get3A_533] {strides = array<i32>} : memref<64x768xf32, #tpu.memory_space<vmem>>, vector<1x16xf32>,
      %get3A_535 = vector.shape_cast %get3A_534 : vector<1x16xf32> to vector<16xf32>
      %swap3A_536 = arith.constant 144 : index
      %swap3A_537 = tpu.vector_load %arg10[%swap3A_536] {strides = array<i32>} : memref<768xf32, #tpu.memory_space<vmem>>, vector<16xf32>,
      %swap3A_538 = vector.shape_cast %swap3A_537 : vector<16xf32> to vector<16xf32>
      %swap3A_539 = vector.shape_cast %get3A_535 : vector<16xf32> to vector<16xf32>
      tpu.vector_store %arg10[%swap3A_536], %swap3A_539 {add = true, strides = array<i32>} : memref<768xf32, #tpu.memory_space<vmem>>, vector<16xf32>,
      %get3A_540 = arith.index_cast %while3A_458 : i32 to index
      %get3A_541 = arith.constant 160 : index
      %get3A_542 = tpu.vector_load %arg8[%get3A_540, %get3A_541] {strides = array<i32>} : memref<64x768xf32, #tpu.memory_space<vmem>>, vector<1x16xf32>,
      %get3A_543 = vector.shape_cast %get3A_542 : vector<1x16xf32> to vector<16xf32>
      %swap3A_544 = arith.constant 160 : index
      %swap3A_545 = tpu.vector_load %arg10[%swap3A_544] {strides = array<i32>} : memref<768xf32, #tpu.memory_space<vmem>>, vector<16xf32>,
      %swap3A_546 = vector.shape_cast %swap3A_545 : vector<16xf32> to vector<16xf32>
      %swap3A_547 = vector.shape_cast %get3A_543 : vector<16xf32> to vector<16xf32>
      tpu.vector_store %arg10[%swap3A_544], %swap3A_547 {add = true, strides = array<i32>} : memref<768xf32, #tpu.memory_space<vmem>>, vector<16xf32>,
      %get3A_548 = arith.index_cast %while3A_458 : i32 to index
      %get3A_549 = arith.constant 176 : index
      %get3A_550 = tpu.vector_load %arg8[%get3A_548, %get3A_549] {strides = array<i32>} : memref<64x768xf32, #tpu.memory_space<vmem>>, vector<1x16xf32>,
      %get3A_551 = vector.shape_cast %get3A_550 : vector<1x16xf32> to vector<16xf32>
      %swap3A_552 = arith.constant 176 : index
      %swap3A_553 = tpu.vector_load %arg10[%swap3A_552] {strides = array<i32>} : memref<768xf32, #tpu.memory_space<vmem>>, vector<16xf32>,
      %swap3A_554 = vector.shape_cast %swap3A_553 : vector<16xf32> to vector<16xf32>
      %swap3A_555 = vector.shape_cast %get3A_551 : vector<16xf32> to vector<16xf32>
      tpu.vector_store %arg10[%swap3A_552], %swap3A_555 {add = true, strides = array<i32>} : memref<768xf32, #tpu.memory_space<vmem>>, vector<16xf32>,
      %get3A_556 = arith.index_cast %while3A_458 : i32 to index
      %get3A_557 = arith.constant 192 : index
      %get3A_558 = tpu.vector_load %arg8[%get3A_556, %get3A_557] {strides = array<i32>} : memref<64x768xf32, #tpu.memory_space<vmem>>, vector<1x16xf32>,
      %get3A_559 = vector.shape_cast %get3A_558 : vector<1x16xf32> to vector<16xf32>
      %swap3A_560 = arith.constant 192 : index
      %swap3A_561 = tpu.vector_load %arg10[%swap3A_560] {strides = array<i32>} : memref<768xf32, #tpu.memory_space<vmem>>, vector<16xf32>,
      %swap3A_562 = vector.shape_cast %swap3A_561 : vector<16xf32> to vector<16xf32>
      %swap3A_563 = vector.shape_cast %get3A_559 : vector<16xf32> to vector<16xf32>
      tpu.vector_store %arg10[%swap3A_560], %swap3A_563 {add = true, strides = array<i32>} : memref<768xf32, #tpu.memory_space<vmem>>, vector<16xf32>,
      %get3A_564 = arith.index_cast %while3A_458 : i32 to index
      %get3A_565 = arith.constant 208 : index
      %get3A_566 = tpu.vector_load %arg8[%get3A_564, %get3A_565] {strides = array<i32>} : memref<64x768xf32, #tpu.memory_space<vmem>>, vector<1x16xf32>,
      %get3A_567 = vector.shape_cast %get3A_566 : vector<1x16xf32> to vector<16xf32>
      %swap3A_568 = arith.constant 208 : index
      %swap3A_569 = tpu.vector_load %arg10[%swap3A_568] {strides = array<i32>} : memref<768xf32, #tpu.memory_space<vmem>>, vector<16xf32>,
      %swap3A_570 = vector.shape_cast %swap3A_569 : vector<16xf32> to vector<16xf32>
      %swap3A_571 = vector.shape_cast %get3A_567 : vector<16xf32> to vector<16xf32>
      tpu.vector_store %arg10[%swap3A_568], %swap3A_571 {add = true, strides = array<i32>} : memref<768xf32, #tpu.memory_space<vmem>>, vector<16xf32>,
      %get3A_572 = arith.index_cast %while3A_458 : i32 to index
      %get3A_573 = arith.constant 224 : index
      %get3A_574 = tpu.vector_load %arg8[%get3A_572, %get3A_573] {strides = array<i32>} : memref<64x768xf32, #tpu.memory_space<vmem>>, vector<1x16xf32>,
      %get3A_575 = vector.shape_cast %get3A_574 : vector<1x16xf32> to vector<16xf32>
      %swap3A_576 = arith.constant 224 : index
      %swap3A_577 = tpu.vector_load %arg10[%swap3A_576] {strides = array<i32>} : memref<768xf32, #tpu.memory_space<vmem>>, vector<16xf32>,
      %swap3A_578 = vector.shape_cast %swap3A_577 : vector<16xf32> to vector<16xf32>
      %swap3A_579 = vector.shape_cast %get3A_575 : vector<16xf32> to vector<16xf32>
      tpu.vector_store %arg10[%swap3A_576], %swap3A_579 {add = true, strides = array<i32>} : memref<768xf32, #tpu.memory_space<vmem>>, vector<16xf32>,
      %get3A_580 = arith.index_cast %while3A_458 : i32 to index
      %get3A_581 = arith.constant 240 : index
      %get3A_582 = tpu.vector_load %arg8[%get3A_580, %get3A_581] {strides = array<i32>} : memref<64x768xf32, #tpu.memory_space<vmem>>, vector<1x16xf32>,
      %get3A_583 = vector.shape_cast %get3A_582 : vector<1x16xf32> to vector<16xf32>
      %swap3A_584 = arith.constant 240 : index
      %swap3A_585 = tpu.vector_load %arg10[%swap3A_584] {strides = array<i32>} : memref<768xf32, #tpu.memory_space<vmem>>, vector<16xf32>,
      %swap3A_586 = vector.shape_cast %swap3A_585 : vector<16xf32> to vector<16xf32>
      %swap3A_587 = vector.shape_cast %get3A_583 : vector<16xf32> to vector<16xf32>
      tpu.vector_store %arg10[%swap3A_584], %swap3A_587 {add = true, strides = array<i32>} : memref<768xf32, #tpu.memory_space<vmem>>, vector<16xf32>,
      %get3A_588 = arith.index_cast %while3A_458 : i32 to index
      %get3A_589 = arith.constant 256 : index
      %get3A_590 = tpu.vector_load %arg8[%get3A_588, %get3A_589] {strides = array<i32>} : memref<64x768xf32, #tpu.memory_space<vmem>>, vector<1x16xf32>,
      %get3A_591 = vector.shape_cast %get3A_590 : vector<1x16xf32> to vector<16xf32>
      %swap3A_592 = arith.constant 256 : index
      %swap3A_593 = tpu.vector_load %arg10[%swap3A_592] {strides = array<i32>} : memref<768xf32, #tpu.memory_space<vmem>>, vector<16xf32>,
      %swap3A_594 = vector.shape_cast %swap3A_593 : vector<16xf32> to vector<16xf32>
      %swap3A_595 = vector.shape_cast %get3A_591 : vector<16xf32> to vector<16xf32>
      tpu.vector_store %arg10[%swap3A_592], %swap3A_595 {add = true, strides = array<i32>} : memref<768xf32, #tpu.memory_space<vmem>>, vector<16xf32>,
      %get3A_596 = arith.index_cast %while3A_458 : i32 to index
      %get3A_597 = arith.constant 272 : index
      %get3A_598 = tpu.vector_load %arg8[%get3A_596, %get3A_597] {strides = array<i32>} : memref<64x768xf32, #tpu.memory_space<vmem>>, vector<1x16xf32>,
      %get3A_599 = vector.shape_cast %get3A_598 : vector<1x16xf32> to vector<16xf32>
      %swap3A_600 = arith.constant 272 : index
      %swap3A_601 = tpu.vector_load %arg10[%swap3A_600] {strides = array<i32>} : memref<768xf32, #tpu.memory_space<vmem>>, vector<16xf32>,
      %swap3A_602 = vector.shape_cast %swap3A_601 : vector<16xf32> to vector<16xf32>
      %swap3A_603 = vector.shape_cast %get3A_599 : vector<16xf32> to vector<16xf32>
      tpu.vector_store %arg10[%swap3A_600], %swap3A_603 {add = true, strides = array<i32>} : memref<768xf32, #tpu.memory_space<vmem>>, vector<16xf32>,
      %get3A_604 = arith.index_cast %while3A_458 : i32 to index
      %get3A_605 = arith.constant 288 : index
      %get3A_606 = tpu.vector_load %arg8[%get3A_604, %get3A_605] {strides = array<i32>} : memref<64x768xf32, #tpu.memory_space<vmem>>, vector<1x16xf32>,
      %get3A_607 = vector.shape_cast %get3A_606 : vector<1x16xf32> to vector<16xf32>
      %swap3A_608 = arith.constant 288 : index
      %swap3A_609 = tpu.vector_load %arg10[%swap3A_608] {strides = array<i32>} : memref<768xf32, #tpu.memory_space<vmem>>, vector<16xf32>,
      %swap3A_610 = vector.shape_cast %swap3A_609 : vector<16xf32> to vector<16xf32>
      %swap3A_611 = vector.shape_cast %get3A_607 : vector<16xf32> to vector<16xf32>
      tpu.vector_store %arg10[%swap3A_608], %swap3A_611 {add = true, strides = array<i32>} : memref<768xf32, #tpu.memory_space<vmem>>, vector<16xf32>,
      %get3A_612 = arith.index_cast %while3A_458 : i32 to index
      %get3A_613 = arith.constant 304 : index
      %get3A_614 = tpu.vector_load %arg8[%get3A_612, %get3A_613] {strides = array<i32>} : memref<64x768xf32, #tpu.memory_space<vmem>>, vector<1x16xf32>,
      %get3A_615 = vector.shape_cast %get3A_614 : vector<1x16xf32> to vector<16xf32>
      %swap3A_616 = arith.constant 304 : index
      %swap3A_617 = tpu.vector_load %arg10[%swap3A_616] {strides = array<i32>} : memref<768xf32, #tpu.memory_space<vmem>>, vector<16xf32>,
      %swap3A_618 = vector.shape_cast %swap3A_617 : vector<16xf32> to vector<16xf32>
      %swap3A_619 = vector.shape_cast %get3A_615 : vector<16xf32> to vector<16xf32>
      tpu.vector_store %arg10[%swap3A_616], %swap3A_619 {add = true, strides = array<i32>} : memref<768xf32, #tpu.memory_space<vmem>>, vector<16xf32>,
      %get3A_620 = arith.index_cast %while3A_458 : i32 to index
      %get3A_621 = arith.constant 320 : index
      %get3A_622 = tpu.vector_load %arg8[%get3A_620, %get3A_621] {strides = array<i32>} : memref<64x768xf32, #tpu.memory_space<vmem>>, vector<1x16xf32>,
      %get3A_623 = vector.shape_cast %get3A_622 : vector<1x16xf32> to vector<16xf32>
      %swap3A_624 = arith.constant 320 : index
      %swap3A_625 = tpu.vector_load %arg10[%swap3A_624] {strides = array<i32>} : memref<768xf32, #tpu.memory_space<vmem>>, vector<16xf32>,
      %swap3A_626 = vector.shape_cast %swap3A_625 : vector<16xf32> to vector<16xf32>
      %swap3A_627 = vector.shape_cast %get3A_623 : vector<16xf32> to vector<16xf32>
      tpu.vector_store %arg10[%swap3A_624], %swap3A_627 {add = true, strides = array<i32>} : memref<768xf32, #tpu.memory_space<vmem>>, vector<16xf32>,
      %get3A_628 = arith.index_cast %while3A_458 : i32 to index
      %get3A_629 = arith.constant 336 : index
      %get3A_630 = tpu.vector_load %arg8[%get3A_628, %get3A_629] {strides = array<i32>} : memref<64x768xf32, #tpu.memory_space<vmem>>, vector<1x16xf32>,
      %get3A_631 = vector.shape_cast %get3A_630 : vector<1x16xf32> to vector<16xf32>
      %swap3A_632 = arith.constant 336 : index
      %swap3A_633 = tpu.vector_load %arg10[%swap3A_632] {strides = array<i32>} : memref<768xf32, #tpu.memory_space<vmem>>, vector<16xf32>,
      %swap3A_634 = vector.shape_cast %swap3A_633 : vector<16xf32> to vector<16xf32>
      %swap3A_635 = vector.shape_cast %get3A_631 : vector<16xf32> to vector<16xf32>
      tpu.vector_store %arg10[%swap3A_632], %swap3A_635 {add = true, strides = array<i32>} : memref<768xf32, #tpu.memory_space<vmem>>, vector<16xf32>,
      %get3A_636 = arith.index_cast %while3A_458 : i32 to index
      %get3A_637 = arith.constant 352 : index
      %get3A_638 = tpu.vector_load %arg8[%get3A_636, %get3A_637] {strides = array<i32>} : memref<64x768xf32, #tpu.memory_space<vmem>>, vector<1x16xf32>,
      %get3A_639 = vector.shape_cast %get3A_638 : vector<1x16xf32> to vector<16xf32>
      %swap3A_640 = arith.constant 352 : index
      %swap3A_641 = tpu.vector_load %arg10[%swap3A_640] {strides = array<i32>} : memref<768xf32, #tpu.memory_space<vmem>>, vector<16xf32>,
      %swap3A_642 = vector.shape_cast %swap3A_641 : vector<16xf32> to vector<16xf32>
      %swap3A_643 = vector.shape_cast %get3A_639 : vector<16xf32> to vector<16xf32>
      tpu.vector_store %arg10[%swap3A_640], %swap3A_643 {add = true, strides = array<i32>} : memref<768xf32, #tpu.memory_space<vmem>>, vector<16xf32>,
      %get3A_644 = arith.index_cast %while3A_458 : i32 to index
      %get3A_645 = arith.constant 368 : index
      %get3A_646 = tpu.vector_load %arg8[%get3A_644, %get3A_645] {strides = array<i32>} : memref<64x768xf32, #tpu.memory_space<vmem>>, vector<1x16xf32>,
      %get3A_647 = vector.shape_cast %get3A_646 : vector<1x16xf32> to vector<16xf32>
      %swap3A_648 = arith.constant 368 : index
      %swap3A_649 = tpu.vector_load %arg10[%swap3A_648] {strides = array<i32>} : memref<768xf32, #tpu.memory_space<vmem>>, vector<16xf32>,
      %swap3A_650 = vector.shape_cast %swap3A_649 : vector<16xf32> to vector<16xf32>
      %swap3A_651 = vector.shape_cast %get3A_647 : vector<16xf32> to vector<16xf32>
      tpu.vector_store %arg10[%swap3A_648], %swap3A_651 {add = true, strides = array<i32>} : memref<768xf32, #tpu.memory_space<vmem>>, vector<16xf32>,
      %get3A_652 = arith.index_cast %while3A_458 : i32 to index
      %get3A_653 = arith.constant 384 : index
      %get3A_654 = tpu.vector_load %arg8[%get3A_652, %get3A_653] {strides = array<i32>} : memref<64x768xf32, #tpu.memory_space<vmem>>, vector<1x16xf32>,
      %get3A_655 = vector.shape_cast %get3A_654 : vector<1x16xf32> to vector<16xf32>
      %swap3A_656 = arith.constant 384 : index
      %swap3A_657 = tpu.vector_load %arg10[%swap3A_656] {strides = array<i32>} : memref<768xf32, #tpu.memory_space<vmem>>, vector<16xf32>,
      %swap3A_658 = vector.shape_cast %swap3A_657 : vector<16xf32> to vector<16xf32>
      %swap3A_659 = vector.shape_cast %get3A_655 : vector<16xf32> to vector<16xf32>
      tpu.vector_store %arg10[%swap3A_656], %swap3A_659 {add = true, strides = array<i32>} : memref<768xf32, #tpu.memory_space<vmem>>, vector<16xf32>,
      %get3A_660 = arith.index_cast %while3A_458 : i32 to index
      %get3A_661 = arith.constant 400 : index
      %get3A_662 = tpu.vector_load %arg8[%get3A_660, %get3A_661] {strides = array<i32>} : memref<64x768xf32, #tpu.memory_space<vmem>>, vector<1x16xf32>,
      %get3A_663 = vector.shape_cast %get3A_662 : vector<1x16xf32> to vector<16xf32>
      %swap3A_664 = arith.constant 400 : index
      %swap3A_665 = tpu.vector_load %arg10[%swap3A_664] {strides = array<i32>} : memref<768xf32, #tpu.memory_space<vmem>>, vector<16xf32>,
      %swap3A_666 = vector.shape_cast %swap3A_665 : vector<16xf32> to vector<16xf32>
      %swap3A_667 = vector.shape_cast %get3A_663 : vector<16xf32> to vector<16xf32>
      tpu.vector_store %arg10[%swap3A_664], %swap3A_667 {add = true, strides = array<i32>} : memref<768xf32, #tpu.memory_space<vmem>>, vector<16xf32>,
      %get3A_668 = arith.index_cast %while3A_458 : i32 to index
      %get3A_669 = arith.constant 416 : index
      %get3A_670 = tpu.vector_load %arg8[%get3A_668, %get3A_669] {strides = array<i32>} : memref<64x768xf32, #tpu.memory_space<vmem>>, vector<1x16xf32>,
      %get3A_671 = vector.shape_cast %get3A_670 : vector<1x16xf32> to vector<16xf32>
      %swap3A_672 = arith.constant 416 : index
      %swap3A_673 = tpu.vector_load %arg10[%swap3A_672] {strides = array<i32>} : memref<768xf32, #tpu.memory_space<vmem>>, vector<16xf32>,
      %swap3A_674 = vector.shape_cast %swap3A_673 : vector<16xf32> to vector<16xf32>
      %swap3A_675 = vector.shape_cast %get3A_671 : vector<16xf32> to vector<16xf32>
      tpu.vector_store %arg10[%swap3A_672], %swap3A_675 {add = true, strides = array<i32>} : memref<768xf32, #tpu.memory_space<vmem>>, vector<16xf32>,
      %get3A_676 = arith.index_cast %while3A_458 : i32 to index
      %get3A_677 = arith.constant 432 : index
      %get3A_678 = tpu.vector_load %arg8[%get3A_676, %get3A_677] {strides = array<i32>} : memref<64x768xf32, #tpu.memory_space<vmem>>, vector<1x16xf32>,
      %get3A_679 = vector.shape_cast %get3A_678 : vector<1x16xf32> to vector<16xf32>
      %swap3A_680 = arith.constant 432 : index
      %swap3A_681 = tpu.vector_load %arg10[%swap3A_680] {strides = array<i32>} : memref<768xf32, #tpu.memory_space<vmem>>, vector<16xf32>,
      %swap3A_682 = vector.shape_cast %swap3A_681 : vector<16xf32> to vector<16xf32>
      %swap3A_683 = vector.shape_cast %get3A_679 : vector<16xf32> to vector<16xf32>
      tpu.vector_store %arg10[%swap3A_680], %swap3A_683 {add = true, strides = array<i32>} : memref<768xf32, #tpu.memory_space<vmem>>, vector<16xf32>,
      %get3A_684 = arith.index_cast %while3A_458 : i32 to index
      %get3A_685 = arith.constant 448 : index
      %get3A_686 = tpu.vector_load %arg8[%get3A_684, %get3A_685] {strides = array<i32>} : memref<64x768xf32, #tpu.memory_space<vmem>>, vector<1x16xf32>,
      %get3A_687 = vector.shape_cast %get3A_686 : vector<1x16xf32> to vector<16xf32>
      %swap3A_688 = arith.constant 448 : index
      %swap3A_689 = tpu.vector_load %arg10[%swap3A_688] {strides = array<i32>} : memref<768xf32, #tpu.memory_space<vmem>>, vector<16xf32>,
      %swap3A_690 = vector.shape_cast %swap3A_689 : vector<16xf32> to vector<16xf32>
      %swap3A_691 = vector.shape_cast %get3A_687 : vector<16xf32> to vector<16xf32>
      tpu.vector_store %arg10[%swap3A_688], %swap3A_691 {add = true, strides = array<i32>} : memref<768xf32, #tpu.memory_space<vmem>>, vector<16xf32>,
      %get3A_692 = arith.index_cast %while3A_458 : i32 to index
      %get3A_693 = arith.constant 464 : index
      %get3A_694 = tpu.vector_load %arg8[%get3A_692, %get3A_693] {strides = array<i32>} : memref<64x768xf32, #tpu.memory_space<vmem>>, vector<1x16xf32>,
      %get3A_695 = vector.shape_cast %get3A_694 : vector<1x16xf32> to vector<16xf32>
      %swap3A_696 = arith.constant 464 : index
      %swap3A_697 = tpu.vector_load %arg10[%swap3A_696] {strides = array<i32>} : memref<768xf32, #tpu.memory_space<vmem>>, vector<16xf32>,
      %swap3A_698 = vector.shape_cast %swap3A_697 : vector<16xf32> to vector<16xf32>
      %swap3A_699 = vector.shape_cast %get3A_695 : vector<16xf32> to vector<16xf32>
      tpu.vector_store %arg10[%swap3A_696], %swap3A_699 {add = true, strides = array<i32>} : memref<768xf32, #tpu.memory_space<vmem>>, vector<16xf32>,
      %get3A_700 = arith.index_cast %while3A_458 : i32 to index
      %get3A_701 = arith.constant 480 : index
      %get3A_702 = tpu.vector_load %arg8[%get3A_700, %get3A_701] {strides = array<i32>} : memref<64x768xf32, #tpu.memory_space<vmem>>, vector<1x16xf32>,
      %get3A_703 = vector.shape_cast %get3A_702 : vector<1x16xf32> to vector<16xf32>
      %swap3A_704 = arith.constant 480 : index
      %swap3A_705 = tpu.vector_load %arg10[%swap3A_704] {strides = array<i32>} : memref<768xf32, #tpu.memory_space<vmem>>, vector<16xf32>,
      %swap3A_706 = vector.shape_cast %swap3A_705 : vector<16xf32> to vector<16xf32>
      %swap3A_707 = vector.shape_cast %get3A_703 : vector<16xf32> to vector<16xf32>
      tpu.vector_store %arg10[%swap3A_704], %swap3A_707 {add = true, strides = array<i32>} : memref<768xf32, #tpu.memory_space<vmem>>, vector<16xf32>,
      %get3A_708 = arith.index_cast %while3A_458 : i32 to index
      %get3A_709 = arith.constant 496 : index
      %get3A_710 = tpu.vector_load %arg8[%get3A_708, %get3A_709] {strides = array<i32>} : memref<64x768xf32, #tpu.memory_space<vmem>>, vector<1x16xf32>,
      %get3A_711 = vector.shape_cast %get3A_710 : vector<1x16xf32> to vector<16xf32>
      %swap3A_712 = arith.constant 496 : index
      %swap3A_713 = tpu.vector_load %arg10[%swap3A_712] {strides = array<i32>} : memref<768xf32, #tpu.memory_space<vmem>>, vector<16xf32>,
      %swap3A_714 = vector.shape_cast %swap3A_713 : vector<16xf32> to vector<16xf32>
      %swap3A_715 = vector.shape_cast %get3A_711 : vector<16xf32> to vector<16xf32>
      tpu.vector_store %arg10[%swap3A_712], %swap3A_715 {add = true, strides = array<i32>} : memref<768xf32, #tpu.memory_space<vmem>>, vector<16xf32>,
      %get3A_716 = arith.index_cast %while3A_458 : i32 to index
      %get3A_717 = arith.constant 512 : index
      %get3A_718 = tpu.vector_load %arg8[%get3A_716, %get3A_717] {strides = array<i32>} : memref<64x768xf32, #tpu.memory_space<vmem>>, vector<1x16xf32>,
      %get3A_719 = vector.shape_cast %get3A_718 : vector<1x16xf32> to vector<16xf32>
      %swap3A_720 = arith.constant 512 : index
      %swap3A_721 = tpu.vector_load %arg10[%swap3A_720] {strides = array<i32>} : memref<768xf32, #tpu.memory_space<vmem>>, vector<16xf32>,
      %swap3A_722 = vector.shape_cast %swap3A_721 : vector<16xf32> to vector<16xf32>
      %swap3A_723 = vector.shape_cast %get3A_719 : vector<16xf32> to vector<16xf32>
      tpu.vector_store %arg10[%swap3A_720], %swap3A_723 {add = true, strides = array<i32>} : memref<768xf32, #tpu.memory_space<vmem>>, vector<16xf32>,
      %get3A_724 = arith.index_cast %while3A_458 : i32 to index
      %get3A_725 = arith.constant 528 : index
      %get3A_726 = tpu.vector_load %arg8[%get3A_724, %get3A_725] {strides = array<i32>} : memref<64x768xf32, #tpu.memory_space<vmem>>, vector<1x16xf32>,
      %get3A_727 = vector.shape_cast %get3A_726 : vector<1x16xf32> to vector<16xf32>
      %swap3A_728 = arith.constant 528 : index
      %swap3A_729 = tpu.vector_load %arg10[%swap3A_728] {strides = array<i32>} : memref<768xf32, #tpu.memory_space<vmem>>, vector<16xf32>,
      %swap3A_730 = vector.shape_cast %swap3A_729 : vector<16xf32> to vector<16xf32>
      %swap3A_731 = vector.shape_cast %get3A_727 : vector<16xf32> to vector<16xf32>
      tpu.vector_store %arg10[%swap3A_728], %swap3A_731 {add = true, strides = array<i32>} : memref<768xf32, #tpu.memory_space<vmem>>, vector<16xf32>,
      %get3A_732 = arith.index_cast %while3A_458 : i32 to index
      %get3A_733 = arith.constant 544 : index
      %get3A_734 = tpu.vector_load %arg8[%get3A_732, %get3A_733] {strides = array<i32>} : memref<64x768xf32, #tpu.memory_space<vmem>>, vector<1x16xf32>,
      %get3A_735 = vector.shape_cast %get3A_734 : vector<1x16xf32> to vector<16xf32>
      %swap3A_736 = arith.constant 544 : index
      %swap3A_737 = tpu.vector_load %arg10[%swap3A_736] {strides = array<i32>} : memref<768xf32, #tpu.memory_space<vmem>>, vector<16xf32>,
      %swap3A_738 = vector.shape_cast %swap3A_737 : vector<16xf32> to vector<16xf32>
      %swap3A_739 = vector.shape_cast %get3A_735 : vector<16xf32> to vector<16xf32>
      tpu.vector_store %arg10[%swap3A_736], %swap3A_739 {add = true, strides = array<i32>} : memref<768xf32, #tpu.memory_space<vmem>>, vector<16xf32>,
      %get3A_740 = arith.index_cast %while3A_458 : i32 to index
      %get3A_741 = arith.constant 560 : index
      %get3A_742 = tpu.vector_load %arg8[%get3A_740, %get3A_741] {strides = array<i32>} : memref<64x768xf32, #tpu.memory_space<vmem>>, vector<1x16xf32>,
      %get3A_743 = vector.shape_cast %get3A_742 : vector<1x16xf32> to vector<16xf32>
      %swap3A_744 = arith.constant 560 : index
      %swap3A_745 = tpu.vector_load %arg10[%swap3A_744] {strides = array<i32>} : memref<768xf32, #tpu.memory_space<vmem>>, vector<16xf32>,
      %swap3A_746 = vector.shape_cast %swap3A_745 : vector<16xf32> to vector<16xf32>
      %swap3A_747 = vector.shape_cast %get3A_743 : vector<16xf32> to vector<16xf32>
      tpu.vector_store %arg10[%swap3A_744], %swap3A_747 {add = true, strides = array<i32>} : memref<768xf32, #tpu.memory_space<vmem>>, vector<16xf32>,
      %get3A_748 = arith.index_cast %while3A_458 : i32 to index
      %get3A_749 = arith.constant 576 : index
      %get3A_750 = tpu.vector_load %arg8[%get3A_748, %get3A_749] {strides = array<i32>} : memref<64x768xf32, #tpu.memory_space<vmem>>, vector<1x16xf32>,
      %get3A_751 = vector.shape_cast %get3A_750 : vector<1x16xf32> to vector<16xf32>
      %swap3A_752 = arith.constant 576 : index
      %swap3A_753 = tpu.vector_load %arg10[%swap3A_752] {strides = array<i32>} : memref<768xf32, #tpu.memory_space<vmem>>, vector<16xf32>,
      %swap3A_754 = vector.shape_cast %swap3A_753 : vector<16xf32> to vector<16xf32>
      %swap3A_755 = vector.shape_cast %get3A_751 : vector<16xf32> to vector<16xf32>
      tpu.vector_store %arg10[%swap3A_752], %swap3A_755 {add = true, strides = array<i32>} : memref<768xf32, #tpu.memory_space<vmem>>, vector<16xf32>,
      %get3A_756 = arith.index_cast %while3A_458 : i32 to index
      %get3A_757 = arith.constant 592 : index
      %get3A_758 = tpu.vector_load %arg8[%get3A_756, %get3A_757] {strides = array<i32>} : memref<64x768xf32, #tpu.memory_space<vmem>>, vector<1x16xf32>,
      %get3A_759 = vector.shape_cast %get3A_758 : vector<1x16xf32> to vector<16xf32>
      %swap3A_760 = arith.constant 592 : index
      %swap3A_761 = tpu.vector_load %arg10[%swap3A_760] {strides = array<i32>} : memref<768xf32, #tpu.memory_space<vmem>>, vector<16xf32>,
      %swap3A_762 = vector.shape_cast %swap3A_761 : vector<16xf32> to vector<16xf32>
      %swap3A_763 = vector.shape_cast %get3A_759 : vector<16xf32> to vector<16xf32>
      tpu.vector_store %arg10[%swap3A_760], %swap3A_763 {add = true, strides = array<i32>} : memref<768xf32, #tpu.memory_space<vmem>>, vector<16xf32>,
      %get3A_764 = arith.index_cast %while3A_458 : i32 to index
      %get3A_765 = arith.constant 608 : index
      %get3A_766 = tpu.vector_load %arg8[%get3A_764, %get3A_765] {strides = array<i32>} : memref<64x768xf32, #tpu.memory_space<vmem>>, vector<1x16xf32>,
      %get3A_767 = vector.shape_cast %get3A_766 : vector<1x16xf32> to vector<16xf32>
      %swap3A_768 = arith.constant 608 : index
      %swap3A_769 = tpu.vector_load %arg10[%swap3A_768] {strides = array<i32>} : memref<768xf32, #tpu.memory_space<vmem>>, vector<16xf32>,
      %swap3A_770 = vector.shape_cast %swap3A_769 : vector<16xf32> to vector<16xf32>
      %swap3A_771 = vector.shape_cast %get3A_767 : vector<16xf32> to vector<16xf32>
      tpu.vector_store %arg10[%swap3A_768], %swap3A_771 {add = true, strides = array<i32>} : memref<768xf32, #tpu.memory_space<vmem>>, vector<16xf32>,
      %get3A_772 = arith.index_cast %while3A_458 : i32 to index
      %get3A_773 = arith.constant 624 : index
      %get3A_774 = tpu.vector_load %arg8[%get3A_772, %get3A_773] {strides = array<i32>} : memref<64x768xf32, #tpu.memory_space<vmem>>, vector<1x16xf32>,
      %get3A_775 = vector.shape_cast %get3A_774 : vector<1x16xf32> to vector<16xf32>
      %swap3A_776 = arith.constant 624 : index
      %swap3A_777 = tpu.vector_load %arg10[%swap3A_776] {strides = array<i32>} : memref<768xf32, #tpu.memory_space<vmem>>, vector<16xf32>,
      %swap3A_778 = vector.shape_cast %swap3A_777 : vector<16xf32> to vector<16xf32>
      %swap3A_779 = vector.shape_cast %get3A_775 : vector<16xf32> to vector<16xf32>
      tpu.vector_store %arg10[%swap3A_776], %swap3A_779 {add = true, strides = array<i32>} : memref<768xf32, #tpu.memory_space<vmem>>, vector<16xf32>,
      %get3A_780 = arith.index_cast %while3A_458 : i32 to index
      %get3A_781 = arith.constant 640 : index
      %get3A_782 = tpu.vector_load %arg8[%get3A_780, %get3A_781] {strides = array<i32>} : memref<64x768xf32, #tpu.memory_space<vmem>>, vector<1x16xf32>,
      %get3A_783 = vector.shape_cast %get3A_782 : vector<1x16xf32> to vector<16xf32>
      %swap3A_784 = arith.constant 640 : index
      %swap3A_785 = tpu.vector_load %arg10[%swap3A_784] {strides = array<i32>} : memref<768xf32, #tpu.memory_space<vmem>>, vector<16xf32>,
      %swap3A_786 = vector.shape_cast %swap3A_785 : vector<16xf32> to vector<16xf32>
      %swap3A_787 = vector.shape_cast %get3A_783 : vector<16xf32> to vector<16xf32>
      tpu.vector_store %arg10[%swap3A_784], %swap3A_787 {add = true, strides = array<i32>} : memref<768xf32, #tpu.memory_space<vmem>>, vector<16xf32>,
      %get3A_788 = arith.index_cast %while3A_458 : i32 to index
      %get3A_789 = arith.constant 656 : index
      %get3A_790 = tpu.vector_load %arg8[%get3A_788, %get3A_789] {strides = array<i32>} : memref<64x768xf32, #tpu.memory_space<vmem>>, vector<1x16xf32>,
      %get3A_791 = vector.shape_cast %get3A_790 : vector<1x16xf32> to vector<16xf32>
      %swap3A_792 = arith.constant 656 : index
      %swap3A_793 = tpu.vector_load %arg10[%swap3A_792] {strides = array<i32>} : memref<768xf32, #tpu.memory_space<vmem>>, vector<16xf32>,
      %swap3A_794 = vector.shape_cast %swap3A_793 : vector<16xf32> to vector<16xf32>
      %swap3A_795 = vector.shape_cast %get3A_791 : vector<16xf32> to vector<16xf32>
      tpu.vector_store %arg10[%swap3A_792], %swap3A_795 {add = true, strides = array<i32>} : memref<768xf32, #tpu.memory_space<vmem>>, vector<16xf32>,
      %get3A_796 = arith.index_cast %while3A_458 : i32 to index
      %get3A_797 = arith.constant 672 : index
      %get3A_798 = tpu.vector_load %arg8[%get3A_796, %get3A_797] {strides = array<i32>} : memref<64x768xf32, #tpu.memory_space<vmem>>, vector<1x16xf32>,
      %get3A_799 = vector.shape_cast %get3A_798 : vector<1x16xf32> to vector<16xf32>
      %swap3A_800 = arith.constant 672 : index
      %swap3A_801 = tpu.vector_load %arg10[%swap3A_800] {strides = array<i32>} : memref<768xf32, #tpu.memory_space<vmem>>, vector<16xf32>,
      %swap3A_802 = vector.shape_cast %swap3A_801 : vector<16xf32> to vector<16xf32>
      %swap3A_803 = vector.shape_cast %get3A_799 : vector<16xf32> to vector<16xf32>
      tpu.vector_store %arg10[%swap3A_800], %swap3A_803 {add = true, strides = array<i32>} : memref<768xf32, #tpu.memory_space<vmem>>, vector<16xf32>,
      %get3A_804 = arith.index_cast %while3A_458 : i32 to index
      %get3A_805 = arith.constant 688 : index
      %get3A_806 = tpu.vector_load %arg8[%get3A_804, %get3A_805] {strides = array<i32>} : memref<64x768xf32, #tpu.memory_space<vmem>>, vector<1x16xf32>,
      %get3A_807 = vector.shape_cast %get3A_806 : vector<1x16xf32> to vector<16xf32>
      %swap3A_808 = arith.constant 688 : index
      %swap3A_809 = tpu.vector_load %arg10[%swap3A_808] {strides = array<i32>} : memref<768xf32, #tpu.memory_space<vmem>>, vector<16xf32>,
      %swap3A_810 = vector.shape_cast %swap3A_809 : vector<16xf32> to vector<16xf32>
      %swap3A_811 = vector.shape_cast %get3A_807 : vector<16xf32> to vector<16xf32>
      tpu.vector_store %arg10[%swap3A_808], %swap3A_811 {add = true, strides = array<i32>} : memref<768xf32, #tpu.memory_space<vmem>>, vector<16xf32>,
      %get3A_812 = arith.index_cast %while3A_458 : i32 to index
      %get3A_813 = arith.constant 704 : index
      %get3A_814 = tpu.vector_load %arg8[%get3A_812, %get3A_813] {strides = array<i32>} : memref<64x768xf32, #tpu.memory_space<vmem>>, vector<1x16xf32>,
      %get3A_815 = vector.shape_cast %get3A_814 : vector<1x16xf32> to vector<16xf32>
      %swap3A_816 = arith.constant 704 : index
      %swap3A_817 = tpu.vector_load %arg10[%swap3A_816] {strides = array<i32>} : memref<768xf32, #tpu.memory_space<vmem>>, vector<16xf32>,
      %swap3A_818 = vector.shape_cast %swap3A_817 : vector<16xf32> to vector<16xf32>
      %swap3A_819 = vector.shape_cast %get3A_815 : vector<16xf32> to vector<16xf32>
      tpu.vector_store %arg10[%swap3A_816], %swap3A_819 {add = true, strides = array<i32>} : memref<768xf32, #tpu.memory_space<vmem>>, vector<16xf32>,
      %get3A_820 = arith.index_cast %while3A_458 : i32 to index
      %get3A_821 = arith.constant 720 : index
      %get3A_822 = tpu.vector_load %arg8[%get3A_820, %get3A_821] {strides = array<i32>} : memref<64x768xf32, #tpu.memory_space<vmem>>, vector<1x16xf32>,
      %get3A_823 = vector.shape_cast %get3A_822 : vector<1x16xf32> to vector<16xf32>
      %swap3A_824 = arith.constant 720 : index
      %swap3A_825 = tpu.vector_load %arg10[%swap3A_824] {strides = array<i32>} : memref<768xf32, #tpu.memory_space<vmem>>, vector<16xf32>,
      %swap3A_826 = vector.shape_cast %swap3A_825 : vector<16xf32> to vector<16xf32>
      %swap3A_827 = vector.shape_cast %get3A_823 : vector<16xf32> to vector<16xf32>
      tpu.vector_store %arg10[%swap3A_824], %swap3A_827 {add = true, strides = array<i32>} : memref<768xf32, #tpu.memory_space<vmem>>, vector<16xf32>,
      %get3A_828 = arith.index_cast %while3A_458 : i32 to index
      %get3A_829 = arith.constant 736 : index
      %get3A_830 = tpu.vector_load %arg8[%get3A_828, %get3A_829] {strides = array<i32>} : memref<64x768xf32, #tpu.memory_space<vmem>>, vector<1x16xf32>,
      %get3A_831 = vector.shape_cast %get3A_830 : vector<1x16xf32> to vector<16xf32>
      %swap3A_832 = arith.constant 736 : index
      %swap3A_833 = tpu.vector_load %arg10[%swap3A_832] {strides = array<i32>} : memref<768xf32, #tpu.memory_space<vmem>>, vector<16xf32>,
      %swap3A_834 = vector.shape_cast %swap3A_833 : vector<16xf32> to vector<16xf32>
      %swap3A_835 = vector.shape_cast %get3A_831 : vector<16xf32> to vector<16xf32>
      tpu.vector_store %arg10[%swap3A_832], %swap3A_835 {add = true, strides = array<i32>} : memref<768xf32, #tpu.memory_space<vmem>>, vector<16xf32>,
      %get3A_836 = arith.index_cast %while3A_458 : i32 to index
      %get3A_837 = arith.constant 752 : index
      %get3A_838 = tpu.vector_load %arg8[%get3A_836, %get3A_837] {strides = array<i32>} : memref<64x768xf32, #tpu.memory_space<vmem>>, vector<1x16xf32>,
      %get3A_839 = vector.shape_cast %get3A_838 : vector<1x16xf32> to vector<16xf32>
      %swap3A_840 = arith.constant 752 : index
      %swap3A_841 = tpu.vector_load %arg10[%swap3A_840] {strides = array<i32>} : memref<768xf32, #tpu.memory_space<vmem>>, vector<16xf32>,
      %swap3A_842 = vector.shape_cast %swap3A_841 : vector<16xf32> to vector<16xf32>
      %swap3A_843 = vector.shape_cast %get3A_839 : vector<16xf32> to vector<16xf32>
      tpu.vector_store %arg10[%swap3A_840], %swap3A_843 {add = true, strides = array<i32>} : memref<768xf32, #tpu.memory_space<vmem>>, vector<16xf32>,
      %while3A_844 = arith.constant 0 : i32
      scf.yield %while3A_844 : i32
    }
    %dma_start3A_388 = arith.constant 2 : i32
    %dma_start3A_389 = arith.constant 0 : i32
    %dma_start3A_390 = tpu.memref_slice %arg7[%dma_start3A_388, %dma_start3A_389] : memref<4x64xi32, #tpu.memory_space<vmem>> -> memref<1x64xi32, #tpu.memory_space<vmem>>
    %dma_start3A_391 = tpu.memref_squeeze %dma_start3A_390 : memref<1x64xi32, #tpu.memory_space<vmem>> -> memref<64xi32, #tpu.memory_space<vmem>>
    %dma_start3A_392 = arith.constant 0 : i32
    %dma_start3A_393 = arith.constant 0 : i32
    %dma_start3A_394 = tpu.memref_slice %arg4[%dma_start3A_392, %dma_start3A_393] : memref<30522x768xf32, #tpu.memory_space<hbm>> -> memref<30522x768xf32, #tpu.memory_space<hbm>>
    tpu.enqueue_indirect_dma source(%dma_start3A_394 : memref<30522x768xf32, #tpu.memory_space<hbm>>) target(%arg8 : memref<64x768xf32, #tpu.memory_space<vmem>>) offsets(%dma_start3A_391 : memref<64xi32, #tpu.memory_space<vmem>>) semaphore(%arg11 : memref<!tpu.dma_semaphore, #tpu.memory_space<semaphore_mem>>)
    %dma_wait3A_395 = arith.constant 2 : i32
    %dma_wait3A_396 = arith.constant 0 : i32
    %dma_wait3A_397 = tpu.memref_slice %arg7[%dma_wait3A_395, %dma_wait3A_396] : memref<4x64xi32, #tpu.memory_space<vmem>> -> memref<1x64xi32, #tpu.memory_space<vmem>>
    %dma_wait3A_398 = tpu.memref_squeeze %dma_wait3A_397 : memref<1x64xi32, #tpu.memory_space<vmem>> -> memref<64xi32, #tpu.memory_space<vmem>>
    %dma_wait3A_399 = arith.constant 0 : i32
    %dma_wait3A_400 = arith.constant 0 : i32
    %dma_wait3A_401 = tpu.memref_slice %arg4[%dma_wait3A_399, %dma_wait3A_400] : memref<30522x768xf32, #tpu.memory_space<hbm>> -> memref<30522x768xf32, #tpu.memory_space<hbm>>
    tpu.wait_indirect_dma semaphore(%arg11 : memref<!tpu.dma_semaphore, #tpu.memory_space<semaphore_mem>>) src(%dma_wait3A_401 : memref<30522x768xf32, #tpu.memory_space<hbm>>) dst(%arg8 : memref<64x768xf32, #tpu.memory_space<vmem>>)
    %add3A_402 = arith.constant 128 : i32
    %add3A_403 = arith.addi %mul3A_2, %add3A_402 : i32
    "tpu.region"() ({
      %run_scoped3A = tpu.sem_alloc : memref<!tpu.dma_semaphore, #tpu.memory_space<semaphore_mem>>
      %dma_start3A_458 = arith.constant 0 : i32
      %dma_start3A_459 = tpu.memref_slice %arg5[%add3A_403, %dma_start3A_458] : memref<8192x768xf32, #tpu.memory_space<hbm>> -> memref<64x768xf32, #tpu.memory_space<hbm>>
      %dma_start3A_460 = arith.constant 0 : i32
      %dma_start3A_461 = tpu.memref_slice %arg5[%add3A_403, %dma_start3A_460] : memref<8192x768xf32, #tpu.memory_space<hbm>> -> memref<64x768xf32, #tpu.memory_space<hbm>>
      tpu.enqueue_dma source(%arg8 : memref<64x768xf32, #tpu.memory_space<vmem>>) target(%dma_start3A_461 : memref<64x768xf32, #tpu.memory_space<hbm>>) target_semaphore(%run_scoped3A : memref<!tpu.dma_semaphore, #tpu.memory_space<semaphore_mem>>)
      %dma_wait3A_462 = arith.constant 0 : i32
      %dma_wait3A_463 = tpu.memref_slice %arg5[%add3A_403, %dma_wait3A_462] : memref<8192x768xf32, #tpu.memory_space<hbm>> -> memref<64x768xf32, #tpu.memory_space<hbm>>
      %dma_wait3A_464 = arith.constant 0 : i32
      %dma_wait3A_465 = tpu.memref_slice %arg5[%add3A_403, %dma_wait3A_464] : memref<8192x768xf32, #tpu.memory_space<hbm>> -> memref<64x768xf32, #tpu.memory_space<hbm>>
      tpu.wait_dma2 semaphore(%run_scoped3A : memref<!tpu.dma_semaphore, #tpu.memory_space<semaphore_mem>>) src(%arg8 : memref<64x768xf32, #tpu.memory_space<vmem>>) dst(%dma_wait3A_465 : memref<64x768xf32, #tpu.memory_space<hbm>>)
      tpu.yield
    }) : () -> ()
    %add3A_404 = arith.constant 128 : i32
    %add3A_405 = arith.addi %mul3A_34, %add3A_404 : i32
    %sub3A_406 = arith.subi %squeeze3A, %add3A_405 : i32
    %jit3A_407 = arith.constant 0 : i32
    %jit3A_408 = arith.constant 64 : i32
    %max3A_409 = arith.maxsi %jit3A_407, %sub3A_406 : i32
    %min3A_410 = arith.minsi %jit3A_408, %max3A_409 : i32
    %while3A_411 = arith.constant 0 : i32
    %while3A_412 = arith.constant 0 : i32
    %while3A_413 = arith.subi %min3A_410, %while3A_411 : i32
    %while3A_414 = arith.addi %while3A_411, %while3A_413 : i32
    %while3A_415 = arith.constant 1 : i32
    %while3A_416 = arith.divsi %while3A_413, %while3A_415 : i32
    %while3A_417 = arith.muli %while3A_416, %while3A_415 : i32
    %while3A_418 = arith.addi %while3A_411, %while3A_417 : i32
    %while3A_419 = arith.constant 1 : i32
    %while3A_420 = scf.for %while3A_458 = %while3A_411 to %while3A_418 step %while3A_419 iter_args(%while3A_459 = %while3A_412) -> (i32)  : i32 {
      %get3A_460 = arith.index_cast %while3A_458 : i32 to index
      %get3A_461 = arith.constant 0 : index
      %get3A_462 = tpu.vector_load %arg8[%get3A_460, %get3A_461] {strides = array<i32>} : memref<64x768xf32, #tpu.memory_space<vmem>>, vector<1x16xf32>,
      %get3A_463 = vector.shape_cast %get3A_462 : vector<1x16xf32> to vector<16xf32>
      %swap3A_464 = arith.constant 0 : index
      %swap3A_465 = tpu.vector_load %arg10[%swap3A_464] {strides = array<i32>} : memref<768xf32, #tpu.memory_space<vmem>>, vector<16xf32>,
      %swap3A_466 = vector.shape_cast %swap3A_465 : vector<16xf32> to vector<16xf32>
      %swap3A_467 = vector.shape_cast %get3A_463 : vector<16xf32> to vector<16xf32>
      tpu.vector_store %arg10[%swap3A_464], %swap3A_467 {add = true, strides = array<i32>} : memref<768xf32, #tpu.memory_space<vmem>>, vector<16xf32>,
      %get3A_468 = arith.index_cast %while3A_458 : i32 to index
      %get3A_469 = arith.constant 16 : index
      %get3A_470 = tpu.vector_load %arg8[%get3A_468, %get3A_469] {strides = array<i32>} : memref<64x768xf32, #tpu.memory_space<vmem>>, vector<1x16xf32>,
      %get3A_471 = vector.shape_cast %get3A_470 : vector<1x16xf32> to vector<16xf32>
      %swap3A_472 = arith.constant 16 : index
      %swap3A_473 = tpu.vector_load %arg10[%swap3A_472] {strides = array<i32>} : memref<768xf32, #tpu.memory_space<vmem>>, vector<16xf32>,
      %swap3A_474 = vector.shape_cast %swap3A_473 : vector<16xf32> to vector<16xf32>
      %swap3A_475 = vector.shape_cast %get3A_471 : vector<16xf32> to vector<16xf32>
      tpu.vector_store %arg10[%swap3A_472], %swap3A_475 {add = true, strides = array<i32>} : memref<768xf32, #tpu.memory_space<vmem>>, vector<16xf32>,
      %get3A_476 = arith.index_cast %while3A_458 : i32 to index
      %get3A_477 = arith.constant 32 : index
      %get3A_478 = tpu.vector_load %arg8[%get3A_476, %get3A_477] {strides = array<i32>} : memref<64x768xf32, #tpu.memory_space<vmem>>, vector<1x16xf32>,
      %get3A_479 = vector.shape_cast %get3A_478 : vector<1x16xf32> to vector<16xf32>
      %swap3A_480 = arith.constant 32 : index
      %swap3A_481 = tpu.vector_load %arg10[%swap3A_480] {strides = array<i32>} : memref<768xf32, #tpu.memory_space<vmem>>, vector<16xf32>,
      %swap3A_482 = vector.shape_cast %swap3A_481 : vector<16xf32> to vector<16xf32>
      %swap3A_483 = vector.shape_cast %get3A_479 : vector<16xf32> to vector<16xf32>
      tpu.vector_store %arg10[%swap3A_480], %swap3A_483 {add = true, strides = array<i32>} : memref<768xf32, #tpu.memory_space<vmem>>, vector<16xf32>,
      %get3A_484 = arith.index_cast %while3A_458 : i32 to index
      %get3A_485 = arith.constant 48 : index
      %get3A_486 = tpu.vector_load %arg8[%get3A_484, %get3A_485] {strides = array<i32>} : memref<64x768xf32, #tpu.memory_space<vmem>>, vector<1x16xf32>,
      %get3A_487 = vector.shape_cast %get3A_486 : vector<1x16xf32> to vector<16xf32>
      %swap3A_488 = arith.constant 48 : index
      %swap3A_489 = tpu.vector_load %arg10[%swap3A_488] {strides = array<i32>} : memref<768xf32, #tpu.memory_space<vmem>>, vector<16xf32>,
      %swap3A_490 = vector.shape_cast %swap3A_489 : vector<16xf32> to vector<16xf32>
      %swap3A_491 = vector.shape_cast %get3A_487 : vector<16xf32> to vector<16xf32>
      tpu.vector_store %arg10[%swap3A_488], %swap3A_491 {add = true, strides = array<i32>} : memref<768xf32, #tpu.memory_space<vmem>>, vector<16xf32>,
      %get3A_492 = arith.index_cast %while3A_458 : i32 to index
      %get3A_493 = arith.constant 64 : index
      %get3A_494 = tpu.vector_load %arg8[%get3A_492, %get3A_493] {strides = array<i32>} : memref<64x768xf32, #tpu.memory_space<vmem>>, vector<1x16xf32>,
      %get3A_495 = vector.shape_cast %get3A_494 : vector<1x16xf32> to vector<16xf32>
      %swap3A_496 = arith.constant 64 : index
      %swap3A_497 = tpu.vector_load %arg10[%swap3A_496] {strides = array<i32>} : memref<768xf32, #tpu.memory_space<vmem>>, vector<16xf32>,
      %swap3A_498 = vector.shape_cast %swap3A_497 : vector<16xf32> to vector<16xf32>
      %swap3A_499 = vector.shape_cast %get3A_495 : vector<16xf32> to vector<16xf32>
      tpu.vector_store %arg10[%swap3A_496], %swap3A_499 {add = true, strides = array<i32>} : memref<768xf32, #tpu.memory_space<vmem>>, vector<16xf32>,
      %get3A_500 = arith.index_cast %while3A_458 : i32 to index
      %get3A_501 = arith.constant 80 : index
      %get3A_502 = tpu.vector_load %arg8[%get3A_500, %get3A_501] {strides = array<i32>} : memref<64x768xf32, #tpu.memory_space<vmem>>, vector<1x16xf32>,
      %get3A_503 = vector.shape_cast %get3A_502 : vector<1x16xf32> to vector<16xf32>
      %swap3A_504 = arith.constant 80 : index
      %swap3A_505 = tpu.vector_load %arg10[%swap3A_504] {strides = array<i32>} : memref<768xf32, #tpu.memory_space<vmem>>, vector<16xf32>,
      %swap3A_506 = vector.shape_cast %swap3A_505 : vector<16xf32> to vector<16xf32>
      %swap3A_507 = vector.shape_cast %get3A_503 : vector<16xf32> to vector<16xf32>
      tpu.vector_store %arg10[%swap3A_504], %swap3A_507 {add = true, strides = array<i32>} : memref<768xf32, #tpu.memory_space<vmem>>, vector<16xf32>,
      %get3A_508 = arith.index_cast %while3A_458 : i32 to index
      %get3A_509 = arith.constant 96 : index
      %get3A_510 = tpu.vector_load %arg8[%get3A_508, %get3A_509] {strides = array<i32>} : memref<64x768xf32, #tpu.memory_space<vmem>>, vector<1x16xf32>,
      %get3A_511 = vector.shape_cast %get3A_510 : vector<1x16xf32> to vector<16xf32>
      %swap3A_512 = arith.constant 96 : index
      %swap3A_513 = tpu.vector_load %arg10[%swap3A_512] {strides = array<i32>} : memref<768xf32, #tpu.memory_space<vmem>>, vector<16xf32>,
      %swap3A_514 = vector.shape_cast %swap3A_513 : vector<16xf32> to vector<16xf32>
      %swap3A_515 = vector.shape_cast %get3A_511 : vector<16xf32> to vector<16xf32>
      tpu.vector_store %arg10[%swap3A_512], %swap3A_515 {add = true, strides = array<i32>} : memref<768xf32, #tpu.memory_space<vmem>>, vector<16xf32>,
      %get3A_516 = arith.index_cast %while3A_458 : i32 to index
      %get3A_517 = arith.constant 112 : index
      %get3A_518 = tpu.vector_load %arg8[%get3A_516, %get3A_517] {strides = array<i32>} : memref<64x768xf32, #tpu.memory_space<vmem>>, vector<1x16xf32>,
      %get3A_519 = vector.shape_cast %get3A_518 : vector<1x16xf32> to vector<16xf32>
      %swap3A_520 = arith.constant 112 : index
      %swap3A_521 = tpu.vector_load %arg10[%swap3A_520] {strides = array<i32>} : memref<768xf32, #tpu.memory_space<vmem>>, vector<16xf32>,
      %swap3A_522 = vector.shape_cast %swap3A_521 : vector<16xf32> to vector<16xf32>
      %swap3A_523 = vector.shape_cast %get3A_519 : vector<16xf32> to vector<16xf32>
      tpu.vector_store %arg10[%swap3A_520], %swap3A_523 {add = true, strides = array<i32>} : memref<768xf32, #tpu.memory_space<vmem>>, vector<16xf32>,
      %get3A_524 = arith.index_cast %while3A_458 : i32 to index
      %get3A_525 = arith.constant 128 : index
      %get3A_526 = tpu.vector_load %arg8[%get3A_524, %get3A_525] {strides = array<i32>} : memref<64x768xf32, #tpu.memory_space<vmem>>, vector<1x16xf32>,
      %get3A_527 = vector.shape_cast %get3A_526 : vector<1x16xf32> to vector<16xf32>
      %swap3A_528 = arith.constant 128 : index
      %swap3A_529 = tpu.vector_load %arg10[%swap3A_528] {strides = array<i32>} : memref<768xf32, #tpu.memory_space<vmem>>, vector<16xf32>,
      %swap3A_530 = vector.shape_cast %swap3A_529 : vector<16xf32> to vector<16xf32>
      %swap3A_531 = vector.shape_cast %get3A_527 : vector<16xf32> to vector<16xf32>
      tpu.vector_store %arg10[%swap3A_528], %swap3A_531 {add = true, strides = array<i32>} : memref<768xf32, #tpu.memory_space<vmem>>, vector<16xf32>,
      %get3A_532 = arith.index_cast %while3A_458 : i32 to index
      %get3A_533 = arith.constant 144 : index
      %get3A_534 = tpu.vector_load %arg8[%get3A_532, %get3A_533] {strides = array<i32>} : memref<64x768xf32, #tpu.memory_space<vmem>>, vector<1x16xf32>,
      %get3A_535 = vector.shape_cast %get3A_534 : vector<1x16xf32> to vector<16xf32>
      %swap3A_536 = arith.constant 144 : index
      %swap3A_537 = tpu.vector_load %arg10[%swap3A_536] {strides = array<i32>} : memref<768xf32, #tpu.memory_space<vmem>>, vector<16xf32>,
      %swap3A_538 = vector.shape_cast %swap3A_537 : vector<16xf32> to vector<16xf32>
      %swap3A_539 = vector.shape_cast %get3A_535 : vector<16xf32> to vector<16xf32>
      tpu.vector_store %arg10[%swap3A_536], %swap3A_539 {add = true, strides = array<i32>} : memref<768xf32, #tpu.memory_space<vmem>>, vector<16xf32>,
      %get3A_540 = arith.index_cast %while3A_458 : i32 to index
      %get3A_541 = arith.constant 160 : index
      %get3A_542 = tpu.vector_load %arg8[%get3A_540, %get3A_541] {strides = array<i32>} : memref<64x768xf32, #tpu.memory_space<vmem>>, vector<1x16xf32>,
      %get3A_543 = vector.shape_cast %get3A_542 : vector<1x16xf32> to vector<16xf32>
      %swap3A_544 = arith.constant 160 : index
      %swap3A_545 = tpu.vector_load %arg10[%swap3A_544] {strides = array<i32>} : memref<768xf32, #tpu.memory_space<vmem>>, vector<16xf32>,
      %swap3A_546 = vector.shape_cast %swap3A_545 : vector<16xf32> to vector<16xf32>
      %swap3A_547 = vector.shape_cast %get3A_543 : vector<16xf32> to vector<16xf32>
      tpu.vector_store %arg10[%swap3A_544], %swap3A_547 {add = true, strides = array<i32>} : memref<768xf32, #tpu.memory_space<vmem>>, vector<16xf32>,
      %get3A_548 = arith.index_cast %while3A_458 : i32 to index
      %get3A_549 = arith.constant 176 : index
      %get3A_550 = tpu.vector_load %arg8[%get3A_548, %get3A_549] {strides = array<i32>} : memref<64x768xf32, #tpu.memory_space<vmem>>, vector<1x16xf32>,
      %get3A_551 = vector.shape_cast %get3A_550 : vector<1x16xf32> to vector<16xf32>
      %swap3A_552 = arith.constant 176 : index
      %swap3A_553 = tpu.vector_load %arg10[%swap3A_552] {strides = array<i32>} : memref<768xf32, #tpu.memory_space<vmem>>, vector<16xf32>,
      %swap3A_554 = vector.shape_cast %swap3A_553 : vector<16xf32> to vector<16xf32>
      %swap3A_555 = vector.shape_cast %get3A_551 : vector<16xf32> to vector<16xf32>
      tpu.vector_store %arg10[%swap3A_552], %swap3A_555 {add = true, strides = array<i32>} : memref<768xf32, #tpu.memory_space<vmem>>, vector<16xf32>,
      %get3A_556 = arith.index_cast %while3A_458 : i32 to index
      %get3A_557 = arith.constant 192 : index
      %get3A_558 = tpu.vector_load %arg8[%get3A_556, %get3A_557] {strides = array<i32>} : memref<64x768xf32, #tpu.memory_space<vmem>>, vector<1x16xf32>,
      %get3A_559 = vector.shape_cast %get3A_558 : vector<1x16xf32> to vector<16xf32>
      %swap3A_560 = arith.constant 192 : index
      %swap3A_561 = tpu.vector_load %arg10[%swap3A_560] {strides = array<i32>} : memref<768xf32, #tpu.memory_space<vmem>>, vector<16xf32>,
      %swap3A_562 = vector.shape_cast %swap3A_561 : vector<16xf32> to vector<16xf32>
      %swap3A_563 = vector.shape_cast %get3A_559 : vector<16xf32> to vector<16xf32>
      tpu.vector_store %arg10[%swap3A_560], %swap3A_563 {add = true, strides = array<i32>} : memref<768xf32, #tpu.memory_space<vmem>>, vector<16xf32>,
      %get3A_564 = arith.index_cast %while3A_458 : i32 to index
      %get3A_565 = arith.constant 208 : index
      %get3A_566 = tpu.vector_load %arg8[%get3A_564, %get3A_565] {strides = array<i32>} : memref<64x768xf32, #tpu.memory_space<vmem>>, vector<1x16xf32>,
      %get3A_567 = vector.shape_cast %get3A_566 : vector<1x16xf32> to vector<16xf32>
      %swap3A_568 = arith.constant 208 : index
      %swap3A_569 = tpu.vector_load %arg10[%swap3A_568] {strides = array<i32>} : memref<768xf32, #tpu.memory_space<vmem>>, vector<16xf32>,
      %swap3A_570 = vector.shape_cast %swap3A_569 : vector<16xf32> to vector<16xf32>
      %swap3A_571 = vector.shape_cast %get3A_567 : vector<16xf32> to vector<16xf32>
      tpu.vector_store %arg10[%swap3A_568], %swap3A_571 {add = true, strides = array<i32>} : memref<768xf32, #tpu.memory_space<vmem>>, vector<16xf32>,
      %get3A_572 = arith.index_cast %while3A_458 : i32 to index
      %get3A_573 = arith.constant 224 : index
      %get3A_574 = tpu.vector_load %arg8[%get3A_572, %get3A_573] {strides = array<i32>} : memref<64x768xf32, #tpu.memory_space<vmem>>, vector<1x16xf32>,
      %get3A_575 = vector.shape_cast %get3A_574 : vector<1x16xf32> to vector<16xf32>
      %swap3A_576 = arith.constant 224 : index
      %swap3A_577 = tpu.vector_load %arg10[%swap3A_576] {strides = array<i32>} : memref<768xf32, #tpu.memory_space<vmem>>, vector<16xf32>,
      %swap3A_578 = vector.shape_cast %swap3A_577 : vector<16xf32> to vector<16xf32>
      %swap3A_579 = vector.shape_cast %get3A_575 : vector<16xf32> to vector<16xf32>
      tpu.vector_store %arg10[%swap3A_576], %swap3A_579 {add = true, strides = array<i32>} : memref<768xf32, #tpu.memory_space<vmem>>, vector<16xf32>,
      %get3A_580 = arith.index_cast %while3A_458 : i32 to index
      %get3A_581 = arith.constant 240 : index
      %get3A_582 = tpu.vector_load %arg8[%get3A_580, %get3A_581] {strides = array<i32>} : memref<64x768xf32, #tpu.memory_space<vmem>>, vector<1x16xf32>,
      %get3A_583 = vector.shape_cast %get3A_582 : vector<1x16xf32> to vector<16xf32>
      %swap3A_584 = arith.constant 240 : index
      %swap3A_585 = tpu.vector_load %arg10[%swap3A_584] {strides = array<i32>} : memref<768xf32, #tpu.memory_space<vmem>>, vector<16xf32>,
      %swap3A_586 = vector.shape_cast %swap3A_585 : vector<16xf32> to vector<16xf32>
      %swap3A_587 = vector.shape_cast %get3A_583 : vector<16xf32> to vector<16xf32>
      tpu.vector_store %arg10[%swap3A_584], %swap3A_587 {add = true, strides = array<i32>} : memref<768xf32, #tpu.memory_space<vmem>>, vector<16xf32>,
      %get3A_588 = arith.index_cast %while3A_458 : i32 to index
      %get3A_589 = arith.constant 256 : index
      %get3A_590 = tpu.vector_load %arg8[%get3A_588, %get3A_589] {strides = array<i32>} : memref<64x768xf32, #tpu.memory_space<vmem>>, vector<1x16xf32>,
      %get3A_591 = vector.shape_cast %get3A_590 : vector<1x16xf32> to vector<16xf32>
      %swap3A_592 = arith.constant 256 : index
      %swap3A_593 = tpu.vector_load %arg10[%swap3A_592] {strides = array<i32>} : memref<768xf32, #tpu.memory_space<vmem>>, vector<16xf32>,
      %swap3A_594 = vector.shape_cast %swap3A_593 : vector<16xf32> to vector<16xf32>
      %swap3A_595 = vector.shape_cast %get3A_591 : vector<16xf32> to vector<16xf32>
      tpu.vector_store %arg10[%swap3A_592], %swap3A_595 {add = true, strides = array<i32>} : memref<768xf32, #tpu.memory_space<vmem>>, vector<16xf32>,
      %get3A_596 = arith.index_cast %while3A_458 : i32 to index
      %get3A_597 = arith.constant 272 : index
      %get3A_598 = tpu.vector_load %arg8[%get3A_596, %get3A_597] {strides = array<i32>} : memref<64x768xf32, #tpu.memory_space<vmem>>, vector<1x16xf32>,
      %get3A_599 = vector.shape_cast %get3A_598 : vector<1x16xf32> to vector<16xf32>
      %swap3A_600 = arith.constant 272 : index
      %swap3A_601 = tpu.vector_load %arg10[%swap3A_600] {strides = array<i32>} : memref<768xf32, #tpu.memory_space<vmem>>, vector<16xf32>,
      %swap3A_602 = vector.shape_cast %swap3A_601 : vector<16xf32> to vector<16xf32>
      %swap3A_603 = vector.shape_cast %get3A_599 : vector<16xf32> to vector<16xf32>
      tpu.vector_store %arg10[%swap3A_600], %swap3A_603 {add = true, strides = array<i32>} : memref<768xf32, #tpu.memory_space<vmem>>, vector<16xf32>,
      %get3A_604 = arith.index_cast %while3A_458 : i32 to index
      %get3A_605 = arith.constant 288 : index
      %get3A_606 = tpu.vector_load %arg8[%get3A_604, %get3A_605] {strides = array<i32>} : memref<64x768xf32, #tpu.memory_space<vmem>>, vector<1x16xf32>,
      %get3A_607 = vector.shape_cast %get3A_606 : vector<1x16xf32> to vector<16xf32>
      %swap3A_608 = arith.constant 288 : index
      %swap3A_609 = tpu.vector_load %arg10[%swap3A_608] {strides = array<i32>} : memref<768xf32, #tpu.memory_space<vmem>>, vector<16xf32>,
      %swap3A_610 = vector.shape_cast %swap3A_609 : vector<16xf32> to vector<16xf32>
      %swap3A_611 = vector.shape_cast %get3A_607 : vector<16xf32> to vector<16xf32>
      tpu.vector_store %arg10[%swap3A_608], %swap3A_611 {add = true, strides = array<i32>} : memref<768xf32, #tpu.memory_space<vmem>>, vector<16xf32>,
      %get3A_612 = arith.index_cast %while3A_458 : i32 to index
      %get3A_613 = arith.constant 304 : index
      %get3A_614 = tpu.vector_load %arg8[%get3A_612, %get3A_613] {strides = array<i32>} : memref<64x768xf32, #tpu.memory_space<vmem>>, vector<1x16xf32>,
      %get3A_615 = vector.shape_cast %get3A_614 : vector<1x16xf32> to vector<16xf32>
      %swap3A_616 = arith.constant 304 : index
      %swap3A_617 = tpu.vector_load %arg10[%swap3A_616] {strides = array<i32>} : memref<768xf32, #tpu.memory_space<vmem>>, vector<16xf32>,
      %swap3A_618 = vector.shape_cast %swap3A_617 : vector<16xf32> to vector<16xf32>
      %swap3A_619 = vector.shape_cast %get3A_615 : vector<16xf32> to vector<16xf32>
      tpu.vector_store %arg10[%swap3A_616], %swap3A_619 {add = true, strides = array<i32>} : memref<768xf32, #tpu.memory_space<vmem>>, vector<16xf32>,
      %get3A_620 = arith.index_cast %while3A_458 : i32 to index
      %get3A_621 = arith.constant 320 : index
      %get3A_622 = tpu.vector_load %arg8[%get3A_620, %get3A_621] {strides = array<i32>} : memref<64x768xf32, #tpu.memory_space<vmem>>, vector<1x16xf32>,
      %get3A_623 = vector.shape_cast %get3A_622 : vector<1x16xf32> to vector<16xf32>
      %swap3A_624 = arith.constant 320 : index
      %swap3A_625 = tpu.vector_load %arg10[%swap3A_624] {strides = array<i32>} : memref<768xf32, #tpu.memory_space<vmem>>, vector<16xf32>,
      %swap3A_626 = vector.shape_cast %swap3A_625 : vector<16xf32> to vector<16xf32>
      %swap3A_627 = vector.shape_cast %get3A_623 : vector<16xf32> to vector<16xf32>
      tpu.vector_store %arg10[%swap3A_624], %swap3A_627 {add = true, strides = array<i32>} : memref<768xf32, #tpu.memory_space<vmem>>, vector<16xf32>,
      %get3A_628 = arith.index_cast %while3A_458 : i32 to index
      %get3A_629 = arith.constant 336 : index
      %get3A_630 = tpu.vector_load %arg8[%get3A_628, %get3A_629] {strides = array<i32>} : memref<64x768xf32, #tpu.memory_space<vmem>>, vector<1x16xf32>,
      %get3A_631 = vector.shape_cast %get3A_630 : vector<1x16xf32> to vector<16xf32>
      %swap3A_632 = arith.constant 336 : index
      %swap3A_633 = tpu.vector_load %arg10[%swap3A_632] {strides = array<i32>} : memref<768xf32, #tpu.memory_space<vmem>>, vector<16xf32>,
      %swap3A_634 = vector.shape_cast %swap3A_633 : vector<16xf32> to vector<16xf32>
      %swap3A_635 = vector.shape_cast %get3A_631 : vector<16xf32> to vector<16xf32>
      tpu.vector_store %arg10[%swap3A_632], %swap3A_635 {add = true, strides = array<i32>} : memref<768xf32, #tpu.memory_space<vmem>>, vector<16xf32>,
      %get3A_636 = arith.index_cast %while3A_458 : i32 to index
      %get3A_637 = arith.constant 352 : index
      %get3A_638 = tpu.vector_load %arg8[%get3A_636, %get3A_637] {strides = array<i32>} : memref<64x768xf32, #tpu.memory_space<vmem>>, vector<1x16xf32>,
      %get3A_639 = vector.shape_cast %get3A_638 : vector<1x16xf32> to vector<16xf32>
      %swap3A_640 = arith.constant 352 : index
      %swap3A_641 = tpu.vector_load %arg10[%swap3A_640] {strides = array<i32>} : memref<768xf32, #tpu.memory_space<vmem>>, vector<16xf32>,
      %swap3A_642 = vector.shape_cast %swap3A_641 : vector<16xf32> to vector<16xf32>
      %swap3A_643 = vector.shape_cast %get3A_639 : vector<16xf32> to vector<16xf32>
      tpu.vector_store %arg10[%swap3A_640], %swap3A_643 {add = true, strides = array<i32>} : memref<768xf32, #tpu.memory_space<vmem>>, vector<16xf32>,
      %get3A_644 = arith.index_cast %while3A_458 : i32 to index
      %get3A_645 = arith.constant 368 : index
      %get3A_646 = tpu.vector_load %arg8[%get3A_644, %get3A_645] {strides = array<i32>} : memref<64x768xf32, #tpu.memory_space<vmem>>, vector<1x16xf32>,
      %get3A_647 = vector.shape_cast %get3A_646 : vector<1x16xf32> to vector<16xf32>
      %swap3A_648 = arith.constant 368 : index
      %swap3A_649 = tpu.vector_load %arg10[%swap3A_648] {strides = array<i32>} : memref<768xf32, #tpu.memory_space<vmem>>, vector<16xf32>,
      %swap3A_650 = vector.shape_cast %swap3A_649 : vector<16xf32> to vector<16xf32>
      %swap3A_651 = vector.shape_cast %get3A_647 : vector<16xf32> to vector<16xf32>
      tpu.vector_store %arg10[%swap3A_648], %swap3A_651 {add = true, strides = array<i32>} : memref<768xf32, #tpu.memory_space<vmem>>, vector<16xf32>,
      %get3A_652 = arith.index_cast %while3A_458 : i32 to index
      %get3A_653 = arith.constant 384 : index
      %get3A_654 = tpu.vector_load %arg8[%get3A_652, %get3A_653] {strides = array<i32>} : memref<64x768xf32, #tpu.memory_space<vmem>>, vector<1x16xf32>,
      %get3A_655 = vector.shape_cast %get3A_654 : vector<1x16xf32> to vector<16xf32>
      %swap3A_656 = arith.constant 384 : index
      %swap3A_657 = tpu.vector_load %arg10[%swap3A_656] {strides = array<i32>} : memref<768xf32, #tpu.memory_space<vmem>>, vector<16xf32>,
      %swap3A_658 = vector.shape_cast %swap3A_657 : vector<16xf32> to vector<16xf32>
      %swap3A_659 = vector.shape_cast %get3A_655 : vector<16xf32> to vector<16xf32>
      tpu.vector_store %arg10[%swap3A_656], %swap3A_659 {add = true, strides = array<i32>} : memref<768xf32, #tpu.memory_space<vmem>>, vector<16xf32>,
      %get3A_660 = arith.index_cast %while3A_458 : i32 to index
      %get3A_661 = arith.constant 400 : index
      %get3A_662 = tpu.vector_load %arg8[%get3A_660, %get3A_661] {strides = array<i32>} : memref<64x768xf32, #tpu.memory_space<vmem>>, vector<1x16xf32>,
      %get3A_663 = vector.shape_cast %get3A_662 : vector<1x16xf32> to vector<16xf32>
      %swap3A_664 = arith.constant 400 : index
      %swap3A_665 = tpu.vector_load %arg10[%swap3A_664] {strides = array<i32>} : memref<768xf32, #tpu.memory_space<vmem>>, vector<16xf32>,
      %swap3A_666 = vector.shape_cast %swap3A_665 : vector<16xf32> to vector<16xf32>
      %swap3A_667 = vector.shape_cast %get3A_663 : vector<16xf32> to vector<16xf32>
      tpu.vector_store %arg10[%swap3A_664], %swap3A_667 {add = true, strides = array<i32>} : memref<768xf32, #tpu.memory_space<vmem>>, vector<16xf32>,
      %get3A_668 = arith.index_cast %while3A_458 : i32 to index
      %get3A_669 = arith.constant 416 : index
      %get3A_670 = tpu.vector_load %arg8[%get3A_668, %get3A_669] {strides = array<i32>} : memref<64x768xf32, #tpu.memory_space<vmem>>, vector<1x16xf32>,
      %get3A_671 = vector.shape_cast %get3A_670 : vector<1x16xf32> to vector<16xf32>
      %swap3A_672 = arith.constant 416 : index
      %swap3A_673 = tpu.vector_load %arg10[%swap3A_672] {strides = array<i32>} : memref<768xf32, #tpu.memory_space<vmem>>, vector<16xf32>,
      %swap3A_674 = vector.shape_cast %swap3A_673 : vector<16xf32> to vector<16xf32>
      %swap3A_675 = vector.shape_cast %get3A_671 : vector<16xf32> to vector<16xf32>
      tpu.vector_store %arg10[%swap3A_672], %swap3A_675 {add = true, strides = array<i32>} : memref<768xf32, #tpu.memory_space<vmem>>, vector<16xf32>,
      %get3A_676 = arith.index_cast %while3A_458 : i32 to index
      %get3A_677 = arith.constant 432 : index
      %get3A_678 = tpu.vector_load %arg8[%get3A_676, %get3A_677] {strides = array<i32>} : memref<64x768xf32, #tpu.memory_space<vmem>>, vector<1x16xf32>,
      %get3A_679 = vector.shape_cast %get3A_678 : vector<1x16xf32> to vector<16xf32>
      %swap3A_680 = arith.constant 432 : index
      %swap3A_681 = tpu.vector_load %arg10[%swap3A_680] {strides = array<i32>} : memref<768xf32, #tpu.memory_space<vmem>>, vector<16xf32>,
      %swap3A_682 = vector.shape_cast %swap3A_681 : vector<16xf32> to vector<16xf32>
      %swap3A_683 = vector.shape_cast %get3A_679 : vector<16xf32> to vector<16xf32>
      tpu.vector_store %arg10[%swap3A_680], %swap3A_683 {add = true, strides = array<i32>} : memref<768xf32, #tpu.memory_space<vmem>>, vector<16xf32>,
      %get3A_684 = arith.index_cast %while3A_458 : i32 to index
      %get3A_685 = arith.constant 448 : index
      %get3A_686 = tpu.vector_load %arg8[%get3A_684, %get3A_685] {strides = array<i32>} : memref<64x768xf32, #tpu.memory_space<vmem>>, vector<1x16xf32>,
      %get3A_687 = vector.shape_cast %get3A_686 : vector<1x16xf32> to vector<16xf32>
      %swap3A_688 = arith.constant 448 : index
      %swap3A_689 = tpu.vector_load %arg10[%swap3A_688] {strides = array<i32>} : memref<768xf32, #tpu.memory_space<vmem>>, vector<16xf32>,
      %swap3A_690 = vector.shape_cast %swap3A_689 : vector<16xf32> to vector<16xf32>
      %swap3A_691 = vector.shape_cast %get3A_687 : vector<16xf32> to vector<16xf32>
      tpu.vector_store %arg10[%swap3A_688], %swap3A_691 {add = true, strides = array<i32>} : memref<768xf32, #tpu.memory_space<vmem>>, vector<16xf32>,
      %get3A_692 = arith.index_cast %while3A_458 : i32 to index
      %get3A_693 = arith.constant 464 : index
      %get3A_694 = tpu.vector_load %arg8[%get3A_692, %get3A_693] {strides = array<i32>} : memref<64x768xf32, #tpu.memory_space<vmem>>, vector<1x16xf32>,
      %get3A_695 = vector.shape_cast %get3A_694 : vector<1x16xf32> to vector<16xf32>
      %swap3A_696 = arith.constant 464 : index
      %swap3A_697 = tpu.vector_load %arg10[%swap3A_696] {strides = array<i32>} : memref<768xf32, #tpu.memory_space<vmem>>, vector<16xf32>,
      %swap3A_698 = vector.shape_cast %swap3A_697 : vector<16xf32> to vector<16xf32>
      %swap3A_699 = vector.shape_cast %get3A_695 : vector<16xf32> to vector<16xf32>
      tpu.vector_store %arg10[%swap3A_696], %swap3A_699 {add = true, strides = array<i32>} : memref<768xf32, #tpu.memory_space<vmem>>, vector<16xf32>,
      %get3A_700 = arith.index_cast %while3A_458 : i32 to index
      %get3A_701 = arith.constant 480 : index
      %get3A_702 = tpu.vector_load %arg8[%get3A_700, %get3A_701] {strides = array<i32>} : memref<64x768xf32, #tpu.memory_space<vmem>>, vector<1x16xf32>,
      %get3A_703 = vector.shape_cast %get3A_702 : vector<1x16xf32> to vector<16xf32>
      %swap3A_704 = arith.constant 480 : index
      %swap3A_705 = tpu.vector_load %arg10[%swap3A_704] {strides = array<i32>} : memref<768xf32, #tpu.memory_space<vmem>>, vector<16xf32>,
      %swap3A_706 = vector.shape_cast %swap3A_705 : vector<16xf32> to vector<16xf32>
      %swap3A_707 = vector.shape_cast %get3A_703 : vector<16xf32> to vector<16xf32>
      tpu.vector_store %arg10[%swap3A_704], %swap3A_707 {add = true, strides = array<i32>} : memref<768xf32, #tpu.memory_space<vmem>>, vector<16xf32>,
      %get3A_708 = arith.index_cast %while3A_458 : i32 to index
      %get3A_709 = arith.constant 496 : index
      %get3A_710 = tpu.vector_load %arg8[%get3A_708, %get3A_709] {strides = array<i32>} : memref<64x768xf32, #tpu.memory_space<vmem>>, vector<1x16xf32>,
      %get3A_711 = vector.shape_cast %get3A_710 : vector<1x16xf32> to vector<16xf32>
      %swap3A_712 = arith.constant 496 : index
      %swap3A_713 = tpu.vector_load %arg10[%swap3A_712] {strides = array<i32>} : memref<768xf32, #tpu.memory_space<vmem>>, vector<16xf32>,
      %swap3A_714 = vector.shape_cast %swap3A_713 : vector<16xf32> to vector<16xf32>
      %swap3A_715 = vector.shape_cast %get3A_711 : vector<16xf32> to vector<16xf32>
      tpu.vector_store %arg10[%swap3A_712], %swap3A_715 {add = true, strides = array<i32>} : memref<768xf32, #tpu.memory_space<vmem>>, vector<16xf32>,
      %get3A_716 = arith.index_cast %while3A_458 : i32 to index
      %get3A_717 = arith.constant 512 : index
      %get3A_718 = tpu.vector_load %arg8[%get3A_716, %get3A_717] {strides = array<i32>} : memref<64x768xf32, #tpu.memory_space<vmem>>, vector<1x16xf32>,
      %get3A_719 = vector.shape_cast %get3A_718 : vector<1x16xf32> to vector<16xf32>
      %swap3A_720 = arith.constant 512 : index
      %swap3A_721 = tpu.vector_load %arg10[%swap3A_720] {strides = array<i32>} : memref<768xf32, #tpu.memory_space<vmem>>, vector<16xf32>,
      %swap3A_722 = vector.shape_cast %swap3A_721 : vector<16xf32> to vector<16xf32>
      %swap3A_723 = vector.shape_cast %get3A_719 : vector<16xf32> to vector<16xf32>
      tpu.vector_store %arg10[%swap3A_720], %swap3A_723 {add = true, strides = array<i32>} : memref<768xf32, #tpu.memory_space<vmem>>, vector<16xf32>,
      %get3A_724 = arith.index_cast %while3A_458 : i32 to index
      %get3A_725 = arith.constant 528 : index
      %get3A_726 = tpu.vector_load %arg8[%get3A_724, %get3A_725] {strides = array<i32>} : memref<64x768xf32, #tpu.memory_space<vmem>>, vector<1x16xf32>,
      %get3A_727 = vector.shape_cast %get3A_726 : vector<1x16xf32> to vector<16xf32>
      %swap3A_728 = arith.constant 528 : index
      %swap3A_729 = tpu.vector_load %arg10[%swap3A_728] {strides = array<i32>} : memref<768xf32, #tpu.memory_space<vmem>>, vector<16xf32>,
      %swap3A_730 = vector.shape_cast %swap3A_729 : vector<16xf32> to vector<16xf32>
      %swap3A_731 = vector.shape_cast %get3A_727 : vector<16xf32> to vector<16xf32>
      tpu.vector_store %arg10[%swap3A_728], %swap3A_731 {add = true, strides = array<i32>} : memref<768xf32, #tpu.memory_space<vmem>>, vector<16xf32>,
      %get3A_732 = arith.index_cast %while3A_458 : i32 to index
      %get3A_733 = arith.constant 544 : index
      %get3A_734 = tpu.vector_load %arg8[%get3A_732, %get3A_733] {strides = array<i32>} : memref<64x768xf32, #tpu.memory_space<vmem>>, vector<1x16xf32>,
      %get3A_735 = vector.shape_cast %get3A_734 : vector<1x16xf32> to vector<16xf32>
      %swap3A_736 = arith.constant 544 : index
      %swap3A_737 = tpu.vector_load %arg10[%swap3A_736] {strides = array<i32>} : memref<768xf32, #tpu.memory_space<vmem>>, vector<16xf32>,
      %swap3A_738 = vector.shape_cast %swap3A_737 : vector<16xf32> to vector<16xf32>
      %swap3A_739 = vector.shape_cast %get3A_735 : vector<16xf32> to vector<16xf32>
      tpu.vector_store %arg10[%swap3A_736], %swap3A_739 {add = true, strides = array<i32>} : memref<768xf32, #tpu.memory_space<vmem>>, vector<16xf32>,
      %get3A_740 = arith.index_cast %while3A_458 : i32 to index
      %get3A_741 = arith.constant 560 : index
      %get3A_742 = tpu.vector_load %arg8[%get3A_740, %get3A_741] {strides = array<i32>} : memref<64x768xf32, #tpu.memory_space<vmem>>, vector<1x16xf32>,
      %get3A_743 = vector.shape_cast %get3A_742 : vector<1x16xf32> to vector<16xf32>
      %swap3A_744 = arith.constant 560 : index
      %swap3A_745 = tpu.vector_load %arg10[%swap3A_744] {strides = array<i32>} : memref<768xf32, #tpu.memory_space<vmem>>, vector<16xf32>,
      %swap3A_746 = vector.shape_cast %swap3A_745 : vector<16xf32> to vector<16xf32>
      %swap3A_747 = vector.shape_cast %get3A_743 : vector<16xf32> to vector<16xf32>
      tpu.vector_store %arg10[%swap3A_744], %swap3A_747 {add = true, strides = array<i32>} : memref<768xf32, #tpu.memory_space<vmem>>, vector<16xf32>,
      %get3A_748 = arith.index_cast %while3A_458 : i32 to index
      %get3A_749 = arith.constant 576 : index
      %get3A_750 = tpu.vector_load %arg8[%get3A_748, %get3A_749] {strides = array<i32>} : memref<64x768xf32, #tpu.memory_space<vmem>>, vector<1x16xf32>,
      %get3A_751 = vector.shape_cast %get3A_750 : vector<1x16xf32> to vector<16xf32>
      %swap3A_752 = arith.constant 576 : index
      %swap3A_753 = tpu.vector_load %arg10[%swap3A_752] {strides = array<i32>} : memref<768xf32, #tpu.memory_space<vmem>>, vector<16xf32>,
      %swap3A_754 = vector.shape_cast %swap3A_753 : vector<16xf32> to vector<16xf32>
      %swap3A_755 = vector.shape_cast %get3A_751 : vector<16xf32> to vector<16xf32>
      tpu.vector_store %arg10[%swap3A_752], %swap3A_755 {add = true, strides = array<i32>} : memref<768xf32, #tpu.memory_space<vmem>>, vector<16xf32>,
      %get3A_756 = arith.index_cast %while3A_458 : i32 to index
      %get3A_757 = arith.constant 592 : index
      %get3A_758 = tpu.vector_load %arg8[%get3A_756, %get3A_757] {strides = array<i32>} : memref<64x768xf32, #tpu.memory_space<vmem>>, vector<1x16xf32>,
      %get3A_759 = vector.shape_cast %get3A_758 : vector<1x16xf32> to vector<16xf32>
      %swap3A_760 = arith.constant 592 : index
      %swap3A_761 = tpu.vector_load %arg10[%swap3A_760] {strides = array<i32>} : memref<768xf32, #tpu.memory_space<vmem>>, vector<16xf32>,
      %swap3A_762 = vector.shape_cast %swap3A_761 : vector<16xf32> to vector<16xf32>
      %swap3A_763 = vector.shape_cast %get3A_759 : vector<16xf32> to vector<16xf32>
      tpu.vector_store %arg10[%swap3A_760], %swap3A_763 {add = true, strides = array<i32>} : memref<768xf32, #tpu.memory_space<vmem>>, vector<16xf32>,
      %get3A_764 = arith.index_cast %while3A_458 : i32 to index
      %get3A_765 = arith.constant 608 : index
      %get3A_766 = tpu.vector_load %arg8[%get3A_764, %get3A_765] {strides = array<i32>} : memref<64x768xf32, #tpu.memory_space<vmem>>, vector<1x16xf32>,
      %get3A_767 = vector.shape_cast %get3A_766 : vector<1x16xf32> to vector<16xf32>
      %swap3A_768 = arith.constant 608 : index
      %swap3A_769 = tpu.vector_load %arg10[%swap3A_768] {strides = array<i32>} : memref<768xf32, #tpu.memory_space<vmem>>, vector<16xf32>,
      %swap3A_770 = vector.shape_cast %swap3A_769 : vector<16xf32> to vector<16xf32>
      %swap3A_771 = vector.shape_cast %get3A_767 : vector<16xf32> to vector<16xf32>
      tpu.vector_store %arg10[%swap3A_768], %swap3A_771 {add = true, strides = array<i32>} : memref<768xf32, #tpu.memory_space<vmem>>, vector<16xf32>,
      %get3A_772 = arith.index_cast %while3A_458 : i32 to index
      %get3A_773 = arith.constant 624 : index
      %get3A_774 = tpu.vector_load %arg8[%get3A_772, %get3A_773] {strides = array<i32>} : memref<64x768xf32, #tpu.memory_space<vmem>>, vector<1x16xf32>,
      %get3A_775 = vector.shape_cast %get3A_774 : vector<1x16xf32> to vector<16xf32>
      %swap3A_776 = arith.constant 624 : index
      %swap3A_777 = tpu.vector_load %arg10[%swap3A_776] {strides = array<i32>} : memref<768xf32, #tpu.memory_space<vmem>>, vector<16xf32>,
      %swap3A_778 = vector.shape_cast %swap3A_777 : vector<16xf32> to vector<16xf32>
      %swap3A_779 = vector.shape_cast %get3A_775 : vector<16xf32> to vector<16xf32>
      tpu.vector_store %arg10[%swap3A_776], %swap3A_779 {add = true, strides = array<i32>} : memref<768xf32, #tpu.memory_space<vmem>>, vector<16xf32>,
      %get3A_780 = arith.index_cast %while3A_458 : i32 to index
      %get3A_781 = arith.constant 640 : index
      %get3A_782 = tpu.vector_load %arg8[%get3A_780, %get3A_781] {strides = array<i32>} : memref<64x768xf32, #tpu.memory_space<vmem>>, vector<1x16xf32>,
      %get3A_783 = vector.shape_cast %get3A_782 : vector<1x16xf32> to vector<16xf32>
      %swap3A_784 = arith.constant 640 : index
      %swap3A_785 = tpu.vector_load %arg10[%swap3A_784] {strides = array<i32>} : memref<768xf32, #tpu.memory_space<vmem>>, vector<16xf32>,
      %swap3A_786 = vector.shape_cast %swap3A_785 : vector<16xf32> to vector<16xf32>
      %swap3A_787 = vector.shape_cast %get3A_783 : vector<16xf32> to vector<16xf32>
      tpu.vector_store %arg10[%swap3A_784], %swap3A_787 {add = true, strides = array<i32>} : memref<768xf32, #tpu.memory_space<vmem>>, vector<16xf32>,
      %get3A_788 = arith.index_cast %while3A_458 : i32 to index
      %get3A_789 = arith.constant 656 : index
      %get3A_790 = tpu.vector_load %arg8[%get3A_788, %get3A_789] {strides = array<i32>} : memref<64x768xf32, #tpu.memory_space<vmem>>, vector<1x16xf32>,
      %get3A_791 = vector.shape_cast %get3A_790 : vector<1x16xf32> to vector<16xf32>
      %swap3A_792 = arith.constant 656 : index
      %swap3A_793 = tpu.vector_load %arg10[%swap3A_792] {strides = array<i32>} : memref<768xf32, #tpu.memory_space<vmem>>, vector<16xf32>,
      %swap3A_794 = vector.shape_cast %swap3A_793 : vector<16xf32> to vector<16xf32>
      %swap3A_795 = vector.shape_cast %get3A_791 : vector<16xf32> to vector<16xf32>
      tpu.vector_store %arg10[%swap3A_792], %swap3A_795 {add = true, strides = array<i32>} : memref<768xf32, #tpu.memory_space<vmem>>, vector<16xf32>,
      %get3A_796 = arith.index_cast %while3A_458 : i32 to index
      %get3A_797 = arith.constant 672 : index
      %get3A_798 = tpu.vector_load %arg8[%get3A_796, %get3A_797] {strides = array<i32>} : memref<64x768xf32, #tpu.memory_space<vmem>>, vector<1x16xf32>,
      %get3A_799 = vector.shape_cast %get3A_798 : vector<1x16xf32> to vector<16xf32>
      %swap3A_800 = arith.constant 672 : index
      %swap3A_801 = tpu.vector_load %arg10[%swap3A_800] {strides = array<i32>} : memref<768xf32, #tpu.memory_space<vmem>>, vector<16xf32>,
      %swap3A_802 = vector.shape_cast %swap3A_801 : vector<16xf32> to vector<16xf32>
      %swap3A_803 = vector.shape_cast %get3A_799 : vector<16xf32> to vector<16xf32>
      tpu.vector_store %arg10[%swap3A_800], %swap3A_803 {add = true, strides = array<i32>} : memref<768xf32, #tpu.memory_space<vmem>>, vector<16xf32>,
      %get3A_804 = arith.index_cast %while3A_458 : i32 to index
      %get3A_805 = arith.constant 688 : index
      %get3A_806 = tpu.vector_load %arg8[%get3A_804, %get3A_805] {strides = array<i32>} : memref<64x768xf32, #tpu.memory_space<vmem>>, vector<1x16xf32>,
      %get3A_807 = vector.shape_cast %get3A_806 : vector<1x16xf32> to vector<16xf32>
      %swap3A_808 = arith.constant 688 : index
      %swap3A_809 = tpu.vector_load %arg10[%swap3A_808] {strides = array<i32>} : memref<768xf32, #tpu.memory_space<vmem>>, vector<16xf32>,
      %swap3A_810 = vector.shape_cast %swap3A_809 : vector<16xf32> to vector<16xf32>
      %swap3A_811 = vector.shape_cast %get3A_807 : vector<16xf32> to vector<16xf32>
      tpu.vector_store %arg10[%swap3A_808], %swap3A_811 {add = true, strides = array<i32>} : memref<768xf32, #tpu.memory_space<vmem>>, vector<16xf32>,
      %get3A_812 = arith.index_cast %while3A_458 : i32 to index
      %get3A_813 = arith.constant 704 : index
      %get3A_814 = tpu.vector_load %arg8[%get3A_812, %get3A_813] {strides = array<i32>} : memref<64x768xf32, #tpu.memory_space<vmem>>, vector<1x16xf32>,
      %get3A_815 = vector.shape_cast %get3A_814 : vector<1x16xf32> to vector<16xf32>
      %swap3A_816 = arith.constant 704 : index
      %swap3A_817 = tpu.vector_load %arg10[%swap3A_816] {strides = array<i32>} : memref<768xf32, #tpu.memory_space<vmem>>, vector<16xf32>,
      %swap3A_818 = vector.shape_cast %swap3A_817 : vector<16xf32> to vector<16xf32>
      %swap3A_819 = vector.shape_cast %get3A_815 : vector<16xf32> to vector<16xf32>
      tpu.vector_store %arg10[%swap3A_816], %swap3A_819 {add = true, strides = array<i32>} : memref<768xf32, #tpu.memory_space<vmem>>, vector<16xf32>,
      %get3A_820 = arith.index_cast %while3A_458 : i32 to index
      %get3A_821 = arith.constant 720 : index
      %get3A_822 = tpu.vector_load %arg8[%get3A_820, %get3A_821] {strides = array<i32>} : memref<64x768xf32, #tpu.memory_space<vmem>>, vector<1x16xf32>,
      %get3A_823 = vector.shape_cast %get3A_822 : vector<1x16xf32> to vector<16xf32>
      %swap3A_824 = arith.constant 720 : index
      %swap3A_825 = tpu.vector_load %arg10[%swap3A_824] {strides = array<i32>} : memref<768xf32, #tpu.memory_space<vmem>>, vector<16xf32>,
      %swap3A_826 = vector.shape_cast %swap3A_825 : vector<16xf32> to vector<16xf32>
      %swap3A_827 = vector.shape_cast %get3A_823 : vector<16xf32> to vector<16xf32>
      tpu.vector_store %arg10[%swap3A_824], %swap3A_827 {add = true, strides = array<i32>} : memref<768xf32, #tpu.memory_space<vmem>>, vector<16xf32>,
      %get3A_828 = arith.index_cast %while3A_458 : i32 to index
      %get3A_829 = arith.constant 736 : index
      %get3A_830 = tpu.vector_load %arg8[%get3A_828, %get3A_829] {strides = array<i32>} : memref<64x768xf32, #tpu.memory_space<vmem>>, vector<1x16xf32>,
      %get3A_831 = vector.shape_cast %get3A_830 : vector<1x16xf32> to vector<16xf32>
      %swap3A_832 = arith.constant 736 : index
      %swap3A_833 = tpu.vector_load %arg10[%swap3A_832] {strides = array<i32>} : memref<768xf32, #tpu.memory_space<vmem>>, vector<16xf32>,
      %swap3A_834 = vector.shape_cast %swap3A_833 : vector<16xf32> to vector<16xf32>
      %swap3A_835 = vector.shape_cast %get3A_831 : vector<16xf32> to vector<16xf32>
      tpu.vector_store %arg10[%swap3A_832], %swap3A_835 {add = true, strides = array<i32>} : memref<768xf32, #tpu.memory_space<vmem>>, vector<16xf32>,
      %get3A_836 = arith.index_cast %while3A_458 : i32 to index
      %get3A_837 = arith.constant 752 : index
      %get3A_838 = tpu.vector_load %arg8[%get3A_836, %get3A_837] {strides = array<i32>} : memref<64x768xf32, #tpu.memory_space<vmem>>, vector<1x16xf32>,
      %get3A_839 = vector.shape_cast %get3A_838 : vector<1x16xf32> to vector<16xf32>
      %swap3A_840 = arith.constant 752 : index
      %swap3A_841 = tpu.vector_load %arg10[%swap3A_840] {strides = array<i32>} : memref<768xf32, #tpu.memory_space<vmem>>, vector<16xf32>,
      %swap3A_842 = vector.shape_cast %swap3A_841 : vector<16xf32> to vector<16xf32>
      %swap3A_843 = vector.shape_cast %get3A_839 : vector<16xf32> to vector<16xf32>
      tpu.vector_store %arg10[%swap3A_840], %swap3A_843 {add = true, strides = array<i32>} : memref<768xf32, #tpu.memory_space<vmem>>, vector<16xf32>,
      %while3A_844 = arith.constant 0 : i32
      scf.yield %while3A_844 : i32
    }
    %while3A_421 = arith.constant 1 : i32
    %while3A_422 = scf.for %while3A_458 = %while3A_418 to %while3A_414 step %while3A_421 iter_args(%while3A_459 = %while3A_420) -> (i32)  : i32 {
      %get3A_460 = arith.index_cast %while3A_458 : i32 to index
      %get3A_461 = arith.constant 0 : index
      %get3A_462 = tpu.vector_load %arg8[%get3A_460, %get3A_461] {strides = array<i32>} : memref<64x768xf32, #tpu.memory_space<vmem>>, vector<1x16xf32>,
      %get3A_463 = vector.shape_cast %get3A_462 : vector<1x16xf32> to vector<16xf32>
      %swap3A_464 = arith.constant 0 : index
      %swap3A_465 = tpu.vector_load %arg10[%swap3A_464] {strides = array<i32>} : memref<768xf32, #tpu.memory_space<vmem>>, vector<16xf32>,
      %swap3A_466 = vector.shape_cast %swap3A_465 : vector<16xf32> to vector<16xf32>
      %swap3A_467 = vector.shape_cast %get3A_463 : vector<16xf32> to vector<16xf32>
      tpu.vector_store %arg10[%swap3A_464], %swap3A_467 {add = true, strides = array<i32>} : memref<768xf32, #tpu.memory_space<vmem>>, vector<16xf32>,
      %get3A_468 = arith.index_cast %while3A_458 : i32 to index
      %get3A_469 = arith.constant 16 : index
      %get3A_470 = tpu.vector_load %arg8[%get3A_468, %get3A_469] {strides = array<i32>} : memref<64x768xf32, #tpu.memory_space<vmem>>, vector<1x16xf32>,
      %get3A_471 = vector.shape_cast %get3A_470 : vector<1x16xf32> to vector<16xf32>
      %swap3A_472 = arith.constant 16 : index
      %swap3A_473 = tpu.vector_load %arg10[%swap3A_472] {strides = array<i32>} : memref<768xf32, #tpu.memory_space<vmem>>, vector<16xf32>,
      %swap3A_474 = vector.shape_cast %swap3A_473 : vector<16xf32> to vector<16xf32>
      %swap3A_475 = vector.shape_cast %get3A_471 : vector<16xf32> to vector<16xf32>
      tpu.vector_store %arg10[%swap3A_472], %swap3A_475 {add = true, strides = array<i32>} : memref<768xf32, #tpu.memory_space<vmem>>, vector<16xf32>,
      %get3A_476 = arith.index_cast %while3A_458 : i32 to index
      %get3A_477 = arith.constant 32 : index
      %get3A_478 = tpu.vector_load %arg8[%get3A_476, %get3A_477] {strides = array<i32>} : memref<64x768xf32, #tpu.memory_space<vmem>>, vector<1x16xf32>,
      %get3A_479 = vector.shape_cast %get3A_478 : vector<1x16xf32> to vector<16xf32>
      %swap3A_480 = arith.constant 32 : index
      %swap3A_481 = tpu.vector_load %arg10[%swap3A_480] {strides = array<i32>} : memref<768xf32, #tpu.memory_space<vmem>>, vector<16xf32>,
      %swap3A_482 = vector.shape_cast %swap3A_481 : vector<16xf32> to vector<16xf32>
      %swap3A_483 = vector.shape_cast %get3A_479 : vector<16xf32> to vector<16xf32>
      tpu.vector_store %arg10[%swap3A_480], %swap3A_483 {add = true, strides = array<i32>} : memref<768xf32, #tpu.memory_space<vmem>>, vector<16xf32>,
      %get3A_484 = arith.index_cast %while3A_458 : i32 to index
      %get3A_485 = arith.constant 48 : index
      %get3A_486 = tpu.vector_load %arg8[%get3A_484, %get3A_485] {strides = array<i32>} : memref<64x768xf32, #tpu.memory_space<vmem>>, vector<1x16xf32>,
      %get3A_487 = vector.shape_cast %get3A_486 : vector<1x16xf32> to vector<16xf32>
      %swap3A_488 = arith.constant 48 : index
      %swap3A_489 = tpu.vector_load %arg10[%swap3A_488] {strides = array<i32>} : memref<768xf32, #tpu.memory_space<vmem>>, vector<16xf32>,
      %swap3A_490 = vector.shape_cast %swap3A_489 : vector<16xf32> to vector<16xf32>
      %swap3A_491 = vector.shape_cast %get3A_487 : vector<16xf32> to vector<16xf32>
      tpu.vector_store %arg10[%swap3A_488], %swap3A_491 {add = true, strides = array<i32>} : memref<768xf32, #tpu.memory_space<vmem>>, vector<16xf32>,
      %get3A_492 = arith.index_cast %while3A_458 : i32 to index
      %get3A_493 = arith.constant 64 : index
      %get3A_494 = tpu.vector_load %arg8[%get3A_492, %get3A_493] {strides = array<i32>} : memref<64x768xf32, #tpu.memory_space<vmem>>, vector<1x16xf32>,
      %get3A_495 = vector.shape_cast %get3A_494 : vector<1x16xf32> to vector<16xf32>
      %swap3A_496 = arith.constant 64 : index
      %swap3A_497 = tpu.vector_load %arg10[%swap3A_496] {strides = array<i32>} : memref<768xf32, #tpu.memory_space<vmem>>, vector<16xf32>,
      %swap3A_498 = vector.shape_cast %swap3A_497 : vector<16xf32> to vector<16xf32>
      %swap3A_499 = vector.shape_cast %get3A_495 : vector<16xf32> to vector<16xf32>
      tpu.vector_store %arg10[%swap3A_496], %swap3A_499 {add = true, strides = array<i32>} : memref<768xf32, #tpu.memory_space<vmem>>, vector<16xf32>,
      %get3A_500 = arith.index_cast %while3A_458 : i32 to index
      %get3A_501 = arith.constant 80 : index
      %get3A_502 = tpu.vector_load %arg8[%get3A_500, %get3A_501] {strides = array<i32>} : memref<64x768xf32, #tpu.memory_space<vmem>>, vector<1x16xf32>,
      %get3A_503 = vector.shape_cast %get3A_502 : vector<1x16xf32> to vector<16xf32>
      %swap3A_504 = arith.constant 80 : index
      %swap3A_505 = tpu.vector_load %arg10[%swap3A_504] {strides = array<i32>} : memref<768xf32, #tpu.memory_space<vmem>>, vector<16xf32>,
      %swap3A_506 = vector.shape_cast %swap3A_505 : vector<16xf32> to vector<16xf32>
      %swap3A_507 = vector.shape_cast %get3A_503 : vector<16xf32> to vector<16xf32>
      tpu.vector_store %arg10[%swap3A_504], %swap3A_507 {add = true, strides = array<i32>} : memref<768xf32, #tpu.memory_space<vmem>>, vector<16xf32>,
      %get3A_508 = arith.index_cast %while3A_458 : i32 to index
      %get3A_509 = arith.constant 96 : index
      %get3A_510 = tpu.vector_load %arg8[%get3A_508, %get3A_509] {strides = array<i32>} : memref<64x768xf32, #tpu.memory_space<vmem>>, vector<1x16xf32>,
      %get3A_511 = vector.shape_cast %get3A_510 : vector<1x16xf32> to vector<16xf32>
      %swap3A_512 = arith.constant 96 : index
      %swap3A_513 = tpu.vector_load %arg10[%swap3A_512] {strides = array<i32>} : memref<768xf32, #tpu.memory_space<vmem>>, vector<16xf32>,
      %swap3A_514 = vector.shape_cast %swap3A_513 : vector<16xf32> to vector<16xf32>
      %swap3A_515 = vector.shape_cast %get3A_511 : vector<16xf32> to vector<16xf32>
      tpu.vector_store %arg10[%swap3A_512], %swap3A_515 {add = true, strides = array<i32>} : memref<768xf32, #tpu.memory_space<vmem>>, vector<16xf32>,
      %get3A_516 = arith.index_cast %while3A_458 : i32 to index
      %get3A_517 = arith.constant 112 : index
      %get3A_518 = tpu.vector_load %arg8[%get3A_516, %get3A_517] {strides = array<i32>} : memref<64x768xf32, #tpu.memory_space<vmem>>, vector<1x16xf32>,
      %get3A_519 = vector.shape_cast %get3A_518 : vector<1x16xf32> to vector<16xf32>
      %swap3A_520 = arith.constant 112 : index
      %swap3A_521 = tpu.vector_load %arg10[%swap3A_520] {strides = array<i32>} : memref<768xf32, #tpu.memory_space<vmem>>, vector<16xf32>,
      %swap3A_522 = vector.shape_cast %swap3A_521 : vector<16xf32> to vector<16xf32>
      %swap3A_523 = vector.shape_cast %get3A_519 : vector<16xf32> to vector<16xf32>
      tpu.vector_store %arg10[%swap3A_520], %swap3A_523 {add = true, strides = array<i32>} : memref<768xf32, #tpu.memory_space<vmem>>, vector<16xf32>,
      %get3A_524 = arith.index_cast %while3A_458 : i32 to index
      %get3A_525 = arith.constant 128 : index
      %get3A_526 = tpu.vector_load %arg8[%get3A_524, %get3A_525] {strides = array<i32>} : memref<64x768xf32, #tpu.memory_space<vmem>>, vector<1x16xf32>,
      %get3A_527 = vector.shape_cast %get3A_526 : vector<1x16xf32> to vector<16xf32>
      %swap3A_528 = arith.constant 128 : index
      %swap3A_529 = tpu.vector_load %arg10[%swap3A_528] {strides = array<i32>} : memref<768xf32, #tpu.memory_space<vmem>>, vector<16xf32>,
      %swap3A_530 = vector.shape_cast %swap3A_529 : vector<16xf32> to vector<16xf32>
      %swap3A_531 = vector.shape_cast %get3A_527 : vector<16xf32> to vector<16xf32>
      tpu.vector_store %arg10[%swap3A_528], %swap3A_531 {add = true, strides = array<i32>} : memref<768xf32, #tpu.memory_space<vmem>>, vector<16xf32>,
      %get3A_532 = arith.index_cast %while3A_458 : i32 to index
      %get3A_533 = arith.constant 144 : index
      %get3A_534 = tpu.vector_load %arg8[%get3A_532, %get3A_533] {strides = array<i32>} : memref<64x768xf32, #tpu.memory_space<vmem>>, vector<1x16xf32>,
      %get3A_535 = vector.shape_cast %get3A_534 : vector<1x16xf32> to vector<16xf32>
      %swap3A_536 = arith.constant 144 : index
      %swap3A_537 = tpu.vector_load %arg10[%swap3A_536] {strides = array<i32>} : memref<768xf32, #tpu.memory_space<vmem>>, vector<16xf32>,
      %swap3A_538 = vector.shape_cast %swap3A_537 : vector<16xf32> to vector<16xf32>
      %swap3A_539 = vector.shape_cast %get3A_535 : vector<16xf32> to vector<16xf32>
      tpu.vector_store %arg10[%swap3A_536], %swap3A_539 {add = true, strides = array<i32>} : memref<768xf32, #tpu.memory_space<vmem>>, vector<16xf32>,
      %get3A_540 = arith.index_cast %while3A_458 : i32 to index
      %get3A_541 = arith.constant 160 : index
      %get3A_542 = tpu.vector_load %arg8[%get3A_540, %get3A_541] {strides = array<i32>} : memref<64x768xf32, #tpu.memory_space<vmem>>, vector<1x16xf32>,
      %get3A_543 = vector.shape_cast %get3A_542 : vector<1x16xf32> to vector<16xf32>
      %swap3A_544 = arith.constant 160 : index
      %swap3A_545 = tpu.vector_load %arg10[%swap3A_544] {strides = array<i32>} : memref<768xf32, #tpu.memory_space<vmem>>, vector<16xf32>,
      %swap3A_546 = vector.shape_cast %swap3A_545 : vector<16xf32> to vector<16xf32>
      %swap3A_547 = vector.shape_cast %get3A_543 : vector<16xf32> to vector<16xf32>
      tpu.vector_store %arg10[%swap3A_544], %swap3A_547 {add = true, strides = array<i32>} : memref<768xf32, #tpu.memory_space<vmem>>, vector<16xf32>,
      %get3A_548 = arith.index_cast %while3A_458 : i32 to index
      %get3A_549 = arith.constant 176 : index
      %get3A_550 = tpu.vector_load %arg8[%get3A_548, %get3A_549] {strides = array<i32>} : memref<64x768xf32, #tpu.memory_space<vmem>>, vector<1x16xf32>,
      %get3A_551 = vector.shape_cast %get3A_550 : vector<1x16xf32> to vector<16xf32>
      %swap3A_552 = arith.constant 176 : index
      %swap3A_553 = tpu.vector_load %arg10[%swap3A_552] {strides = array<i32>} : memref<768xf32, #tpu.memory_space<vmem>>, vector<16xf32>,
      %swap3A_554 = vector.shape_cast %swap3A_553 : vector<16xf32> to vector<16xf32>
      %swap3A_555 = vector.shape_cast %get3A_551 : vector<16xf32> to vector<16xf32>
      tpu.vector_store %arg10[%swap3A_552], %swap3A_555 {add = true, strides = array<i32>} : memref<768xf32, #tpu.memory_space<vmem>>, vector<16xf32>,
      %get3A_556 = arith.index_cast %while3A_458 : i32 to index
      %get3A_557 = arith.constant 192 : index
      %get3A_558 = tpu.vector_load %arg8[%get3A_556, %get3A_557] {strides = array<i32>} : memref<64x768xf32, #tpu.memory_space<vmem>>, vector<1x16xf32>,
      %get3A_559 = vector.shape_cast %get3A_558 : vector<1x16xf32> to vector<16xf32>
      %swap3A_560 = arith.constant 192 : index
      %swap3A_561 = tpu.vector_load %arg10[%swap3A_560] {strides = array<i32>} : memref<768xf32, #tpu.memory_space<vmem>>, vector<16xf32>,
      %swap3A_562 = vector.shape_cast %swap3A_561 : vector<16xf32> to vector<16xf32>
      %swap3A_563 = vector.shape_cast %get3A_559 : vector<16xf32> to vector<16xf32>
      tpu.vector_store %arg10[%swap3A_560], %swap3A_563 {add = true, strides = array<i32>} : memref<768xf32, #tpu.memory_space<vmem>>, vector<16xf32>,
      %get3A_564 = arith.index_cast %while3A_458 : i32 to index
      %get3A_565 = arith.constant 208 : index
      %get3A_566 = tpu.vector_load %arg8[%get3A_564, %get3A_565] {strides = array<i32>} : memref<64x768xf32, #tpu.memory_space<vmem>>, vector<1x16xf32>,
      %get3A_567 = vector.shape_cast %get3A_566 : vector<1x16xf32> to vector<16xf32>
      %swap3A_568 = arith.constant 208 : index
      %swap3A_569 = tpu.vector_load %arg10[%swap3A_568] {strides = array<i32>} : memref<768xf32, #tpu.memory_space<vmem>>, vector<16xf32>,
      %swap3A_570 = vector.shape_cast %swap3A_569 : vector<16xf32> to vector<16xf32>
      %swap3A_571 = vector.shape_cast %get3A_567 : vector<16xf32> to vector<16xf32>
      tpu.vector_store %arg10[%swap3A_568], %swap3A_571 {add = true, strides = array<i32>} : memref<768xf32, #tpu.memory_space<vmem>>, vector<16xf32>,
      %get3A_572 = arith.index_cast %while3A_458 : i32 to index
      %get3A_573 = arith.constant 224 : index
      %get3A_574 = tpu.vector_load %arg8[%get3A_572, %get3A_573] {strides = array<i32>} : memref<64x768xf32, #tpu.memory_space<vmem>>, vector<1x16xf32>,
      %get3A_575 = vector.shape_cast %get3A_574 : vector<1x16xf32> to vector<16xf32>
      %swap3A_576 = arith.constant 224 : index
      %swap3A_577 = tpu.vector_load %arg10[%swap3A_576] {strides = array<i32>} : memref<768xf32, #tpu.memory_space<vmem>>, vector<16xf32>,
      %swap3A_578 = vector.shape_cast %swap3A_577 : vector<16xf32> to vector<16xf32>
      %swap3A_579 = vector.shape_cast %get3A_575 : vector<16xf32> to vector<16xf32>
      tpu.vector_store %arg10[%swap3A_576], %swap3A_579 {add = true, strides = array<i32>} : memref<768xf32, #tpu.memory_space<vmem>>, vector<16xf32>,
      %get3A_580 = arith.index_cast %while3A_458 : i32 to index
      %get3A_581 = arith.constant 240 : index
      %get3A_582 = tpu.vector_load %arg8[%get3A_580, %get3A_581] {strides = array<i32>} : memref<64x768xf32, #tpu.memory_space<vmem>>, vector<1x16xf32>,
      %get3A_583 = vector.shape_cast %get3A_582 : vector<1x16xf32> to vector<16xf32>
      %swap3A_584 = arith.constant 240 : index
      %swap3A_585 = tpu.vector_load %arg10[%swap3A_584] {strides = array<i32>} : memref<768xf32, #tpu.memory_space<vmem>>, vector<16xf32>,
      %swap3A_586 = vector.shape_cast %swap3A_585 : vector<16xf32> to vector<16xf32>
      %swap3A_587 = vector.shape_cast %get3A_583 : vector<16xf32> to vector<16xf32>
      tpu.vector_store %arg10[%swap3A_584], %swap3A_587 {add = true, strides = array<i32>} : memref<768xf32, #tpu.memory_space<vmem>>, vector<16xf32>,
      %get3A_588 = arith.index_cast %while3A_458 : i32 to index
      %get3A_589 = arith.constant 256 : index
      %get3A_590 = tpu.vector_load %arg8[%get3A_588, %get3A_589] {strides = array<i32>} : memref<64x768xf32, #tpu.memory_space<vmem>>, vector<1x16xf32>,
      %get3A_591 = vector.shape_cast %get3A_590 : vector<1x16xf32> to vector<16xf32>
      %swap3A_592 = arith.constant 256 : index
      %swap3A_593 = tpu.vector_load %arg10[%swap3A_592] {strides = array<i32>} : memref<768xf32, #tpu.memory_space<vmem>>, vector<16xf32>,
      %swap3A_594 = vector.shape_cast %swap3A_593 : vector<16xf32> to vector<16xf32>
      %swap3A_595 = vector.shape_cast %get3A_591 : vector<16xf32> to vector<16xf32>
      tpu.vector_store %arg10[%swap3A_592], %swap3A_595 {add = true, strides = array<i32>} : memref<768xf32, #tpu.memory_space<vmem>>, vector<16xf32>,
      %get3A_596 = arith.index_cast %while3A_458 : i32 to index
      %get3A_597 = arith.constant 272 : index
      %get3A_598 = tpu.vector_load %arg8[%get3A_596, %get3A_597] {strides = array<i32>} : memref<64x768xf32, #tpu.memory_space<vmem>>, vector<1x16xf32>,
      %get3A_599 = vector.shape_cast %get3A_598 : vector<1x16xf32> to vector<16xf32>
      %swap3A_600 = arith.constant 272 : index
      %swap3A_601 = tpu.vector_load %arg10[%swap3A_600] {strides = array<i32>} : memref<768xf32, #tpu.memory_space<vmem>>, vector<16xf32>,
      %swap3A_602 = vector.shape_cast %swap3A_601 : vector<16xf32> to vector<16xf32>
      %swap3A_603 = vector.shape_cast %get3A_599 : vector<16xf32> to vector<16xf32>
      tpu.vector_store %arg10[%swap3A_600], %swap3A_603 {add = true, strides = array<i32>} : memref<768xf32, #tpu.memory_space<vmem>>, vector<16xf32>,
      %get3A_604 = arith.index_cast %while3A_458 : i32 to index
      %get3A_605 = arith.constant 288 : index
      %get3A_606 = tpu.vector_load %arg8[%get3A_604, %get3A_605] {strides = array<i32>} : memref<64x768xf32, #tpu.memory_space<vmem>>, vector<1x16xf32>,
      %get3A_607 = vector.shape_cast %get3A_606 : vector<1x16xf32> to vector<16xf32>
      %swap3A_608 = arith.constant 288 : index
      %swap3A_609 = tpu.vector_load %arg10[%swap3A_608] {strides = array<i32>} : memref<768xf32, #tpu.memory_space<vmem>>, vector<16xf32>,
      %swap3A_610 = vector.shape_cast %swap3A_609 : vector<16xf32> to vector<16xf32>
      %swap3A_611 = vector.shape_cast %get3A_607 : vector<16xf32> to vector<16xf32>
      tpu.vector_store %arg10[%swap3A_608], %swap3A_611 {add = true, strides = array<i32>} : memref<768xf32, #tpu.memory_space<vmem>>, vector<16xf32>,
      %get3A_612 = arith.index_cast %while3A_458 : i32 to index
      %get3A_613 = arith.constant 304 : index
      %get3A_614 = tpu.vector_load %arg8[%get3A_612, %get3A_613] {strides = array<i32>} : memref<64x768xf32, #tpu.memory_space<vmem>>, vector<1x16xf32>,
      %get3A_615 = vector.shape_cast %get3A_614 : vector<1x16xf32> to vector<16xf32>
      %swap3A_616 = arith.constant 304 : index
      %swap3A_617 = tpu.vector_load %arg10[%swap3A_616] {strides = array<i32>} : memref<768xf32, #tpu.memory_space<vmem>>, vector<16xf32>,
      %swap3A_618 = vector.shape_cast %swap3A_617 : vector<16xf32> to vector<16xf32>
      %swap3A_619 = vector.shape_cast %get3A_615 : vector<16xf32> to vector<16xf32>
      tpu.vector_store %arg10[%swap3A_616], %swap3A_619 {add = true, strides = array<i32>} : memref<768xf32, #tpu.memory_space<vmem>>, vector<16xf32>,
      %get3A_620 = arith.index_cast %while3A_458 : i32 to index
      %get3A_621 = arith.constant 320 : index
      %get3A_622 = tpu.vector_load %arg8[%get3A_620, %get3A_621] {strides = array<i32>} : memref<64x768xf32, #tpu.memory_space<vmem>>, vector<1x16xf32>,
      %get3A_623 = vector.shape_cast %get3A_622 : vector<1x16xf32> to vector<16xf32>
      %swap3A_624 = arith.constant 320 : index
      %swap3A_625 = tpu.vector_load %arg10[%swap3A_624] {strides = array<i32>} : memref<768xf32, #tpu.memory_space<vmem>>, vector<16xf32>,
      %swap3A_626 = vector.shape_cast %swap3A_625 : vector<16xf32> to vector<16xf32>
      %swap3A_627 = vector.shape_cast %get3A_623 : vector<16xf32> to vector<16xf32>
      tpu.vector_store %arg10[%swap3A_624], %swap3A_627 {add = true, strides = array<i32>} : memref<768xf32, #tpu.memory_space<vmem>>, vector<16xf32>,
      %get3A_628 = arith.index_cast %while3A_458 : i32 to index
      %get3A_629 = arith.constant 336 : index
      %get3A_630 = tpu.vector_load %arg8[%get3A_628, %get3A_629] {strides = array<i32>} : memref<64x768xf32, #tpu.memory_space<vmem>>, vector<1x16xf32>,
      %get3A_631 = vector.shape_cast %get3A_630 : vector<1x16xf32> to vector<16xf32>
      %swap3A_632 = arith.constant 336 : index
      %swap3A_633 = tpu.vector_load %arg10[%swap3A_632] {strides = array<i32>} : memref<768xf32, #tpu.memory_space<vmem>>, vector<16xf32>,
      %swap3A_634 = vector.shape_cast %swap3A_633 : vector<16xf32> to vector<16xf32>
      %swap3A_635 = vector.shape_cast %get3A_631 : vector<16xf32> to vector<16xf32>
      tpu.vector_store %arg10[%swap3A_632], %swap3A_635 {add = true, strides = array<i32>} : memref<768xf32, #tpu.memory_space<vmem>>, vector<16xf32>,
      %get3A_636 = arith.index_cast %while3A_458 : i32 to index
      %get3A_637 = arith.constant 352 : index
      %get3A_638 = tpu.vector_load %arg8[%get3A_636, %get3A_637] {strides = array<i32>} : memref<64x768xf32, #tpu.memory_space<vmem>>, vector<1x16xf32>,
      %get3A_639 = vector.shape_cast %get3A_638 : vector<1x16xf32> to vector<16xf32>
      %swap3A_640 = arith.constant 352 : index
      %swap3A_641 = tpu.vector_load %arg10[%swap3A_640] {strides = array<i32>} : memref<768xf32, #tpu.memory_space<vmem>>, vector<16xf32>,
      %swap3A_642 = vector.shape_cast %swap3A_641 : vector<16xf32> to vector<16xf32>
      %swap3A_643 = vector.shape_cast %get3A_639 : vector<16xf32> to vector<16xf32>
      tpu.vector_store %arg10[%swap3A_640], %swap3A_643 {add = true, strides = array<i32>} : memref<768xf32, #tpu.memory_space<vmem>>, vector<16xf32>,
      %get3A_644 = arith.index_cast %while3A_458 : i32 to index
      %get3A_645 = arith.constant 368 : index
      %get3A_646 = tpu.vector_load %arg8[%get3A_644, %get3A_645] {strides = array<i32>} : memref<64x768xf32, #tpu.memory_space<vmem>>, vector<1x16xf32>,
      %get3A_647 = vector.shape_cast %get3A_646 : vector<1x16xf32> to vector<16xf32>
      %swap3A_648 = arith.constant 368 : index
      %swap3A_649 = tpu.vector_load %arg10[%swap3A_648] {strides = array<i32>} : memref<768xf32, #tpu.memory_space<vmem>>, vector<16xf32>,
      %swap3A_650 = vector.shape_cast %swap3A_649 : vector<16xf32> to vector<16xf32>
      %swap3A_651 = vector.shape_cast %get3A_647 : vector<16xf32> to vector<16xf32>
      tpu.vector_store %arg10[%swap3A_648], %swap3A_651 {add = true, strides = array<i32>} : memref<768xf32, #tpu.memory_space<vmem>>, vector<16xf32>,
      %get3A_652 = arith.index_cast %while3A_458 : i32 to index
      %get3A_653 = arith.constant 384 : index
      %get3A_654 = tpu.vector_load %arg8[%get3A_652, %get3A_653] {strides = array<i32>} : memref<64x768xf32, #tpu.memory_space<vmem>>, vector<1x16xf32>,
      %get3A_655 = vector.shape_cast %get3A_654 : vector<1x16xf32> to vector<16xf32>
      %swap3A_656 = arith.constant 384 : index
      %swap3A_657 = tpu.vector_load %arg10[%swap3A_656] {strides = array<i32>} : memref<768xf32, #tpu.memory_space<vmem>>, vector<16xf32>,
      %swap3A_658 = vector.shape_cast %swap3A_657 : vector<16xf32> to vector<16xf32>
      %swap3A_659 = vector.shape_cast %get3A_655 : vector<16xf32> to vector<16xf32>
      tpu.vector_store %arg10[%swap3A_656], %swap3A_659 {add = true, strides = array<i32>} : memref<768xf32, #tpu.memory_space<vmem>>, vector<16xf32>,
      %get3A_660 = arith.index_cast %while3A_458 : i32 to index
      %get3A_661 = arith.constant 400 : index
      %get3A_662 = tpu.vector_load %arg8[%get3A_660, %get3A_661] {strides = array<i32>} : memref<64x768xf32, #tpu.memory_space<vmem>>, vector<1x16xf32>,
      %get3A_663 = vector.shape_cast %get3A_662 : vector<1x16xf32> to vector<16xf32>
      %swap3A_664 = arith.constant 400 : index
      %swap3A_665 = tpu.vector_load %arg10[%swap3A_664] {strides = array<i32>} : memref<768xf32, #tpu.memory_space<vmem>>, vector<16xf32>,
      %swap3A_666 = vector.shape_cast %swap3A_665 : vector<16xf32> to vector<16xf32>
      %swap3A_667 = vector.shape_cast %get3A_663 : vector<16xf32> to vector<16xf32>
      tpu.vector_store %arg10[%swap3A_664], %swap3A_667 {add = true, strides = array<i32>} : memref<768xf32, #tpu.memory_space<vmem>>, vector<16xf32>,
      %get3A_668 = arith.index_cast %while3A_458 : i32 to index
      %get3A_669 = arith.constant 416 : index
      %get3A_670 = tpu.vector_load %arg8[%get3A_668, %get3A_669] {strides = array<i32>} : memref<64x768xf32, #tpu.memory_space<vmem>>, vector<1x16xf32>,
      %get3A_671 = vector.shape_cast %get3A_670 : vector<1x16xf32> to vector<16xf32>
      %swap3A_672 = arith.constant 416 : index
      %swap3A_673 = tpu.vector_load %arg10[%swap3A_672] {strides = array<i32>} : memref<768xf32, #tpu.memory_space<vmem>>, vector<16xf32>,
      %swap3A_674 = vector.shape_cast %swap3A_673 : vector<16xf32> to vector<16xf32>
      %swap3A_675 = vector.shape_cast %get3A_671 : vector<16xf32> to vector<16xf32>
      tpu.vector_store %arg10[%swap3A_672], %swap3A_675 {add = true, strides = array<i32>} : memref<768xf32, #tpu.memory_space<vmem>>, vector<16xf32>,
      %get3A_676 = arith.index_cast %while3A_458 : i32 to index
      %get3A_677 = arith.constant 432 : index
      %get3A_678 = tpu.vector_load %arg8[%get3A_676, %get3A_677] {strides = array<i32>} : memref<64x768xf32, #tpu.memory_space<vmem>>, vector<1x16xf32>,
      %get3A_679 = vector.shape_cast %get3A_678 : vector<1x16xf32> to vector<16xf32>
      %swap3A_680 = arith.constant 432 : index
      %swap3A_681 = tpu.vector_load %arg10[%swap3A_680] {strides = array<i32>} : memref<768xf32, #tpu.memory_space<vmem>>, vector<16xf32>,
      %swap3A_682 = vector.shape_cast %swap3A_681 : vector<16xf32> to vector<16xf32>
      %swap3A_683 = vector.shape_cast %get3A_679 : vector<16xf32> to vector<16xf32>
      tpu.vector_store %arg10[%swap3A_680], %swap3A_683 {add = true, strides = array<i32>} : memref<768xf32, #tpu.memory_space<vmem>>, vector<16xf32>,
      %get3A_684 = arith.index_cast %while3A_458 : i32 to index
      %get3A_685 = arith.constant 448 : index
      %get3A_686 = tpu.vector_load %arg8[%get3A_684, %get3A_685] {strides = array<i32>} : memref<64x768xf32, #tpu.memory_space<vmem>>, vector<1x16xf32>,
      %get3A_687 = vector.shape_cast %get3A_686 : vector<1x16xf32> to vector<16xf32>
      %swap3A_688 = arith.constant 448 : index
      %swap3A_689 = tpu.vector_load %arg10[%swap3A_688] {strides = array<i32>} : memref<768xf32, #tpu.memory_space<vmem>>, vector<16xf32>,
      %swap3A_690 = vector.shape_cast %swap3A_689 : vector<16xf32> to vector<16xf32>
      %swap3A_691 = vector.shape_cast %get3A_687 : vector<16xf32> to vector<16xf32>
      tpu.vector_store %arg10[%swap3A_688], %swap3A_691 {add = true, strides = array<i32>} : memref<768xf32, #tpu.memory_space<vmem>>, vector<16xf32>,
      %get3A_692 = arith.index_cast %while3A_458 : i32 to index
      %get3A_693 = arith.constant 464 : index
      %get3A_694 = tpu.vector_load %arg8[%get3A_692, %get3A_693] {strides = array<i32>} : memref<64x768xf32, #tpu.memory_space<vmem>>, vector<1x16xf32>,
      %get3A_695 = vector.shape_cast %get3A_694 : vector<1x16xf32> to vector<16xf32>
      %swap3A_696 = arith.constant 464 : index
      %swap3A_697 = tpu.vector_load %arg10[%swap3A_696] {strides = array<i32>} : memref<768xf32, #tpu.memory_space<vmem>>, vector<16xf32>,
      %swap3A_698 = vector.shape_cast %swap3A_697 : vector<16xf32> to vector<16xf32>
      %swap3A_699 = vector.shape_cast %get3A_695 : vector<16xf32> to vector<16xf32>
      tpu.vector_store %arg10[%swap3A_696], %swap3A_699 {add = true, strides = array<i32>} : memref<768xf32, #tpu.memory_space<vmem>>, vector<16xf32>,
      %get3A_700 = arith.index_cast %while3A_458 : i32 to index
      %get3A_701 = arith.constant 480 : index
      %get3A_702 = tpu.vector_load %arg8[%get3A_700, %get3A_701] {strides = array<i32>} : memref<64x768xf32, #tpu.memory_space<vmem>>, vector<1x16xf32>,
      %get3A_703 = vector.shape_cast %get3A_702 : vector<1x16xf32> to vector<16xf32>
      %swap3A_704 = arith.constant 480 : index
      %swap3A_705 = tpu.vector_load %arg10[%swap3A_704] {strides = array<i32>} : memref<768xf32, #tpu.memory_space<vmem>>, vector<16xf32>,
      %swap3A_706 = vector.shape_cast %swap3A_705 : vector<16xf32> to vector<16xf32>
      %swap3A_707 = vector.shape_cast %get3A_703 : vector<16xf32> to vector<16xf32>
      tpu.vector_store %arg10[%swap3A_704], %swap3A_707 {add = true, strides = array<i32>} : memref<768xf32, #tpu.memory_space<vmem>>, vector<16xf32>,
      %get3A_708 = arith.index_cast %while3A_458 : i32 to index
      %get3A_709 = arith.constant 496 : index
      %get3A_710 = tpu.vector_load %arg8[%get3A_708, %get3A_709] {strides = array<i32>} : memref<64x768xf32, #tpu.memory_space<vmem>>, vector<1x16xf32>,
      %get3A_711 = vector.shape_cast %get3A_710 : vector<1x16xf32> to vector<16xf32>
      %swap3A_712 = arith.constant 496 : index
      %swap3A_713 = tpu.vector_load %arg10[%swap3A_712] {strides = array<i32>} : memref<768xf32, #tpu.memory_space<vmem>>, vector<16xf32>,
      %swap3A_714 = vector.shape_cast %swap3A_713 : vector<16xf32> to vector<16xf32>
      %swap3A_715 = vector.shape_cast %get3A_711 : vector<16xf32> to vector<16xf32>
      tpu.vector_store %arg10[%swap3A_712], %swap3A_715 {add = true, strides = array<i32>} : memref<768xf32, #tpu.memory_space<vmem>>, vector<16xf32>,
      %get3A_716 = arith.index_cast %while3A_458 : i32 to index
      %get3A_717 = arith.constant 512 : index
      %get3A_718 = tpu.vector_load %arg8[%get3A_716, %get3A_717] {strides = array<i32>} : memref<64x768xf32, #tpu.memory_space<vmem>>, vector<1x16xf32>,
      %get3A_719 = vector.shape_cast %get3A_718 : vector<1x16xf32> to vector<16xf32>
      %swap3A_720 = arith.constant 512 : index
      %swap3A_721 = tpu.vector_load %arg10[%swap3A_720] {strides = array<i32>} : memref<768xf32, #tpu.memory_space<vmem>>, vector<16xf32>,
      %swap3A_722 = vector.shape_cast %swap3A_721 : vector<16xf32> to vector<16xf32>
      %swap3A_723 = vector.shape_cast %get3A_719 : vector<16xf32> to vector<16xf32>
      tpu.vector_store %arg10[%swap3A_720], %swap3A_723 {add = true, strides = array<i32>} : memref<768xf32, #tpu.memory_space<vmem>>, vector<16xf32>,
      %get3A_724 = arith.index_cast %while3A_458 : i32 to index
      %get3A_725 = arith.constant 528 : index
      %get3A_726 = tpu.vector_load %arg8[%get3A_724, %get3A_725] {strides = array<i32>} : memref<64x768xf32, #tpu.memory_space<vmem>>, vector<1x16xf32>,
      %get3A_727 = vector.shape_cast %get3A_726 : vector<1x16xf32> to vector<16xf32>
      %swap3A_728 = arith.constant 528 : index
      %swap3A_729 = tpu.vector_load %arg10[%swap3A_728] {strides = array<i32>} : memref<768xf32, #tpu.memory_space<vmem>>, vector<16xf32>,
      %swap3A_730 = vector.shape_cast %swap3A_729 : vector<16xf32> to vector<16xf32>
      %swap3A_731 = vector.shape_cast %get3A_727 : vector<16xf32> to vector<16xf32>
      tpu.vector_store %arg10[%swap3A_728], %swap3A_731 {add = true, strides = array<i32>} : memref<768xf32, #tpu.memory_space<vmem>>, vector<16xf32>,
      %get3A_732 = arith.index_cast %while3A_458 : i32 to index
      %get3A_733 = arith.constant 544 : index
      %get3A_734 = tpu.vector_load %arg8[%get3A_732, %get3A_733] {strides = array<i32>} : memref<64x768xf32, #tpu.memory_space<vmem>>, vector<1x16xf32>,
      %get3A_735 = vector.shape_cast %get3A_734 : vector<1x16xf32> to vector<16xf32>
      %swap3A_736 = arith.constant 544 : index
      %swap3A_737 = tpu.vector_load %arg10[%swap3A_736] {strides = array<i32>} : memref<768xf32, #tpu.memory_space<vmem>>, vector<16xf32>,
      %swap3A_738 = vector.shape_cast %swap3A_737 : vector<16xf32> to vector<16xf32>
      %swap3A_739 = vector.shape_cast %get3A_735 : vector<16xf32> to vector<16xf32>
      tpu.vector_store %arg10[%swap3A_736], %swap3A_739 {add = true, strides = array<i32>} : memref<768xf32, #tpu.memory_space<vmem>>, vector<16xf32>,
      %get3A_740 = arith.index_cast %while3A_458 : i32 to index
      %get3A_741 = arith.constant 560 : index
      %get3A_742 = tpu.vector_load %arg8[%get3A_740, %get3A_741] {strides = array<i32>} : memref<64x768xf32, #tpu.memory_space<vmem>>, vector<1x16xf32>,
      %get3A_743 = vector.shape_cast %get3A_742 : vector<1x16xf32> to vector<16xf32>
      %swap3A_744 = arith.constant 560 : index
      %swap3A_745 = tpu.vector_load %arg10[%swap3A_744] {strides = array<i32>} : memref<768xf32, #tpu.memory_space<vmem>>, vector<16xf32>,
      %swap3A_746 = vector.shape_cast %swap3A_745 : vector<16xf32> to vector<16xf32>
      %swap3A_747 = vector.shape_cast %get3A_743 : vector<16xf32> to vector<16xf32>
      tpu.vector_store %arg10[%swap3A_744], %swap3A_747 {add = true, strides = array<i32>} : memref<768xf32, #tpu.memory_space<vmem>>, vector<16xf32>,
      %get3A_748 = arith.index_cast %while3A_458 : i32 to index
      %get3A_749 = arith.constant 576 : index
      %get3A_750 = tpu.vector_load %arg8[%get3A_748, %get3A_749] {strides = array<i32>} : memref<64x768xf32, #tpu.memory_space<vmem>>, vector<1x16xf32>,
      %get3A_751 = vector.shape_cast %get3A_750 : vector<1x16xf32> to vector<16xf32>
      %swap3A_752 = arith.constant 576 : index
      %swap3A_753 = tpu.vector_load %arg10[%swap3A_752] {strides = array<i32>} : memref<768xf32, #tpu.memory_space<vmem>>, vector<16xf32>,
      %swap3A_754 = vector.shape_cast %swap3A_753 : vector<16xf32> to vector<16xf32>
      %swap3A_755 = vector.shape_cast %get3A_751 : vector<16xf32> to vector<16xf32>
      tpu.vector_store %arg10[%swap3A_752], %swap3A_755 {add = true, strides = array<i32>} : memref<768xf32, #tpu.memory_space<vmem>>, vector<16xf32>,
      %get3A_756 = arith.index_cast %while3A_458 : i32 to index
      %get3A_757 = arith.constant 592 : index
      %get3A_758 = tpu.vector_load %arg8[%get3A_756, %get3A_757] {strides = array<i32>} : memref<64x768xf32, #tpu.memory_space<vmem>>, vector<1x16xf32>,
      %get3A_759 = vector.shape_cast %get3A_758 : vector<1x16xf32> to vector<16xf32>
      %swap3A_760 = arith.constant 592 : index
      %swap3A_761 = tpu.vector_load %arg10[%swap3A_760] {strides = array<i32>} : memref<768xf32, #tpu.memory_space<vmem>>, vector<16xf32>,
      %swap3A_762 = vector.shape_cast %swap3A_761 : vector<16xf32> to vector<16xf32>
      %swap3A_763 = vector.shape_cast %get3A_759 : vector<16xf32> to vector<16xf32>
      tpu.vector_store %arg10[%swap3A_760], %swap3A_763 {add = true, strides = array<i32>} : memref<768xf32, #tpu.memory_space<vmem>>, vector<16xf32>,
      %get3A_764 = arith.index_cast %while3A_458 : i32 to index
      %get3A_765 = arith.constant 608 : index
      %get3A_766 = tpu.vector_load %arg8[%get3A_764, %get3A_765] {strides = array<i32>} : memref<64x768xf32, #tpu.memory_space<vmem>>, vector<1x16xf32>,
      %get3A_767 = vector.shape_cast %get3A_766 : vector<1x16xf32> to vector<16xf32>
      %swap3A_768 = arith.constant 608 : index
      %swap3A_769 = tpu.vector_load %arg10[%swap3A_768] {strides = array<i32>} : memref<768xf32, #tpu.memory_space<vmem>>, vector<16xf32>,
      %swap3A_770 = vector.shape_cast %swap3A_769 : vector<16xf32> to vector<16xf32>
      %swap3A_771 = vector.shape_cast %get3A_767 : vector<16xf32> to vector<16xf32>
      tpu.vector_store %arg10[%swap3A_768], %swap3A_771 {add = true, strides = array<i32>} : memref<768xf32, #tpu.memory_space<vmem>>, vector<16xf32>,
      %get3A_772 = arith.index_cast %while3A_458 : i32 to index
      %get3A_773 = arith.constant 624 : index
      %get3A_774 = tpu.vector_load %arg8[%get3A_772, %get3A_773] {strides = array<i32>} : memref<64x768xf32, #tpu.memory_space<vmem>>, vector<1x16xf32>,
      %get3A_775 = vector.shape_cast %get3A_774 : vector<1x16xf32> to vector<16xf32>
      %swap3A_776 = arith.constant 624 : index
      %swap3A_777 = tpu.vector_load %arg10[%swap3A_776] {strides = array<i32>} : memref<768xf32, #tpu.memory_space<vmem>>, vector<16xf32>,
      %swap3A_778 = vector.shape_cast %swap3A_777 : vector<16xf32> to vector<16xf32>
      %swap3A_779 = vector.shape_cast %get3A_775 : vector<16xf32> to vector<16xf32>
      tpu.vector_store %arg10[%swap3A_776], %swap3A_779 {add = true, strides = array<i32>} : memref<768xf32, #tpu.memory_space<vmem>>, vector<16xf32>,
      %get3A_780 = arith.index_cast %while3A_458 : i32 to index
      %get3A_781 = arith.constant 640 : index
      %get3A_782 = tpu.vector_load %arg8[%get3A_780, %get3A_781] {strides = array<i32>} : memref<64x768xf32, #tpu.memory_space<vmem>>, vector<1x16xf32>,
      %get3A_783 = vector.shape_cast %get3A_782 : vector<1x16xf32> to vector<16xf32>
      %swap3A_784 = arith.constant 640 : index
      %swap3A_785 = tpu.vector_load %arg10[%swap3A_784] {strides = array<i32>} : memref<768xf32, #tpu.memory_space<vmem>>, vector<16xf32>,
      %swap3A_786 = vector.shape_cast %swap3A_785 : vector<16xf32> to vector<16xf32>
      %swap3A_787 = vector.shape_cast %get3A_783 : vector<16xf32> to vector<16xf32>
      tpu.vector_store %arg10[%swap3A_784], %swap3A_787 {add = true, strides = array<i32>} : memref<768xf32, #tpu.memory_space<vmem>>, vector<16xf32>,
      %get3A_788 = arith.index_cast %while3A_458 : i32 to index
      %get3A_789 = arith.constant 656 : index
      %get3A_790 = tpu.vector_load %arg8[%get3A_788, %get3A_789] {strides = array<i32>} : memref<64x768xf32, #tpu.memory_space<vmem>>, vector<1x16xf32>,
      %get3A_791 = vector.shape_cast %get3A_790 : vector<1x16xf32> to vector<16xf32>
      %swap3A_792 = arith.constant 656 : index
      %swap3A_793 = tpu.vector_load %arg10[%swap3A_792] {strides = array<i32>} : memref<768xf32, #tpu.memory_space<vmem>>, vector<16xf32>,
      %swap3A_794 = vector.shape_cast %swap3A_793 : vector<16xf32> to vector<16xf32>
      %swap3A_795 = vector.shape_cast %get3A_791 : vector<16xf32> to vector<16xf32>
      tpu.vector_store %arg10[%swap3A_792], %swap3A_795 {add = true, strides = array<i32>} : memref<768xf32, #tpu.memory_space<vmem>>, vector<16xf32>,
      %get3A_796 = arith.index_cast %while3A_458 : i32 to index
      %get3A_797 = arith.constant 672 : index
      %get3A_798 = tpu.vector_load %arg8[%get3A_796, %get3A_797] {strides = array<i32>} : memref<64x768xf32, #tpu.memory_space<vmem>>, vector<1x16xf32>,
      %get3A_799 = vector.shape_cast %get3A_798 : vector<1x16xf32> to vector<16xf32>
      %swap3A_800 = arith.constant 672 : index
      %swap3A_801 = tpu.vector_load %arg10[%swap3A_800] {strides = array<i32>} : memref<768xf32, #tpu.memory_space<vmem>>, vector<16xf32>,
      %swap3A_802 = vector.shape_cast %swap3A_801 : vector<16xf32> to vector<16xf32>
      %swap3A_803 = vector.shape_cast %get3A_799 : vector<16xf32> to vector<16xf32>
      tpu.vector_store %arg10[%swap3A_800], %swap3A_803 {add = true, strides = array<i32>} : memref<768xf32, #tpu.memory_space<vmem>>, vector<16xf32>,
      %get3A_804 = arith.index_cast %while3A_458 : i32 to index
      %get3A_805 = arith.constant 688 : index
      %get3A_806 = tpu.vector_load %arg8[%get3A_804, %get3A_805] {strides = array<i32>} : memref<64x768xf32, #tpu.memory_space<vmem>>, vector<1x16xf32>,
      %get3A_807 = vector.shape_cast %get3A_806 : vector<1x16xf32> to vector<16xf32>
      %swap3A_808 = arith.constant 688 : index
      %swap3A_809 = tpu.vector_load %arg10[%swap3A_808] {strides = array<i32>} : memref<768xf32, #tpu.memory_space<vmem>>, vector<16xf32>,
      %swap3A_810 = vector.shape_cast %swap3A_809 : vector<16xf32> to vector<16xf32>
      %swap3A_811 = vector.shape_cast %get3A_807 : vector<16xf32> to vector<16xf32>
      tpu.vector_store %arg10[%swap3A_808], %swap3A_811 {add = true, strides = array<i32>} : memref<768xf32, #tpu.memory_space<vmem>>, vector<16xf32>,
      %get3A_812 = arith.index_cast %while3A_458 : i32 to index
      %get3A_813 = arith.constant 704 : index
      %get3A_814 = tpu.vector_load %arg8[%get3A_812, %get3A_813] {strides = array<i32>} : memref<64x768xf32, #tpu.memory_space<vmem>>, vector<1x16xf32>,
      %get3A_815 = vector.shape_cast %get3A_814 : vector<1x16xf32> to vector<16xf32>
      %swap3A_816 = arith.constant 704 : index
      %swap3A_817 = tpu.vector_load %arg10[%swap3A_816] {strides = array<i32>} : memref<768xf32, #tpu.memory_space<vmem>>, vector<16xf32>,
      %swap3A_818 = vector.shape_cast %swap3A_817 : vector<16xf32> to vector<16xf32>
      %swap3A_819 = vector.shape_cast %get3A_815 : vector<16xf32> to vector<16xf32>
      tpu.vector_store %arg10[%swap3A_816], %swap3A_819 {add = true, strides = array<i32>} : memref<768xf32, #tpu.memory_space<vmem>>, vector<16xf32>,
      %get3A_820 = arith.index_cast %while3A_458 : i32 to index
      %get3A_821 = arith.constant 720 : index
      %get3A_822 = tpu.vector_load %arg8[%get3A_820, %get3A_821] {strides = array<i32>} : memref<64x768xf32, #tpu.memory_space<vmem>>, vector<1x16xf32>,
      %get3A_823 = vector.shape_cast %get3A_822 : vector<1x16xf32> to vector<16xf32>
      %swap3A_824 = arith.constant 720 : index
      %swap3A_825 = tpu.vector_load %arg10[%swap3A_824] {strides = array<i32>} : memref<768xf32, #tpu.memory_space<vmem>>, vector<16xf32>,
      %swap3A_826 = vector.shape_cast %swap3A_825 : vector<16xf32> to vector<16xf32>
      %swap3A_827 = vector.shape_cast %get3A_823 : vector<16xf32> to vector<16xf32>
      tpu.vector_store %arg10[%swap3A_824], %swap3A_827 {add = true, strides = array<i32>} : memref<768xf32, #tpu.memory_space<vmem>>, vector<16xf32>,
      %get3A_828 = arith.index_cast %while3A_458 : i32 to index
      %get3A_829 = arith.constant 736 : index
      %get3A_830 = tpu.vector_load %arg8[%get3A_828, %get3A_829] {strides = array<i32>} : memref<64x768xf32, #tpu.memory_space<vmem>>, vector<1x16xf32>,
      %get3A_831 = vector.shape_cast %get3A_830 : vector<1x16xf32> to vector<16xf32>
      %swap3A_832 = arith.constant 736 : index
      %swap3A_833 = tpu.vector_load %arg10[%swap3A_832] {strides = array<i32>} : memref<768xf32, #tpu.memory_space<vmem>>, vector<16xf32>,
      %swap3A_834 = vector.shape_cast %swap3A_833 : vector<16xf32> to vector<16xf32>
      %swap3A_835 = vector.shape_cast %get3A_831 : vector<16xf32> to vector<16xf32>
      tpu.vector_store %arg10[%swap3A_832], %swap3A_835 {add = true, strides = array<i32>} : memref<768xf32, #tpu.memory_space<vmem>>, vector<16xf32>,
      %get3A_836 = arith.index_cast %while3A_458 : i32 to index
      %get3A_837 = arith.constant 752 : index
      %get3A_838 = tpu.vector_load %arg8[%get3A_836, %get3A_837] {strides = array<i32>} : memref<64x768xf32, #tpu.memory_space<vmem>>, vector<1x16xf32>,
      %get3A_839 = vector.shape_cast %get3A_838 : vector<1x16xf32> to vector<16xf32>
      %swap3A_840 = arith.constant 752 : index
      %swap3A_841 = tpu.vector_load %arg10[%swap3A_840] {strides = array<i32>} : memref<768xf32, #tpu.memory_space<vmem>>, vector<16xf32>,
      %swap3A_842 = vector.shape_cast %swap3A_841 : vector<16xf32> to vector<16xf32>
      %swap3A_843 = vector.shape_cast %get3A_839 : vector<16xf32> to vector<16xf32>
      tpu.vector_store %arg10[%swap3A_840], %swap3A_843 {add = true, strides = array<i32>} : memref<768xf32, #tpu.memory_space<vmem>>, vector<16xf32>,
      %while3A_844 = arith.constant 0 : i32
      scf.yield %while3A_844 : i32
    }
    %dma_start3A_423 = arith.constant 3 : i32
    %dma_start3A_424 = arith.constant 0 : i32
    %dma_start3A_425 = tpu.memref_slice %arg7[%dma_start3A_423, %dma_start3A_424] : memref<4x64xi32, #tpu.memory_space<vmem>> -> memref<1x64xi32, #tpu.memory_space<vmem>>
    %dma_start3A_426 = tpu.memref_squeeze %dma_start3A_425 : memref<1x64xi32, #tpu.memory_space<vmem>> -> memref<64xi32, #tpu.memory_space<vmem>>
    %dma_start3A_427 = arith.constant 0 : i32
    %dma_start3A_428 = arith.constant 0 : i32
    %dma_start3A_429 = tpu.memref_slice %arg4[%dma_start3A_427, %dma_start3A_428] : memref<30522x768xf32, #tpu.memory_space<hbm>> -> memref<30522x768xf32, #tpu.memory_space<hbm>>
    tpu.enqueue_indirect_dma source(%dma_start3A_429 : memref<30522x768xf32, #tpu.memory_space<hbm>>) target(%arg8 : memref<64x768xf32, #tpu.memory_space<vmem>>) offsets(%dma_start3A_426 : memref<64xi32, #tpu.memory_space<vmem>>) semaphore(%arg11 : memref<!tpu.dma_semaphore, #tpu.memory_space<semaphore_mem>>)
    %dma_wait3A_430 = arith.constant 3 : i32
    %dma_wait3A_431 = arith.constant 0 : i32
    %dma_wait3A_432 = tpu.memref_slice %arg7[%dma_wait3A_430, %dma_wait3A_431] : memref<4x64xi32, #tpu.memory_space<vmem>> -> memref<1x64xi32, #tpu.memory_space<vmem>>
    %dma_wait3A_433 = tpu.memref_squeeze %dma_wait3A_432 : memref<1x64xi32, #tpu.memory_space<vmem>> -> memref<64xi32, #tpu.memory_space<vmem>>
    %dma_wait3A_434 = arith.constant 0 : i32
    %dma_wait3A_435 = arith.constant 0 : i32
    %dma_wait3A_436 = tpu.memref_slice %arg4[%dma_wait3A_434, %dma_wait3A_435] : memref<30522x768xf32, #tpu.memory_space<hbm>> -> memref<30522x768xf32, #tpu.memory_space<hbm>>
    tpu.wait_indirect_dma semaphore(%arg11 : memref<!tpu.dma_semaphore, #tpu.memory_space<semaphore_mem>>) src(%dma_wait3A_436 : memref<30522x768xf32, #tpu.memory_space<hbm>>) dst(%arg8 : memref<64x768xf32, #tpu.memory_space<vmem>>)
    %add3A_437 = arith.constant 192 : i32
    %add3A_438 = arith.addi %mul3A_2, %add3A_437 : i32
    "tpu.region"() ({
      %run_scoped3A = tpu.sem_alloc : memref<!tpu.dma_semaphore, #tpu.memory_space<semaphore_mem>>
      %dma_start3A_458 = arith.constant 0 : i32
      %dma_start3A_459 = tpu.memref_slice %arg5[%add3A_438, %dma_start3A_458] : memref<8192x768xf32, #tpu.memory_space<hbm>> -> memref<64x768xf32, #tpu.memory_space<hbm>>
      %dma_start3A_460 = arith.constant 0 : i32
      %dma_start3A_461 = tpu.memref_slice %arg5[%add3A_438, %dma_start3A_460] : memref<8192x768xf32, #tpu.memory_space<hbm>> -> memref<64x768xf32, #tpu.memory_space<hbm>>
      tpu.enqueue_dma source(%arg8 : memref<64x768xf32, #tpu.memory_space<vmem>>) target(%dma_start3A_461 : memref<64x768xf32, #tpu.memory_space<hbm>>) target_semaphore(%run_scoped3A : memref<!tpu.dma_semaphore, #tpu.memory_space<semaphore_mem>>)
      %dma_wait3A_462 = arith.constant 0 : i32
      %dma_wait3A_463 = tpu.memref_slice %arg5[%add3A_438, %dma_wait3A_462] : memref<8192x768xf32, #tpu.memory_space<hbm>> -> memref<64x768xf32, #tpu.memory_space<hbm>>
      %dma_wait3A_464 = arith.constant 0 : i32
      %dma_wait3A_465 = tpu.memref_slice %arg5[%add3A_438, %dma_wait3A_464] : memref<8192x768xf32, #tpu.memory_space<hbm>> -> memref<64x768xf32, #tpu.memory_space<hbm>>
      tpu.wait_dma2 semaphore(%run_scoped3A : memref<!tpu.dma_semaphore, #tpu.memory_space<semaphore_mem>>) src(%arg8 : memref<64x768xf32, #tpu.memory_space<vmem>>) dst(%dma_wait3A_465 : memref<64x768xf32, #tpu.memory_space<hbm>>)
      tpu.yield
    }) : () -> ()
    %add3A_439 = arith.constant 192 : i32
    %add3A_440 = arith.addi %mul3A_34, %add3A_439 : i32
    %sub3A_441 = arith.subi %squeeze3A, %add3A_440 : i32
    %jit3A_442 = arith.constant 0 : i32
    %jit3A_443 = arith.constant 64 : i32
    %max3A_444 = arith.maxsi %jit3A_442, %sub3A_441 : i32
    %min3A_445 = arith.minsi %jit3A_443, %max3A_444 : i32
    %while3A_446 = arith.constant 0 : i32
    %while3A_447 = arith.constant 0 : i32
    %while3A_448 = arith.subi %min3A_445, %while3A_446 : i32
    %while3A_449 = arith.addi %while3A_446, %while3A_448 : i32
    %while3A_450 = arith.constant 1 : i32
    %while3A_451 = arith.divsi %while3A_448, %while3A_450 : i32
    %while3A_452 = arith.muli %while3A_451, %while3A_450 : i32
    %while3A_453 = arith.addi %while3A_446, %while3A_452 : i32
    %while3A_454 = arith.constant 1 : i32
    %while3A_455 = scf.for %while3A_458 = %while3A_446 to %while3A_453 step %while3A_454 iter_args(%while3A_459 = %while3A_447) -> (i32)  : i32 {
      %get3A_460 = arith.index_cast %while3A_458 : i32 to index
      %get3A_461 = arith.constant 0 : index
      %get3A_462 = tpu.vector_load %arg8[%get3A_460, %get3A_461] {strides = array<i32>} : memref<64x768xf32, #tpu.memory_space<vmem>>, vector<1x16xf32>,
      %get3A_463 = vector.shape_cast %get3A_462 : vector<1x16xf32> to vector<16xf32>
      %swap3A_464 = arith.constant 0 : index
      %swap3A_465 = tpu.vector_load %arg10[%swap3A_464] {strides = array<i32>} : memref<768xf32, #tpu.memory_space<vmem>>, vector<16xf32>,
      %swap3A_466 = vector.shape_cast %swap3A_465 : vector<16xf32> to vector<16xf32>
      %swap3A_467 = vector.shape_cast %get3A_463 : vector<16xf32> to vector<16xf32>
      tpu.vector_store %arg10[%swap3A_464], %swap3A_467 {add = true, strides = array<i32>} : memref<768xf32, #tpu.memory_space<vmem>>, vector<16xf32>,
      %get3A_468 = arith.index_cast %while3A_458 : i32 to index
      %get3A_469 = arith.constant 16 : index
      %get3A_470 = tpu.vector_load %arg8[%get3A_468, %get3A_469] {strides = array<i32>} : memref<64x768xf32, #tpu.memory_space<vmem>>, vector<1x16xf32>,
      %get3A_471 = vector.shape_cast %get3A_470 : vector<1x16xf32> to vector<16xf32>
      %swap3A_472 = arith.constant 16 : index
      %swap3A_473 = tpu.vector_load %arg10[%swap3A_472] {strides = array<i32>} : memref<768xf32, #tpu.memory_space<vmem>>, vector<16xf32>,
      %swap3A_474 = vector.shape_cast %swap3A_473 : vector<16xf32> to vector<16xf32>
      %swap3A_475 = vector.shape_cast %get3A_471 : vector<16xf32> to vector<16xf32>
      tpu.vector_store %arg10[%swap3A_472], %swap3A_475 {add = true, strides = array<i32>} : memref<768xf32, #tpu.memory_space<vmem>>, vector<16xf32>,
      %get3A_476 = arith.index_cast %while3A_458 : i32 to index
      %get3A_477 = arith.constant 32 : index
      %get3A_478 = tpu.vector_load %arg8[%get3A_476, %get3A_477] {strides = array<i32>} : memref<64x768xf32, #tpu.memory_space<vmem>>, vector<1x16xf32>,
      %get3A_479 = vector.shape_cast %get3A_478 : vector<1x16xf32> to vector<16xf32>
      %swap3A_480 = arith.constant 32 : index
      %swap3A_481 = tpu.vector_load %arg10[%swap3A_480] {strides = array<i32>} : memref<768xf32, #tpu.memory_space<vmem>>, vector<16xf32>,
      %swap3A_482 = vector.shape_cast %swap3A_481 : vector<16xf32> to vector<16xf32>
      %swap3A_483 = vector.shape_cast %get3A_479 : vector<16xf32> to vector<16xf32>
      tpu.vector_store %arg10[%swap3A_480], %swap3A_483 {add = true, strides = array<i32>} : memref<768xf32, #tpu.memory_space<vmem>>, vector<16xf32>,
      %get3A_484 = arith.index_cast %while3A_458 : i32 to index
      %get3A_485 = arith.constant 48 : index
      %get3A_486 = tpu.vector_load %arg8[%get3A_484, %get3A_485] {strides = array<i32>} : memref<64x768xf32, #tpu.memory_space<vmem>>, vector<1x16xf32>,
      %get3A_487 = vector.shape_cast %get3A_486 : vector<1x16xf32> to vector<16xf32>
      %swap3A_488 = arith.constant 48 : index
      %swap3A_489 = tpu.vector_load %arg10[%swap3A_488] {strides = array<i32>} : memref<768xf32, #tpu.memory_space<vmem>>, vector<16xf32>,
      %swap3A_490 = vector.shape_cast %swap3A_489 : vector<16xf32> to vector<16xf32>
      %swap3A_491 = vector.shape_cast %get3A_487 : vector<16xf32> to vector<16xf32>
      tpu.vector_store %arg10[%swap3A_488], %swap3A_491 {add = true, strides = array<i32>} : memref<768xf32, #tpu.memory_space<vmem>>, vector<16xf32>,
      %get3A_492 = arith.index_cast %while3A_458 : i32 to index
      %get3A_493 = arith.constant 64 : index
      %get3A_494 = tpu.vector_load %arg8[%get3A_492, %get3A_493] {strides = array<i32>} : memref<64x768xf32, #tpu.memory_space<vmem>>, vector<1x16xf32>,
      %get3A_495 = vector.shape_cast %get3A_494 : vector<1x16xf32> to vector<16xf32>
      %swap3A_496 = arith.constant 64 : index
      %swap3A_497 = tpu.vector_load %arg10[%swap3A_496] {strides = array<i32>} : memref<768xf32, #tpu.memory_space<vmem>>, vector<16xf32>,
      %swap3A_498 = vector.shape_cast %swap3A_497 : vector<16xf32> to vector<16xf32>
      %swap3A_499 = vector.shape_cast %get3A_495 : vector<16xf32> to vector<16xf32>
      tpu.vector_store %arg10[%swap3A_496], %swap3A_499 {add = true, strides = array<i32>} : memref<768xf32, #tpu.memory_space<vmem>>, vector<16xf32>,
      %get3A_500 = arith.index_cast %while3A_458 : i32 to index
      %get3A_501 = arith.constant 80 : index
      %get3A_502 = tpu.vector_load %arg8[%get3A_500, %get3A_501] {strides = array<i32>} : memref<64x768xf32, #tpu.memory_space<vmem>>, vector<1x16xf32>,
      %get3A_503 = vector.shape_cast %get3A_502 : vector<1x16xf32> to vector<16xf32>
      %swap3A_504 = arith.constant 80 : index
      %swap3A_505 = tpu.vector_load %arg10[%swap3A_504] {strides = array<i32>} : memref<768xf32, #tpu.memory_space<vmem>>, vector<16xf32>,
      %swap3A_506 = vector.shape_cast %swap3A_505 : vector<16xf32> to vector<16xf32>
      %swap3A_507 = vector.shape_cast %get3A_503 : vector<16xf32> to vector<16xf32>
      tpu.vector_store %arg10[%swap3A_504], %swap3A_507 {add = true, strides = array<i32>} : memref<768xf32, #tpu.memory_space<vmem>>, vector<16xf32>,
      %get3A_508 = arith.index_cast %while3A_458 : i32 to index
      %get3A_509 = arith.constant 96 : index
      %get3A_510 = tpu.vector_load %arg8[%get3A_508, %get3A_509] {strides = array<i32>} : memref<64x768xf32, #tpu.memory_space<vmem>>, vector<1x16xf32>,
      %get3A_511 = vector.shape_cast %get3A_510 : vector<1x16xf32> to vector<16xf32>
      %swap3A_512 = arith.constant 96 : index
      %swap3A_513 = tpu.vector_load %arg10[%swap3A_512] {strides = array<i32>} : memref<768xf32, #tpu.memory_space<vmem>>, vector<16xf32>,
      %swap3A_514 = vector.shape_cast %swap3A_513 : vector<16xf32> to vector<16xf32>
      %swap3A_515 = vector.shape_cast %get3A_511 : vector<16xf32> to vector<16xf32>
      tpu.vector_store %arg10[%swap3A_512], %swap3A_515 {add = true, strides = array<i32>} : memref<768xf32, #tpu.memory_space<vmem>>, vector<16xf32>,
      %get3A_516 = arith.index_cast %while3A_458 : i32 to index
      %get3A_517 = arith.constant 112 : index
      %get3A_518 = tpu.vector_load %arg8[%get3A_516, %get3A_517] {strides = array<i32>} : memref<64x768xf32, #tpu.memory_space<vmem>>, vector<1x16xf32>,
      %get3A_519 = vector.shape_cast %get3A_518 : vector<1x16xf32> to vector<16xf32>
      %swap3A_520 = arith.constant 112 : index
      %swap3A_521 = tpu.vector_load %arg10[%swap3A_520] {strides = array<i32>} : memref<768xf32, #tpu.memory_space<vmem>>, vector<16xf32>,
      %swap3A_522 = vector.shape_cast %swap3A_521 : vector<16xf32> to vector<16xf32>
      %swap3A_523 = vector.shape_cast %get3A_519 : vector<16xf32> to vector<16xf32>
      tpu.vector_store %arg10[%swap3A_520], %swap3A_523 {add = true, strides = array<i32>} : memref<768xf32, #tpu.memory_space<vmem>>, vector<16xf32>,
      %get3A_524 = arith.index_cast %while3A_458 : i32 to index
      %get3A_525 = arith.constant 128 : index
      %get3A_526 = tpu.vector_load %arg8[%get3A_524, %get3A_525] {strides = array<i32>} : memref<64x768xf32, #tpu.memory_space<vmem>>, vector<1x16xf32>,
      %get3A_527 = vector.shape_cast %get3A_526 : vector<1x16xf32> to vector<16xf32>
      %swap3A_528 = arith.constant 128 : index
      %swap3A_529 = tpu.vector_load %arg10[%swap3A_528] {strides = array<i32>} : memref<768xf32, #tpu.memory_space<vmem>>, vector<16xf32>,
      %swap3A_530 = vector.shape_cast %swap3A_529 : vector<16xf32> to vector<16xf32>
      %swap3A_531 = vector.shape_cast %get3A_527 : vector<16xf32> to vector<16xf32>
      tpu.vector_store %arg10[%swap3A_528], %swap3A_531 {add = true, strides = array<i32>} : memref<768xf32, #tpu.memory_space<vmem>>, vector<16xf32>,
      %get3A_532 = arith.index_cast %while3A_458 : i32 to index
      %get3A_533 = arith.constant 144 : index
      %get3A_534 = tpu.vector_load %arg8[%get3A_532, %get3A_533] {strides = array<i32>} : memref<64x768xf32, #tpu.memory_space<vmem>>, vector<1x16xf32>,
      %get3A_535 = vector.shape_cast %get3A_534 : vector<1x16xf32> to vector<16xf32>
      %swap3A_536 = arith.constant 144 : index
      %swap3A_537 = tpu.vector_load %arg10[%swap3A_536] {strides = array<i32>} : memref<768xf32, #tpu.memory_space<vmem>>, vector<16xf32>,
      %swap3A_538 = vector.shape_cast %swap3A_537 : vector<16xf32> to vector<16xf32>
      %swap3A_539 = vector.shape_cast %get3A_535 : vector<16xf32> to vector<16xf32>
      tpu.vector_store %arg10[%swap3A_536], %swap3A_539 {add = true, strides = array<i32>} : memref<768xf32, #tpu.memory_space<vmem>>, vector<16xf32>,
      %get3A_540 = arith.index_cast %while3A_458 : i32 to index
      %get3A_541 = arith.constant 160 : index
      %get3A_542 = tpu.vector_load %arg8[%get3A_540, %get3A_541] {strides = array<i32>} : memref<64x768xf32, #tpu.memory_space<vmem>>, vector<1x16xf32>,
      %get3A_543 = vector.shape_cast %get3A_542 : vector<1x16xf32> to vector<16xf32>
      %swap3A_544 = arith.constant 160 : index
      %swap3A_545 = tpu.vector_load %arg10[%swap3A_544] {strides = array<i32>} : memref<768xf32, #tpu.memory_space<vmem>>, vector<16xf32>,
      %swap3A_546 = vector.shape_cast %swap3A_545 : vector<16xf32> to vector<16xf32>
      %swap3A_547 = vector.shape_cast %get3A_543 : vector<16xf32> to vector<16xf32>
      tpu.vector_store %arg10[%swap3A_544], %swap3A_547 {add = true, strides = array<i32>} : memref<768xf32, #tpu.memory_space<vmem>>, vector<16xf32>,
      %get3A_548 = arith.index_cast %while3A_458 : i32 to index
      %get3A_549 = arith.constant 176 : index
      %get3A_550 = tpu.vector_load %arg8[%get3A_548, %get3A_549] {strides = array<i32>} : memref<64x768xf32, #tpu.memory_space<vmem>>, vector<1x16xf32>,
      %get3A_551 = vector.shape_cast %get3A_550 : vector<1x16xf32> to vector<16xf32>
      %swap3A_552 = arith.constant 176 : index
      %swap3A_553 = tpu.vector_load %arg10[%swap3A_552] {strides = array<i32>} : memref<768xf32, #tpu.memory_space<vmem>>, vector<16xf32>,
      %swap3A_554 = vector.shape_cast %swap3A_553 : vector<16xf32> to vector<16xf32>
      %swap3A_555 = vector.shape_cast %get3A_551 : vector<16xf32> to vector<16xf32>
      tpu.vector_store %arg10[%swap3A_552], %swap3A_555 {add = true, strides = array<i32>} : memref<768xf32, #tpu.memory_space<vmem>>, vector<16xf32>,
      %get3A_556 = arith.index_cast %while3A_458 : i32 to index
      %get3A_557 = arith.constant 192 : index
      %get3A_558 = tpu.vector_load %arg8[%get3A_556, %get3A_557] {strides = array<i32>} : memref<64x768xf32, #tpu.memory_space<vmem>>, vector<1x16xf32>,
      %get3A_559 = vector.shape_cast %get3A_558 : vector<1x16xf32> to vector<16xf32>
      %swap3A_560 = arith.constant 192 : index
      %swap3A_561 = tpu.vector_load %arg10[%swap3A_560] {strides = array<i32>} : memref<768xf32, #tpu.memory_space<vmem>>, vector<16xf32>,
      %swap3A_562 = vector.shape_cast %swap3A_561 : vector<16xf32> to vector<16xf32>
      %swap3A_563 = vector.shape_cast %get3A_559 : vector<16xf32> to vector<16xf32>
      tpu.vector_store %arg10[%swap3A_560], %swap3A_563 {add = true, strides = array<i32>} : memref<768xf32, #tpu.memory_space<vmem>>, vector<16xf32>,
      %get3A_564 = arith.index_cast %while3A_458 : i32 to index
      %get3A_565 = arith.constant 208 : index
      %get3A_566 = tpu.vector_load %arg8[%get3A_564, %get3A_565] {strides = array<i32>} : memref<64x768xf32, #tpu.memory_space<vmem>>, vector<1x16xf32>,
      %get3A_567 = vector.shape_cast %get3A_566 : vector<1x16xf32> to vector<16xf32>
      %swap3A_568 = arith.constant 208 : index
      %swap3A_569 = tpu.vector_load %arg10[%swap3A_568] {strides = array<i32>} : memref<768xf32, #tpu.memory_space<vmem>>, vector<16xf32>,
      %swap3A_570 = vector.shape_cast %swap3A_569 : vector<16xf32> to vector<16xf32>
      %swap3A_571 = vector.shape_cast %get3A_567 : vector<16xf32> to vector<16xf32>
      tpu.vector_store %arg10[%swap3A_568], %swap3A_571 {add = true, strides = array<i32>} : memref<768xf32, #tpu.memory_space<vmem>>, vector<16xf32>,
      %get3A_572 = arith.index_cast %while3A_458 : i32 to index
      %get3A_573 = arith.constant 224 : index
      %get3A_574 = tpu.vector_load %arg8[%get3A_572, %get3A_573] {strides = array<i32>} : memref<64x768xf32, #tpu.memory_space<vmem>>, vector<1x16xf32>,
      %get3A_575 = vector.shape_cast %get3A_574 : vector<1x16xf32> to vector<16xf32>
      %swap3A_576 = arith.constant 224 : index
      %swap3A_577 = tpu.vector_load %arg10[%swap3A_576] {strides = array<i32>} : memref<768xf32, #tpu.memory_space<vmem>>, vector<16xf32>,
      %swap3A_578 = vector.shape_cast %swap3A_577 : vector<16xf32> to vector<16xf32>
      %swap3A_579 = vector.shape_cast %get3A_575 : vector<16xf32> to vector<16xf32>
      tpu.vector_store %arg10[%swap3A_576], %swap3A_579 {add = true, strides = array<i32>} : memref<768xf32, #tpu.memory_space<vmem>>, vector<16xf32>,
      %get3A_580 = arith.index_cast %while3A_458 : i32 to index
      %get3A_581 = arith.constant 240 : index
      %get3A_582 = tpu.vector_load %arg8[%get3A_580, %get3A_581] {strides = array<i32>} : memref<64x768xf32, #tpu.memory_space<vmem>>, vector<1x16xf32>,
      %get3A_583 = vector.shape_cast %get3A_582 : vector<1x16xf32> to vector<16xf32>
      %swap3A_584 = arith.constant 240 : index
      %swap3A_585 = tpu.vector_load %arg10[%swap3A_584] {strides = array<i32>} : memref<768xf32, #tpu.memory_space<vmem>>, vector<16xf32>,
      %swap3A_586 = vector.shape_cast %swap3A_585 : vector<16xf32> to vector<16xf32>
      %swap3A_587 = vector.shape_cast %get3A_583 : vector<16xf32> to vector<16xf32>
      tpu.vector_store %arg10[%swap3A_584], %swap3A_587 {add = true, strides = array<i32>} : memref<768xf32, #tpu.memory_space<vmem>>, vector<16xf32>,
      %get3A_588 = arith.index_cast %while3A_458 : i32 to index
      %get3A_589 = arith.constant 256 : index
      %get3A_590 = tpu.vector_load %arg8[%get3A_588, %get3A_589] {strides = array<i32>} : memref<64x768xf32, #tpu.memory_space<vmem>>, vector<1x16xf32>,
      %get3A_591 = vector.shape_cast %get3A_590 : vector<1x16xf32> to vector<16xf32>
      %swap3A_592 = arith.constant 256 : index
      %swap3A_593 = tpu.vector_load %arg10[%swap3A_592] {strides = array<i32>} : memref<768xf32, #tpu.memory_space<vmem>>, vector<16xf32>,
      %swap3A_594 = vector.shape_cast %swap3A_593 : vector<16xf32> to vector<16xf32>
      %swap3A_595 = vector.shape_cast %get3A_591 : vector<16xf32> to vector<16xf32>
      tpu.vector_store %arg10[%swap3A_592], %swap3A_595 {add = true, strides = array<i32>} : memref<768xf32, #tpu.memory_space<vmem>>, vector<16xf32>,
      %get3A_596 = arith.index_cast %while3A_458 : i32 to index
      %get3A_597 = arith.constant 272 : index
      %get3A_598 = tpu.vector_load %arg8[%get3A_596, %get3A_597] {strides = array<i32>} : memref<64x768xf32, #tpu.memory_space<vmem>>, vector<1x16xf32>,
      %get3A_599 = vector.shape_cast %get3A_598 : vector<1x16xf32> to vector<16xf32>
      %swap3A_600 = arith.constant 272 : index
      %swap3A_601 = tpu.vector_load %arg10[%swap3A_600] {strides = array<i32>} : memref<768xf32, #tpu.memory_space<vmem>>, vector<16xf32>,
      %swap3A_602 = vector.shape_cast %swap3A_601 : vector<16xf32> to vector<16xf32>
      %swap3A_603 = vector.shape_cast %get3A_599 : vector<16xf32> to vector<16xf32>
      tpu.vector_store %arg10[%swap3A_600], %swap3A_603 {add = true, strides = array<i32>} : memref<768xf32, #tpu.memory_space<vmem>>, vector<16xf32>,
      %get3A_604 = arith.index_cast %while3A_458 : i32 to index
      %get3A_605 = arith.constant 288 : index
      %get3A_606 = tpu.vector_load %arg8[%get3A_604, %get3A_605] {strides = array<i32>} : memref<64x768xf32, #tpu.memory_space<vmem>>, vector<1x16xf32>,
      %get3A_607 = vector.shape_cast %get3A_606 : vector<1x16xf32> to vector<16xf32>
      %swap3A_608 = arith.constant 288 : index
      %swap3A_609 = tpu.vector_load %arg10[%swap3A_608] {strides = array<i32>} : memref<768xf32, #tpu.memory_space<vmem>>, vector<16xf32>,
      %swap3A_610 = vector.shape_cast %swap3A_609 : vector<16xf32> to vector<16xf32>
      %swap3A_611 = vector.shape_cast %get3A_607 : vector<16xf32> to vector<16xf32>
      tpu.vector_store %arg10[%swap3A_608], %swap3A_611 {add = true, strides = array<i32>} : memref<768xf32, #tpu.memory_space<vmem>>, vector<16xf32>,
      %get3A_612 = arith.index_cast %while3A_458 : i32 to index
      %get3A_613 = arith.constant 304 : index
      %get3A_614 = tpu.vector_load %arg8[%get3A_612, %get3A_613] {strides = array<i32>} : memref<64x768xf32, #tpu.memory_space<vmem>>, vector<1x16xf32>,
      %get3A_615 = vector.shape_cast %get3A_614 : vector<1x16xf32> to vector<16xf32>
      %swap3A_616 = arith.constant 304 : index
      %swap3A_617 = tpu.vector_load %arg10[%swap3A_616] {strides = array<i32>} : memref<768xf32, #tpu.memory_space<vmem>>, vector<16xf32>,
      %swap3A_618 = vector.shape_cast %swap3A_617 : vector<16xf32> to vector<16xf32>
      %swap3A_619 = vector.shape_cast %get3A_615 : vector<16xf32> to vector<16xf32>
      tpu.vector_store %arg10[%swap3A_616], %swap3A_619 {add = true, strides = array<i32>} : memref<768xf32, #tpu.memory_space<vmem>>, vector<16xf32>,
      %get3A_620 = arith.index_cast %while3A_458 : i32 to index
      %get3A_621 = arith.constant 320 : index
      %get3A_622 = tpu.vector_load %arg8[%get3A_620, %get3A_621] {strides = array<i32>} : memref<64x768xf32, #tpu.memory_space<vmem>>, vector<1x16xf32>,
      %get3A_623 = vector.shape_cast %get3A_622 : vector<1x16xf32> to vector<16xf32>
      %swap3A_624 = arith.constant 320 : index
      %swap3A_625 = tpu.vector_load %arg10[%swap3A_624] {strides = array<i32>} : memref<768xf32, #tpu.memory_space<vmem>>, vector<16xf32>,
      %swap3A_626 = vector.shape_cast %swap3A_625 : vector<16xf32> to vector<16xf32>
      %swap3A_627 = vector.shape_cast %get3A_623 : vector<16xf32> to vector<16xf32>
      tpu.vector_store %arg10[%swap3A_624], %swap3A_627 {add = true, strides = array<i32>} : memref<768xf32, #tpu.memory_space<vmem>>, vector<16xf32>,
      %get3A_628 = arith.index_cast %while3A_458 : i32 to index
      %get3A_629 = arith.constant 336 : index
      %get3A_630 = tpu.vector_load %arg8[%get3A_628, %get3A_629] {strides = array<i32>} : memref<64x768xf32, #tpu.memory_space<vmem>>, vector<1x16xf32>,
      %get3A_631 = vector.shape_cast %get3A_630 : vector<1x16xf32> to vector<16xf32>
      %swap3A_632 = arith.constant 336 : index
      %swap3A_633 = tpu.vector_load %arg10[%swap3A_632] {strides = array<i32>} : memref<768xf32, #tpu.memory_space<vmem>>, vector<16xf32>,
      %swap3A_634 = vector.shape_cast %swap3A_633 : vector<16xf32> to vector<16xf32>
      %swap3A_635 = vector.shape_cast %get3A_631 : vector<16xf32> to vector<16xf32>
      tpu.vector_store %arg10[%swap3A_632], %swap3A_635 {add = true, strides = array<i32>} : memref<768xf32, #tpu.memory_space<vmem>>, vector<16xf32>,
      %get3A_636 = arith.index_cast %while3A_458 : i32 to index
      %get3A_637 = arith.constant 352 : index
      %get3A_638 = tpu.vector_load %arg8[%get3A_636, %get3A_637] {strides = array<i32>} : memref<64x768xf32, #tpu.memory_space<vmem>>, vector<1x16xf32>,
      %get3A_639 = vector.shape_cast %get3A_638 : vector<1x16xf32> to vector<16xf32>
      %swap3A_640 = arith.constant 352 : index
      %swap3A_641 = tpu.vector_load %arg10[%swap3A_640] {strides = array<i32>} : memref<768xf32, #tpu.memory_space<vmem>>, vector<16xf32>,
      %swap3A_642 = vector.shape_cast %swap3A_641 : vector<16xf32> to vector<16xf32>
      %swap3A_643 = vector.shape_cast %get3A_639 : vector<16xf32> to vector<16xf32>
      tpu.vector_store %arg10[%swap3A_640], %swap3A_643 {add = true, strides = array<i32>} : memref<768xf32, #tpu.memory_space<vmem>>, vector<16xf32>,
      %get3A_644 = arith.index_cast %while3A_458 : i32 to index
      %get3A_645 = arith.constant 368 : index
      %get3A_646 = tpu.vector_load %arg8[%get3A_644, %get3A_645] {strides = array<i32>} : memref<64x768xf32, #tpu.memory_space<vmem>>, vector<1x16xf32>,
      %get3A_647 = vector.shape_cast %get3A_646 : vector<1x16xf32> to vector<16xf32>
      %swap3A_648 = arith.constant 368 : index
      %swap3A_649 = tpu.vector_load %arg10[%swap3A_648] {strides = array<i32>} : memref<768xf32, #tpu.memory_space<vmem>>, vector<16xf32>,
      %swap3A_650 = vector.shape_cast %swap3A_649 : vector<16xf32> to vector<16xf32>
      %swap3A_651 = vector.shape_cast %get3A_647 : vector<16xf32> to vector<16xf32>
      tpu.vector_store %arg10[%swap3A_648], %swap3A_651 {add = true, strides = array<i32>} : memref<768xf32, #tpu.memory_space<vmem>>, vector<16xf32>,
      %get3A_652 = arith.index_cast %while3A_458 : i32 to index
      %get3A_653 = arith.constant 384 : index
      %get3A_654 = tpu.vector_load %arg8[%get3A_652, %get3A_653] {strides = array<i32>} : memref<64x768xf32, #tpu.memory_space<vmem>>, vector<1x16xf32>,
      %get3A_655 = vector.shape_cast %get3A_654 : vector<1x16xf32> to vector<16xf32>
      %swap3A_656 = arith.constant 384 : index
      %swap3A_657 = tpu.vector_load %arg10[%swap3A_656] {strides = array<i32>} : memref<768xf32, #tpu.memory_space<vmem>>, vector<16xf32>,
      %swap3A_658 = vector.shape_cast %swap3A_657 : vector<16xf32> to vector<16xf32>
      %swap3A_659 = vector.shape_cast %get3A_655 : vector<16xf32> to vector<16xf32>
      tpu.vector_store %arg10[%swap3A_656], %swap3A_659 {add = true, strides = array<i32>} : memref<768xf32, #tpu.memory_space<vmem>>, vector<16xf32>,
      %get3A_660 = arith.index_cast %while3A_458 : i32 to index
      %get3A_661 = arith.constant 400 : index
      %get3A_662 = tpu.vector_load %arg8[%get3A_660, %get3A_661] {strides = array<i32>} : memref<64x768xf32, #tpu.memory_space<vmem>>, vector<1x16xf32>,
      %get3A_663 = vector.shape_cast %get3A_662 : vector<1x16xf32> to vector<16xf32>
      %swap3A_664 = arith.constant 400 : index
      %swap3A_665 = tpu.vector_load %arg10[%swap3A_664] {strides = array<i32>} : memref<768xf32, #tpu.memory_space<vmem>>, vector<16xf32>,
      %swap3A_666 = vector.shape_cast %swap3A_665 : vector<16xf32> to vector<16xf32>
      %swap3A_667 = vector.shape_cast %get3A_663 : vector<16xf32> to vector<16xf32>
      tpu.vector_store %arg10[%swap3A_664], %swap3A_667 {add = true, strides = array<i32>} : memref<768xf32, #tpu.memory_space<vmem>>, vector<16xf32>,
      %get3A_668 = arith.index_cast %while3A_458 : i32 to index
      %get3A_669 = arith.constant 416 : index
      %get3A_670 = tpu.vector_load %arg8[%get3A_668, %get3A_669] {strides = array<i32>} : memref<64x768xf32, #tpu.memory_space<vmem>>, vector<1x16xf32>,
      %get3A_671 = vector.shape_cast %get3A_670 : vector<1x16xf32> to vector<16xf32>
      %swap3A_672 = arith.constant 416 : index
      %swap3A_673 = tpu.vector_load %arg10[%swap3A_672] {strides = array<i32>} : memref<768xf32, #tpu.memory_space<vmem>>, vector<16xf32>,
      %swap3A_674 = vector.shape_cast %swap3A_673 : vector<16xf32> to vector<16xf32>
      %swap3A_675 = vector.shape_cast %get3A_671 : vector<16xf32> to vector<16xf32>
      tpu.vector_store %arg10[%swap3A_672], %swap3A_675 {add = true, strides = array<i32>} : memref<768xf32, #tpu.memory_space<vmem>>, vector<16xf32>,
      %get3A_676 = arith.index_cast %while3A_458 : i32 to index
      %get3A_677 = arith.constant 432 : index
      %get3A_678 = tpu.vector_load %arg8[%get3A_676, %get3A_677] {strides = array<i32>} : memref<64x768xf32, #tpu.memory_space<vmem>>, vector<1x16xf32>,
      %get3A_679 = vector.shape_cast %get3A_678 : vector<1x16xf32> to vector<16xf32>
      %swap3A_680 = arith.constant 432 : index
      %swap3A_681 = tpu.vector_load %arg10[%swap3A_680] {strides = array<i32>} : memref<768xf32, #tpu.memory_space<vmem>>, vector<16xf32>,
      %swap3A_682 = vector.shape_cast %swap3A_681 : vector<16xf32> to vector<16xf32>
      %swap3A_683 = vector.shape_cast %get3A_679 : vector<16xf32> to vector<16xf32>
      tpu.vector_store %arg10[%swap3A_680], %swap3A_683 {add = true, strides = array<i32>} : memref<768xf32, #tpu.memory_space<vmem>>, vector<16xf32>,
      %get3A_684 = arith.index_cast %while3A_458 : i32 to index
      %get3A_685 = arith.constant 448 : index
      %get3A_686 = tpu.vector_load %arg8[%get3A_684, %get3A_685] {strides = array<i32>} : memref<64x768xf32, #tpu.memory_space<vmem>>, vector<1x16xf32>,
      %get3A_687 = vector.shape_cast %get3A_686 : vector<1x16xf32> to vector<16xf32>
      %swap3A_688 = arith.constant 448 : index
      %swap3A_689 = tpu.vector_load %arg10[%swap3A_688] {strides = array<i32>} : memref<768xf32, #tpu.memory_space<vmem>>, vector<16xf32>,
      %swap3A_690 = vector.shape_cast %swap3A_689 : vector<16xf32> to vector<16xf32>
      %swap3A_691 = vector.shape_cast %get3A_687 : vector<16xf32> to vector<16xf32>
      tpu.vector_store %arg10[%swap3A_688], %swap3A_691 {add = true, strides = array<i32>} : memref<768xf32, #tpu.memory_space<vmem>>, vector<16xf32>,
      %get3A_692 = arith.index_cast %while3A_458 : i32 to index
      %get3A_693 = arith.constant 464 : index
      %get3A_694 = tpu.vector_load %arg8[%get3A_692, %get3A_693] {strides = array<i32>} : memref<64x768xf32, #tpu.memory_space<vmem>>, vector<1x16xf32>,
      %get3A_695 = vector.shape_cast %get3A_694 : vector<1x16xf32> to vector<16xf32>
      %swap3A_696 = arith.constant 464 : index
      %swap3A_697 = tpu.vector_load %arg10[%swap3A_696] {strides = array<i32>} : memref<768xf32, #tpu.memory_space<vmem>>, vector<16xf32>,
      %swap3A_698 = vector.shape_cast %swap3A_697 : vector<16xf32> to vector<16xf32>
      %swap3A_699 = vector.shape_cast %get3A_695 : vector<16xf32> to vector<16xf32>
      tpu.vector_store %arg10[%swap3A_696], %swap3A_699 {add = true, strides = array<i32>} : memref<768xf32, #tpu.memory_space<vmem>>, vector<16xf32>,
      %get3A_700 = arith.index_cast %while3A_458 : i32 to index
      %get3A_701 = arith.constant 480 : index
      %get3A_702 = tpu.vector_load %arg8[%get3A_700, %get3A_701] {strides = array<i32>} : memref<64x768xf32, #tpu.memory_space<vmem>>, vector<1x16xf32>,
      %get3A_703 = vector.shape_cast %get3A_702 : vector<1x16xf32> to vector<16xf32>
      %swap3A_704 = arith.constant 480 : index
      %swap3A_705 = tpu.vector_load %arg10[%swap3A_704] {strides = array<i32>} : memref<768xf32, #tpu.memory_space<vmem>>, vector<16xf32>,
      %swap3A_706 = vector.shape_cast %swap3A_705 : vector<16xf32> to vector<16xf32>
      %swap3A_707 = vector.shape_cast %get3A_703 : vector<16xf32> to vector<16xf32>
      tpu.vector_store %arg10[%swap3A_704], %swap3A_707 {add = true, strides = array<i32>} : memref<768xf32, #tpu.memory_space<vmem>>, vector<16xf32>,
      %get3A_708 = arith.index_cast %while3A_458 : i32 to index
      %get3A_709 = arith.constant 496 : index
      %get3A_710 = tpu.vector_load %arg8[%get3A_708, %get3A_709] {strides = array<i32>} : memref<64x768xf32, #tpu.memory_space<vmem>>, vector<1x16xf32>,
      %get3A_711 = vector.shape_cast %get3A_710 : vector<1x16xf32> to vector<16xf32>
      %swap3A_712 = arith.constant 496 : index
      %swap3A_713 = tpu.vector_load %arg10[%swap3A_712] {strides = array<i32>} : memref<768xf32, #tpu.memory_space<vmem>>, vector<16xf32>,
      %swap3A_714 = vector.shape_cast %swap3A_713 : vector<16xf32> to vector<16xf32>
      %swap3A_715 = vector.shape_cast %get3A_711 : vector<16xf32> to vector<16xf32>
      tpu.vector_store %arg10[%swap3A_712], %swap3A_715 {add = true, strides = array<i32>} : memref<768xf32, #tpu.memory_space<vmem>>, vector<16xf32>,
      %get3A_716 = arith.index_cast %while3A_458 : i32 to index
      %get3A_717 = arith.constant 512 : index
      %get3A_718 = tpu.vector_load %arg8[%get3A_716, %get3A_717] {strides = array<i32>} : memref<64x768xf32, #tpu.memory_space<vmem>>, vector<1x16xf32>,
      %get3A_719 = vector.shape_cast %get3A_718 : vector<1x16xf32> to vector<16xf32>
      %swap3A_720 = arith.constant 512 : index
      %swap3A_721 = tpu.vector_load %arg10[%swap3A_720] {strides = array<i32>} : memref<768xf32, #tpu.memory_space<vmem>>, vector<16xf32>,
      %swap3A_722 = vector.shape_cast %swap3A_721 : vector<16xf32> to vector<16xf32>
      %swap3A_723 = vector.shape_cast %get3A_719 : vector<16xf32> to vector<16xf32>
      tpu.vector_store %arg10[%swap3A_720], %swap3A_723 {add = true, strides = array<i32>} : memref<768xf32, #tpu.memory_space<vmem>>, vector<16xf32>,
      %get3A_724 = arith.index_cast %while3A_458 : i32 to index
      %get3A_725 = arith.constant 528 : index
      %get3A_726 = tpu.vector_load %arg8[%get3A_724, %get3A_725] {strides = array<i32>} : memref<64x768xf32, #tpu.memory_space<vmem>>, vector<1x16xf32>,
      %get3A_727 = vector.shape_cast %get3A_726 : vector<1x16xf32> to vector<16xf32>
      %swap3A_728 = arith.constant 528 : index
      %swap3A_729 = tpu.vector_load %arg10[%swap3A_728] {strides = array<i32>} : memref<768xf32, #tpu.memory_space<vmem>>, vector<16xf32>,
      %swap3A_730 = vector.shape_cast %swap3A_729 : vector<16xf32> to vector<16xf32>
      %swap3A_731 = vector.shape_cast %get3A_727 : vector<16xf32> to vector<16xf32>
      tpu.vector_store %arg10[%swap3A_728], %swap3A_731 {add = true, strides = array<i32>} : memref<768xf32, #tpu.memory_space<vmem>>, vector<16xf32>,
      %get3A_732 = arith.index_cast %while3A_458 : i32 to index
      %get3A_733 = arith.constant 544 : index
      %get3A_734 = tpu.vector_load %arg8[%get3A_732, %get3A_733] {strides = array<i32>} : memref<64x768xf32, #tpu.memory_space<vmem>>, vector<1x16xf32>,
      %get3A_735 = vector.shape_cast %get3A_734 : vector<1x16xf32> to vector<16xf32>
      %swap3A_736 = arith.constant 544 : index
      %swap3A_737 = tpu.vector_load %arg10[%swap3A_736] {strides = array<i32>} : memref<768xf32, #tpu.memory_space<vmem>>, vector<16xf32>,
      %swap3A_738 = vector.shape_cast %swap3A_737 : vector<16xf32> to vector<16xf32>
      %swap3A_739 = vector.shape_cast %get3A_735 : vector<16xf32> to vector<16xf32>
      tpu.vector_store %arg10[%swap3A_736], %swap3A_739 {add = true, strides = array<i32>} : memref<768xf32, #tpu.memory_space<vmem>>, vector<16xf32>,
      %get3A_740 = arith.index_cast %while3A_458 : i32 to index
      %get3A_741 = arith.constant 560 : index
      %get3A_742 = tpu.vector_load %arg8[%get3A_740, %get3A_741] {strides = array<i32>} : memref<64x768xf32, #tpu.memory_space<vmem>>, vector<1x16xf32>,
      %get3A_743 = vector.shape_cast %get3A_742 : vector<1x16xf32> to vector<16xf32>
      %swap3A_744 = arith.constant 560 : index
      %swap3A_745 = tpu.vector_load %arg10[%swap3A_744] {strides = array<i32>} : memref<768xf32, #tpu.memory_space<vmem>>, vector<16xf32>,
      %swap3A_746 = vector.shape_cast %swap3A_745 : vector<16xf32> to vector<16xf32>
      %swap3A_747 = vector.shape_cast %get3A_743 : vector<16xf32> to vector<16xf32>
      tpu.vector_store %arg10[%swap3A_744], %swap3A_747 {add = true, strides = array<i32>} : memref<768xf32, #tpu.memory_space<vmem>>, vector<16xf32>,
      %get3A_748 = arith.index_cast %while3A_458 : i32 to index
      %get3A_749 = arith.constant 576 : index
      %get3A_750 = tpu.vector_load %arg8[%get3A_748, %get3A_749] {strides = array<i32>} : memref<64x768xf32, #tpu.memory_space<vmem>>, vector<1x16xf32>,
      %get3A_751 = vector.shape_cast %get3A_750 : vector<1x16xf32> to vector<16xf32>
      %swap3A_752 = arith.constant 576 : index
      %swap3A_753 = tpu.vector_load %arg10[%swap3A_752] {strides = array<i32>} : memref<768xf32, #tpu.memory_space<vmem>>, vector<16xf32>,
      %swap3A_754 = vector.shape_cast %swap3A_753 : vector<16xf32> to vector<16xf32>
      %swap3A_755 = vector.shape_cast %get3A_751 : vector<16xf32> to vector<16xf32>
      tpu.vector_store %arg10[%swap3A_752], %swap3A_755 {add = true, strides = array<i32>} : memref<768xf32, #tpu.memory_space<vmem>>, vector<16xf32>,
      %get3A_756 = arith.index_cast %while3A_458 : i32 to index
      %get3A_757 = arith.constant 592 : index
      %get3A_758 = tpu.vector_load %arg8[%get3A_756, %get3A_757] {strides = array<i32>} : memref<64x768xf32, #tpu.memory_space<vmem>>, vector<1x16xf32>,
      %get3A_759 = vector.shape_cast %get3A_758 : vector<1x16xf32> to vector<16xf32>
      %swap3A_760 = arith.constant 592 : index
      %swap3A_761 = tpu.vector_load %arg10[%swap3A_760] {strides = array<i32>} : memref<768xf32, #tpu.memory_space<vmem>>, vector<16xf32>,
      %swap3A_762 = vector.shape_cast %swap3A_761 : vector<16xf32> to vector<16xf32>
      %swap3A_763 = vector.shape_cast %get3A_759 : vector<16xf32> to vector<16xf32>
      tpu.vector_store %arg10[%swap3A_760], %swap3A_763 {add = true, strides = array<i32>} : memref<768xf32, #tpu.memory_space<vmem>>, vector<16xf32>,
      %get3A_764 = arith.index_cast %while3A_458 : i32 to index
      %get3A_765 = arith.constant 608 : index
      %get3A_766 = tpu.vector_load %arg8[%get3A_764, %get3A_765] {strides = array<i32>} : memref<64x768xf32, #tpu.memory_space<vmem>>, vector<1x16xf32>,
      %get3A_767 = vector.shape_cast %get3A_766 : vector<1x16xf32> to vector<16xf32>
      %swap3A_768 = arith.constant 608 : index
      %swap3A_769 = tpu.vector_load %arg10[%swap3A_768] {strides = array<i32>} : memref<768xf32, #tpu.memory_space<vmem>>, vector<16xf32>,
      %swap3A_770 = vector.shape_cast %swap3A_769 : vector<16xf32> to vector<16xf32>
      %swap3A_771 = vector.shape_cast %get3A_767 : vector<16xf32> to vector<16xf32>
      tpu.vector_store %arg10[%swap3A_768], %swap3A_771 {add = true, strides = array<i32>} : memref<768xf32, #tpu.memory_space<vmem>>, vector<16xf32>,
      %get3A_772 = arith.index_cast %while3A_458 : i32 to index
      %get3A_773 = arith.constant 624 : index
      %get3A_774 = tpu.vector_load %arg8[%get3A_772, %get3A_773] {strides = array<i32>} : memref<64x768xf32, #tpu.memory_space<vmem>>, vector<1x16xf32>,
      %get3A_775 = vector.shape_cast %get3A_774 : vector<1x16xf32> to vector<16xf32>
      %swap3A_776 = arith.constant 624 : index
      %swap3A_777 = tpu.vector_load %arg10[%swap3A_776] {strides = array<i32>} : memref<768xf32, #tpu.memory_space<vmem>>, vector<16xf32>,
      %swap3A_778 = vector.shape_cast %swap3A_777 : vector<16xf32> to vector<16xf32>
      %swap3A_779 = vector.shape_cast %get3A_775 : vector<16xf32> to vector<16xf32>
      tpu.vector_store %arg10[%swap3A_776], %swap3A_779 {add = true, strides = array<i32>} : memref<768xf32, #tpu.memory_space<vmem>>, vector<16xf32>,
      %get3A_780 = arith.index_cast %while3A_458 : i32 to index
      %get3A_781 = arith.constant 640 : index
      %get3A_782 = tpu.vector_load %arg8[%get3A_780, %get3A_781] {strides = array<i32>} : memref<64x768xf32, #tpu.memory_space<vmem>>, vector<1x16xf32>,
      %get3A_783 = vector.shape_cast %get3A_782 : vector<1x16xf32> to vector<16xf32>
      %swap3A_784 = arith.constant 640 : index
      %swap3A_785 = tpu.vector_load %arg10[%swap3A_784] {strides = array<i32>} : memref<768xf32, #tpu.memory_space<vmem>>, vector<16xf32>,
      %swap3A_786 = vector.shape_cast %swap3A_785 : vector<16xf32> to vector<16xf32>
      %swap3A_787 = vector.shape_cast %get3A_783 : vector<16xf32> to vector<16xf32>
      tpu.vector_store %arg10[%swap3A_784], %swap3A_787 {add = true, strides = array<i32>} : memref<768xf32, #tpu.memory_space<vmem>>, vector<16xf32>,
      %get3A_788 = arith.index_cast %while3A_458 : i32 to index
      %get3A_789 = arith.constant 656 : index
      %get3A_790 = tpu.vector_load %arg8[%get3A_788, %get3A_789] {strides = array<i32>} : memref<64x768xf32, #tpu.memory_space<vmem>>, vector<1x16xf32>,
      %get3A_791 = vector.shape_cast %get3A_790 : vector<1x16xf32> to vector<16xf32>
      %swap3A_792 = arith.constant 656 : index
      %swap3A_793 = tpu.vector_load %arg10[%swap3A_792] {strides = array<i32>} : memref<768xf32, #tpu.memory_space<vmem>>, vector<16xf32>,
      %swap3A_794 = vector.shape_cast %swap3A_793 : vector<16xf32> to vector<16xf32>
      %swap3A_795 = vector.shape_cast %get3A_791 : vector<16xf32> to vector<16xf32>
      tpu.vector_store %arg10[%swap3A_792], %swap3A_795 {add = true, strides = array<i32>} : memref<768xf32, #tpu.memory_space<vmem>>, vector<16xf32>,
      %get3A_796 = arith.index_cast %while3A_458 : i32 to index
      %get3A_797 = arith.constant 672 : index
      %get3A_798 = tpu.vector_load %arg8[%get3A_796, %get3A_797] {strides = array<i32>} : memref<64x768xf32, #tpu.memory_space<vmem>>, vector<1x16xf32>,
      %get3A_799 = vector.shape_cast %get3A_798 : vector<1x16xf32> to vector<16xf32>
      %swap3A_800 = arith.constant 672 : index
      %swap3A_801 = tpu.vector_load %arg10[%swap3A_800] {strides = array<i32>} : memref<768xf32, #tpu.memory_space<vmem>>, vector<16xf32>,
      %swap3A_802 = vector.shape_cast %swap3A_801 : vector<16xf32> to vector<16xf32>
      %swap3A_803 = vector.shape_cast %get3A_799 : vector<16xf32> to vector<16xf32>
      tpu.vector_store %arg10[%swap3A_800], %swap3A_803 {add = true, strides = array<i32>} : memref<768xf32, #tpu.memory_space<vmem>>, vector<16xf32>,
      %get3A_804 = arith.index_cast %while3A_458 : i32 to index
      %get3A_805 = arith.constant 688 : index
      %get3A_806 = tpu.vector_load %arg8[%get3A_804, %get3A_805] {strides = array<i32>} : memref<64x768xf32, #tpu.memory_space<vmem>>, vector<1x16xf32>,
      %get3A_807 = vector.shape_cast %get3A_806 : vector<1x16xf32> to vector<16xf32>
      %swap3A_808 = arith.constant 688 : index
      %swap3A_809 = tpu.vector_load %arg10[%swap3A_808] {strides = array<i32>} : memref<768xf32, #tpu.memory_space<vmem>>, vector<16xf32>,
      %swap3A_810 = vector.shape_cast %swap3A_809 : vector<16xf32> to vector<16xf32>
      %swap3A_811 = vector.shape_cast %get3A_807 : vector<16xf32> to vector<16xf32>
      tpu.vector_store %arg10[%swap3A_808], %swap3A_811 {add = true, strides = array<i32>} : memref<768xf32, #tpu.memory_space<vmem>>, vector<16xf32>,
      %get3A_812 = arith.index_cast %while3A_458 : i32 to index
      %get3A_813 = arith.constant 704 : index
      %get3A_814 = tpu.vector_load %arg8[%get3A_812, %get3A_813] {strides = array<i32>} : memref<64x768xf32, #tpu.memory_space<vmem>>, vector<1x16xf32>,
      %get3A_815 = vector.shape_cast %get3A_814 : vector<1x16xf32> to vector<16xf32>
      %swap3A_816 = arith.constant 704 : index
      %swap3A_817 = tpu.vector_load %arg10[%swap3A_816] {strides = array<i32>} : memref<768xf32, #tpu.memory_space<vmem>>, vector<16xf32>,
      %swap3A_818 = vector.shape_cast %swap3A_817 : vector<16xf32> to vector<16xf32>
      %swap3A_819 = vector.shape_cast %get3A_815 : vector<16xf32> to vector<16xf32>
      tpu.vector_store %arg10[%swap3A_816], %swap3A_819 {add = true, strides = array<i32>} : memref<768xf32, #tpu.memory_space<vmem>>, vector<16xf32>,
      %get3A_820 = arith.index_cast %while3A_458 : i32 to index
      %get3A_821 = arith.constant 720 : index
      %get3A_822 = tpu.vector_load %arg8[%get3A_820, %get3A_821] {strides = array<i32>} : memref<64x768xf32, #tpu.memory_space<vmem>>, vector<1x16xf32>,
      %get3A_823 = vector.shape_cast %get3A_822 : vector<1x16xf32> to vector<16xf32>
      %swap3A_824 = arith.constant 720 : index
      %swap3A_825 = tpu.vector_load %arg10[%swap3A_824] {strides = array<i32>} : memref<768xf32, #tpu.memory_space<vmem>>, vector<16xf32>,
      %swap3A_826 = vector.shape_cast %swap3A_825 : vector<16xf32> to vector<16xf32>
      %swap3A_827 = vector.shape_cast %get3A_823 : vector<16xf32> to vector<16xf32>
      tpu.vector_store %arg10[%swap3A_824], %swap3A_827 {add = true, strides = array<i32>} : memref<768xf32, #tpu.memory_space<vmem>>, vector<16xf32>,
      %get3A_828 = arith.index_cast %while3A_458 : i32 to index
      %get3A_829 = arith.constant 736 : index
      %get3A_830 = tpu.vector_load %arg8[%get3A_828, %get3A_829] {strides = array<i32>} : memref<64x768xf32, #tpu.memory_space<vmem>>, vector<1x16xf32>,
      %get3A_831 = vector.shape_cast %get3A_830 : vector<1x16xf32> to vector<16xf32>
      %swap3A_832 = arith.constant 736 : index
      %swap3A_833 = tpu.vector_load %arg10[%swap3A_832] {strides = array<i32>} : memref<768xf32, #tpu.memory_space<vmem>>, vector<16xf32>,
      %swap3A_834 = vector.shape_cast %swap3A_833 : vector<16xf32> to vector<16xf32>
      %swap3A_835 = vector.shape_cast %get3A_831 : vector<16xf32> to vector<16xf32>
      tpu.vector_store %arg10[%swap3A_832], %swap3A_835 {add = true, strides = array<i32>} : memref<768xf32, #tpu.memory_space<vmem>>, vector<16xf32>,
      %get3A_836 = arith.index_cast %while3A_458 : i32 to index
      %get3A_837 = arith.constant 752 : index
      %get3A_838 = tpu.vector_load %arg8[%get3A_836, %get3A_837] {strides = array<i32>} : memref<64x768xf32, #tpu.memory_space<vmem>>, vector<1x16xf32>,
      %get3A_839 = vector.shape_cast %get3A_838 : vector<1x16xf32> to vector<16xf32>
      %swap3A_840 = arith.constant 752 : index
      %swap3A_841 = tpu.vector_load %arg10[%swap3A_840] {strides = array<i32>} : memref<768xf32, #tpu.memory_space<vmem>>, vector<16xf32>,
      %swap3A_842 = vector.shape_cast %swap3A_841 : vector<16xf32> to vector<16xf32>
      %swap3A_843 = vector.shape_cast %get3A_839 : vector<16xf32> to vector<16xf32>
      tpu.vector_store %arg10[%swap3A_840], %swap3A_843 {add = true, strides = array<i32>} : memref<768xf32, #tpu.memory_space<vmem>>, vector<16xf32>,
      %while3A_844 = arith.constant 0 : i32
      scf.yield %while3A_844 : i32
    }
    %while3A_456 = arith.constant 1 : i32
    %while3A_457 = scf.for %while3A_458 = %while3A_453 to %while3A_449 step %while3A_456 iter_args(%while3A_459 = %while3A_455) -> (i32)  : i32 {
      %get3A_460 = arith.index_cast %while3A_458 : i32 to index
      %get3A_461 = arith.constant 0 : index
      %get3A_462 = tpu.vector_load %arg8[%get3A_460, %get3A_461] {strides = array<i32>} : memref<64x768xf32, #tpu.memory_space<vmem>>, vector<1x16xf32>,
      %get3A_463 = vector.shape_cast %get3A_462 : vector<1x16xf32> to vector<16xf32>
      %swap3A_464 = arith.constant 0 : index
      %swap3A_465 = tpu.vector_load %arg10[%swap3A_464] {strides = array<i32>} : memref<768xf32, #tpu.memory_space<vmem>>, vector<16xf32>,
      %swap3A_466 = vector.shape_cast %swap3A_465 : vector<16xf32> to vector<16xf32>
      %swap3A_467 = vector.shape_cast %get3A_463 : vector<16xf32> to vector<16xf32>
      tpu.vector_store %arg10[%swap3A_464], %swap3A_467 {add = true, strides = array<i32>} : memref<768xf32, #tpu.memory_space<vmem>>, vector<16xf32>,
      %get3A_468 = arith.index_cast %while3A_458 : i32 to index
      %get3A_469 = arith.constant 16 : index
      %get3A_470 = tpu.vector_load %arg8[%get3A_468, %get3A_469] {strides = array<i32>} : memref<64x768xf32, #tpu.memory_space<vmem>>, vector<1x16xf32>,
      %get3A_471 = vector.shape_cast %get3A_470 : vector<1x16xf32> to vector<16xf32>
      %swap3A_472 = arith.constant 16 : index
      %swap3A_473 = tpu.vector_load %arg10[%swap3A_472] {strides = array<i32>} : memref<768xf32, #tpu.memory_space<vmem>>, vector<16xf32>,
      %swap3A_474 = vector.shape_cast %swap3A_473 : vector<16xf32> to vector<16xf32>
      %swap3A_475 = vector.shape_cast %get3A_471 : vector<16xf32> to vector<16xf32>
      tpu.vector_store %arg10[%swap3A_472], %swap3A_475 {add = true, strides = array<i32>} : memref<768xf32, #tpu.memory_space<vmem>>, vector<16xf32>,
      %get3A_476 = arith.index_cast %while3A_458 : i32 to index
      %get3A_477 = arith.constant 32 : index
      %get3A_478 = tpu.vector_load %arg8[%get3A_476, %get3A_477] {strides = array<i32>} : memref<64x768xf32, #tpu.memory_space<vmem>>, vector<1x16xf32>,
      %get3A_479 = vector.shape_cast %get3A_478 : vector<1x16xf32> to vector<16xf32>
      %swap3A_480 = arith.constant 32 : index
      %swap3A_481 = tpu.vector_load %arg10[%swap3A_480] {strides = array<i32>} : memref<768xf32, #tpu.memory_space<vmem>>, vector<16xf32>,
      %swap3A_482 = vector.shape_cast %swap3A_481 : vector<16xf32> to vector<16xf32>
      %swap3A_483 = vector.shape_cast %get3A_479 : vector<16xf32> to vector<16xf32>
      tpu.vector_store %arg10[%swap3A_480], %swap3A_483 {add = true, strides = array<i32>} : memref<768xf32, #tpu.memory_space<vmem>>, vector<16xf32>,
      %get3A_484 = arith.index_cast %while3A_458 : i32 to index
      %get3A_485 = arith.constant 48 : index
      %get3A_486 = tpu.vector_load %arg8[%get3A_484, %get3A_485] {strides = array<i32>} : memref<64x768xf32, #tpu.memory_space<vmem>>, vector<1x16xf32>,
      %get3A_487 = vector.shape_cast %get3A_486 : vector<1x16xf32> to vector<16xf32>
      %swap3A_488 = arith.constant 48 : index
      %swap3A_489 = tpu.vector_load %arg10[%swap3A_488] {strides = array<i32>} : memref<768xf32, #tpu.memory_space<vmem>>, vector<16xf32>,
      %swap3A_490 = vector.shape_cast %swap3A_489 : vector<16xf32> to vector<16xf32>
      %swap3A_491 = vector.shape_cast %get3A_487 : vector<16xf32> to vector<16xf32>
      tpu.vector_store %arg10[%swap3A_488], %swap3A_491 {add = true, strides = array<i32>} : memref<768xf32, #tpu.memory_space<vmem>>, vector<16xf32>,
      %get3A_492 = arith.index_cast %while3A_458 : i32 to index
      %get3A_493 = arith.constant 64 : index
      %get3A_494 = tpu.vector_load %arg8[%get3A_492, %get3A_493] {strides = array<i32>} : memref<64x768xf32, #tpu.memory_space<vmem>>, vector<1x16xf32>,
      %get3A_495 = vector.shape_cast %get3A_494 : vector<1x16xf32> to vector<16xf32>
      %swap3A_496 = arith.constant 64 : index
      %swap3A_497 = tpu.vector_load %arg10[%swap3A_496] {strides = array<i32>} : memref<768xf32, #tpu.memory_space<vmem>>, vector<16xf32>,
      %swap3A_498 = vector.shape_cast %swap3A_497 : vector<16xf32> to vector<16xf32>
      %swap3A_499 = vector.shape_cast %get3A_495 : vector<16xf32> to vector<16xf32>
      tpu.vector_store %arg10[%swap3A_496], %swap3A_499 {add = true, strides = array<i32>} : memref<768xf32, #tpu.memory_space<vmem>>, vector<16xf32>,
      %get3A_500 = arith.index_cast %while3A_458 : i32 to index
      %get3A_501 = arith.constant 80 : index
      %get3A_502 = tpu.vector_load %arg8[%get3A_500, %get3A_501] {strides = array<i32>} : memref<64x768xf32, #tpu.memory_space<vmem>>, vector<1x16xf32>,
      %get3A_503 = vector.shape_cast %get3A_502 : vector<1x16xf32> to vector<16xf32>
      %swap3A_504 = arith.constant 80 : index
      %swap3A_505 = tpu.vector_load %arg10[%swap3A_504] {strides = array<i32>} : memref<768xf32, #tpu.memory_space<vmem>>, vector<16xf32>,
      %swap3A_506 = vector.shape_cast %swap3A_505 : vector<16xf32> to vector<16xf32>
      %swap3A_507 = vector.shape_cast %get3A_503 : vector<16xf32> to vector<16xf32>
      tpu.vector_store %arg10[%swap3A_504], %swap3A_507 {add = true, strides = array<i32>} : memref<768xf32, #tpu.memory_space<vmem>>, vector<16xf32>,
      %get3A_508 = arith.index_cast %while3A_458 : i32 to index
      %get3A_509 = arith.constant 96 : index
      %get3A_510 = tpu.vector_load %arg8[%get3A_508, %get3A_509] {strides = array<i32>} : memref<64x768xf32, #tpu.memory_space<vmem>>, vector<1x16xf32>,
      %get3A_511 = vector.shape_cast %get3A_510 : vector<1x16xf32> to vector<16xf32>
      %swap3A_512 = arith.constant 96 : index
      %swap3A_513 = tpu.vector_load %arg10[%swap3A_512] {strides = array<i32>} : memref<768xf32, #tpu.memory_space<vmem>>, vector<16xf32>,
      %swap3A_514 = vector.shape_cast %swap3A_513 : vector<16xf32> to vector<16xf32>
      %swap3A_515 = vector.shape_cast %get3A_511 : vector<16xf32> to vector<16xf32>
      tpu.vector_store %arg10[%swap3A_512], %swap3A_515 {add = true, strides = array<i32>} : memref<768xf32, #tpu.memory_space<vmem>>, vector<16xf32>,
      %get3A_516 = arith.index_cast %while3A_458 : i32 to index
      %get3A_517 = arith.constant 112 : index
      %get3A_518 = tpu.vector_load %arg8[%get3A_516, %get3A_517] {strides = array<i32>} : memref<64x768xf32, #tpu.memory_space<vmem>>, vector<1x16xf32>,
      %get3A_519 = vector.shape_cast %get3A_518 : vector<1x16xf32> to vector<16xf32>
      %swap3A_520 = arith.constant 112 : index
      %swap3A_521 = tpu.vector_load %arg10[%swap3A_520] {strides = array<i32>} : memref<768xf32, #tpu.memory_space<vmem>>, vector<16xf32>,
      %swap3A_522 = vector.shape_cast %swap3A_521 : vector<16xf32> to vector<16xf32>
      %swap3A_523 = vector.shape_cast %get3A_519 : vector<16xf32> to vector<16xf32>
      tpu.vector_store %arg10[%swap3A_520], %swap3A_523 {add = true, strides = array<i32>} : memref<768xf32, #tpu.memory_space<vmem>>, vector<16xf32>,
      %get3A_524 = arith.index_cast %while3A_458 : i32 to index
      %get3A_525 = arith.constant 128 : index
      %get3A_526 = tpu.vector_load %arg8[%get3A_524, %get3A_525] {strides = array<i32>} : memref<64x768xf32, #tpu.memory_space<vmem>>, vector<1x16xf32>,
      %get3A_527 = vector.shape_cast %get3A_526 : vector<1x16xf32> to vector<16xf32>
      %swap3A_528 = arith.constant 128 : index
      %swap3A_529 = tpu.vector_load %arg10[%swap3A_528] {strides = array<i32>} : memref<768xf32, #tpu.memory_space<vmem>>, vector<16xf32>,
      %swap3A_530 = vector.shape_cast %swap3A_529 : vector<16xf32> to vector<16xf32>
      %swap3A_531 = vector.shape_cast %get3A_527 : vector<16xf32> to vector<16xf32>
      tpu.vector_store %arg10[%swap3A_528], %swap3A_531 {add = true, strides = array<i32>} : memref<768xf32, #tpu.memory_space<vmem>>, vector<16xf32>,
      %get3A_532 = arith.index_cast %while3A_458 : i32 to index
      %get3A_533 = arith.constant 144 : index
      %get3A_534 = tpu.vector_load %arg8[%get3A_532, %get3A_533] {strides = array<i32>} : memref<64x768xf32, #tpu.memory_space<vmem>>, vector<1x16xf32>,
      %get3A_535 = vector.shape_cast %get3A_534 : vector<1x16xf32> to vector<16xf32>
      %swap3A_536 = arith.constant 144 : index
      %swap3A_537 = tpu.vector_load %arg10[%swap3A_536] {strides = array<i32>} : memref<768xf32, #tpu.memory_space<vmem>>, vector<16xf32>,
      %swap3A_538 = vector.shape_cast %swap3A_537 : vector<16xf32> to vector<16xf32>
      %swap3A_539 = vector.shape_cast %get3A_535 : vector<16xf32> to vector<16xf32>
      tpu.vector_store %arg10[%swap3A_536], %swap3A_539 {add = true, strides = array<i32>} : memref<768xf32, #tpu.memory_space<vmem>>, vector<16xf32>,
      %get3A_540 = arith.index_cast %while3A_458 : i32 to index
      %get3A_541 = arith.constant 160 : index
      %get3A_542 = tpu.vector_load %arg8[%get3A_540, %get3A_541] {strides = array<i32>} : memref<64x768xf32, #tpu.memory_space<vmem>>, vector<1x16xf32>,
      %get3A_543 = vector.shape_cast %get3A_542 : vector<1x16xf32> to vector<16xf32>
      %swap3A_544 = arith.constant 160 : index
      %swap3A_545 = tpu.vector_load %arg10[%swap3A_544] {strides = array<i32>} : memref<768xf32, #tpu.memory_space<vmem>>, vector<16xf32>,
      %swap3A_546 = vector.shape_cast %swap3A_545 : vector<16xf32> to vector<16xf32>
      %swap3A_547 = vector.shape_cast %get3A_543 : vector<16xf32> to vector<16xf32>
      tpu.vector_store %arg10[%swap3A_544], %swap3A_547 {add = true, strides = array<i32>} : memref<768xf32, #tpu.memory_space<vmem>>, vector<16xf32>,
      %get3A_548 = arith.index_cast %while3A_458 : i32 to index
      %get3A_549 = arith.constant 176 : index
      %get3A_550 = tpu.vector_load %arg8[%get3A_548, %get3A_549] {strides = array<i32>} : memref<64x768xf32, #tpu.memory_space<vmem>>, vector<1x16xf32>,
      %get3A_551 = vector.shape_cast %get3A_550 : vector<1x16xf32> to vector<16xf32>
      %swap3A_552 = arith.constant 176 : index
      %swap3A_553 = tpu.vector_load %arg10[%swap3A_552] {strides = array<i32>} : memref<768xf32, #tpu.memory_space<vmem>>, vector<16xf32>,
      %swap3A_554 = vector.shape_cast %swap3A_553 : vector<16xf32> to vector<16xf32>
      %swap3A_555 = vector.shape_cast %get3A_551 : vector<16xf32> to vector<16xf32>
      tpu.vector_store %arg10[%swap3A_552], %swap3A_555 {add = true, strides = array<i32>} : memref<768xf32, #tpu.memory_space<vmem>>, vector<16xf32>,
      %get3A_556 = arith.index_cast %while3A_458 : i32 to index
      %get3A_557 = arith.constant 192 : index
      %get3A_558 = tpu.vector_load %arg8[%get3A_556, %get3A_557] {strides = array<i32>} : memref<64x768xf32, #tpu.memory_space<vmem>>, vector<1x16xf32>,
      %get3A_559 = vector.shape_cast %get3A_558 : vector<1x16xf32> to vector<16xf32>
      %swap3A_560 = arith.constant 192 : index
      %swap3A_561 = tpu.vector_load %arg10[%swap3A_560] {strides = array<i32>} : memref<768xf32, #tpu.memory_space<vmem>>, vector<16xf32>,
      %swap3A_562 = vector.shape_cast %swap3A_561 : vector<16xf32> to vector<16xf32>
      %swap3A_563 = vector.shape_cast %get3A_559 : vector<16xf32> to vector<16xf32>
      tpu.vector_store %arg10[%swap3A_560], %swap3A_563 {add = true, strides = array<i32>} : memref<768xf32, #tpu.memory_space<vmem>>, vector<16xf32>,
      %get3A_564 = arith.index_cast %while3A_458 : i32 to index
      %get3A_565 = arith.constant 208 : index
      %get3A_566 = tpu.vector_load %arg8[%get3A_564, %get3A_565] {strides = array<i32>} : memref<64x768xf32, #tpu.memory_space<vmem>>, vector<1x16xf32>,
      %get3A_567 = vector.shape_cast %get3A_566 : vector<1x16xf32> to vector<16xf32>
      %swap3A_568 = arith.constant 208 : index
      %swap3A_569 = tpu.vector_load %arg10[%swap3A_568] {strides = array<i32>} : memref<768xf32, #tpu.memory_space<vmem>>, vector<16xf32>,
      %swap3A_570 = vector.shape_cast %swap3A_569 : vector<16xf32> to vector<16xf32>
      %swap3A_571 = vector.shape_cast %get3A_567 : vector<16xf32> to vector<16xf32>
      tpu.vector_store %arg10[%swap3A_568], %swap3A_571 {add = true, strides = array<i32>} : memref<768xf32, #tpu.memory_space<vmem>>, vector<16xf32>,
      %get3A_572 = arith.index_cast %while3A_458 : i32 to index
      %get3A_573 = arith.constant 224 : index
      %get3A_574 = tpu.vector_load %arg8[%get3A_572, %get3A_573] {strides = array<i32>} : memref<64x768xf32, #tpu.memory_space<vmem>>, vector<1x16xf32>,
      %get3A_575 = vector.shape_cast %get3A_574 : vector<1x16xf32> to vector<16xf32>
      %swap3A_576 = arith.constant 224 : index
      %swap3A_577 = tpu.vector_load %arg10[%swap3A_576] {strides = array<i32>} : memref<768xf32, #tpu.memory_space<vmem>>, vector<16xf32>,
      %swap3A_578 = vector.shape_cast %swap3A_577 : vector<16xf32> to vector<16xf32>
      %swap3A_579 = vector.shape_cast %get3A_575 : vector<16xf32> to vector<16xf32>
      tpu.vector_store %arg10[%swap3A_576], %swap3A_579 {add = true, strides = array<i32>} : memref<768xf32, #tpu.memory_space<vmem>>, vector<16xf32>,
      %get3A_580 = arith.index_cast %while3A_458 : i32 to index
      %get3A_581 = arith.constant 240 : index
      %get3A_582 = tpu.vector_load %arg8[%get3A_580, %get3A_581] {strides = array<i32>} : memref<64x768xf32, #tpu.memory_space<vmem>>, vector<1x16xf32>,
      %get3A_583 = vector.shape_cast %get3A_582 : vector<1x16xf32> to vector<16xf32>
      %swap3A_584 = arith.constant 240 : index
      %swap3A_585 = tpu.vector_load %arg10[%swap3A_584] {strides = array<i32>} : memref<768xf32, #tpu.memory_space<vmem>>, vector<16xf32>,
      %swap3A_586 = vector.shape_cast %swap3A_585 : vector<16xf32> to vector<16xf32>
      %swap3A_587 = vector.shape_cast %get3A_583 : vector<16xf32> to vector<16xf32>
      tpu.vector_store %arg10[%swap3A_584], %swap3A_587 {add = true, strides = array<i32>} : memref<768xf32, #tpu.memory_space<vmem>>, vector<16xf32>,
      %get3A_588 = arith.index_cast %while3A_458 : i32 to index
      %get3A_589 = arith.constant 256 : index
      %get3A_590 = tpu.vector_load %arg8[%get3A_588, %get3A_589] {strides = array<i32>} : memref<64x768xf32, #tpu.memory_space<vmem>>, vector<1x16xf32>,
      %get3A_591 = vector.shape_cast %get3A_590 : vector<1x16xf32> to vector<16xf32>
      %swap3A_592 = arith.constant 256 : index
      %swap3A_593 = tpu.vector_load %arg10[%swap3A_592] {strides = array<i32>} : memref<768xf32, #tpu.memory_space<vmem>>, vector<16xf32>,
      %swap3A_594 = vector.shape_cast %swap3A_593 : vector<16xf32> to vector<16xf32>
      %swap3A_595 = vector.shape_cast %get3A_591 : vector<16xf32> to vector<16xf32>
      tpu.vector_store %arg10[%swap3A_592], %swap3A_595 {add = true, strides = array<i32>} : memref<768xf32, #tpu.memory_space<vmem>>, vector<16xf32>,
      %get3A_596 = arith.index_cast %while3A_458 : i32 to index
      %get3A_597 = arith.constant 272 : index
      %get3A_598 = tpu.vector_load %arg8[%get3A_596, %get3A_597] {strides = array<i32>} : memref<64x768xf32, #tpu.memory_space<vmem>>, vector<1x16xf32>,
      %get3A_599 = vector.shape_cast %get3A_598 : vector<1x16xf32> to vector<16xf32>
      %swap3A_600 = arith.constant 272 : index
      %swap3A_601 = tpu.vector_load %arg10[%swap3A_600] {strides = array<i32>} : memref<768xf32, #tpu.memory_space<vmem>>, vector<16xf32>,
      %swap3A_602 = vector.shape_cast %swap3A_601 : vector<16xf32> to vector<16xf32>
      %swap3A_603 = vector.shape_cast %get3A_599 : vector<16xf32> to vector<16xf32>
      tpu.vector_store %arg10[%swap3A_600], %swap3A_603 {add = true, strides = array<i32>} : memref<768xf32, #tpu.memory_space<vmem>>, vector<16xf32>,
      %get3A_604 = arith.index_cast %while3A_458 : i32 to index
      %get3A_605 = arith.constant 288 : index
      %get3A_606 = tpu.vector_load %arg8[%get3A_604, %get3A_605] {strides = array<i32>} : memref<64x768xf32, #tpu.memory_space<vmem>>, vector<1x16xf32>,
      %get3A_607 = vector.shape_cast %get3A_606 : vector<1x16xf32> to vector<16xf32>
      %swap3A_608 = arith.constant 288 : index
      %swap3A_609 = tpu.vector_load %arg10[%swap3A_608] {strides = array<i32>} : memref<768xf32, #tpu.memory_space<vmem>>, vector<16xf32>,
      %swap3A_610 = vector.shape_cast %swap3A_609 : vector<16xf32> to vector<16xf32>
      %swap3A_611 = vector.shape_cast %get3A_607 : vector<16xf32> to vector<16xf32>
      tpu.vector_store %arg10[%swap3A_608], %swap3A_611 {add = true, strides = array<i32>} : memref<768xf32, #tpu.memory_space<vmem>>, vector<16xf32>,
      %get3A_612 = arith.index_cast %while3A_458 : i32 to index
      %get3A_613 = arith.constant 304 : index
      %get3A_614 = tpu.vector_load %arg8[%get3A_612, %get3A_613] {strides = array<i32>} : memref<64x768xf32, #tpu.memory_space<vmem>>, vector<1x16xf32>,
      %get3A_615 = vector.shape_cast %get3A_614 : vector<1x16xf32> to vector<16xf32>
      %swap3A_616 = arith.constant 304 : index
      %swap3A_617 = tpu.vector_load %arg10[%swap3A_616] {strides = array<i32>} : memref<768xf32, #tpu.memory_space<vmem>>, vector<16xf32>,
      %swap3A_618 = vector.shape_cast %swap3A_617 : vector<16xf32> to vector<16xf32>
      %swap3A_619 = vector.shape_cast %get3A_615 : vector<16xf32> to vector<16xf32>
      tpu.vector_store %arg10[%swap3A_616], %swap3A_619 {add = true, strides = array<i32>} : memref<768xf32, #tpu.memory_space<vmem>>, vector<16xf32>,
      %get3A_620 = arith.index_cast %while3A_458 : i32 to index
      %get3A_621 = arith.constant 320 : index
      %get3A_622 = tpu.vector_load %arg8[%get3A_620, %get3A_621] {strides = array<i32>} : memref<64x768xf32, #tpu.memory_space<vmem>>, vector<1x16xf32>,
      %get3A_623 = vector.shape_cast %get3A_622 : vector<1x16xf32> to vector<16xf32>
      %swap3A_624 = arith.constant 320 : index
      %swap3A_625 = tpu.vector_load %arg10[%swap3A_624] {strides = array<i32>} : memref<768xf32, #tpu.memory_space<vmem>>, vector<16xf32>,
      %swap3A_626 = vector.shape_cast %swap3A_625 : vector<16xf32> to vector<16xf32>
      %swap3A_627 = vector.shape_cast %get3A_623 : vector<16xf32> to vector<16xf32>
      tpu.vector_store %arg10[%swap3A_624], %swap3A_627 {add = true, strides = array<i32>} : memref<768xf32, #tpu.memory_space<vmem>>, vector<16xf32>,
      %get3A_628 = arith.index_cast %while3A_458 : i32 to index
      %get3A_629 = arith.constant 336 : index
      %get3A_630 = tpu.vector_load %arg8[%get3A_628, %get3A_629] {strides = array<i32>} : memref<64x768xf32, #tpu.memory_space<vmem>>, vector<1x16xf32>,
      %get3A_631 = vector.shape_cast %get3A_630 : vector<1x16xf32> to vector<16xf32>
      %swap3A_632 = arith.constant 336 : index
      %swap3A_633 = tpu.vector_load %arg10[%swap3A_632] {strides = array<i32>} : memref<768xf32, #tpu.memory_space<vmem>>, vector<16xf32>,
      %swap3A_634 = vector.shape_cast %swap3A_633 : vector<16xf32> to vector<16xf32>
      %swap3A_635 = vector.shape_cast %get3A_631 : vector<16xf32> to vector<16xf32>
      tpu.vector_store %arg10[%swap3A_632], %swap3A_635 {add = true, strides = array<i32>} : memref<768xf32, #tpu.memory_space<vmem>>, vector<16xf32>,
      %get3A_636 = arith.index_cast %while3A_458 : i32 to index
      %get3A_637 = arith.constant 352 : index
      %get3A_638 = tpu.vector_load %arg8[%get3A_636, %get3A_637] {strides = array<i32>} : memref<64x768xf32, #tpu.memory_space<vmem>>, vector<1x16xf32>,
      %get3A_639 = vector.shape_cast %get3A_638 : vector<1x16xf32> to vector<16xf32>
      %swap3A_640 = arith.constant 352 : index
      %swap3A_641 = tpu.vector_load %arg10[%swap3A_640] {strides = array<i32>} : memref<768xf32, #tpu.memory_space<vmem>>, vector<16xf32>,
      %swap3A_642 = vector.shape_cast %swap3A_641 : vector<16xf32> to vector<16xf32>
      %swap3A_643 = vector.shape_cast %get3A_639 : vector<16xf32> to vector<16xf32>
      tpu.vector_store %arg10[%swap3A_640], %swap3A_643 {add = true, strides = array<i32>} : memref<768xf32, #tpu.memory_space<vmem>>, vector<16xf32>,
      %get3A_644 = arith.index_cast %while3A_458 : i32 to index
      %get3A_645 = arith.constant 368 : index
      %get3A_646 = tpu.vector_load %arg8[%get3A_644, %get3A_645] {strides = array<i32>} : memref<64x768xf32, #tpu.memory_space<vmem>>, vector<1x16xf32>,
      %get3A_647 = vector.shape_cast %get3A_646 : vector<1x16xf32> to vector<16xf32>
      %swap3A_648 = arith.constant 368 : index
      %swap3A_649 = tpu.vector_load %arg10[%swap3A_648] {strides = array<i32>} : memref<768xf32, #tpu.memory_space<vmem>>, vector<16xf32>,
      %swap3A_650 = vector.shape_cast %swap3A_649 : vector<16xf32> to vector<16xf32>
      %swap3A_651 = vector.shape_cast %get3A_647 : vector<16xf32> to vector<16xf32>
      tpu.vector_store %arg10[%swap3A_648], %swap3A_651 {add = true, strides = array<i32>} : memref<768xf32, #tpu.memory_space<vmem>>, vector<16xf32>,
      %get3A_652 = arith.index_cast %while3A_458 : i32 to index
      %get3A_653 = arith.constant 384 : index
      %get3A_654 = tpu.vector_load %arg8[%get3A_652, %get3A_653] {strides = array<i32>} : memref<64x768xf32, #tpu.memory_space<vmem>>, vector<1x16xf32>,
      %get3A_655 = vector.shape_cast %get3A_654 : vector<1x16xf32> to vector<16xf32>
      %swap3A_656 = arith.constant 384 : index
      %swap3A_657 = tpu.vector_load %arg10[%swap3A_656] {strides = array<i32>} : memref<768xf32, #tpu.memory_space<vmem>>, vector<16xf32>,
      %swap3A_658 = vector.shape_cast %swap3A_657 : vector<16xf32> to vector<16xf32>
      %swap3A_659 = vector.shape_cast %get3A_655 : vector<16xf32> to vector<16xf32>
      tpu.vector_store %arg10[%swap3A_656], %swap3A_659 {add = true, strides = array<i32>} : memref<768xf32, #tpu.memory_space<vmem>>, vector<16xf32>,
      %get3A_660 = arith.index_cast %while3A_458 : i32 to index
      %get3A_661 = arith.constant 400 : index
      %get3A_662 = tpu.vector_load %arg8[%get3A_660, %get3A_661] {strides = array<i32>} : memref<64x768xf32, #tpu.memory_space<vmem>>, vector<1x16xf32>,
      %get3A_663 = vector.shape_cast %get3A_662 : vector<1x16xf32> to vector<16xf32>
      %swap3A_664 = arith.constant 400 : index
      %swap3A_665 = tpu.vector_load %arg10[%swap3A_664] {strides = array<i32>} : memref<768xf32, #tpu.memory_space<vmem>>, vector<16xf32>,
      %swap3A_666 = vector.shape_cast %swap3A_665 : vector<16xf32> to vector<16xf32>
      %swap3A_667 = vector.shape_cast %get3A_663 : vector<16xf32> to vector<16xf32>
      tpu.vector_store %arg10[%swap3A_664], %swap3A_667 {add = true, strides = array<i32>} : memref<768xf32, #tpu.memory_space<vmem>>, vector<16xf32>,
      %get3A_668 = arith.index_cast %while3A_458 : i32 to index
      %get3A_669 = arith.constant 416 : index
      %get3A_670 = tpu.vector_load %arg8[%get3A_668, %get3A_669] {strides = array<i32>} : memref<64x768xf32, #tpu.memory_space<vmem>>, vector<1x16xf32>,
      %get3A_671 = vector.shape_cast %get3A_670 : vector<1x16xf32> to vector<16xf32>
      %swap3A_672 = arith.constant 416 : index
      %swap3A_673 = tpu.vector_load %arg10[%swap3A_672] {strides = array<i32>} : memref<768xf32, #tpu.memory_space<vmem>>, vector<16xf32>,
      %swap3A_674 = vector.shape_cast %swap3A_673 : vector<16xf32> to vector<16xf32>
      %swap3A_675 = vector.shape_cast %get3A_671 : vector<16xf32> to vector<16xf32>
      tpu.vector_store %arg10[%swap3A_672], %swap3A_675 {add = true, strides = array<i32>} : memref<768xf32, #tpu.memory_space<vmem>>, vector<16xf32>,
      %get3A_676 = arith.index_cast %while3A_458 : i32 to index
      %get3A_677 = arith.constant 432 : index
      %get3A_678 = tpu.vector_load %arg8[%get3A_676, %get3A_677] {strides = array<i32>} : memref<64x768xf32, #tpu.memory_space<vmem>>, vector<1x16xf32>,
      %get3A_679 = vector.shape_cast %get3A_678 : vector<1x16xf32> to vector<16xf32>
      %swap3A_680 = arith.constant 432 : index
      %swap3A_681 = tpu.vector_load %arg10[%swap3A_680] {strides = array<i32>} : memref<768xf32, #tpu.memory_space<vmem>>, vector<16xf32>,
      %swap3A_682 = vector.shape_cast %swap3A_681 : vector<16xf32> to vector<16xf32>
      %swap3A_683 = vector.shape_cast %get3A_679 : vector<16xf32> to vector<16xf32>
      tpu.vector_store %arg10[%swap3A_680], %swap3A_683 {add = true, strides = array<i32>} : memref<768xf32, #tpu.memory_space<vmem>>, vector<16xf32>,
      %get3A_684 = arith.index_cast %while3A_458 : i32 to index
      %get3A_685 = arith.constant 448 : index
      %get3A_686 = tpu.vector_load %arg8[%get3A_684, %get3A_685] {strides = array<i32>} : memref<64x768xf32, #tpu.memory_space<vmem>>, vector<1x16xf32>,
      %get3A_687 = vector.shape_cast %get3A_686 : vector<1x16xf32> to vector<16xf32>
      %swap3A_688 = arith.constant 448 : index
      %swap3A_689 = tpu.vector_load %arg10[%swap3A_688] {strides = array<i32>} : memref<768xf32, #tpu.memory_space<vmem>>, vector<16xf32>,
      %swap3A_690 = vector.shape_cast %swap3A_689 : vector<16xf32> to vector<16xf32>
      %swap3A_691 = vector.shape_cast %get3A_687 : vector<16xf32> to vector<16xf32>
      tpu.vector_store %arg10[%swap3A_688], %swap3A_691 {add = true, strides = array<i32>} : memref<768xf32, #tpu.memory_space<vmem>>, vector<16xf32>,
      %get3A_692 = arith.index_cast %while3A_458 : i32 to index
      %get3A_693 = arith.constant 464 : index
      %get3A_694 = tpu.vector_load %arg8[%get3A_692, %get3A_693] {strides = array<i32>} : memref<64x768xf32, #tpu.memory_space<vmem>>, vector<1x16xf32>,
      %get3A_695 = vector.shape_cast %get3A_694 : vector<1x16xf32> to vector<16xf32>
      %swap3A_696 = arith.constant 464 : index
      %swap3A_697 = tpu.vector_load %arg10[%swap3A_696] {strides = array<i32>} : memref<768xf32, #tpu.memory_space<vmem>>, vector<16xf32>,
      %swap3A_698 = vector.shape_cast %swap3A_697 : vector<16xf32> to vector<16xf32>
      %swap3A_699 = vector.shape_cast %get3A_695 : vector<16xf32> to vector<16xf32>
      tpu.vector_store %arg10[%swap3A_696], %swap3A_699 {add = true, strides = array<i32>} : memref<768xf32, #tpu.memory_space<vmem>>, vector<16xf32>,
      %get3A_700 = arith.index_cast %while3A_458 : i32 to index
      %get3A_701 = arith.constant 480 : index
      %get3A_702 = tpu.vector_load %arg8[%get3A_700, %get3A_701] {strides = array<i32>} : memref<64x768xf32, #tpu.memory_space<vmem>>, vector<1x16xf32>,
      %get3A_703 = vector.shape_cast %get3A_702 : vector<1x16xf32> to vector<16xf32>
      %swap3A_704 = arith.constant 480 : index
      %swap3A_705 = tpu.vector_load %arg10[%swap3A_704] {strides = array<i32>} : memref<768xf32, #tpu.memory_space<vmem>>, vector<16xf32>,
      %swap3A_706 = vector.shape_cast %swap3A_705 : vector<16xf32> to vector<16xf32>
      %swap3A_707 = vector.shape_cast %get3A_703 : vector<16xf32> to vector<16xf32>
      tpu.vector_store %arg10[%swap3A_704], %swap3A_707 {add = true, strides = array<i32>} : memref<768xf32, #tpu.memory_space<vmem>>, vector<16xf32>,
      %get3A_708 = arith.index_cast %while3A_458 : i32 to index
      %get3A_709 = arith.constant 496 : index
      %get3A_710 = tpu.vector_load %arg8[%get3A_708, %get3A_709] {strides = array<i32>} : memref<64x768xf32, #tpu.memory_space<vmem>>, vector<1x16xf32>,
      %get3A_711 = vector.shape_cast %get3A_710 : vector<1x16xf32> to vector<16xf32>
      %swap3A_712 = arith.constant 496 : index
      %swap3A_713 = tpu.vector_load %arg10[%swap3A_712] {strides = array<i32>} : memref<768xf32, #tpu.memory_space<vmem>>, vector<16xf32>,
      %swap3A_714 = vector.shape_cast %swap3A_713 : vector<16xf32> to vector<16xf32>
      %swap3A_715 = vector.shape_cast %get3A_711 : vector<16xf32> to vector<16xf32>
      tpu.vector_store %arg10[%swap3A_712], %swap3A_715 {add = true, strides = array<i32>} : memref<768xf32, #tpu.memory_space<vmem>>, vector<16xf32>,
      %get3A_716 = arith.index_cast %while3A_458 : i32 to index
      %get3A_717 = arith.constant 512 : index
      %get3A_718 = tpu.vector_load %arg8[%get3A_716, %get3A_717] {strides = array<i32>} : memref<64x768xf32, #tpu.memory_space<vmem>>, vector<1x16xf32>,
      %get3A_719 = vector.shape_cast %get3A_718 : vector<1x16xf32> to vector<16xf32>
      %swap3A_720 = arith.constant 512 : index
      %swap3A_721 = tpu.vector_load %arg10[%swap3A_720] {strides = array<i32>} : memref<768xf32, #tpu.memory_space<vmem>>, vector<16xf32>,
      %swap3A_722 = vector.shape_cast %swap3A_721 : vector<16xf32> to vector<16xf32>
      %swap3A_723 = vector.shape_cast %get3A_719 : vector<16xf32> to vector<16xf32>
      tpu.vector_store %arg10[%swap3A_720], %swap3A_723 {add = true, strides = array<i32>} : memref<768xf32, #tpu.memory_space<vmem>>, vector<16xf32>,
      %get3A_724 = arith.index_cast %while3A_458 : i32 to index
      %get3A_725 = arith.constant 528 : index
      %get3A_726 = tpu.vector_load %arg8[%get3A_724, %get3A_725] {strides = array<i32>} : memref<64x768xf32, #tpu.memory_space<vmem>>, vector<1x16xf32>,
      %get3A_727 = vector.shape_cast %get3A_726 : vector<1x16xf32> to vector<16xf32>
      %swap3A_728 = arith.constant 528 : index
      %swap3A_729 = tpu.vector_load %arg10[%swap3A_728] {strides = array<i32>} : memref<768xf32, #tpu.memory_space<vmem>>, vector<16xf32>,
      %swap3A_730 = vector.shape_cast %swap3A_729 : vector<16xf32> to vector<16xf32>
      %swap3A_731 = vector.shape_cast %get3A_727 : vector<16xf32> to vector<16xf32>
      tpu.vector_store %arg10[%swap3A_728], %swap3A_731 {add = true, strides = array<i32>} : memref<768xf32, #tpu.memory_space<vmem>>, vector<16xf32>,
      %get3A_732 = arith.index_cast %while3A_458 : i32 to index
      %get3A_733 = arith.constant 544 : index
      %get3A_734 = tpu.vector_load %arg8[%get3A_732, %get3A_733] {strides = array<i32>} : memref<64x768xf32, #tpu.memory_space<vmem>>, vector<1x16xf32>,
      %get3A_735 = vector.shape_cast %get3A_734 : vector<1x16xf32> to vector<16xf32>
      %swap3A_736 = arith.constant 544 : index
      %swap3A_737 = tpu.vector_load %arg10[%swap3A_736] {strides = array<i32>} : memref<768xf32, #tpu.memory_space<vmem>>, vector<16xf32>,
      %swap3A_738 = vector.shape_cast %swap3A_737 : vector<16xf32> to vector<16xf32>
      %swap3A_739 = vector.shape_cast %get3A_735 : vector<16xf32> to vector<16xf32>
      tpu.vector_store %arg10[%swap3A_736], %swap3A_739 {add = true, strides = array<i32>} : memref<768xf32, #tpu.memory_space<vmem>>, vector<16xf32>,
      %get3A_740 = arith.index_cast %while3A_458 : i32 to index
      %get3A_741 = arith.constant 560 : index
      %get3A_742 = tpu.vector_load %arg8[%get3A_740, %get3A_741] {strides = array<i32>} : memref<64x768xf32, #tpu.memory_space<vmem>>, vector<1x16xf32>,
      %get3A_743 = vector.shape_cast %get3A_742 : vector<1x16xf32> to vector<16xf32>
      %swap3A_744 = arith.constant 560 : index
      %swap3A_745 = tpu.vector_load %arg10[%swap3A_744] {strides = array<i32>} : memref<768xf32, #tpu.memory_space<vmem>>, vector<16xf32>,
      %swap3A_746 = vector.shape_cast %swap3A_745 : vector<16xf32> to vector<16xf32>
      %swap3A_747 = vector.shape_cast %get3A_743 : vector<16xf32> to vector<16xf32>
      tpu.vector_store %arg10[%swap3A_744], %swap3A_747 {add = true, strides = array<i32>} : memref<768xf32, #tpu.memory_space<vmem>>, vector<16xf32>,
      %get3A_748 = arith.index_cast %while3A_458 : i32 to index
      %get3A_749 = arith.constant 576 : index
      %get3A_750 = tpu.vector_load %arg8[%get3A_748, %get3A_749] {strides = array<i32>} : memref<64x768xf32, #tpu.memory_space<vmem>>, vector<1x16xf32>,
      %get3A_751 = vector.shape_cast %get3A_750 : vector<1x16xf32> to vector<16xf32>
      %swap3A_752 = arith.constant 576 : index
      %swap3A_753 = tpu.vector_load %arg10[%swap3A_752] {strides = array<i32>} : memref<768xf32, #tpu.memory_space<vmem>>, vector<16xf32>,
      %swap3A_754 = vector.shape_cast %swap3A_753 : vector<16xf32> to vector<16xf32>
      %swap3A_755 = vector.shape_cast %get3A_751 : vector<16xf32> to vector<16xf32>
      tpu.vector_store %arg10[%swap3A_752], %swap3A_755 {add = true, strides = array<i32>} : memref<768xf32, #tpu.memory_space<vmem>>, vector<16xf32>,
      %get3A_756 = arith.index_cast %while3A_458 : i32 to index
      %get3A_757 = arith.constant 592 : index
      %get3A_758 = tpu.vector_load %arg8[%get3A_756, %get3A_757] {strides = array<i32>} : memref<64x768xf32, #tpu.memory_space<vmem>>, vector<1x16xf32>,
      %get3A_759 = vector.shape_cast %get3A_758 : vector<1x16xf32> to vector<16xf32>
      %swap3A_760 = arith.constant 592 : index
      %swap3A_761 = tpu.vector_load %arg10[%swap3A_760] {strides = array<i32>} : memref<768xf32, #tpu.memory_space<vmem>>, vector<16xf32>,
      %swap3A_762 = vector.shape_cast %swap3A_761 : vector<16xf32> to vector<16xf32>
      %swap3A_763 = vector.shape_cast %get3A_759 : vector<16xf32> to vector<16xf32>
      tpu.vector_store %arg10[%swap3A_760], %swap3A_763 {add = true, strides = array<i32>} : memref<768xf32, #tpu.memory_space<vmem>>, vector<16xf32>,
      %get3A_764 = arith.index_cast %while3A_458 : i32 to index
      %get3A_765 = arith.constant 608 : index
      %get3A_766 = tpu.vector_load %arg8[%get3A_764, %get3A_765] {strides = array<i32>} : memref<64x768xf32, #tpu.memory_space<vmem>>, vector<1x16xf32>,
      %get3A_767 = vector.shape_cast %get3A_766 : vector<1x16xf32> to vector<16xf32>
      %swap3A_768 = arith.constant 608 : index
      %swap3A_769 = tpu.vector_load %arg10[%swap3A_768] {strides = array<i32>} : memref<768xf32, #tpu.memory_space<vmem>>, vector<16xf32>,
      %swap3A_770 = vector.shape_cast %swap3A_769 : vector<16xf32> to vector<16xf32>
      %swap3A_771 = vector.shape_cast %get3A_767 : vector<16xf32> to vector<16xf32>
      tpu.vector_store %arg10[%swap3A_768], %swap3A_771 {add = true, strides = array<i32>} : memref<768xf32, #tpu.memory_space<vmem>>, vector<16xf32>,
      %get3A_772 = arith.index_cast %while3A_458 : i32 to index
      %get3A_773 = arith.constant 624 : index
      %get3A_774 = tpu.vector_load %arg8[%get3A_772, %get3A_773] {strides = array<i32>} : memref<64x768xf32, #tpu.memory_space<vmem>>, vector<1x16xf32>,
      %get3A_775 = vector.shape_cast %get3A_774 : vector<1x16xf32> to vector<16xf32>
      %swap3A_776 = arith.constant 624 : index
      %swap3A_777 = tpu.vector_load %arg10[%swap3A_776] {strides = array<i32>} : memref<768xf32, #tpu.memory_space<vmem>>, vector<16xf32>,
      %swap3A_778 = vector.shape_cast %swap3A_777 : vector<16xf32> to vector<16xf32>
      %swap3A_779 = vector.shape_cast %get3A_775 : vector<16xf32> to vector<16xf32>
      tpu.vector_store %arg10[%swap3A_776], %swap3A_779 {add = true, strides = array<i32>} : memref<768xf32, #tpu.memory_space<vmem>>, vector<16xf32>,
      %get3A_780 = arith.index_cast %while3A_458 : i32 to index
      %get3A_781 = arith.constant 640 : index
      %get3A_782 = tpu.vector_load %arg8[%get3A_780, %get3A_781] {strides = array<i32>} : memref<64x768xf32, #tpu.memory_space<vmem>>, vector<1x16xf32>,
      %get3A_783 = vector.shape_cast %get3A_782 : vector<1x16xf32> to vector<16xf32>
      %swap3A_784 = arith.constant 640 : index
      %swap3A_785 = tpu.vector_load %arg10[%swap3A_784] {strides = array<i32>} : memref<768xf32, #tpu.memory_space<vmem>>, vector<16xf32>,
      %swap3A_786 = vector.shape_cast %swap3A_785 : vector<16xf32> to vector<16xf32>
      %swap3A_787 = vector.shape_cast %get3A_783 : vector<16xf32> to vector<16xf32>
      tpu.vector_store %arg10[%swap3A_784], %swap3A_787 {add = true, strides = array<i32>} : memref<768xf32, #tpu.memory_space<vmem>>, vector<16xf32>,
      %get3A_788 = arith.index_cast %while3A_458 : i32 to index
      %get3A_789 = arith.constant 656 : index
      %get3A_790 = tpu.vector_load %arg8[%get3A_788, %get3A_789] {strides = array<i32>} : memref<64x768xf32, #tpu.memory_space<vmem>>, vector<1x16xf32>,
      %get3A_791 = vector.shape_cast %get3A_790 : vector<1x16xf32> to vector<16xf32>
      %swap3A_792 = arith.constant 656 : index
      %swap3A_793 = tpu.vector_load %arg10[%swap3A_792] {strides = array<i32>} : memref<768xf32, #tpu.memory_space<vmem>>, vector<16xf32>,
      %swap3A_794 = vector.shape_cast %swap3A_793 : vector<16xf32> to vector<16xf32>
      %swap3A_795 = vector.shape_cast %get3A_791 : vector<16xf32> to vector<16xf32>
      tpu.vector_store %arg10[%swap3A_792], %swap3A_795 {add = true, strides = array<i32>} : memref<768xf32, #tpu.memory_space<vmem>>, vector<16xf32>,
      %get3A_796 = arith.index_cast %while3A_458 : i32 to index
      %get3A_797 = arith.constant 672 : index
      %get3A_798 = tpu.vector_load %arg8[%get3A_796, %get3A_797] {strides = array<i32>} : memref<64x768xf32, #tpu.memory_space<vmem>>, vector<1x16xf32>,
      %get3A_799 = vector.shape_cast %get3A_798 : vector<1x16xf32> to vector<16xf32>
      %swap3A_800 = arith.constant 672 : index
      %swap3A_801 = tpu.vector_load %arg10[%swap3A_800] {strides = array<i32>} : memref<768xf32, #tpu.memory_space<vmem>>, vector<16xf32>,
      %swap3A_802 = vector.shape_cast %swap3A_801 : vector<16xf32> to vector<16xf32>
      %swap3A_803 = vector.shape_cast %get3A_799 : vector<16xf32> to vector<16xf32>
      tpu.vector_store %arg10[%swap3A_800], %swap3A_803 {add = true, strides = array<i32>} : memref<768xf32, #tpu.memory_space<vmem>>, vector<16xf32>,
      %get3A_804 = arith.index_cast %while3A_458 : i32 to index
      %get3A_805 = arith.constant 688 : index
      %get3A_806 = tpu.vector_load %arg8[%get3A_804, %get3A_805] {strides = array<i32>} : memref<64x768xf32, #tpu.memory_space<vmem>>, vector<1x16xf32>,
      %get3A_807 = vector.shape_cast %get3A_806 : vector<1x16xf32> to vector<16xf32>
      %swap3A_808 = arith.constant 688 : index
      %swap3A_809 = tpu.vector_load %arg10[%swap3A_808] {strides = array<i32>} : memref<768xf32, #tpu.memory_space<vmem>>, vector<16xf32>,
      %swap3A_810 = vector.shape_cast %swap3A_809 : vector<16xf32> to vector<16xf32>
      %swap3A_811 = vector.shape_cast %get3A_807 : vector<16xf32> to vector<16xf32>
      tpu.vector_store %arg10[%swap3A_808], %swap3A_811 {add = true, strides = array<i32>} : memref<768xf32, #tpu.memory_space<vmem>>, vector<16xf32>,
      %get3A_812 = arith.index_cast %while3A_458 : i32 to index
      %get3A_813 = arith.constant 704 : index
      %get3A_814 = tpu.vector_load %arg8[%get3A_812, %get3A_813] {strides = array<i32>} : memref<64x768xf32, #tpu.memory_space<vmem>>, vector<1x16xf32>,
      %get3A_815 = vector.shape_cast %get3A_814 : vector<1x16xf32> to vector<16xf32>
      %swap3A_816 = arith.constant 704 : index
      %swap3A_817 = tpu.vector_load %arg10[%swap3A_816] {strides = array<i32>} : memref<768xf32, #tpu.memory_space<vmem>>, vector<16xf32>,
      %swap3A_818 = vector.shape_cast %swap3A_817 : vector<16xf32> to vector<16xf32>
      %swap3A_819 = vector.shape_cast %get3A_815 : vector<16xf32> to vector<16xf32>
      tpu.vector_store %arg10[%swap3A_816], %swap3A_819 {add = true, strides = array<i32>} : memref<768xf32, #tpu.memory_space<vmem>>, vector<16xf32>,
      %get3A_820 = arith.index_cast %while3A_458 : i32 to index
      %get3A_821 = arith.constant 720 : index
      %get3A_822 = tpu.vector_load %arg8[%get3A_820, %get3A_821] {strides = array<i32>} : memref<64x768xf32, #tpu.memory_space<vmem>>, vector<1x16xf32>,
      %get3A_823 = vector.shape_cast %get3A_822 : vector<1x16xf32> to vector<16xf32>
      %swap3A_824 = arith.constant 720 : index
      %swap3A_825 = tpu.vector_load %arg10[%swap3A_824] {strides = array<i32>} : memref<768xf32, #tpu.memory_space<vmem>>, vector<16xf32>,
      %swap3A_826 = vector.shape_cast %swap3A_825 : vector<16xf32> to vector<16xf32>
      %swap3A_827 = vector.shape_cast %get3A_823 : vector<16xf32> to vector<16xf32>
      tpu.vector_store %arg10[%swap3A_824], %swap3A_827 {add = true, strides = array<i32>} : memref<768xf32, #tpu.memory_space<vmem>>, vector<16xf32>,
      %get3A_828 = arith.index_cast %while3A_458 : i32 to index
      %get3A_829 = arith.constant 736 : index
      %get3A_830 = tpu.vector_load %arg8[%get3A_828, %get3A_829] {strides = array<i32>} : memref<64x768xf32, #tpu.memory_space<vmem>>, vector<1x16xf32>,
      %get3A_831 = vector.shape_cast %get3A_830 : vector<1x16xf32> to vector<16xf32>
      %swap3A_832 = arith.constant 736 : index
      %swap3A_833 = tpu.vector_load %arg10[%swap3A_832] {strides = array<i32>} : memref<768xf32, #tpu.memory_space<vmem>>, vector<16xf32>,
      %swap3A_834 = vector.shape_cast %swap3A_833 : vector<16xf32> to vector<16xf32>
      %swap3A_835 = vector.shape_cast %get3A_831 : vector<16xf32> to vector<16xf32>
      tpu.vector_store %arg10[%swap3A_832], %swap3A_835 {add = true, strides = array<i32>} : memref<768xf32, #tpu.memory_space<vmem>>, vector<16xf32>,
      %get3A_836 = arith.index_cast %while3A_458 : i32 to index
      %get3A_837 = arith.constant 752 : index
      %get3A_838 = tpu.vector_load %arg8[%get3A_836, %get3A_837] {strides = array<i32>} : memref<64x768xf32, #tpu.memory_space<vmem>>, vector<1x16xf32>,
      %get3A_839 = vector.shape_cast %get3A_838 : vector<1x16xf32> to vector<16xf32>
      %swap3A_840 = arith.constant 752 : index
      %swap3A_841 = tpu.vector_load %arg10[%swap3A_840] {strides = array<i32>} : memref<768xf32, #tpu.memory_space<vmem>>, vector<16xf32>,
      %swap3A_842 = vector.shape_cast %swap3A_841 : vector<16xf32> to vector<16xf32>
      %swap3A_843 = vector.shape_cast %get3A_839 : vector<16xf32> to vector<16xf32>
      tpu.vector_store %arg10[%swap3A_840], %swap3A_843 {add = true, strides = array<i32>} : memref<768xf32, #tpu.memory_space<vmem>>, vector<16xf32>,
      %while3A_844 = arith.constant 0 : i32
      scf.yield %while3A_844 : i32
    }
    "tpu.region"() ({
      %run_scoped3A = tpu.sem_alloc : memref<!tpu.dma_semaphore, #tpu.memory_space<semaphore_mem>>
      %dma_start3A_458 = arith.constant 0 : i32
      %dma_start3A_459 = tpu.memref_slice %arg6[%add3A, %dma_start3A_458] : memref<32x768xf32, #tpu.memory_space<hbm>> -> memref<1x768xf32, #tpu.memory_space<hbm>>
      %dma_start3A_460 = tpu.memref_squeeze %dma_start3A_459 : memref<1x768xf32, #tpu.memory_space<hbm>> -> memref<768xf32, #tpu.memory_space<hbm>>
      %dma_start3A_461 = arith.constant 0 : i32
      %dma_start3A_462 = tpu.memref_slice %arg6[%add3A, %dma_start3A_461] : memref<32x768xf32, #tpu.memory_space<hbm>> -> memref<1x768xf32, #tpu.memory_space<hbm>>
      %dma_start3A_463 = tpu.memref_squeeze %dma_start3A_462 : memref<1x768xf32, #tpu.memory_space<hbm>> -> memref<768xf32, #tpu.memory_space<hbm>>
      tpu.enqueue_dma source(%arg10 : memref<768xf32, #tpu.memory_space<vmem>>) target(%dma_start3A_463 : memref<768xf32, #tpu.memory_space<hbm>>) target_semaphore(%run_scoped3A : memref<!tpu.dma_semaphore, #tpu.memory_space<semaphore_mem>>)
      %dma_wait3A_464 = arith.constant 0 : i32
      %dma_wait3A_465 = tpu.memref_slice %arg6[%add3A, %dma_wait3A_464] : memref<32x768xf32, #tpu.memory_space<hbm>> -> memref<1x768xf32, #tpu.memory_space<hbm>>
      %dma_wait3A_466 = tpu.memref_squeeze %dma_wait3A_465 : memref<1x768xf32, #tpu.memory_space<hbm>> -> memref<768xf32, #tpu.memory_space<hbm>>
      %dma_wait3A_467 = arith.constant 0 : i32
      %dma_wait3A_468 = tpu.memref_slice %arg6[%add3A, %dma_wait3A_467] : memref<32x768xf32, #tpu.memory_space<hbm>> -> memref<1x768xf32, #tpu.memory_space<hbm>>
      %dma_wait3A_469 = tpu.memref_squeeze %dma_wait3A_468 : memref<1x768xf32, #tpu.memory_space<hbm>> -> memref<768xf32, #tpu.memory_space<hbm>>
      tpu.wait_dma2 semaphore(%run_scoped3A : memref<!tpu.dma_semaphore, #tpu.memory_space<semaphore_mem>>) src(%arg10 : memref<768xf32, #tpu.memory_space<vmem>>) dst(%dma_wait3A_469 : memref<768xf32, #tpu.memory_space<hbm>>)
      tpu.yield
    }) : () -> ()
    return
  }
}

module attributes {stable_mosaic.version = 14 : i64} {
  func.func @_combine_body(%arg0: memref<4x8x768xf32, #tpu.memory_space<vmem>>, %arg1: memref<4x768xf32, #tpu.memory_space<vmem>>) attributes {dimension_semantics = [], scalar_prefetch = 0 : i64, scratch_operands = 0 : i64, tpu.core_type = #tpu.core_type<tc>} {
    %get3A = arith.constant 0 : index
    %get3A_0 = arith.constant 0 : index
    %get3A_1 = arith.constant 0 : index
    %get3A_2 = vector.load %arg0[%get3A, %get3A_0, %get3A_1] : memref<4x8x768xf32, #tpu.memory_space<vmem>>, vector<4x8x768xf32>
    %reduce_sum3A = arith.constant dense<0.000000e+00> : vector<4x768xf32>
    %reduce_sum3A_3 = vector.multi_reduction <add>, %get3A_2, %reduce_sum3A [1] : vector<4x8x768xf32> to vector<4x768xf32>
    %swap3A = arith.constant 0 : index
    %swap3A_4 = arith.constant 0 : index
    %swap3A_5 = vector.load %arg1[%swap3A, %swap3A_4] : memref<4x768xf32, #tpu.memory_space<vmem>>, vector<4x768xf32>
    tpu.vector_store %arg1[%swap3A, %swap3A_4], %reduce_sum3A_3 {strides = array<i32>} : memref<4x768xf32, #tpu.memory_space<vmem>>, vector<4x768xf32>,
    return
  }
}

module attributes {stable_mosaic.version = 14 : i64} {
  func.func @_vlen_body(%arg0: memref<4x2048xi32, #tpu.memory_space<vmem>>, %arg1: memref<4x16xi32, #tpu.memory_space<vmem>>) attributes {dimension_semantics = [], scalar_prefetch = 0 : i64, scratch_operands = 0 : i64, tpu.core_type = #tpu.core_type<tc>} {
    %get3A = arith.constant 0 : index
    %get3A_0 = arith.constant 0 : index
    %get3A_1 = vector.load %arg0[%get3A, %get3A_0] : memref<4x2048xi32, #tpu.memory_space<vmem>>, vector<4x2048xi32>
    %reduce_sum3A = arith.constant dense<0> : vector<4xi32>
    %reduce_sum3A_2 = vector.multi_reduction <add>, %get3A_1, %reduce_sum3A [1] : vector<4x2048xi32> to vector<4xi32>
    %broadcast_in_dim3A = vector.shape_cast %reduce_sum3A_2 : vector<4xi32> to vector<4x1xi32>
    %broadcast_in_dim3A_3 = vector.shape_cast %broadcast_in_dim3A : vector<4x1xi32> to vector<4x1xi32>
    %broadcast_in_dim3A_4 = vector.broadcast %broadcast_in_dim3A_3 : vector<4x1xi32> to vector<4x16xi32>
    %swap3A = arith.constant 0 : index
    %swap3A_5 = arith.constant 0 : index
    %swap3A_6 = vector.load %arg1[%swap3A, %swap3A_5] : memref<4x16xi32, #tpu.memory_space<vmem>>, vector<4x16xi32>
    tpu.vector_store %arg1[%swap3A, %swap3A_5], %broadcast_in_dim3A_4 {strides = array<i32>} : memref<4x16xi32, #tpu.memory_space<vmem>>, vector<4x16xi32>,
    return
  }
}

</mosaic_0001>

<sc_bundles>
// kernel: kernel.5.cloned.1.call-start
scs
__scs_entry_jumppad:
0x0: {  	(pc) =	sbr.rel $0x88, $3  }
0x1: {  	(tag) =	ssettag $0x0;
	lr =	simm.s32 $0x1  }
0x2: {  	[smem:$0x3F9E] =	sst lr;
	_ =	strace $0xD0000000  }
0x3: {  	_ = 	snop  }
0x4: {  	_ = 	snop  }
0x5: {  	_ = 	snop  }
0x6: {  	_ = 	snop  }
0x7: {  	_ = 	snop  }
__scs_overlays_trampoline_lowered:
0x8: {  	[smem:$0x3FAD] =	sst s0  }
0x9: {  	[smem:$0x3FAE] =	sst s1  }
0xa: {  	[smem:$0x3FAF] =	sst s2  }
0xb: {  	[smem:$0x3FB0] =	sst s3  }
0xc: {  	[smem:$0x3FB1] =	sst s4  }
0xd: {  	[smem:$0x3FB2] =	sst s5  }
0xe: {  	[smem:$0x3FB3] =	sst s6  }
0xf: {  	[smem:$0x3FB4] =	sst s7  }
0x10: {  	[smem:$0x3FB5] =	sst s8  }
0x11: {  	[smem:$0x3FB6] =	sst s9;
	s0 =	simm.s32 @!p0 $0x0  }
0x12: {  	s1 =	sld [smem:$0x3F9C];
	s0 =	simm.s32 @p0 $0x1  }
0x13: {  	[smem:$0x3FB7] =	sst s0;
	s0 =	simm.s32 @!p1 $0x0  }
0x14: {  	s2 =	sld [smem:$0x3F9B];
	s0 =	simm.s32 @p1 $0x1  }
0x15: {  	[smem:$0x3FB8] =	sst s0;
	s0 =	simm.s32 @!p2 $0x0  }
0x16: {  	s3 =	sld [smem:$0x3FDB];
	s0 =	simm.s32 @p2 $0x1  }
0x17: {  	s4 =	simm.s32 $0x1BF5;
	[smem:$0x3FBA] =	sst s0  }
0x18: {  	s0 =	sld [smem:$0x3F9D];
	_ =	swait.ge [sflag:s4], $0x0  }
0x19: {  	s7 =	sld [smem:$0x3F9E]  }
0x1a: {  	s8 =	sadd.s32 $0xFFFFE003, lr  }
0x1b: {  	s9 =	sadd.s32 $0xFFFFFEF7, lr;
	s5 =	simm.s32 $0xFFFFFFFF;
	p2 =	slt.u32 s8, $0xFFFFF086  }
0x1c: {  	p1 =	slt.u32 s9, $0xF7A;
	s5 =	simm.s32 @!p2 $0x0  }
0x1d: {  	s5 =	simm.s32 @p1 $0x1;
	p0 =	seq.s32 s7, s2  }
0x1e: {  	s7 =	smul.u32 @!p0 $0xF7A, s2;
	p2 =	seq.s32 @!p0 s5, $0x0  }
0x1f: {  	s9 =	smul.u32 $0xF7A, s1;
	s8 =	simm.s32 @!p0 $0x1BF5;
	p2 =	por !p2, p0  }
0x20: {  	[sflag:s8] =	ssyncset.s32 @!p0 $0xFFFFF086;
	s6 =	sadd.s32 @!p0 s3, s7;
	s7 =	simm.s32 @!p0 $0x108  }
0x21: {  	s3 =	sadd.s32 s3, s9;
	s6 =	sadd.s32 @!p0 $0x88, s6;
	s7 =	simm.s32 @p2 $0x1082  }
0x22: {  	[simem:s7], [sflag:s8] =	dma.local @!p0 [hbm:s6], $0xF7A  }
0x23: {  	s9 =	sor.u32 $0xD0000000, s2;
	s6 =	simm.s32 $0x108;
	_ =	swait.ge @!p0 [sflag:s8], $0x0  }
0x24: {  	s3 =	sadd.s32 $0x88, s3;
	s6 =	simm.s32 @!p1 $0x1082;
	[sflag:s4] =	ssyncset.s32 $0xFFFFF086  }
0x25: {  	[simem:s6], [sflag:s4] =	dma.local [hbm:s3], $0xF7A  }
0x26: {  	[smem:$0x3F9E] =	sst s1;
	(tag) =	ssettag s2;
	_ =	strace s9  }
0x27: {  	s1 =	sld [smem:$0x3FAE]  }
0x28: {  	s2 =	sld [smem:$0x3FAF]  }
0x29: {  	s4 =	sld [smem:$0x3FB1]  }
0x2a: {  	p0 =	seq.s32 s5, $0x0;
	s5 =	sld [smem:$0x3FB2]  }
0x2b: {  	s6 =	sld [smem:$0x3FB3]  }
0x2c: {  	s7 =	sld [smem:$0x3FB4]  }
0x2d: {  	s3 =	simm.s32 $0x108;
	s8 =	sld [smem:$0x3FB5]  }
0x2e: {  	s3 =	simm.s32 @!p0 $0x1082;
	s9 =	sld [smem:$0x3FB6]  }
0x2f: {  	lr =	sadd.s32 s0, s3;
	s0 =	sld [smem:$0x3FAD]  }
0x30: {  	s3 =	sld [smem:$0x3FB0]  }
0x31: {  	[smem:$0x3FB9] =	sst s10  }
0x32: {  	s10 =	sld [smem:$0x3FB7];
	_ =	sdelay $0x3  }
0x33: {  	p0 =	seq.s32 s10, $0x1;
	s10 =	sld [smem:$0x3FB9];
	_ =	sdelay $0x3  }
0x34: {  	[smem:$0x3FB9] =	sst s10  }
0x35: {  	s10 =	sld [smem:$0x3FB8];
	_ =	sdelay $0x3  }
0x36: {  	p1 =	seq.s32 s10, $0x1;
	s10 =	sld [smem:$0x3FB9];
	_ =	sdelay $0x3  }
0x37: {  	[smem:$0x3FB9] =	sst s10  }
0x38: {  	s10 =	sld [smem:$0x3FBA]  }
0x39: {  	_ = 	snop;
	(pc) =	sbr.ind lr, $3  }
0x3a: {  	_ = 	snop  }
0x3b: {  	_ = 	snop  }
0x3c: {  	p2 =	seq.s32 s10, $0x1;
	s10 =	sld [smem:$0x3FB9]  }
0x3d: {  	_ =	shalt  }
0x3e: {  	_ =	shalt  }
0x3f: {  	_ =	shalt  }
0x40: {  	_ =	shalt  }
0x41: {  	_ =	shalt  }
0x42: {  	_ =	shalt  }
0x43: {  	_ =	shalt  }
0x44: {  	_ =	shalt  }
0x45: {  	_ =	shalt  }
0x46: {  	_ =	shalt  }
0x47: {  	_ =	shalt  }
0x48: {  	_ =	shalt  }
0x49: {  	_ =	shalt  }
0x4a: {  	_ =	shalt  }
0x4b: {  	_ =	shalt  }
0x4c: {  	_ =	shalt  }
0x4d: {  	_ =	shalt  }
0x4e: {  	_ =	shalt  }
0x4f: {  	_ =	shalt  }
0x50: {  	_ =	shalt  }
0x51: {  	_ =	shalt  }
0x52: {  	_ =	shalt  }
0x53: {  	_ =	shalt  }
0x54: {  	_ =	shalt  }
0x55: {  	_ =	shalt  }
0x56: {  	_ =	shalt  }
0x57: {  	_ =	shalt  }
0x58: {  	_ =	shalt  }
0x59: {  	_ =	shalt  }
0x5a: {  	_ =	shalt  }
0x5b: {  	_ =	shalt  }
0x5c: {  	_ =	shalt  }
0x5d: {  	_ =	shalt  }
0x5e: {  	_ =	shalt  }
0x5f: {  	_ =	shalt  }
0x60: {  	_ =	shalt  }
0x61: {  	_ =	shalt  }
0x62: {  	_ =	shalt  }
0x63: {  	_ =	shalt  }
0x64: {  	_ =	shalt  }
0x65: {  	_ =	shalt  }
0x66: {  	_ =	shalt  }
0x67: {  	_ =	shalt  }
0x68: {  	_ =	shalt  }
0x69: {  	_ =	shalt  }
0x6a: {  	_ =	shalt  }
0x6b: {  	_ =	shalt  }
0x6c: {  	_ =	shalt  }
0x6d: {  	_ =	shalt  }
0x6e: {  	_ =	shalt  }
0x6f: {  	_ =	shalt  }
0x70: {  	_ =	shalt  }
0x71: {  	_ =	shalt  }
0x72: {  	_ =	shalt  }
0x73: {  	_ =	shalt  }
0x74: {  	_ =	shalt  }
0x75: {  	_ =	shalt  }
0x76: {  	_ =	shalt  }
0x77: {  	_ =	shalt  }
0x78: {  	_ =	shalt  }
0x79: {  	_ =	shalt  }
0x7a: {  	_ =	shalt  }
0x7b: {  	_ =	shalt  }
0x7c: {  	_ =	shalt  }
0x7d: {  	_ =	shalt  }
0x7e: {  	_ =	shalt  }
0x7f: {  	_ =	shalt  }
0x80: {  	_ =	shalt  }
0x81: {  	_ =	shalt  }
0x82: {  	_ =	shalt  }
0x83: {  	_ =	shalt  }
0x84: {  	_ =	shalt  }
0x85: {  	_ =	shalt  }
0x86: {  	_ =	shalt  }
0x87: {  	_ =	shalt  }
.Lfunc_end0:
.L_simem_size_0:
called_computation_lowered:
.L_overlay_start_0:
0x88: {  	s2 =	sld [smem:$0x3FD9]  }
0x89: {  	s3 =	sld [smem:$0x3FFE];
	_ =	sdelay $0x1  }
0x8a: {  	s1 =	srdreg.scid  }
0x8b: {  	s0 =	sand.u32 $0x1, s1  }
0x8c: {  	s14 =	sshll.u32 s0, $0xA;
	s2 =	sadd.s32 s3, s2  }
0x8d: {  	s2 =	sadd.s32 s2, s14  }
0x8e: {  	[smem:$0x3FC5] =	sst s2  }
0x8f: {  	_ = 	snop  }
0x90: {  	s2 =	sld [smem:$0x3FD0];
	_ =	sdelay $0x2  }
0x91: {  	s4 =	simm.s32 $0xA;
	s5 =	simm.s32 $0x10;
	s15 =	sld [smem:$0x3FC7]  }
0x92: {  	[smem:s5], [sflag:s4] =	dma.local [hbm:s2], $0x1  }
0x93: {  	_ =	swait.eq [sflag:s4], $0x1  }
0x94: {  	[sflag:s4] =	ssyncset.done $0x0  }
0x95: {  	s16 =	sld [smem:$0x10];
	[sflag:s4] =	ssyncadd.s32 $0xFFFFFFFF  }
0x96: {  	s17 =	sld [smem:$0x11];
	(tm) =	ssettm $0x1  }
0x97: {  	s18 =	sld [smem:$0x3FFB];
	_ =	sdelay $0x3  }
0x98: {  	_ =	strace s18  }
0x99: {  	s5 =	sld [smem:$0x3FFC];
	_ =	sdelay $0x3  }
0x9a: {  	_ =	strace s5  }
0x9b: {  	s5 =	sld [smem:$0x3FFD];
	_ =	sdelay $0x3  }
0x9c: {  	_ =	strace s5  }
0x9d: {  	_ =	strace $0x8FFFFFFF  }
0x9e: {  	s19 =	sld [smem:$0x3FDB];
	_ =	sdelay $0x1  }
0x9f: {  	s6 =	simm.s32 $_scs_section_size  }
0xa0: {  	s7 =	simm.s32 $_size__tile_overlayer_lowered;
	s8 =	simm.s32 $_tile_overlayer_lowered  }
0xa1: {  	s22 =	simm.s32 $0x1BFF;
	s21 =	sshll.u32 s8, $0x1;
	s5 =	sadd.s32 s6, s19  }
0xa2: {  	s9 =	simm.s32 $0x0;
	s20 =	sshll.u32 s7, $0x1;
	s7 =	sadd.s32 s21, s5  }
0xa3: {  	[timem:s9], [sflag:s22] =	dma.local [hbm:s7], s20  }
0xa4: {  	_ =	swait.ge [sflag:s22], s20  }
0xa5: {  	s6 =	ssub.s32 $0x0, s20;
	[sflag:s22] =	ssyncset.done $0x0  }
0xa6: {  	[sflag:s22] =	ssyncadd.s32 s6;
	_ =	sdelay $0x1  }
0xa7: {  	s23 =	simm.s32 $0x1B8B  }
0xa8: {  	_ =	swait.ge [sflag:s23], $0x1  }
0xa9: {  	[sflag:s23] =	ssyncset.done $0x0  }
0xaa: {  	s25 =	simm.s32 $0x1B8E;
	s24 =	sld [smem:$0x3FFE];
	[sflag:s23] =	ssyncadd.s32 $0xFFFFFFFF  }
0xab: {  	s26 =	simm.s32 $execute0_lowered;
	[smem:$0x3FD2] =	sst s25  }
0xac: {  	s7 =	sshll.u32 s26, $0x1;
	_ =	strace $0x80000046;
	[dreg:$0x1] =	wrdreg $0xFFFFFFFF  }
0xad: {  	s28 =	simm.s32 $_size_execute0_lowered;
	s5 =	sadd.s32 s5, s7;
	[dreg:$0x0] =	wrdreg $0x0  }
0xae: {  	s7 =	sshll.u32 s28, $0x1;
	[dreg:$0x2] =	wrdreg s5  }
0xaf: {  	[dreg:$0x3] =	wrdreg s7  }
0xb0: {  	[dreg:$0x4] =	wrdreg $0xC0  }
0xb1: {  	_ =	task [dreg:s9], $0x5FFFF  }
0xb2: {  	[dreg:$0x1] =	wrdreg $0xFFFFFFFF  }
0xb3: {  	[dreg:$0x0] =	wrdreg $0x60  }
0xb4: {  	[dreg:$0x2] =	wrdreg s24  }
0xb5: {  	[dreg:$0x3] =	wrdreg s17  }
0xb6: {  	[dreg:$0x4] =	wrdreg s15  }
0xb7: {  	[dreg:$0x5] =	wrdreg s16  }
0xb8: {  	[dreg:$0x6] =	wrdreg $0x9  }
0xb9: {  	_ =	task.clear_ibuf [dreg:s9], $0x7FFFF;
	_ =	strace $0x90000046  }
0xba: {  	s29 =	simm.s32 $0x9;
	_ =	strace $0x80000048  }
0xbb: {  	_ =	swait.ge [sflag:s29], $0x1  }
0xbc: {  	[sflag:s29] =	ssyncadd.s32 $0xFFFFFFFF  }
0xbd: {  	_ =	strace $0x90000048  }
0xbe: {  	_ =	sfence  }
0xbf: {  	s30 =	sld [smem:$0x0];
	_ =	sdelay $0x2  }
0xc0: {  	s31 =	sshll.u32 s1, $0xD;
	s1 =	sshrl.u32 s1, $0x2  }
0xc1: {  	s3 =	sand.u32 $0x4000, s31;
	s1 =	sadd.s32 s1, s30  }
0xc2: {  	s0 =	sor.u32 s3, s0;
	s1 =	sshll.u32 s1, $0x11  }
0xc3: {  	s0 =	sor.u32 s1, s0  }
0xc4: {  	s0 =	sadd.s32 $0x8F2B, s0  }
0xc5: {  	[sflag:s0] =	ssyncadd.remote.s32 $0x1  }
0xc6: {  	_ =	sfence.sel $0xFFFF  }
0xc7: {  	[dreg:$0x0] =	wrdreg $0xFFFFFFFF;
	(pc) =	sbr.abs _section_cstart, $3  }
0xc8: {  	[dreg:$0x1] =	wrdreg $0xFFFFFFFF  }
0xc9: {  	_ =	task.clear_ibuf [dreg:s9], $0x2FFFF;
	_ =	strace $0x9FFFFFFF  }
0xca: {  	(tm) =	ssettm $0x7FFFFFFF  }
0xcb: {  	_ =	shalt  }
tec
execute0_lowered:
.L_overlay_start_1:
0x0: {  	(tag) =	ssettag $0x1  }
0x1: {  	s0 =	rddreg [dreg:$0x0]  }
0x2: {  	s1 =	rddreg [dreg:$0x1]  }
0x3: {  	s9 =	rddreg [dreg:$0x2]  }
0x4: {  	s2 =	srdreg.scid;
	s8 =	stileid.u32  }
0x5: {  	s3 =	rddreg [dreg:$0x3];
	s7 =	simm.s32 $0x0;
	s2 =	sand.u32 $0x1, s2  }
0x6: {  	s4 =	sshll.u32 s8, $0x1;
	s5 =	sshrl.u32 s8, $0x2;
	[smem:$0x7FF] =	sst s7  }
0x7: {  	s22 =	sshll.u32 s8, $0x2;
	s26 =	sadd.s32 $0x100, s9;
	s28 =	sadd.s32 $0x200, s9  }
0x8: {  	s4 =	sor.u32 s2, s4;
	s5 =	smul.u32 $0x1800, s5;
	_ =	strace $0x80000047  }
0x9: {  	s2 =	ssub.s32 $0x2, s2;
	s24 =	sand.u32 $0x30, s22;
	[dreg:$0xc] =	wrdreg s26  }
0xa: {  	[dreg:$0xe] =	wrdreg s28;
	s6 =	sshll.u32 s4, $0x7;
	s19 =	sshll.u32 s4, $0x6  }
0xb: {  	s20 =	sshrl.u32 s2, $0x1;
	s21 =	sshll.u32 s4, $0x8;
	s23 =	smul.u32 $0x30000, s4  }
0xc: {  	s4 =	smul.u32 $0x6000, s4;
	s1 =	sadd.s32 s1, s24;
	s6 =	sand.u32 $0x380, s6  }
0xd: {  	s2 =	ssub.s32 s2, s20;
	[dreg:$0xb] =	wrdreg s1;
	s5 =	sor.u32 s5, s6  }
0xe: {  	s6 =	sadd.s32 s19, s0;
	s25 =	sshrl.u32 s23, $0x3;
	s4 =	sadd.s32 s3, s4  }
0xf: {  	s31 =	smax.u32 s2, $0x1;
	s5 =	sshrl.u32 s5, $0x3;
	[dreg:$0xd] =	wrdreg s4  }
0x10: {  	s6 =	sadd.s32 $0xE00, s6;
	s1 =	sadd.s32 s3, s25;
	[dreg:$0x13] =	wrdreg s31  }
0x11: {  	s29 =	sadd.s32 $0x1800, s4;
	s0 =	sadd.s32 s5, s0;
	[dreg:$0xa] =	wrdreg s6  }
.Ltmp0:
0x12: {  	s5 =	sand.u32 $0x700, s21;
	[dreg:$0xf] =	wrdreg s29;
	(pc) =	sbr.rel .LBB2_1-.Ltmp0, $4  }
0x13: {  	s30 =	sadd.s32 $0x3000, s1;
	[dreg:$0x9] =	wrdreg s5  }
0x14: {  	v3 =	vlaneseq.u32;
	s1 =	sadd.s32 $0x4800, s1;
	[dreg:$0x10] =	wrdreg s30  }
0x15: {  	v0 =	vimm.f32 $0.0e+00;
	vm0 =	vmmov $0xffff;
	v2 =	vshrl.u32 v3, $0x3;
	[dreg:$0x11] =	wrdreg s1;
	s0 =	sadd.s32 $0x1600, s0  }
0x16: {  	s12 =	simm.s32 $0x2;
	s10 =	simm.s32 $0x0;
	v1 =	vand.u32 $0x7, v3;
	v3 =	vor.u32 $0x8, v3;
	v2 =	vmul.u32 $0x8, v2;
	[dreg:$0x12] =	wrdreg s0  }
.LBB2_16:
0x17: {  	[tilespmem:s12+$0x0] =	vst.add.f32.msk $0xffff, v4;
	s12 =	simm.s32 $0x2;
	s10 =	rddreg [dreg:$0x14]  }
.LBB2_17:
0x18: {  	s4 =	rddreg [dreg:$0x12];
	s5 =	simm.s32 $0x80;
	s6 =	simm.s32 $0x400  }
0x19: {  	[hbm4b:s4+s5] =	stream.strided.scatter [tilespmem:s11], [sflag:$0x2], $0x300, s6, s5, $0x38;
	[tilespmem:$0xC580] =	vst v63  }
0x1a: {  	_ =	swait.ge [sflag:s12], $0x300  }
0x1b: {  	s10 =	sadd.s32 $0x1, s10;
	s31 =	rddreg [dreg:$0x13]  }
0x1c: {  	p0 =	sne.s32 s10, s31  }
.Ltmp1:
0x1d: {  	_ = 	snop;
	(pc) =	sbr.rel @!p0 .LBB2_18-.Ltmp1, $3  }
0x1e: {  	_ =	sdelay $0x1  }
0x1f: {  	[sflag:s12] =	ssyncset.done $0x0  }
0x20: {  	[sflag:s12] =	ssyncadd.s32 $0xFFFFFD00  }
.LBB2_1:
0x21: {  	[dreg:$0x14] =	wrdreg s10  }
0x22: {  	s5 =	simm.s32 $0x0;
	s4 =	rddreg [dreg:$0xa]  }
0x23: {  	[tilespmem:s5], [sflag:$0x2] =	stream.linear.gather [hbm4b:s4+s5], $0x200, $0x38;
	[tilespmem:$0xC580] =	vst v63  }
0x24: {  	_ =	swait.ge [sflag:s12], $0x200  }
0x25: {  	[sflag:s12] =	ssyncset.done $0x0  }
0x26: {  	s6 =	simm.s32 $0xC200;
	s23 =	rddreg [dreg:$0xb];
	[sflag:s12] =	ssyncadd.s32 $0xFFFFFE00  }
0x27: {  	[tilespmem:s6], [sflag:$0x2] =	stream.linear.gather [hbm4b:s23+s5], $0x80, $0x38;
	[tilespmem:$0xC580] =	vst v63  }
0x28: {  	_ =	swait.ge [sflag:s12], $0x80  }
0x29: {  	[sflag:s12] =	ssyncset.done $0x0  }
0x2a: {  	[sflag:s12] =	ssyncadd.s32 $0xFFFFFF80  }
0x2b: {  	[tilespmem:$0xC280] =	vst v0  }
0x2c: {  	[tilespmem:$0xC290] =	vst v0  }
0x2d: {  	[tilespmem:$0xC2A0] =	vst v0  }
0x2e: {  	[tilespmem:$0xC2B0] =	vst v0  }
0x2f: {  	[tilespmem:$0xC2C0] =	vst v0  }
0x30: {  	[tilespmem:$0xC2D0] =	vst v0  }
0x31: {  	[tilespmem:$0xC2E0] =	vst v0  }
0x32: {  	[tilespmem:$0xC2F0] =	vst v0  }
0x33: {  	[tilespmem:$0xC300] =	vst v0  }
0x34: {  	[tilespmem:$0xC310] =	vst v0  }
0x35: {  	[tilespmem:$0xC320] =	vst v0  }
0x36: {  	[tilespmem:$0xC330] =	vst v0  }
0x37: {  	[tilespmem:$0xC340] =	vst v0  }
0x38: {  	[tilespmem:$0xC350] =	vst v0  }
0x39: {  	[tilespmem:$0xC360] =	vst v0  }
0x3a: {  	[tilespmem:$0xC370] =	vst v0  }
0x3b: {  	[tilespmem:$0xC380] =	vst v0  }
0x3c: {  	[tilespmem:$0xC390] =	vst v0  }
0x3d: {  	[tilespmem:$0xC3A0] =	vst v0  }
0x3e: {  	[tilespmem:$0xC3B0] =	vst v0  }
0x3f: {  	[tilespmem:$0xC3C0] =	vst v0  }
0x40: {  	[tilespmem:$0xC3D0] =	vst v0  }
0x41: {  	[tilespmem:$0xC3E0] =	vst v0  }
0x42: {  	[tilespmem:$0xC3F0] =	vst v0  }
0x43: {  	[tilespmem:$0xC400] =	vst v0  }
0x44: {  	[tilespmem:$0xC410] =	vst v0  }
0x45: {  	[tilespmem:$0xC420] =	vst v0  }
0x46: {  	[tilespmem:$0xC430] =	vst v0  }
0x47: {  	[tilespmem:$0xC440] =	vst v0  }
0x48: {  	[tilespmem:$0xC450] =	vst v0  }
0x49: {  	[tilespmem:$0xC460] =	vst v0  }
0x4a: {  	[tilespmem:$0xC470] =	vst v0  }
0x4b: {  	[tilespmem:$0xC480] =	vst v0;
	v4 =	vld [tilespmem:$0x0]  }
0x4c: {  	[tilespmem:$0xC490] =	vst v0  }
0x4d: {  	[tilespmem:$0xC4A0] =	vst v0  }
0x4e: {  	[tilespmem:$0xC4B0] =	vst v0  }
0x4f: {  	[tilespmem:$0xC4C0] =	vst v0  }
0x50: {  	[tilespmem:$0xC4D0] =	vst v0;
	v5 =	vshrl.u32 v4, $0x3  }
0x51: {  	[tilespmem:$0xC4E0] =	vst v0;
	v5 =	vmul.u32 $0x30, v5  }
0x52: {  	[tilespmem:$0xC4F0] =	vst v0;
	v4 =	vand.u32 $0x7, v4  }
0x53: {  	[tilespmem:$0xC500] =	vst v0;
	v4 =	vor.u32 v4, v5  }
0x54: {  	[tilespmem:$0xC510] =	vst v0;
	v5 =	vperm.xlane v4, v1  }
0x55: {  	[tilespmem:$0xC520] =	vst v0  }
0x56: {  	[tilespmem:$0xC530] =	vst v0;
	v5 =	vadd.s32 v2, v5  }
0x57: {  	[tilespmem:$0xC540] =	vst v0  }
0x58: {  	[tilespmem:$0xC550] =	vst v0  }
0x59: {  	[tilespmem:$0xC560] =	vst v0  }
0x5a: {  	s0 =	simm.s32 $0x200;
	[tilespmem:$0xC570] =	vst v0;
	s24 =	rddreg [dreg:$0x2];
	v4 =	vperm.xlane v4, v3  }
0x5b: {  	v6 =	vld [tilespmem:$0xC200];
	[tilespmem:s0], [sflag:$0x1] =	stream.indirect_vreg.gather [hbm4b:s24+s5], $0x80, v5, vm0, $0xb8  }
0x5c: {  	s26 =	simm.s32 $0xA00;
	s25 =	rddreg [dreg:$0xc];
	v4 =	vadd.s32 v2, v4  }
0x5d: {  	[tilespmem:s26], [sflag:$0x1] =	stream.indirect_vreg.gather [hbm4b:s25+s5], $0x80, v5, vm0, $0xb8;
	[tilespmem:$0xC580] =	vst v63  }
0x5e: {  	s11 =	simm.s32 $0x1200;
	s28 =	rddreg [dreg:$0xe]  }
0x5f: {  	[tilespmem:s11], [sflag:$0x1] =	stream.indirect_vreg.gather [hbm4b:s28+s5], $0x80, v5, vm0, $0xb8;
	[tilespmem:$0xC580] =	vst v63  }
0x60: {  	s30 =	simm.s32 $0x1A00  }
0x61: {  	[tilespmem:s30], [sflag:$0x1] =	stream.indirect_vreg.gather [hbm4b:s24+s5], $0x80, v4, vm0, $0xb8;
	[tilespmem:$0xC580] =	vst v63  }
0x62: {  	s31 =	simm.s32 $0x2200  }
0x63: {  	[tilespmem:s31], [sflag:$0x1] =	stream.indirect_vreg.gather [hbm4b:s25+s5], $0x80, v4, vm0, $0xb8;
	[tilespmem:$0xC580] =	vst v63  }
0x64: {  	s1 =	simm.s32 $0x2A00  }
0x65: {  	[tilespmem:s1], [sflag:$0x1] =	stream.indirect_vreg.gather [hbm4b:s28+s5], $0x80, v4, vm0, $0xb8;
	[tilespmem:$0xC580] =	vst v63  }
0x66: {  	v4 =	vld [tilespmem:$0x10];
	_ =	sdelay $0x4  }
0x67: {  	v5 =	vshrl.u32 v4, $0x3  }
0x68: {  	v5 =	vmul.u32 $0x30, v5  }
0x69: {  	v4 =	vand.u32 $0x7, v4  }
0x6a: {  	v4 =	vor.u32 v4, v5  }
0x6b: {  	v5 =	vperm.xlane v4, v1;
	_ =	sdelay $0x1  }
0x6c: {  	v5 =	vadd.s32 v2, v5;
	_ =	sdelay $0x3  }
0x6d: {  	s2 =	simm.s32 $0x3200;
	v4 =	vperm.xlane v4, v3  }
0x6e: {  	[tilespmem:s2], [sflag:$0x1] =	stream.indirect_vreg.gather [hbm4b:s24+s5], $0x80, v5, vm0, $0xb8;
	[tilespmem:$0xC580] =	vst v63  }
0x6f: {  	s3 =	simm.s32 $0x3A00;
	v4 =	vadd.s32 v2, v4  }
0x70: {  	[tilespmem:s3], [sflag:$0x1] =	stream.indirect_vreg.gather [hbm4b:s25+s5], $0x80, v5, vm0, $0xb8;
	[tilespmem:$0xC580] =	vst v63  }
0x71: {  	s7 =	simm.s32 $0x4200  }
0x72: {  	[tilespmem:s7], [sflag:$0x1] =	stream.indirect_vreg.gather [hbm4b:s28+s5], $0x80, v5, vm0, $0xb8;
	[tilespmem:$0xC580] =	vst v63  }
0x73: {  	s8 =	simm.s32 $0x4A00  }
0x74: {  	[tilespmem:s8], [sflag:$0x1] =	stream.indirect_vreg.gather [hbm4b:s24+s5], $0x80, v4, vm0, $0xb8;
	[tilespmem:$0xC580] =	vst v63  }
0x75: {  	s9 =	simm.s32 $0x5200  }
0x76: {  	[tilespmem:s9], [sflag:$0x1] =	stream.indirect_vreg.gather [hbm4b:s25+s5], $0x80, v4, vm0, $0xb8;
	[tilespmem:$0xC580] =	vst v63  }
0x77: {  	s13 =	simm.s32 $0x5A00  }
0x78: {  	[tilespmem:s13], [sflag:$0x1] =	stream.indirect_vreg.gather [hbm4b:s28+s5], $0x80, v4, vm0, $0xb8;
	[tilespmem:$0xC580] =	vst v63  }
0x79: {  	v4 =	vld [tilespmem:$0x20];
	_ =	sdelay $0x4  }
0x7a: {  	v5 =	vshrl.u32 v4, $0x3  }
0x7b: {  	v5 =	vmul.u32 $0x30, v5  }
0x7c: {  	v4 =	vand.u32 $0x7, v4  }
0x7d: {  	v4 =	vor.u32 v4, v5  }
0x7e: {  	v5 =	vperm.xlane v4, v1;
	_ =	sdelay $0x1  }
0x7f: {  	v5 =	vadd.s32 v2, v5;
	_ =	sdelay $0x3  }
0x80: {  	s14 =	simm.s32 $0x6200;
	v4 =	vperm.xlane v4, v3  }
0x81: {  	[tilespmem:s14], [sflag:$0x1] =	stream.indirect_vreg.gather [hbm4b:s24+s5], $0x80, v5, vm0, $0xb8;
	[tilespmem:$0xC580] =	vst v63  }
0x82: {  	s15 =	simm.s32 $0x6A00;
	v4 =	vadd.s32 v2, v4  }
0x83: {  	[tilespmem:s15], [sflag:$0x1] =	stream.indirect_vreg.gather [hbm4b:s25+s5], $0x80, v5, vm0, $0xb8;
	[tilespmem:$0xC580] =	vst v63  }
0x84: {  	s16 =	simm.s32 $0x7200  }
0x85: {  	[tilespmem:s16], [sflag:$0x1] =	stream.indirect_vreg.gather [hbm4b:s28+s5], $0x80, v5, vm0, $0xb8;
	[tilespmem:$0xC580] =	vst v63  }
0x86: {  	s17 =	simm.s32 $0x7A00  }
0x87: {  	[tilespmem:s17], [sflag:$0x1] =	stream.indirect_vreg.gather [hbm4b:s24+s5], $0x80, v4, vm0, $0xb8;
	[tilespmem:$0xC580] =	vst v63  }
0x88: {  	s18 =	simm.s32 $0x8200  }
0x89: {  	[tilespmem:s18], [sflag:$0x1] =	stream.indirect_vreg.gather [hbm4b:s25+s5], $0x80, v4, vm0, $0xb8;
	[tilespmem:$0xC580] =	vst v63  }
0x8a: {  	s19 =	simm.s32 $0x8A00  }
0x8b: {  	[tilespmem:s19], [sflag:$0x1] =	stream.indirect_vreg.gather [hbm4b:s28+s5], $0x80, v4, vm0, $0xb8;
	[tilespmem:$0xC580] =	vst v63  }
0x8c: {  	v4 =	vld [tilespmem:$0x30];
	_ =	sdelay $0x4  }
0x8d: {  	v5 =	vshrl.u32 v4, $0x3  }
0x8e: {  	v5 =	vmul.u32 $0x30, v5  }
0x8f: {  	v4 =	vand.u32 $0x7, v4  }
0x90: {  	v4 =	vor.u32 v4, v5  }
0x91: {  	v5 =	vperm.xlane v4, v1;
	_ =	sdelay $0x1  }
0x92: {  	v5 =	vadd.s32 v2, v5  }
0x93: {  	(v2sf) =	vpush v6, $0x0;
	_ =	sdelay $0x2  }
0x94: {  	s20 =	simm.s32 $0x9200;
	v4 =	vperm.xlane v4, v3  }
0x95: {  	[tilespmem:s20], [sflag:$0x1] =	stream.indirect_vreg.gather [hbm4b:s24+s5], $0x80, v5, vm0, $0xb8;
	[tilespmem:$0xC580] =	vst v63  }
0x96: {  	s21 =	simm.s32 $0x9A00;
	v4 =	vadd.s32 v2, v4  }
0x97: {  	[tilespmem:s21], [sflag:$0x1] =	stream.indirect_vreg.gather [hbm4b:s25+s5], $0x80, v5, vm0, $0xb8;
	[tilespmem:$0xC580] =	vst v63  }
0x98: {  	s22 =	simm.s32 $0xA200  }
0x99: {  	[tilespmem:s22], [sflag:$0x1] =	stream.indirect_vreg.gather [hbm4b:s28+s5], $0x80, v5, vm0, $0xb8;
	[tilespmem:$0xC580] =	vst v63  }
0x9a: {  	s23 =	simm.s32 $0xAA00  }
0x9b: {  	[tilespmem:s23], [sflag:$0x1] =	stream.indirect_vreg.gather [hbm4b:s24+s5], $0x80, v4, vm0, $0xb8;
	[tilespmem:$0xC580] =	vst v63  }
0x9c: {  	s24 =	simm.s32 $0xB200  }
0x9d: {  	[tilespmem:s24], [sflag:$0x1] =	stream.indirect_vreg.gather [hbm4b:s25+s5], $0x80, v4, vm0, $0xb8;
	[tilespmem:$0xC580] =	vst v63  }
0x9e: {  	s26 =	simm.s32 $0xBA00  }
0x9f: {  	[tilespmem:s26], [sflag:$0x1] =	stream.indirect_vreg.gather [hbm4b:s28+s5], $0x80, v4, vm0, $0xb8;
	[tilespmem:$0xC580] =	vst v63  }
0xa0: {  	s25 =	spop (v2sf);
	s28 =	simm.s32 $0x1  }
0xa1: {  	_ =	swait.ge [sflag:s28], $0xC000  }
0xa2: {  	[sflag:s28] =	ssyncset.done $0x0  }
0xa3: {  	s30 =	rddreg [dreg:$0xd];
	[sflag:s28] =	ssyncadd.s32 $0xFFFF4000  }
0xa4: {  	[hbm4b:s30+s5] =	stream.linear.scatter [tilespmem:s0], [sflag:$0x2], $0xC000, $0x38;
	[tilespmem:$0xC580] =	vst v63  }
0xa5: {  	_ =	swait.ge [sflag:s12], $0xC000  }
0xa6: {  	s31 =	rddreg [dreg:$0x9]  }
0xa7: {  	s29 =	ssub.s32 s25, s31  }
0xa8: {  	p0 =	slt.s32 s29, $0x1  }
.Ltmp2:
0xa9: {  	_ = 	snop;
	(pc) =	sbr.rel @p0 .LBB2_5-.Ltmp2, $3  }
0xaa: {  	_ =	sdelay $0x1  }
0xab: {  	[sflag:s12] =	ssyncset.done $0x0  }
0xac: {  	[sflag:s12] =	ssyncadd.s32 $0xFFFF4000;
	[dreg:$0x15] =	wrdreg s29  }
0xad: {  	s4 =	simm.s32 $0x0  }
0xae: {  	s5 =	smul.u32 $0x6000, s4  }
0xaf: {  	s4 =	simm.s32 $0x0  }
0xb0: {  	s6 =	sand.u32 $0x380, s4;
	s5 =	sshra.s32 s5, $0x2  }
0xb1: {  	s5 =	sor.u32 s6, s5  }
0xb2: {  	v4 =	vld [tilespmem:s5+$0x200];
	_ =	sdelay $0x3  }
0xb3: {  	s0 =	simm.s32 $0xC280  }
0xb4: {  	[tilespmem:s0+$0x0] =	vst.add.f32.msk $0xffff, v4  }
0xb5: {  	v4 =	vld [tilespmem:s5+$0x210];
	_ =	sdelay $0x3  }
0xb6: {  	s15 =	simm.s32 $0xC290  }
0xb7: {  	[tilespmem:s15+$0x0] =	vst.add.f32.msk $0xffff, v4  }
0xb8: {  	v4 =	vld [tilespmem:s5+$0x220];
	_ =	sdelay $0x3  }
0xb9: {  	s16 =	simm.s32 $0xC2A0  }
0xba: {  	[tilespmem:s16+$0x0] =	vst.add.f32.msk $0xffff, v4  }
0xbb: {  	v4 =	vld [tilespmem:s5+$0x230];
	_ =	sdelay $0x3  }
0xbc: {  	s17 =	simm.s32 $0xC2B0  }
0xbd: {  	[tilespmem:s17+$0x0] =	vst.add.f32.msk $0xffff, v4  }
0xbe: {  	v4 =	vld [tilespmem:s5+$0x240];
	_ =	sdelay $0x3  }
0xbf: {  	s18 =	simm.s32 $0xC2C0  }
0xc0: {  	[tilespmem:s18+$0x0] =	vst.add.f32.msk $0xffff, v4  }
0xc1: {  	v4 =	vld [tilespmem:s5+$0x250];
	_ =	sdelay $0x3  }
0xc2: {  	s19 =	simm.s32 $0xC2D0  }
0xc3: {  	[tilespmem:s19+$0x0] =	vst.add.f32.msk $0xffff, v4  }
0xc4: {  	v4 =	vld [tilespmem:s5+$0x260];
	_ =	sdelay $0x3  }
0xc5: {  	s20 =	simm.s32 $0xC2E0  }
0xc6: {  	[tilespmem:s20+$0x0] =	vst.add.f32.msk $0xffff, v4  }
0xc7: {  	v4 =	vld [tilespmem:s5+$0x270];
	_ =	sdelay $0x3  }
0xc8: {  	s21 =	simm.s32 $0xC2F0  }
0xc9: {  	[tilespmem:s21+$0x0] =	vst.add.f32.msk $0xffff, v4  }
0xca: {  	v4 =	vld [tilespmem:s5+$0x600];
	_ =	sdelay $0x3  }
0xcb: {  	s22 =	simm.s32 $0xC300  }
0xcc: {  	[tilespmem:s22+$0x0] =	vst.add.f32.msk $0xffff, v4  }
0xcd: {  	v4 =	vld [tilespmem:s5+$0x610];
	_ =	sdelay $0x3  }
0xce: {  	s23 =	simm.s32 $0xC310  }
0xcf: {  	[tilespmem:s23+$0x0] =	vst.add.f32.msk $0xffff, v4  }
0xd0: {  	v4 =	vld [tilespmem:s5+$0x620];
	_ =	sdelay $0x3  }
0xd1: {  	s24 =	simm.s32 $0xC320  }
0xd2: {  	[tilespmem:s24+$0x0] =	vst.add.f32.msk $0xffff, v4  }
0xd3: {  	v4 =	vld [tilespmem:s5+$0x630];
	_ =	sdelay $0x3  }
0xd4: {  	s25 =	simm.s32 $0xC330  }
0xd5: {  	[tilespmem:s25+$0x0] =	vst.add.f32.msk $0xffff, v4  }
0xd6: {  	v4 =	vld [tilespmem:s5+$0x640];
	_ =	sdelay $0x3  }
0xd7: {  	s26 =	simm.s32 $0xC340  }
0xd8: {  	[tilespmem:s26+$0x0] =	vst.add.f32.msk $0xffff, v4  }
0xd9: {  	v4 =	vld [tilespmem:s5+$0x650];
	_ =	sdelay $0x3  }
0xda: {  	s1 =	simm.s32 $0xC350  }
0xdb: {  	[tilespmem:s1+$0x0] =	vst.add.f32.msk $0xffff, v4  }
0xdc: {  	v4 =	vld [tilespmem:s5+$0x660];
	_ =	sdelay $0x3  }
0xdd: {  	s2 =	simm.s32 $0xC360  }
0xde: {  	[tilespmem:s2+$0x0] =	vst.add.f32.msk $0xffff, v4  }
0xdf: {  	v4 =	vld [tilespmem:s5+$0x670];
	_ =	sdelay $0x3  }
0xe0: {  	s3 =	simm.s32 $0xC370  }
0xe1: {  	[tilespmem:s3+$0x0] =	vst.add.f32.msk $0xffff, v4  }
0xe2: {  	v4 =	vld [tilespmem:s5+$0xA00];
	_ =	sdelay $0x3  }
0xe3: {  	s6 =	simm.s32 $0xC380  }
0xe4: {  	[tilespmem:s6+$0x0] =	vst.add.f32.msk $0xffff, v4  }
0xe5: {  	v4 =	vld [tilespmem:s5+$0xA10];
	_ =	sdelay $0x3  }
0xe6: {  	s7 =	simm.s32 $0xC390  }
0xe7: {  	[tilespmem:s7+$0x0] =	vst.add.f32.msk $0xffff, v4  }
0xe8: {  	v4 =	vld [tilespmem:s5+$0xA20];
	_ =	sdelay $0x3  }
0xe9: {  	s8 =	simm.s32 $0xC3A0  }
0xea: {  	[tilespmem:s8+$0x0] =	vst.add.f32.msk $0xffff, v4  }
0xeb: {  	v4 =	vld [tilespmem:s5+$0xA30];
	_ =	sdelay $0x3  }
0xec: {  	s9 =	simm.s32 $0xC3B0  }
0xed: {  	[tilespmem:s9+$0x0] =	vst.add.f32.msk $0xffff, v4  }
0xee: {  	v4 =	vld [tilespmem:s5+$0xA40];
	_ =	sdelay $0x3  }
0xef: {  	s10 =	simm.s32 $0xC3C0  }
0xf0: {  	[tilespmem:s10+$0x0] =	vst.add.f32.msk $0xffff, v4  }
0xf1: {  	v4 =	vld [tilespmem:s5+$0xA50];
	_ =	sdelay $0x3  }
0xf2: {  	s30 =	simm.s32 $0xC3D0  }
0xf3: {  	[tilespmem:s30+$0x0] =	vst.add.f32.msk $0xffff, v4  }
0xf4: {  	v4 =	vld [tilespmem:s5+$0xA60];
	_ =	sdelay $0x3  }
0xf5: {  	s31 =	simm.s32 $0xC3E0  }
0xf6: {  	[tilespmem:s31+$0x0] =	vst.add.f32.msk $0xffff, v4  }
0xf7: {  	v4 =	vld [tilespmem:s5+$0xA70];
	_ =	sdelay $0x3  }
0xf8: {  	s1 =	simm.s32 $0xC3F0  }
0xf9: {  	[tilespmem:s1+$0x0] =	vst.add.f32.msk $0xffff, v4  }
0xfa: {  	v4 =	vld [tilespmem:s5+$0xE00];
	_ =	sdelay $0x3  }
0xfb: {  	s0 =	simm.s32 $0xC400  }
0xfc: {  	[tilespmem:s0+$0x0] =	vst.add.f32.msk $0xffff, v4  }
0xfd: {  	v4 =	vld [tilespmem:s5+$0xE10];
	_ =	sdelay $0x3  }
0xfe: {  	s16 =	simm.s32 $0xC410  }
0xff: {  	[tilespmem:s16+$0x0] =	vst.add.f32.msk $0xffff, v4  }
0x100: {  	v4 =	vld [tilespmem:s5+$0xE20];
	_ =	sdelay $0x3  }
0x101: {  	s12 =	simm.s32 $0xC420  }
0x102: {  	[tilespmem:s12+$0x0] =	vst.add.f32.msk $0xffff, v4  }
0x103: {  	v4 =	vld [tilespmem:s5+$0xE30];
	_ =	sdelay $0x3  }
0x104: {  	s13 =	simm.s32 $0xC430  }
0x105: {  	[tilespmem:s13+$0x0] =	vst.add.f32.msk $0xffff, v4  }
0x106: {  	v4 =	vld [tilespmem:s5+$0xE40];
	_ =	sdelay $0x3  }
0x107: {  	s17 =	simm.s32 $0xC440  }
0x108: {  	[tilespmem:s17+$0x0] =	vst.add.f32.msk $0xffff, v4  }
0x109: {  	v4 =	vld [tilespmem:s5+$0xE50];
	_ =	sdelay $0x3  }
0x10a: {  	s14 =	simm.s32 $0xC450  }
0x10b: {  	[tilespmem:s14+$0x0] =	vst.add.f32.msk $0xffff, v4  }
0x10c: {  	v4 =	vld [tilespmem:s5+$0xE60];
	_ =	sdelay $0x3  }
0x10d: {  	s15 =	simm.s32 $0xC460  }
0x10e: {  	[tilespmem:s15+$0x0] =	vst.add.f32.msk $0xffff, v4  }
0x10f: {  	v4 =	vld [tilespmem:s5+$0xE70];
	_ =	sdelay $0x3  }
0x110: {  	s2 =	simm.s32 $0xC470  }
0x111: {  	[tilespmem:s2+$0x0] =	vst.add.f32.msk $0xffff, v4  }
0x112: {  	v4 =	vld [tilespmem:s5+$0x1200];
	_ =	sdelay $0x3  }
0x113: {  	s7 =	simm.s32 $0xC480  }
0x114: {  	[tilespmem:s7+$0x0] =	vst.add.f32.msk $0xffff, v4  }
0x115: {  	v4 =	vld [tilespmem:s5+$0x1210];
	_ =	sdelay $0x3  }
0x116: {  	s9 =	simm.s32 $0xC490  }
0x117: {  	[tilespmem:s9+$0x0] =	vst.add.f32.msk $0xffff, v4  }
0x118: {  	v4 =	vld [tilespmem:s5+$0x1220];
	_ =	sdelay $0x3  }
0x119: {  	s3 =	simm.s32 $0xC4A0  }
0x11a: {  	[tilespmem:s3+$0x0] =	vst.add.f32.msk $0xffff, v4  }
0x11b: {  	v4 =	vld [tilespmem:s5+$0x1230];
	_ =	sdelay $0x3  }
0x11c: {  	s8 =	simm.s32 $0xC4B0  }
0x11d: {  	[tilespmem:s8+$0x0] =	vst.add.f32.msk $0xffff, v4  }
0x11e: {  	v4 =	vld [tilespmem:s5+$0x1240];
	_ =	sdelay $0x3  }
0x11f: {  	s18 =	simm.s32 $0xC4C0  }
0x120: {  	[tilespmem:s18+$0x0] =	vst.add.f32.msk $0xffff, v4  }
0x121: {  	v4 =	vld [tilespmem:s5+$0x1250];
	_ =	sdelay $0x3  }
0x122: {  	s19 =	simm.s32 $0xC4D0  }
0x123: {  	[tilespmem:s19+$0x0] =	vst.add.f32.msk $0xffff, v4  }
0x124: {  	v4 =	vld [tilespmem:s5+$0x1260];
	_ =	sdelay $0x3  }
0x125: {  	s20 =	simm.s32 $0xC4E0  }
0x126: {  	[tilespmem:s20+$0x0] =	vst.add.f32.msk $0xffff, v4  }
0x127: {  	v4 =	vld [tilespmem:s5+$0x1270];
	_ =	sdelay $0x3  }
0x128: {  	s21 =	simm.s32 $0xC4F0  }
0x129: {  	[tilespmem:s21+$0x0] =	vst.add.f32.msk $0xffff, v4  }
0x12a: {  	v4 =	vld [tilespmem:s5+$0x1600];
	_ =	sdelay $0x3  }
0x12b: {  	s22 =	simm.s32 $0xC500  }
0x12c: {  	[tilespmem:s22+$0x0] =	vst.add.f32.msk $0xffff, v4  }
0x12d: {  	v4 =	vld [tilespmem:s5+$0x1610];
	_ =	sdelay $0x3  }
0x12e: {  	s23 =	simm.s32 $0xC510  }
0x12f: {  	[tilespmem:s23+$0x0] =	vst.add.f32.msk $0xffff, v4  }
0x130: {  	v4 =	vld [tilespmem:s5+$0x1620];
	_ =	sdelay $0x3  }
0x131: {  	s24 =	simm.s32 $0xC520  }
0x132: {  	[tilespmem:s24+$0x0] =	vst.add.f32.msk $0xffff, v4  }
0x133: {  	v4 =	vld [tilespmem:s5+$0x1630];
	_ =	sdelay $0x3  }
0x134: {  	s25 =	simm.s32 $0xC530  }
0x135: {  	[tilespmem:s25+$0x0] =	vst.add.f32.msk $0xffff, v4  }
0x136: {  	v4 =	vld [tilespmem:s5+$0x1640];
	_ =	sdelay $0x3  }
0x137: {  	s26 =	simm.s32 $0xC540  }
0x138: {  	[tilespmem:s26+$0x0] =	vst.add.f32.msk $0xffff, v4  }
0x139: {  	v4 =	vld [tilespmem:s5+$0x1650];
	_ =	sdelay $0x3  }
0x13a: {  	s28 =	simm.s32 $0xC550;
	s11 =	smin.u32 s29, $0x40  }
0x13b: {  	[dreg:$0x5] =	wrdreg s11;
	[tilespmem:s28+$0x0] =	vst.add.f32.msk $0xffff, v4  }
0x13c: {  	s6 =	rddreg [dreg:$0x5];
	v4 =	vld [tilespmem:s5+$0x1660]  }
0x13d: {  	p0 =	sne.s32 s6, $0x1  }
.Ltmp3:
0x13e: {  	_ = 	snop;
	(pc) =	sbr.rel @!p0 .LBB2_4-.Ltmp3, $4  }
0x13f: {  	_ = 	snop  }
0x140: {  	s29 =	simm.s32 $0xC560  }
0x141: {  	[tilespmem:s29+$0x0] =	vst.add.f32.msk $0xffff, v4  }
0x142: {  	v4 =	vld [tilespmem:s5+$0x1670];
	s5 =	simm.s32 $0x1  }
.LBB2_3:
0x143: {  	s6 =	sshrl.u32 s5, $0x3  }
0x144: {  	s6 =	smul.u32 $0x6000, s6  }
0x145: {  	s4 =	sadd.s32 $0x80, s4  }
0x146: {  	s11 =	sand.u32 $0x380, s4;
	s6 =	sshra.s32 s6, $0x2  }
0x147: {  	s6 =	sor.u32 s11, s6;
	s11 =	simm.s32 $0xC570  }
0x148: {  	[tilespmem:s11+$0x0] =	vst.add.f32.msk $0xffff, v4  }
0x149: {  	v4 =	vld [tilespmem:s6+$0x200];
	_ =	sdelay $0x3  }
0x14a: {  	s11 =	simm.s32 $0xC280  }
0x14b: {  	[tilespmem:s11+$0x0] =	vst.add.f32.msk $0xffff, v4  }
0x14c: {  	v4 =	vld [tilespmem:s6+$0x210];
	_ =	sdelay $0x3  }
0x14d: {  	s11 =	simm.s32 $0xC290  }
0x14e: {  	[tilespmem:s11+$0x0] =	vst.add.f32.msk $0xffff, v4  }
0x14f: {  	v4 =	vld [tilespmem:s6+$0x220];
	_ =	sdelay $0x3  }
0x150: {  	s11 =	simm.s32 $0xC2A0  }
0x151: {  	[tilespmem:s11+$0x0] =	vst.add.f32.msk $0xffff, v4  }
0x152: {  	v4 =	vld [tilespmem:s6+$0x230];
	_ =	sdelay $0x3  }
0x153: {  	s11 =	simm.s32 $0xC2B0  }
0x154: {  	[tilespmem:s11+$0x0] =	vst.add.f32.msk $0xffff, v4  }
0x155: {  	v4 =	vld [tilespmem:s6+$0x240];
	_ =	sdelay $0x3  }
0x156: {  	s11 =	simm.s32 $0xC2C0  }
0x157: {  	[tilespmem:s11+$0x0] =	vst.add.f32.msk $0xffff, v4  }
0x158: {  	v4 =	vld [tilespmem:s6+$0x250];
	_ =	sdelay $0x3  }
0x159: {  	s11 =	simm.s32 $0xC2D0  }
0x15a: {  	[tilespmem:s11+$0x0] =	vst.add.f32.msk $0xffff, v4  }
0x15b: {  	v4 =	vld [tilespmem:s6+$0x260];
	_ =	sdelay $0x3  }
0x15c: {  	s11 =	simm.s32 $0xC2E0  }
0x15d: {  	[tilespmem:s11+$0x0] =	vst.add.f32.msk $0xffff, v4  }
0x15e: {  	v4 =	vld [tilespmem:s6+$0x270];
	_ =	sdelay $0x3  }
0x15f: {  	s11 =	simm.s32 $0xC2F0  }
0x160: {  	[tilespmem:s11+$0x0] =	vst.add.f32.msk $0xffff, v4  }
0x161: {  	v4 =	vld [tilespmem:s6+$0x600];
	_ =	sdelay $0x3  }
0x162: {  	s11 =	simm.s32 $0xC300  }
0x163: {  	[tilespmem:s11+$0x0] =	vst.add.f32.msk $0xffff, v4  }
0x164: {  	v4 =	vld [tilespmem:s6+$0x610];
	_ =	sdelay $0x3  }
0x165: {  	s11 =	simm.s32 $0xC310  }
0x166: {  	[tilespmem:s11+$0x0] =	vst.add.f32.msk $0xffff, v4  }
0x167: {  	v4 =	vld [tilespmem:s6+$0x620];
	_ =	sdelay $0x3  }
0x168: {  	s11 =	simm.s32 $0xC320  }
0x169: {  	[tilespmem:s11+$0x0] =	vst.add.f32.msk $0xffff, v4  }
0x16a: {  	v4 =	vld [tilespmem:s6+$0x630];
	_ =	sdelay $0x3  }
0x16b: {  	s11 =	simm.s32 $0xC330  }
0x16c: {  	[tilespmem:s11+$0x0] =	vst.add.f32.msk $0xffff, v4  }
0x16d: {  	v4 =	vld [tilespmem:s6+$0x640];
	_ =	sdelay $0x3  }
0x16e: {  	s11 =	simm.s32 $0xC340  }
0x16f: {  	[tilespmem:s11+$0x0] =	vst.add.f32.msk $0xffff, v4  }
0x170: {  	v4 =	vld [tilespmem:s6+$0x650];
	_ =	sdelay $0x3  }
0x171: {  	s11 =	simm.s32 $0xC350  }
0x172: {  	[tilespmem:s11+$0x0] =	vst.add.f32.msk $0xffff, v4  }
0x173: {  	v4 =	vld [tilespmem:s6+$0x660];
	_ =	sdelay $0x3  }
0x174: {  	s11 =	simm.s32 $0xC360  }
0x175: {  	[tilespmem:s11+$0x0] =	vst.add.f32.msk $0xffff, v4  }
0x176: {  	v4 =	vld [tilespmem:s6+$0x670];
	_ =	sdelay $0x3  }
0x177: {  	s11 =	simm.s32 $0xC370  }
0x178: {  	[tilespmem:s11+$0x0] =	vst.add.f32.msk $0xffff, v4  }
0x179: {  	v4 =	vld [tilespmem:s6+$0xA00];
	_ =	sdelay $0x3  }
0x17a: {  	s11 =	simm.s32 $0xC380  }
0x17b: {  	[tilespmem:s11+$0x0] =	vst.add.f32.msk $0xffff, v4  }
0x17c: {  	v4 =	vld [tilespmem:s6+$0xA10];
	_ =	sdelay $0x3  }
0x17d: {  	s11 =	simm.s32 $0xC390  }
0x17e: {  	[tilespmem:s11+$0x0] =	vst.add.f32.msk $0xffff, v4  }
0x17f: {  	v4 =	vld [tilespmem:s6+$0xA20];
	_ =	sdelay $0x3  }
0x180: {  	s11 =	simm.s32 $0xC3A0  }
0x181: {  	[tilespmem:s11+$0x0] =	vst.add.f32.msk $0xffff, v4  }
0x182: {  	v4 =	vld [tilespmem:s6+$0xA30];
	_ =	sdelay $0x3  }
0x183: {  	s11 =	simm.s32 $0xC3B0  }
0x184: {  	[tilespmem:s11+$0x0] =	vst.add.f32.msk $0xffff, v4  }
0x185: {  	v4 =	vld [tilespmem:s6+$0xA40];
	_ =	sdelay $0x3  }
0x186: {  	s11 =	simm.s32 $0xC3C0  }
0x187: {  	[tilespmem:s11+$0x0] =	vst.add.f32.msk $0xffff, v4  }
0x188: {  	v4 =	vld [tilespmem:s6+$0xA50];
	_ =	sdelay $0x4  }
0x189: {  	[tilespmem:s30+$0x0] =	vst.add.f32.msk $0xffff, v4  }
0x18a: {  	v4 =	vld [tilespmem:s6+$0xA60];
	_ =	sdelay $0x4  }
0x18b: {  	[tilespmem:s31+$0x0] =	vst.add.f32.msk $0xffff, v4  }
0x18c: {  	v4 =	vld [tilespmem:s6+$0xA70];
	_ =	sdelay $0x4  }
0x18d: {  	[tilespmem:s1+$0x0] =	vst.add.f32.msk $0xffff, v4  }
0x18e: {  	v4 =	vld [tilespmem:s6+$0xE00];
	_ =	sdelay $0x4  }
0x18f: {  	[tilespmem:s0+$0x0] =	vst.add.f32.msk $0xffff, v4  }
0x190: {  	v4 =	vld [tilespmem:s6+$0xE10];
	_ =	sdelay $0x4  }
0x191: {  	[tilespmem:s16+$0x0] =	vst.add.f32.msk $0xffff, v4  }
0x192: {  	v4 =	vld [tilespmem:s6+$0xE20];
	_ =	sdelay $0x4  }
0x193: {  	[tilespmem:s12+$0x0] =	vst.add.f32.msk $0xffff, v4  }
0x194: {  	v4 =	vld [tilespmem:s6+$0xE30];
	_ =	sdelay $0x4  }
0x195: {  	[tilespmem:s13+$0x0] =	vst.add.f32.msk $0xffff, v4  }
0x196: {  	v4 =	vld [tilespmem:s6+$0xE40];
	_ =	sdelay $0x4  }
0x197: {  	[tilespmem:s17+$0x0] =	vst.add.f32.msk $0xffff, v4  }
0x198: {  	v4 =	vld [tilespmem:s6+$0xE50];
	_ =	sdelay $0x4  }
0x199: {  	[tilespmem:s14+$0x0] =	vst.add.f32.msk $0xffff, v4  }
0x19a: {  	v4 =	vld [tilespmem:s6+$0xE60];
	_ =	sdelay $0x4  }
0x19b: {  	[tilespmem:s15+$0x0] =	vst.add.f32.msk $0xffff, v4  }
0x19c: {  	v4 =	vld [tilespmem:s6+$0xE70];
	_ =	sdelay $0x4  }
0x19d: {  	[tilespmem:s2+$0x0] =	vst.add.f32.msk $0xffff, v4  }
0x19e: {  	v4 =	vld [tilespmem:s6+$0x1200];
	_ =	sdelay $0x4  }
0x19f: {  	[tilespmem:s7+$0x0] =	vst.add.f32.msk $0xffff, v4  }
0x1a0: {  	v4 =	vld [tilespmem:s6+$0x1210];
	_ =	sdelay $0x4  }
0x1a1: {  	[tilespmem:s9+$0x0] =	vst.add.f32.msk $0xffff, v4  }
0x1a2: {  	v4 =	vld [tilespmem:s6+$0x1220];
	_ =	sdelay $0x4  }
0x1a3: {  	[tilespmem:s3+$0x0] =	vst.add.f32.msk $0xffff, v4  }
0x1a4: {  	v4 =	vld [tilespmem:s6+$0x1230];
	_ =	sdelay $0x4  }
0x1a5: {  	[tilespmem:s8+$0x0] =	vst.add.f32.msk $0xffff, v4  }
0x1a6: {  	v4 =	vld [tilespmem:s6+$0x1240];
	_ =	sdelay $0x4  }
0x1a7: {  	[tilespmem:s18+$0x0] =	vst.add.f32.msk $0xffff, v4  }
0x1a8: {  	v4 =	vld [tilespmem:s6+$0x1250];
	_ =	sdelay $0x4  }
0x1a9: {  	[tilespmem:s19+$0x0] =	vst.add.f32.msk $0xffff, v4  }
0x1aa: {  	v4 =	vld [tilespmem:s6+$0x1260];
	_ =	sdelay $0x4  }
0x1ab: {  	[tilespmem:s20+$0x0] =	vst.add.f32.msk $0xffff, v4  }
0x1ac: {  	v4 =	vld [tilespmem:s6+$0x1270];
	_ =	sdelay $0x4  }
0x1ad: {  	[tilespmem:s21+$0x0] =	vst.add.f32.msk $0xffff, v4  }
0x1ae: {  	v4 =	vld [tilespmem:s6+$0x1600];
	_ =	sdelay $0x4  }
0x1af: {  	[tilespmem:s22+$0x0] =	vst.add.f32.msk $0xffff, v4  }
0x1b0: {  	v4 =	vld [tilespmem:s6+$0x1610];
	_ =	sdelay $0x4  }
0x1b1: {  	[tilespmem:s23+$0x0] =	vst.add.f32.msk $0xffff, v4  }
0x1b2: {  	v4 =	vld [tilespmem:s6+$0x1620];
	_ =	sdelay $0x4  }
0x1b3: {  	[tilespmem:s24+$0x0] =	vst.add.f32.msk $0xffff, v4  }
0x1b4: {  	v4 =	vld [tilespmem:s6+$0x1630];
	_ =	sdelay $0x4  }
0x1b5: {  	[tilespmem:s25+$0x0] =	vst.add.f32.msk $0xffff, v4  }
0x1b6: {  	v4 =	vld [tilespmem:s6+$0x1640];
	_ =	sdelay $0x4  }
0x1b7: {  	[tilespmem:s26+$0x0] =	vst.add.f32.msk $0xffff, v4  }
0x1b8: {  	v4 =	vld [tilespmem:s6+$0x1650];
	_ =	sdelay $0x4  }
0x1b9: {  	[tilespmem:s28+$0x0] =	vst.add.f32.msk $0xffff, v4  }
0x1ba: {  	s10 =	rddreg [dreg:$0x5];
	s5 =	sadd.s32 $0x1, s5;
	v4 =	vld [tilespmem:s6+$0x1660]  }
0x1bb: {  	p0 =	sne.s32 s10, s5  }
.Ltmp4:
0x1bc: {  	_ = 	snop;
	(pc) =	sbr.rel @p0 .LBB2_3-.Ltmp4, $3  }
0x1bd: {  	_ =	sdelay $0x1  }
0x1be: {  	[tilespmem:s29+$0x0] =	vst.add.f32.msk $0xffff, v4  }
0x1bf: {  	v4 =	vld [tilespmem:s6+$0x1670]  }
.LBB2_4:
0x1c0: {  	_ =	sdelay $0x2  }
0x1c1: {  	s0 =	simm.s32 $0xC570  }
0x1c2: {  	s12 =	simm.s32 $0x2;
	s29 =	rddreg [dreg:$0x15];
	[tilespmem:s0+$0x0] =	vst.add.f32.msk $0xffff, v4  }
.LBB2_5:
0x1c3: {  	v4 =	vld [tilespmem:$0x80];
	_ =	sdelay $0x4  }
0x1c4: {  	v5 =	vshrl.u32 v4, $0x3  }
0x1c5: {  	v5 =	vmul.u32 $0x30, v5  }
0x1c6: {  	v4 =	vand.u32 $0x7, v4  }
0x1c7: {  	v4 =	vor.u32 v4, v5  }
0x1c8: {  	v5 =	vperm.xlane v4, v1;
	_ =	sdelay $0x1  }
0x1c9: {  	v5 =	vadd.s32 v2, v5;
	_ =	sdelay $0x3  }
0x1ca: {  	s4 =	rddreg [dreg:$0x2];
	s5 =	simm.s32 $0x0;
	s0 =	simm.s32 $0x200;
	v4 =	vperm.xlane v4, v3  }
0x1cb: {  	[tilespmem:s0], [sflag:$0x1] =	stream.indirect_vreg.gather [hbm4b:s4+s5], $0x80, v5, vm0, $0xb8;
	[tilespmem:$0xC580] =	vst v63  }
0x1cc: {  	s6 =	rddreg [dreg:$0xc];
	s10 =	simm.s32 $0xA00;
	v4 =	vadd.s32 v2, v4  }
0x1cd: {  	[tilespmem:s10], [sflag:$0x1] =	stream.indirect_vreg.gather [hbm4b:s6+s5], $0x80, v5, vm0, $0xb8;
	[tilespmem:$0xC580] =	vst v63  }
0x1ce: {  	s31 =	rddreg [dreg:$0xe];
	s11 =	simm.s32 $0x1200  }
0x1cf: {  	[tilespmem:s11], [sflag:$0x1] =	stream.indirect_vreg.gather [hbm4b:s31+s5], $0x80, v5, vm0, $0xb8;
	[tilespmem:$0xC580] =	vst v63  }
0x1d0: {  	s1 =	simm.s32 $0x1A00  }
0x1d1: {  	[tilespmem:s1], [sflag:$0x1] =	stream.indirect_vreg.gather [hbm4b:s4+s5], $0x80, v4, vm0, $0xb8;
	[tilespmem:$0xC580] =	vst v63  }
0x1d2: {  	s2 =	simm.s32 $0x2200  }
0x1d3: {  	[tilespmem:s2], [sflag:$0x1] =	stream.indirect_vreg.gather [hbm4b:s6+s5], $0x80, v4, vm0, $0xb8;
	[tilespmem:$0xC580] =	vst v63  }
0x1d4: {  	s3 =	simm.s32 $0x2A00  }
0x1d5: {  	[tilespmem:s3], [sflag:$0x1] =	stream.indirect_vreg.gather [hbm4b:s31+s5], $0x80, v4, vm0, $0xb8;
	[tilespmem:$0xC580] =	vst v63  }
0x1d6: {  	v4 =	vld [tilespmem:$0x90];
	_ =	sdelay $0x4  }
0x1d7: {  	v5 =	vshrl.u32 v4, $0x3  }
0x1d8: {  	v5 =	vmul.u32 $0x30, v5  }
0x1d9: {  	v4 =	vand.u32 $0x7, v4  }
0x1da: {  	v4 =	vor.u32 v4, v5  }
0x1db: {  	v5 =	vperm.xlane v4, v1;
	_ =	sdelay $0x1  }
0x1dc: {  	v5 =	vadd.s32 v2, v5;
	_ =	sdelay $0x3  }
0x1dd: {  	s7 =	simm.s32 $0x3200;
	v4 =	vperm.xlane v4, v3  }
0x1de: {  	[tilespmem:s7], [sflag:$0x1] =	stream.indirect_vreg.gather [hbm4b:s4+s5], $0x80, v5, vm0, $0xb8;
	[tilespmem:$0xC580] =	vst v63  }
0x1df: {  	s8 =	simm.s32 $0x3A00;
	v4 =	vadd.s32 v2, v4  }
0x1e0: {  	[tilespmem:s8], [sflag:$0x1] =	stream.indirect_vreg.gather [hbm4b:s6+s5], $0x80, v5, vm0, $0xb8;
	[tilespmem:$0xC580] =	vst v63  }
0x1e1: {  	s9 =	simm.s32 $0x4200  }
0x1e2: {  	[tilespmem:s9], [sflag:$0x1] =	stream.indirect_vreg.gather [hbm4b:s31+s5], $0x80, v5, vm0, $0xb8;
	[tilespmem:$0xC580] =	vst v63  }
0x1e3: {  	s13 =	simm.s32 $0x4A00  }
0x1e4: {  	[tilespmem:s13], [sflag:$0x1] =	stream.indirect_vreg.gather [hbm4b:s4+s5], $0x80, v4, vm0, $0xb8;
	[tilespmem:$0xC580] =	vst v63  }
0x1e5: {  	s14 =	simm.s32 $0x5200  }
0x1e6: {  	[tilespmem:s14], [sflag:$0x1] =	stream.indirect_vreg.gather [hbm4b:s6+s5], $0x80, v4, vm0, $0xb8;
	[tilespmem:$0xC580] =	vst v63  }
0x1e7: {  	s15 =	simm.s32 $0x5A00  }
0x1e8: {  	[tilespmem:s15], [sflag:$0x1] =	stream.indirect_vreg.gather [hbm4b:s31+s5], $0x80, v4, vm0, $0xb8;
	[tilespmem:$0xC580] =	vst v63  }
0x1e9: {  	v4 =	vld [tilespmem:$0xA0];
	_ =	sdelay $0x4  }
0x1ea: {  	v5 =	vshrl.u32 v4, $0x3  }
0x1eb: {  	v5 =	vmul.u32 $0x30, v5  }
0x1ec: {  	v4 =	vand.u32 $0x7, v4  }
0x1ed: {  	v4 =	vor.u32 v4, v5  }
0x1ee: {  	v5 =	vperm.xlane v4, v1;
	_ =	sdelay $0x1  }
0x1ef: {  	v5 =	vadd.s32 v2, v5;
	_ =	sdelay $0x3  }
0x1f0: {  	s16 =	simm.s32 $0x6200;
	v4 =	vperm.xlane v4, v3  }
0x1f1: {  	[tilespmem:s16], [sflag:$0x1] =	stream.indirect_vreg.gather [hbm4b:s4+s5], $0x80, v5, vm0, $0xb8;
	[tilespmem:$0xC580] =	vst v63  }
0x1f2: {  	s17 =	simm.s32 $0x6A00;
	v4 =	vadd.s32 v2, v4  }
0x1f3: {  	[tilespmem:s17], [sflag:$0x1] =	stream.indirect_vreg.gather [hbm4b:s6+s5], $0x80, v5, vm0, $0xb8;
	[tilespmem:$0xC580] =	vst v63  }
0x1f4: {  	s18 =	simm.s32 $0x7200  }
0x1f5: {  	[tilespmem:s18], [sflag:$0x1] =	stream.indirect_vreg.gather [hbm4b:s31+s5], $0x80, v5, vm0, $0xb8;
	[tilespmem:$0xC580] =	vst v63  }
0x1f6: {  	s19 =	simm.s32 $0x7A00  }
0x1f7: {  	[tilespmem:s19], [sflag:$0x1] =	stream.indirect_vreg.gather [hbm4b:s4+s5], $0x80, v4, vm0, $0xb8;
	[tilespmem:$0xC580] =	vst v63  }
0x1f8: {  	s20 =	simm.s32 $0x8200  }
0x1f9: {  	[tilespmem:s20], [sflag:$0x1] =	stream.indirect_vreg.gather [hbm4b:s6+s5], $0x80, v4, vm0, $0xb8;
	[tilespmem:$0xC580] =	vst v63  }
0x1fa: {  	s21 =	simm.s32 $0x8A00  }
0x1fb: {  	[tilespmem:s21], [sflag:$0x1] =	stream.indirect_vreg.gather [hbm4b:s31+s5], $0x80, v4, vm0, $0xb8;
	[tilespmem:$0xC580] =	vst v63  }
0x1fc: {  	v4 =	vld [tilespmem:$0xB0];
	_ =	sdelay $0x4  }
0x1fd: {  	v5 =	vshrl.u32 v4, $0x3  }
0x1fe: {  	v5 =	vmul.u32 $0x30, v5  }
0x1ff: {  	v4 =	vand.u32 $0x7, v4  }
0x200: {  	v4 =	vor.u32 v4, v5  }
0x201: {  	v5 =	vperm.xlane v4, v1;
	_ =	sdelay $0x1  }
0x202: {  	v5 =	vadd.s32 v2, v5;
	_ =	sdelay $0x3  }
0x203: {  	s22 =	simm.s32 $0x9200;
	v4 =	vperm.xlane v4, v3  }
0x204: {  	[tilespmem:s22], [sflag:$0x1] =	stream.indirect_vreg.gather [hbm4b:s4+s5], $0x80, v5, vm0, $0xb8;
	[tilespmem:$0xC580] =	vst v63  }
0x205: {  	s23 =	simm.s32 $0x9A00;
	v4 =	vadd.s32 v2, v4  }
0x206: {  	[tilespmem:s23], [sflag:$0x1] =	stream.indirect_vreg.gather [hbm4b:s6+s5], $0x80, v5, vm0, $0xb8;
	[tilespmem:$0xC580] =	vst v63  }
0x207: {  	s24 =	simm.s32 $0xA200  }
0x208: {  	[tilespmem:s24], [sflag:$0x1] =	stream.indirect_vreg.gather [hbm4b:s31+s5], $0x80, v5, vm0, $0xb8;
	[tilespmem:$0xC580] =	vst v63  }
0x209: {  	s25 =	simm.s32 $0xAA00  }
0x20a: {  	[tilespmem:s25], [sflag:$0x1] =	stream.indirect_vreg.gather [hbm4b:s4+s5], $0x80, v4, vm0, $0xb8;
	[tilespmem:$0xC580] =	vst v63  }
0x20b: {  	s26 =	simm.s32 $0xB200  }
0x20c: {  	[tilespmem:s26], [sflag:$0x1] =	stream.indirect_vreg.gather [hbm4b:s6+s5], $0x80, v4, vm0, $0xb8;
	[tilespmem:$0xC580] =	vst v63  }
0x20d: {  	s28 =	simm.s32 $0xBA00;
	s30 =	simm.s32 $0x1  }
0x20e: {  	[tilespmem:s28], [sflag:$0x1] =	stream.indirect_vreg.gather [hbm4b:s31+s5], $0x80, v4, vm0, $0xb8;
	[tilespmem:$0xC580] =	vst v63  }
0x20f: {  	_ =	swait.ge [sflag:s30], $0xC000  }
0x210: {  	[sflag:s30] =	ssyncset.done $0x0  }
0x211: {  	s31 =	rddreg [dreg:$0xf];
	[sflag:s30] =	ssyncadd.s32 $0xFFFF4000  }
0x212: {  	[hbm4b:s31+s5] =	stream.linear.scatter [tilespmem:s0], [sflag:$0x2], $0xC000, $0x38;
	[tilespmem:$0xC580] =	vst v63  }
0x213: {  	s5 =	sadd.s32 $0xFFFFFFC0, s29  }
0x214: {  	p0 =	slt.s32 s5, $0x1  }
.Ltmp5:
0x215: {  	_ = 	snop;
	(pc) =	sbr.rel @p0 .LBB2_9-.Ltmp5, $4  }
0x216: {  	_ = 	snop  }
0x217: {  	_ =	swait.ge [sflag:s12], $0xC000  }
0x218: {  	[sflag:s12] =	ssyncset.done $0x0  }
0x219: {  	[sflag:s12] =	ssyncadd.s32 $0xFFFF4000  }
0x21a: {  	s4 =	simm.s32 $0x0  }
0x21b: {  	s6 =	smul.u32 $0x6000, s4  }
0x21c: {  	s4 =	simm.s32 $0x0  }
0x21d: {  	s10 =	sand.u32 $0x380, s4;
	s6 =	sshra.s32 s6, $0x2  }
0x21e: {  	s6 =	sor.u32 s10, s6  }
0x21f: {  	v4 =	vld [tilespmem:s6+$0x200];
	_ =	sdelay $0x3  }
0x220: {  	s0 =	simm.s32 $0xC280  }
0x221: {  	[tilespmem:s0+$0x0] =	vst.add.f32.msk $0xffff, v4  }
0x222: {  	v4 =	vld [tilespmem:s6+$0x210];
	_ =	sdelay $0x3  }
0x223: {  	s7 =	simm.s32 $0xC290  }
0x224: {  	[tilespmem:s7+$0x0] =	vst.add.f32.msk $0xffff, v4  }
0x225: {  	v4 =	vld [tilespmem:s6+$0x220];
	_ =	sdelay $0x3  }
0x226: {  	s8 =	simm.s32 $0xC2A0  }
0x227: {  	[tilespmem:s8+$0x0] =	vst.add.f32.msk $0xffff, v4  }
0x228: {  	v4 =	vld [tilespmem:s6+$0x230];
	_ =	sdelay $0x3  }
0x229: {  	s9 =	simm.s32 $0xC2B0  }
0x22a: {  	[tilespmem:s9+$0x0] =	vst.add.f32.msk $0xffff, v4  }
0x22b: {  	v4 =	vld [tilespmem:s6+$0x240];
	_ =	sdelay $0x3  }
0x22c: {  	s10 =	simm.s32 $0xC2C0  }
0x22d: {  	[tilespmem:s10+$0x0] =	vst.add.f32.msk $0xffff, v4  }
0x22e: {  	v4 =	vld [tilespmem:s6+$0x250];
	_ =	sdelay $0x3  }
0x22f: {  	s11 =	simm.s32 $0xC2D0  }
0x230: {  	[tilespmem:s11+$0x0] =	vst.add.f32.msk $0xffff, v4  }
0x231: {  	v4 =	vld [tilespmem:s6+$0x260];
	_ =	sdelay $0x3  }
0x232: {  	s12 =	simm.s32 $0xC2E0  }
0x233: {  	[tilespmem:s12+$0x0] =	vst.add.f32.msk $0xffff, v4  }
0x234: {  	v4 =	vld [tilespmem:s6+$0x270];
	_ =	sdelay $0x3  }
0x235: {  	s13 =	simm.s32 $0xC2F0  }
0x236: {  	[tilespmem:s13+$0x0] =	vst.add.f32.msk $0xffff, v4  }
0x237: {  	v4 =	vld [tilespmem:s6+$0x600];
	_ =	sdelay $0x3  }
0x238: {  	s14 =	simm.s32 $0xC300  }
0x239: {  	[tilespmem:s14+$0x0] =	vst.add.f32.msk $0xffff, v4  }
0x23a: {  	v4 =	vld [tilespmem:s6+$0x610];
	_ =	sdelay $0x3  }
0x23b: {  	s15 =	simm.s32 $0xC310  }
0x23c: {  	[tilespmem:s15+$0x0] =	vst.add.f32.msk $0xffff, v4  }
0x23d: {  	v4 =	vld [tilespmem:s6+$0x620];
	_ =	sdelay $0x3  }
0x23e: {  	s16 =	simm.s32 $0xC320  }
0x23f: {  	[tilespmem:s16+$0x0] =	vst.add.f32.msk $0xffff, v4  }
0x240: {  	v4 =	vld [tilespmem:s6+$0x630];
	_ =	sdelay $0x3  }
0x241: {  	s17 =	simm.s32 $0xC330  }
0x242: {  	[tilespmem:s17+$0x0] =	vst.add.f32.msk $0xffff, v4  }
0x243: {  	v4 =	vld [tilespmem:s6+$0x640];
	_ =	sdelay $0x3  }
0x244: {  	s18 =	simm.s32 $0xC340  }
0x245: {  	[tilespmem:s18+$0x0] =	vst.add.f32.msk $0xffff, v4  }
0x246: {  	v4 =	vld [tilespmem:s6+$0x650];
	_ =	sdelay $0x3  }
0x247: {  	s19 =	simm.s32 $0xC350  }
0x248: {  	[tilespmem:s19+$0x0] =	vst.add.f32.msk $0xffff, v4  }
0x249: {  	v4 =	vld [tilespmem:s6+$0x660];
	_ =	sdelay $0x3  }
0x24a: {  	s20 =	simm.s32 $0xC360  }
0x24b: {  	[tilespmem:s20+$0x0] =	vst.add.f32.msk $0xffff, v4  }
0x24c: {  	v4 =	vld [tilespmem:s6+$0x670];
	_ =	sdelay $0x3  }
0x24d: {  	s21 =	simm.s32 $0xC370  }
0x24e: {  	[tilespmem:s21+$0x0] =	vst.add.f32.msk $0xffff, v4  }
0x24f: {  	v4 =	vld [tilespmem:s6+$0xA00];
	_ =	sdelay $0x3  }
0x250: {  	s22 =	simm.s32 $0xC380  }
0x251: {  	[tilespmem:s22+$0x0] =	vst.add.f32.msk $0xffff, v4  }
0x252: {  	v4 =	vld [tilespmem:s6+$0xA10];
	_ =	sdelay $0x3  }
0x253: {  	s23 =	simm.s32 $0xC390  }
0x254: {  	[tilespmem:s23+$0x0] =	vst.add.f32.msk $0xffff, v4  }
0x255: {  	v4 =	vld [tilespmem:s6+$0xA20];
	_ =	sdelay $0x3  }
0x256: {  	s24 =	simm.s32 $0xC3A0  }
0x257: {  	[tilespmem:s24+$0x0] =	vst.add.f32.msk $0xffff, v4  }
0x258: {  	v4 =	vld [tilespmem:s6+$0xA30];
	_ =	sdelay $0x3  }
0x259: {  	s25 =	simm.s32 $0xC3B0  }
0x25a: {  	[tilespmem:s25+$0x0] =	vst.add.f32.msk $0xffff, v4  }
0x25b: {  	v4 =	vld [tilespmem:s6+$0xA40];
	_ =	sdelay $0x3  }
0x25c: {  	s26 =	simm.s32 $0xC3C0  }
0x25d: {  	[tilespmem:s26+$0x0] =	vst.add.f32.msk $0xffff, v4  }
0x25e: {  	v4 =	vld [tilespmem:s6+$0xA50];
	_ =	sdelay $0x3  }
0x25f: {  	s30 =	simm.s32 $0xC3D0  }
0x260: {  	[tilespmem:s30+$0x0] =	vst.add.f32.msk $0xffff, v4  }
0x261: {  	v4 =	vld [tilespmem:s6+$0xA60];
	_ =	sdelay $0x3  }
0x262: {  	s31 =	simm.s32 $0xC3E0  }
0x263: {  	[tilespmem:s31+$0x0] =	vst.add.f32.msk $0xffff, v4  }
0x264: {  	v4 =	vld [tilespmem:s6+$0xA70];
	_ =	sdelay $0x3  }
0x265: {  	s1 =	simm.s32 $0xC3F0  }
0x266: {  	[tilespmem:s1+$0x0] =	vst.add.f32.msk $0xffff, v4  }
0x267: {  	v4 =	vld [tilespmem:s6+$0xE00];
	_ =	sdelay $0x3  }
0x268: {  	s0 =	simm.s32 $0xC400  }
0x269: {  	[tilespmem:s0+$0x0] =	vst.add.f32.msk $0xffff, v4  }
0x26a: {  	v4 =	vld [tilespmem:s6+$0xE10];
	_ =	sdelay $0x3  }
0x26b: {  	s16 =	simm.s32 $0xC410  }
0x26c: {  	[tilespmem:s16+$0x0] =	vst.add.f32.msk $0xffff, v4  }
0x26d: {  	v4 =	vld [tilespmem:s6+$0xE20];
	_ =	sdelay $0x3  }
0x26e: {  	s12 =	simm.s32 $0xC420  }
0x26f: {  	[tilespmem:s12+$0x0] =	vst.add.f32.msk $0xffff, v4  }
0x270: {  	v4 =	vld [tilespmem:s6+$0xE30];
	_ =	sdelay $0x3  }
0x271: {  	s13 =	simm.s32 $0xC430  }
0x272: {  	[tilespmem:s13+$0x0] =	vst.add.f32.msk $0xffff, v4  }
0x273: {  	v4 =	vld [tilespmem:s6+$0xE40];
	_ =	sdelay $0x3  }
0x274: {  	s17 =	simm.s32 $0xC440  }
0x275: {  	[tilespmem:s17+$0x0] =	vst.add.f32.msk $0xffff, v4  }
0x276: {  	v4 =	vld [tilespmem:s6+$0xE50];
	_ =	sdelay $0x3  }
0x277: {  	s14 =	simm.s32 $0xC450  }
0x278: {  	[tilespmem:s14+$0x0] =	vst.add.f32.msk $0xffff, v4  }
0x279: {  	v4 =	vld [tilespmem:s6+$0xE60];
	_ =	sdelay $0x3  }
0x27a: {  	s15 =	simm.s32 $0xC460  }
0x27b: {  	[tilespmem:s15+$0x0] =	vst.add.f32.msk $0xffff, v4  }
0x27c: {  	v4 =	vld [tilespmem:s6+$0xE70];
	_ =	sdelay $0x3  }
0x27d: {  	s2 =	simm.s32 $0xC470  }
0x27e: {  	[tilespmem:s2+$0x0] =	vst.add.f32.msk $0xffff, v4  }
0x27f: {  	v4 =	vld [tilespmem:s6+$0x1200];
	_ =	sdelay $0x3  }
0x280: {  	s7 =	simm.s32 $0xC480  }
0x281: {  	[tilespmem:s7+$0x0] =	vst.add.f32.msk $0xffff, v4  }
0x282: {  	v4 =	vld [tilespmem:s6+$0x1210];
	_ =	sdelay $0x3  }
0x283: {  	s9 =	simm.s32 $0xC490  }
0x284: {  	[tilespmem:s9+$0x0] =	vst.add.f32.msk $0xffff, v4  }
0x285: {  	v4 =	vld [tilespmem:s6+$0x1220];
	_ =	sdelay $0x3  }
0x286: {  	s3 =	simm.s32 $0xC4A0  }
0x287: {  	[tilespmem:s3+$0x0] =	vst.add.f32.msk $0xffff, v4  }
0x288: {  	v4 =	vld [tilespmem:s6+$0x1230];
	_ =	sdelay $0x3  }
0x289: {  	s8 =	simm.s32 $0xC4B0  }
0x28a: {  	[tilespmem:s8+$0x0] =	vst.add.f32.msk $0xffff, v4  }
0x28b: {  	v4 =	vld [tilespmem:s6+$0x1240];
	_ =	sdelay $0x3  }
0x28c: {  	s18 =	simm.s32 $0xC4C0  }
0x28d: {  	[tilespmem:s18+$0x0] =	vst.add.f32.msk $0xffff, v4  }
0x28e: {  	v4 =	vld [tilespmem:s6+$0x1250];
	_ =	sdelay $0x3  }
0x28f: {  	s19 =	simm.s32 $0xC4D0  }
0x290: {  	[tilespmem:s19+$0x0] =	vst.add.f32.msk $0xffff, v4  }
0x291: {  	v4 =	vld [tilespmem:s6+$0x1260];
	_ =	sdelay $0x3  }
0x292: {  	s20 =	simm.s32 $0xC4E0  }
0x293: {  	[tilespmem:s20+$0x0] =	vst.add.f32.msk $0xffff, v4  }
0x294: {  	v4 =	vld [tilespmem:s6+$0x1270];
	_ =	sdelay $0x3  }
0x295: {  	s21 =	simm.s32 $0xC4F0  }
0x296: {  	[tilespmem:s21+$0x0] =	vst.add.f32.msk $0xffff, v4  }
0x297: {  	v4 =	vld [tilespmem:s6+$0x1600];
	_ =	sdelay $0x3  }
0x298: {  	s22 =	simm.s32 $0xC500  }
0x299: {  	[tilespmem:s22+$0x0] =	vst.add.f32.msk $0xffff, v4  }
0x29a: {  	v4 =	vld [tilespmem:s6+$0x1610];
	_ =	sdelay $0x3  }
0x29b: {  	s23 =	simm.s32 $0xC510  }
0x29c: {  	[tilespmem:s23+$0x0] =	vst.add.f32.msk $0xffff, v4  }
0x29d: {  	v4 =	vld [tilespmem:s6+$0x1620];
	_ =	sdelay $0x3  }
0x29e: {  	s24 =	simm.s32 $0xC520  }
0x29f: {  	[tilespmem:s24+$0x0] =	vst.add.f32.msk $0xffff, v4  }
0x2a0: {  	v4 =	vld [tilespmem:s6+$0x1630];
	_ =	sdelay $0x3  }
0x2a1: {  	s25 =	simm.s32 $0xC530  }
0x2a2: {  	[tilespmem:s25+$0x0] =	vst.add.f32.msk $0xffff, v4  }
0x2a3: {  	v4 =	vld [tilespmem:s6+$0x1640];
	_ =	sdelay $0x3  }
0x2a4: {  	s26 =	simm.s32 $0xC540  }
0x2a5: {  	[tilespmem:s26+$0x0] =	vst.add.f32.msk $0xffff, v4  }
0x2a6: {  	v4 =	vld [tilespmem:s6+$0x1650];
	_ =	sdelay $0x3  }
0x2a7: {  	s28 =	simm.s32 $0xC550;
	s5 =	smin.u32 s5, $0x40  }
0x2a8: {  	[dreg:$0x6] =	wrdreg s5;
	[tilespmem:s28+$0x0] =	vst.add.f32.msk $0xffff, v4  }
0x2a9: {  	s5 =	rddreg [dreg:$0x6];
	v4 =	vld [tilespmem:s6+$0x1660]  }
0x2aa: {  	p0 =	sne.s32 s5, $0x1  }
.Ltmp6:
0x2ab: {  	_ = 	snop;
	(pc) =	sbr.rel @!p0 .LBB2_8-.Ltmp6, $4  }
0x2ac: {  	_ = 	snop  }
0x2ad: {  	s29 =	simm.s32 $0xC560  }
0x2ae: {  	[tilespmem:s29+$0x0] =	vst.add.f32.msk $0xffff, v4  }
0x2af: {  	s5 =	simm.s32 $0x1;
	v4 =	vld [tilespmem:s6+$0x1670]  }
.LBB2_7:
0x2b0: {  	s6 =	sshrl.u32 s5, $0x3  }
0x2b1: {  	s6 =	smul.u32 $0x6000, s6  }
0x2b2: {  	s4 =	sadd.s32 $0x80, s4  }
0x2b3: {  	s11 =	sand.u32 $0x380, s4;
	s6 =	sshra.s32 s6, $0x2  }
0x2b4: {  	s6 =	sor.u32 s11, s6;
	s11 =	simm.s32 $0xC570  }
0x2b5: {  	[tilespmem:s11+$0x0] =	vst.add.f32.msk $0xffff, v4  }
0x2b6: {  	v4 =	vld [tilespmem:s6+$0x200];
	_ =	sdelay $0x3  }
0x2b7: {  	s11 =	simm.s32 $0xC280  }
0x2b8: {  	[tilespmem:s11+$0x0] =	vst.add.f32.msk $0xffff, v4  }
0x2b9: {  	v4 =	vld [tilespmem:s6+$0x210];
	_ =	sdelay $0x3  }
0x2ba: {  	s11 =	simm.s32 $0xC290  }
0x2bb: {  	[tilespmem:s11+$0x0] =	vst.add.f32.msk $0xffff, v4  }
0x2bc: {  	v4 =	vld [tilespmem:s6+$0x220];
	_ =	sdelay $0x3  }
0x2bd: {  	s11 =	simm.s32 $0xC2A0  }
0x2be: {  	[tilespmem:s11+$0x0] =	vst.add.f32.msk $0xffff, v4  }
0x2bf: {  	v4 =	vld [tilespmem:s6+$0x230];
	_ =	sdelay $0x3  }
0x2c0: {  	s11 =	simm.s32 $0xC2B0  }
0x2c1: {  	[tilespmem:s11+$0x0] =	vst.add.f32.msk $0xffff, v4  }
0x2c2: {  	v4 =	vld [tilespmem:s6+$0x240];
	_ =	sdelay $0x3  }
0x2c3: {  	s11 =	simm.s32 $0xC2C0  }
0x2c4: {  	[tilespmem:s11+$0x0] =	vst.add.f32.msk $0xffff, v4  }
0x2c5: {  	v4 =	vld [tilespmem:s6+$0x250];
	_ =	sdelay $0x3  }
0x2c6: {  	s11 =	simm.s32 $0xC2D0  }
0x2c7: {  	[tilespmem:s11+$0x0] =	vst.add.f32.msk $0xffff, v4  }
0x2c8: {  	v4 =	vld [tilespmem:s6+$0x260];
	_ =	sdelay $0x3  }
0x2c9: {  	s11 =	simm.s32 $0xC2E0  }
0x2ca: {  	[tilespmem:s11+$0x0] =	vst.add.f32.msk $0xffff, v4  }
0x2cb: {  	v4 =	vld [tilespmem:s6+$0x270];
	_ =	sdelay $0x3  }
0x2cc: {  	s11 =	simm.s32 $0xC2F0  }
0x2cd: {  	[tilespmem:s11+$0x0] =	vst.add.f32.msk $0xffff, v4  }
0x2ce: {  	v4 =	vld [tilespmem:s6+$0x600];
	_ =	sdelay $0x3  }
0x2cf: {  	s11 =	simm.s32 $0xC300  }
0x2d0: {  	[tilespmem:s11+$0x0] =	vst.add.f32.msk $0xffff, v4  }
0x2d1: {  	v4 =	vld [tilespmem:s6+$0x610];
	_ =	sdelay $0x3  }
0x2d2: {  	s11 =	simm.s32 $0xC310  }
0x2d3: {  	[tilespmem:s11+$0x0] =	vst.add.f32.msk $0xffff, v4  }
0x2d4: {  	v4 =	vld [tilespmem:s6+$0x620];
	_ =	sdelay $0x3  }
0x2d5: {  	s11 =	simm.s32 $0xC320  }
0x2d6: {  	[tilespmem:s11+$0x0] =	vst.add.f32.msk $0xffff, v4  }
0x2d7: {  	v4 =	vld [tilespmem:s6+$0x630];
	_ =	sdelay $0x3  }
0x2d8: {  	s11 =	simm.s32 $0xC330  }
0x2d9: {  	[tilespmem:s11+$0x0] =	vst.add.f32.msk $0xffff, v4  }
0x2da: {  	v4 =	vld [tilespmem:s6+$0x640];
	_ =	sdelay $0x3  }
0x2db: {  	s11 =	simm.s32 $0xC340  }
0x2dc: {  	[tilespmem:s11+$0x0] =	vst.add.f32.msk $0xffff, v4  }
0x2dd: {  	v4 =	vld [tilespmem:s6+$0x650];
	_ =	sdelay $0x3  }
0x2de: {  	s11 =	simm.s32 $0xC350  }
0x2df: {  	[tilespmem:s11+$0x0] =	vst.add.f32.msk $0xffff, v4  }
0x2e0: {  	v4 =	vld [tilespmem:s6+$0x660];
	_ =	sdelay $0x3  }
0x2e1: {  	s11 =	simm.s32 $0xC360  }
0x2e2: {  	[tilespmem:s11+$0x0] =	vst.add.f32.msk $0xffff, v4  }
0x2e3: {  	v4 =	vld [tilespmem:s6+$0x670];
	_ =	sdelay $0x3  }
0x2e4: {  	s11 =	simm.s32 $0xC370  }
0x2e5: {  	[tilespmem:s11+$0x0] =	vst.add.f32.msk $0xffff, v4  }
0x2e6: {  	v4 =	vld [tilespmem:s6+$0xA00];
	_ =	sdelay $0x3  }
0x2e7: {  	s11 =	simm.s32 $0xC380  }
0x2e8: {  	[tilespmem:s11+$0x0] =	vst.add.f32.msk $0xffff, v4  }
0x2e9: {  	v4 =	vld [tilespmem:s6+$0xA10];
	_ =	sdelay $0x3  }
0x2ea: {  	s11 =	simm.s32 $0xC390  }
0x2eb: {  	[tilespmem:s11+$0x0] =	vst.add.f32.msk $0xffff, v4  }
0x2ec: {  	v4 =	vld [tilespmem:s6+$0xA20];
	_ =	sdelay $0x3  }
0x2ed: {  	s11 =	simm.s32 $0xC3A0  }
0x2ee: {  	[tilespmem:s11+$0x0] =	vst.add.f32.msk $0xffff, v4  }
0x2ef: {  	v4 =	vld [tilespmem:s6+$0xA30];
	_ =	sdelay $0x3  }
0x2f0: {  	s11 =	simm.s32 $0xC3B0  }
0x2f1: {  	[tilespmem:s11+$0x0] =	vst.add.f32.msk $0xffff, v4  }
0x2f2: {  	v4 =	vld [tilespmem:s6+$0xA40];
	_ =	sdelay $0x3  }
0x2f3: {  	s11 =	simm.s32 $0xC3C0  }
0x2f4: {  	[tilespmem:s11+$0x0] =	vst.add.f32.msk $0xffff, v4  }
0x2f5: {  	v4 =	vld [tilespmem:s6+$0xA50];
	_ =	sdelay $0x4  }
0x2f6: {  	[tilespmem:s30+$0x0] =	vst.add.f32.msk $0xffff, v4  }
0x2f7: {  	v4 =	vld [tilespmem:s6+$0xA60];
	_ =	sdelay $0x4  }
0x2f8: {  	[tilespmem:s31+$0x0] =	vst.add.f32.msk $0xffff, v4  }
0x2f9: {  	v4 =	vld [tilespmem:s6+$0xA70];
	_ =	sdelay $0x4  }
0x2fa: {  	[tilespmem:s1+$0x0] =	vst.add.f32.msk $0xffff, v4  }
0x2fb: {  	v4 =	vld [tilespmem:s6+$0xE00];
	_ =	sdelay $0x4  }
0x2fc: {  	[tilespmem:s0+$0x0] =	vst.add.f32.msk $0xffff, v4  }
0x2fd: {  	v4 =	vld [tilespmem:s6+$0xE10];
	_ =	sdelay $0x4  }
0x2fe: {  	[tilespmem:s16+$0x0] =	vst.add.f32.msk $0xffff, v4  }
0x2ff: {  	v4 =	vld [tilespmem:s6+$0xE20];
	_ =	sdelay $0x4  }
0x300: {  	[tilespmem:s12+$0x0] =	vst.add.f32.msk $0xffff, v4  }
0x301: {  	v4 =	vld [tilespmem:s6+$0xE30];
	_ =	sdelay $0x4  }
0x302: {  	[tilespmem:s13+$0x0] =	vst.add.f32.msk $0xffff, v4  }
0x303: {  	v4 =	vld [tilespmem:s6+$0xE40];
	_ =	sdelay $0x4  }
0x304: {  	[tilespmem:s17+$0x0] =	vst.add.f32.msk $0xffff, v4  }
0x305: {  	v4 =	vld [tilespmem:s6+$0xE50];
	_ =	sdelay $0x4  }
0x306: {  	[tilespmem:s14+$0x0] =	vst.add.f32.msk $0xffff, v4  }
0x307: {  	v4 =	vld [tilespmem:s6+$0xE60];
	_ =	sdelay $0x4  }
0x308: {  	[tilespmem:s15+$0x0] =	vst.add.f32.msk $0xffff, v4  }
0x309: {  	v4 =	vld [tilespmem:s6+$0xE70];
	_ =	sdelay $0x4  }
0x30a: {  	[tilespmem:s2+$0x0] =	vst.add.f32.msk $0xffff, v4  }
0x30b: {  	v4 =	vld [tilespmem:s6+$0x1200];
	_ =	sdelay $0x4  }
0x30c: {  	[tilespmem:s7+$0x0] =	vst.add.f32.msk $0xffff, v4  }
0x30d: {  	v4 =	vld [tilespmem:s6+$0x1210];
	_ =	sdelay $0x4  }
0x30e: {  	[tilespmem:s9+$0x0] =	vst.add.f32.msk $0xffff, v4  }
0x30f: {  	v4 =	vld [tilespmem:s6+$0x1220];
	_ =	sdelay $0x4  }
0x310: {  	[tilespmem:s3+$0x0] =	vst.add.f32.msk $0xffff, v4  }
0x311: {  	v4 =	vld [tilespmem:s6+$0x1230];
	_ =	sdelay $0x4  }
0x312: {  	[tilespmem:s8+$0x0] =	vst.add.f32.msk $0xffff, v4  }
0x313: {  	v4 =	vld [tilespmem:s6+$0x1240];
	_ =	sdelay $0x4  }
0x314: {  	[tilespmem:s18+$0x0] =	vst.add.f32.msk $0xffff, v4  }
0x315: {  	v4 =	vld [tilespmem:s6+$0x1250];
	_ =	sdelay $0x4  }
0x316: {  	[tilespmem:s19+$0x0] =	vst.add.f32.msk $0xffff, v4  }
0x317: {  	v4 =	vld [tilespmem:s6+$0x1260];
	_ =	sdelay $0x4  }
0x318: {  	[tilespmem:s20+$0x0] =	vst.add.f32.msk $0xffff, v4  }
0x319: {  	v4 =	vld [tilespmem:s6+$0x1270];
	_ =	sdelay $0x4  }
0x31a: {  	[tilespmem:s21+$0x0] =	vst.add.f32.msk $0xffff, v4  }
0x31b: {  	v4 =	vld [tilespmem:s6+$0x1600];
	_ =	sdelay $0x4  }
0x31c: {  	[tilespmem:s22+$0x0] =	vst.add.f32.msk $0xffff, v4  }
0x31d: {  	v4 =	vld [tilespmem:s6+$0x1610];
	_ =	sdelay $0x4  }
0x31e: {  	[tilespmem:s23+$0x0] =	vst.add.f32.msk $0xffff, v4  }
0x31f: {  	v4 =	vld [tilespmem:s6+$0x1620];
	_ =	sdelay $0x4  }
0x320: {  	[tilespmem:s24+$0x0] =	vst.add.f32.msk $0xffff, v4  }
0x321: {  	v4 =	vld [tilespmem:s6+$0x1630];
	_ =	sdelay $0x4  }
0x322: {  	[tilespmem:s25+$0x0] =	vst.add.f32.msk $0xffff, v4  }
0x323: {  	v4 =	vld [tilespmem:s6+$0x1640];
	_ =	sdelay $0x4  }
0x324: {  	[tilespmem:s26+$0x0] =	vst.add.f32.msk $0xffff, v4  }
0x325: {  	v4 =	vld [tilespmem:s6+$0x1650];
	_ =	sdelay $0x4  }
0x326: {  	[tilespmem:s28+$0x0] =	vst.add.f32.msk $0xffff, v4  }
0x327: {  	s10 =	rddreg [dreg:$0x6];
	s5 =	sadd.s32 $0x1, s5;
	v4 =	vld [tilespmem:s6+$0x1660]  }
0x328: {  	p0 =	sne.s32 s10, s5  }
.Ltmp7:
0x329: {  	_ = 	snop;
	(pc) =	sbr.rel @p0 .LBB2_7-.Ltmp7, $3  }
0x32a: {  	_ =	sdelay $0x1  }
0x32b: {  	[tilespmem:s29+$0x0] =	vst.add.f32.msk $0xffff, v4  }
0x32c: {  	v4 =	vld [tilespmem:s6+$0x1670]  }
.LBB2_8:
0x32d: {  	_ =	sdelay $0x2  }
0x32e: {  	s0 =	simm.s32 $0xC570  }
0x32f: {  	s12 =	simm.s32 $0x2;
	s29 =	rddreg [dreg:$0x15];
	[tilespmem:s0+$0x0] =	vst.add.f32.msk $0xffff, v4  }
.LBB2_9:
0x330: {  	v4 =	vld [tilespmem:$0x100];
	_ =	sdelay $0x4  }
0x331: {  	v5 =	vshrl.u32 v4, $0x3  }
0x332: {  	v5 =	vmul.u32 $0x30, v5  }
0x333: {  	v4 =	vand.u32 $0x7, v4  }
0x334: {  	v4 =	vor.u32 v4, v5  }
0x335: {  	v5 =	vperm.xlane v4, v1;
	_ =	sdelay $0x1  }
0x336: {  	v5 =	vadd.s32 v2, v5;
	_ =	sdelay $0x3  }
0x337: {  	s4 =	rddreg [dreg:$0x2];
	s5 =	simm.s32 $0x0;
	s0 =	simm.s32 $0x200;
	v4 =	vperm.xlane v4, v3  }
0x338: {  	[tilespmem:s0], [sflag:$0x1] =	stream.indirect_vreg.gather [hbm4b:s4+s5], $0x80, v5, vm0, $0xb8;
	[tilespmem:$0xC580] =	vst v63  }
0x339: {  	s6 =	rddreg [dreg:$0xc];
	s10 =	simm.s32 $0xA00;
	v4 =	vadd.s32 v2, v4  }
0x33a: {  	[tilespmem:s10], [sflag:$0x1] =	stream.indirect_vreg.gather [hbm4b:s6+s5], $0x80, v5, vm0, $0xb8;
	[tilespmem:$0xC580] =	vst v63  }
0x33b: {  	s31 =	rddreg [dreg:$0xe];
	s11 =	simm.s32 $0x1200  }
0x33c: {  	[tilespmem:s11], [sflag:$0x1] =	stream.indirect_vreg.gather [hbm4b:s31+s5], $0x80, v5, vm0, $0xb8;
	[tilespmem:$0xC580] =	vst v63  }
0x33d: {  	s1 =	simm.s32 $0x1A00  }
0x33e: {  	[tilespmem:s1], [sflag:$0x1] =	stream.indirect_vreg.gather [hbm4b:s4+s5], $0x80, v4, vm0, $0xb8;
	[tilespmem:$0xC580] =	vst v63  }
0x33f: {  	s2 =	simm.s32 $0x2200  }
0x340: {  	[tilespmem:s2], [sflag:$0x1] =	stream.indirect_vreg.gather [hbm4b:s6+s5], $0x80, v4, vm0, $0xb8;
	[tilespmem:$0xC580] =	vst v63  }
0x341: {  	s3 =	simm.s32 $0x2A00  }
0x342: {  	[tilespmem:s3], [sflag:$0x1] =	stream.indirect_vreg.gather [hbm4b:s31+s5], $0x80, v4, vm0, $0xb8;
	[tilespmem:$0xC580] =	vst v63  }
0x343: {  	v4 =	vld [tilespmem:$0x110];
	_ =	sdelay $0x4  }
0x344: {  	v5 =	vshrl.u32 v4, $0x3  }
0x345: {  	v5 =	vmul.u32 $0x30, v5  }
0x346: {  	v4 =	vand.u32 $0x7, v4  }
0x347: {  	v4 =	vor.u32 v4, v5  }
0x348: {  	v5 =	vperm.xlane v4, v1;
	_ =	sdelay $0x1  }
0x349: {  	v5 =	vadd.s32 v2, v5;
	_ =	sdelay $0x3  }
0x34a: {  	s7 =	simm.s32 $0x3200;
	v4 =	vperm.xlane v4, v3  }
0x34b: {  	[tilespmem:s7], [sflag:$0x1] =	stream.indirect_vreg.gather [hbm4b:s4+s5], $0x80, v5, vm0, $0xb8;
	[tilespmem:$0xC580] =	vst v63  }
0x34c: {  	s8 =	simm.s32 $0x3A00;
	v4 =	vadd.s32 v2, v4  }
0x34d: {  	[tilespmem:s8], [sflag:$0x1] =	stream.indirect_vreg.gather [hbm4b:s6+s5], $0x80, v5, vm0, $0xb8;
	[tilespmem:$0xC580] =	vst v63  }
0x34e: {  	s9 =	simm.s32 $0x4200  }
0x34f: {  	[tilespmem:s9], [sflag:$0x1] =	stream.indirect_vreg.gather [hbm4b:s31+s5], $0x80, v5, vm0, $0xb8;
	[tilespmem:$0xC580] =	vst v63  }
0x350: {  	s13 =	simm.s32 $0x4A00  }
0x351: {  	[tilespmem:s13], [sflag:$0x1] =	stream.indirect_vreg.gather [hbm4b:s4+s5], $0x80, v4, vm0, $0xb8;
	[tilespmem:$0xC580] =	vst v63  }
0x352: {  	s14 =	simm.s32 $0x5200  }
0x353: {  	[tilespmem:s14], [sflag:$0x1] =	stream.indirect_vreg.gather [hbm4b:s6+s5], $0x80, v4, vm0, $0xb8;
	[tilespmem:$0xC580] =	vst v63  }
0x354: {  	s15 =	simm.s32 $0x5A00  }
0x355: {  	[tilespmem:s15], [sflag:$0x1] =	stream.indirect_vreg.gather [hbm4b:s31+s5], $0x80, v4, vm0, $0xb8;
	[tilespmem:$0xC580] =	vst v63  }
0x356: {  	v4 =	vld [tilespmem:$0x120];
	_ =	sdelay $0x4  }
0x357: {  	v5 =	vshrl.u32 v4, $0x3  }
0x358: {  	v5 =	vmul.u32 $0x30, v5  }
0x359: {  	v4 =	vand.u32 $0x7, v4  }
0x35a: {  	v4 =	vor.u32 v4, v5  }
0x35b: {  	v5 =	vperm.xlane v4, v1;
	_ =	sdelay $0x1  }
0x35c: {  	v5 =	vadd.s32 v2, v5;
	_ =	sdelay $0x3  }
0x35d: {  	s16 =	simm.s32 $0x6200;
	v4 =	vperm.xlane v4, v3  }
0x35e: {  	[tilespmem:s16], [sflag:$0x1] =	stream.indirect_vreg.gather [hbm4b:s4+s5], $0x80, v5, vm0, $0xb8;
	[tilespmem:$0xC580] =	vst v63  }
0x35f: {  	s17 =	simm.s32 $0x6A00;
	v4 =	vadd.s32 v2, v4  }
0x360: {  	[tilespmem:s17], [sflag:$0x1] =	stream.indirect_vreg.gather [hbm4b:s6+s5], $0x80, v5, vm0, $0xb8;
	[tilespmem:$0xC580] =	vst v63  }
0x361: {  	s18 =	simm.s32 $0x7200  }
0x362: {  	[tilespmem:s18], [sflag:$0x1] =	stream.indirect_vreg.gather [hbm4b:s31+s5], $0x80, v5, vm0, $0xb8;
	[tilespmem:$0xC580] =	vst v63  }
0x363: {  	s19 =	simm.s32 $0x7A00  }
0x364: {  	[tilespmem:s19], [sflag:$0x1] =	stream.indirect_vreg.gather [hbm4b:s4+s5], $0x80, v4, vm0, $0xb8;
	[tilespmem:$0xC580] =	vst v63  }
0x365: {  	s20 =	simm.s32 $0x8200  }
0x366: {  	[tilespmem:s20], [sflag:$0x1] =	stream.indirect_vreg.gather [hbm4b:s6+s5], $0x80, v4, vm0, $0xb8;
	[tilespmem:$0xC580] =	vst v63  }
0x367: {  	s21 =	simm.s32 $0x8A00  }
0x368: {  	[tilespmem:s21], [sflag:$0x1] =	stream.indirect_vreg.gather [hbm4b:s31+s5], $0x80, v4, vm0, $0xb8;
	[tilespmem:$0xC580] =	vst v63  }
0x369: {  	v4 =	vld [tilespmem:$0x130];
	_ =	sdelay $0x4  }
0x36a: {  	v5 =	vshrl.u32 v4, $0x3  }
0x36b: {  	v5 =	vmul.u32 $0x30, v5  }
0x36c: {  	v4 =	vand.u32 $0x7, v4  }
0x36d: {  	v4 =	vor.u32 v4, v5  }
0x36e: {  	v5 =	vperm.xlane v4, v1;
	_ =	sdelay $0x1  }
0x36f: {  	v5 =	vadd.s32 v2, v5;
	_ =	sdelay $0x3  }
0x370: {  	s22 =	simm.s32 $0x9200;
	v4 =	vperm.xlane v4, v3  }
0x371: {  	[tilespmem:s22], [sflag:$0x1] =	stream.indirect_vreg.gather [hbm4b:s4+s5], $0x80, v5, vm0, $0xb8;
	[tilespmem:$0xC580] =	vst v63  }
0x372: {  	s23 =	simm.s32 $0x9A00;
	v4 =	vadd.s32 v2, v4  }
0x373: {  	[tilespmem:s23], [sflag:$0x1] =	stream.indirect_vreg.gather [hbm4b:s6+s5], $0x80, v5, vm0, $0xb8;
	[tilespmem:$0xC580] =	vst v63  }
0x374: {  	s24 =	simm.s32 $0xA200  }
0x375: {  	[tilespmem:s24], [sflag:$0x1] =	stream.indirect_vreg.gather [hbm4b:s31+s5], $0x80, v5, vm0, $0xb8;
	[tilespmem:$0xC580] =	vst v63  }
0x376: {  	s25 =	simm.s32 $0xAA00  }
0x377: {  	[tilespmem:s25], [sflag:$0x1] =	stream.indirect_vreg.gather [hbm4b:s4+s5], $0x80, v4, vm0, $0xb8;
	[tilespmem:$0xC580] =	vst v63  }
0x378: {  	s26 =	simm.s32 $0xB200  }
0x379: {  	[tilespmem:s26], [sflag:$0x1] =	stream.indirect_vreg.gather [hbm4b:s6+s5], $0x80, v4, vm0, $0xb8;
	[tilespmem:$0xC580] =	vst v63  }
0x37a: {  	s28 =	simm.s32 $0xBA00;
	s30 =	simm.s32 $0x1  }
0x37b: {  	[tilespmem:s28], [sflag:$0x1] =	stream.indirect_vreg.gather [hbm4b:s31+s5], $0x80, v4, vm0, $0xb8;
	[tilespmem:$0xC580] =	vst v63  }
0x37c: {  	_ =	swait.ge [sflag:s30], $0xC000  }
0x37d: {  	[sflag:s30] =	ssyncset.done $0x0  }
0x37e: {  	s31 =	rddreg [dreg:$0x10];
	[sflag:s30] =	ssyncadd.s32 $0xFFFF4000  }
0x37f: {  	[hbm4b:s31+s5] =	stream.linear.scatter [tilespmem:s0], [sflag:$0x2], $0xC000, $0x38;
	[tilespmem:$0xC580] =	vst v63  }
0x380: {  	s5 =	sadd.s32 $0xFFFFFF80, s29  }
0x381: {  	p0 =	slt.s32 s5, $0x1  }
.Ltmp8:
0x382: {  	_ = 	snop;
	(pc) =	sbr.rel @p0 .LBB2_13-.Ltmp8, $4  }
0x383: {  	_ = 	snop  }
0x384: {  	_ =	swait.ge [sflag:s12], $0xC000  }
0x385: {  	[sflag:s12] =	ssyncset.done $0x0  }
0x386: {  	[sflag:s12] =	ssyncadd.s32 $0xFFFF4000  }
0x387: {  	s4 =	simm.s32 $0x0  }
0x388: {  	s6 =	smul.u32 $0x6000, s4  }
0x389: {  	s4 =	simm.s32 $0x0  }
0x38a: {  	s10 =	sand.u32 $0x380, s4;
	s6 =	sshra.s32 s6, $0x2  }
0x38b: {  	s6 =	sor.u32 s10, s6  }
0x38c: {  	v4 =	vld [tilespmem:s6+$0x200];
	_ =	sdelay $0x3  }
0x38d: {  	s0 =	simm.s32 $0xC280  }
0x38e: {  	[tilespmem:s0+$0x0] =	vst.add.f32.msk $0xffff, v4  }
0x38f: {  	v4 =	vld [tilespmem:s6+$0x210];
	_ =	sdelay $0x3  }
0x390: {  	s3 =	simm.s32 $0xC290  }
0x391: {  	[tilespmem:s3+$0x0] =	vst.add.f32.msk $0xffff, v4  }
0x392: {  	v4 =	vld [tilespmem:s6+$0x220];
	_ =	sdelay $0x3  }
0x393: {  	s7 =	simm.s32 $0xC2A0  }
0x394: {  	[tilespmem:s7+$0x0] =	vst.add.f32.msk $0xffff, v4  }
0x395: {  	v4 =	vld [tilespmem:s6+$0x230];
	_ =	sdelay $0x3  }
0x396: {  	s8 =	simm.s32 $0xC2B0  }
0x397: {  	[tilespmem:s8+$0x0] =	vst.add.f32.msk $0xffff, v4  }
0x398: {  	v4 =	vld [tilespmem:s6+$0x240];
	_ =	sdelay $0x3  }
0x399: {  	s9 =	simm.s32 $0xC2C0  }
0x39a: {  	[tilespmem:s9+$0x0] =	vst.add.f32.msk $0xffff, v4  }
0x39b: {  	v4 =	vld [tilespmem:s6+$0x250];
	_ =	sdelay $0x3  }
0x39c: {  	s10 =	simm.s32 $0xC2D0  }
0x39d: {  	[tilespmem:s10+$0x0] =	vst.add.f32.msk $0xffff, v4  }
0x39e: {  	v4 =	vld [tilespmem:s6+$0x260];
	_ =	sdelay $0x3  }
0x39f: {  	s11 =	simm.s32 $0xC2E0  }
0x3a0: {  	[tilespmem:s11+$0x0] =	vst.add.f32.msk $0xffff, v4  }
0x3a1: {  	v4 =	vld [tilespmem:s6+$0x270];
	_ =	sdelay $0x3  }
0x3a2: {  	s12 =	simm.s32 $0xC2F0  }
0x3a3: {  	[tilespmem:s12+$0x0] =	vst.add.f32.msk $0xffff, v4  }
0x3a4: {  	v4 =	vld [tilespmem:s6+$0x600];
	_ =	sdelay $0x3  }
0x3a5: {  	s13 =	simm.s32 $0xC300  }
0x3a6: {  	[tilespmem:s13+$0x0] =	vst.add.f32.msk $0xffff, v4  }
0x3a7: {  	v4 =	vld [tilespmem:s6+$0x610];
	_ =	sdelay $0x3  }
0x3a8: {  	s14 =	simm.s32 $0xC310  }
0x3a9: {  	[tilespmem:s14+$0x0] =	vst.add.f32.msk $0xffff, v4  }
0x3aa: {  	v4 =	vld [tilespmem:s6+$0x620];
	_ =	sdelay $0x3  }
0x3ab: {  	s15 =	simm.s32 $0xC320  }
0x3ac: {  	[tilespmem:s15+$0x0] =	vst.add.f32.msk $0xffff, v4  }
0x3ad: {  	v4 =	vld [tilespmem:s6+$0x630];
	_ =	sdelay $0x3  }
0x3ae: {  	s16 =	simm.s32 $0xC330  }
0x3af: {  	[tilespmem:s16+$0x0] =	vst.add.f32.msk $0xffff, v4  }
0x3b0: {  	v4 =	vld [tilespmem:s6+$0x640];
	_ =	sdelay $0x3  }
0x3b1: {  	s17 =	simm.s32 $0xC340  }
0x3b2: {  	[tilespmem:s17+$0x0] =	vst.add.f32.msk $0xffff, v4  }
0x3b3: {  	v4 =	vld [tilespmem:s6+$0x650];
	_ =	sdelay $0x3  }
0x3b4: {  	s18 =	simm.s32 $0xC350  }
0x3b5: {  	[tilespmem:s18+$0x0] =	vst.add.f32.msk $0xffff, v4  }
0x3b6: {  	v4 =	vld [tilespmem:s6+$0x660];
	_ =	sdelay $0x3  }
0x3b7: {  	s19 =	simm.s32 $0xC360  }
0x3b8: {  	[tilespmem:s19+$0x0] =	vst.add.f32.msk $0xffff, v4  }
0x3b9: {  	v4 =	vld [tilespmem:s6+$0x670];
	_ =	sdelay $0x3  }
0x3ba: {  	s20 =	simm.s32 $0xC370  }
0x3bb: {  	[tilespmem:s20+$0x0] =	vst.add.f32.msk $0xffff, v4  }
0x3bc: {  	v4 =	vld [tilespmem:s6+$0xA00];
	_ =	sdelay $0x3  }
0x3bd: {  	s21 =	simm.s32 $0xC380  }
0x3be: {  	[tilespmem:s21+$0x0] =	vst.add.f32.msk $0xffff, v4  }
0x3bf: {  	v4 =	vld [tilespmem:s6+$0xA10];
	_ =	sdelay $0x3  }
0x3c0: {  	s22 =	simm.s32 $0xC390  }
0x3c1: {  	[tilespmem:s22+$0x0] =	vst.add.f32.msk $0xffff, v4  }
0x3c2: {  	v4 =	vld [tilespmem:s6+$0xA20];
	_ =	sdelay $0x3  }
0x3c3: {  	s23 =	simm.s32 $0xC3A0  }
0x3c4: {  	[tilespmem:s23+$0x0] =	vst.add.f32.msk $0xffff, v4  }
0x3c5: {  	v4 =	vld [tilespmem:s6+$0xA30];
	_ =	sdelay $0x3  }
0x3c6: {  	s24 =	simm.s32 $0xC3B0  }
0x3c7: {  	[tilespmem:s24+$0x0] =	vst.add.f32.msk $0xffff, v4  }
0x3c8: {  	v4 =	vld [tilespmem:s6+$0xA40];
	_ =	sdelay $0x3  }
0x3c9: {  	s25 =	simm.s32 $0xC3C0  }
0x3ca: {  	[tilespmem:s25+$0x0] =	vst.add.f32.msk $0xffff, v4  }
0x3cb: {  	v4 =	vld [tilespmem:s6+$0xA50];
	_ =	sdelay $0x3  }
0x3cc: {  	s26 =	simm.s32 $0xC3D0  }
0x3cd: {  	[tilespmem:s26+$0x0] =	vst.add.f32.msk $0xffff, v4  }
0x3ce: {  	v4 =	vld [tilespmem:s6+$0xA60];
	_ =	sdelay $0x3  }
0x3cf: {  	s31 =	simm.s32 $0xC3E0  }
0x3d0: {  	[tilespmem:s31+$0x0] =	vst.add.f32.msk $0xffff, v4  }
0x3d1: {  	v4 =	vld [tilespmem:s6+$0xA70];
	_ =	sdelay $0x3  }
0x3d2: {  	s1 =	simm.s32 $0xC3F0  }
0x3d3: {  	[tilespmem:s1+$0x0] =	vst.add.f32.msk $0xffff, v4  }
0x3d4: {  	v4 =	vld [tilespmem:s6+$0xE00];
	_ =	sdelay $0x3  }
0x3d5: {  	s0 =	simm.s32 $0xC400  }
0x3d6: {  	[tilespmem:s0+$0x0] =	vst.add.f32.msk $0xffff, v4  }
0x3d7: {  	v4 =	vld [tilespmem:s6+$0xE10];
	_ =	sdelay $0x3  }
0x3d8: {  	s16 =	simm.s32 $0xC410  }
0x3d9: {  	[tilespmem:s16+$0x0] =	vst.add.f32.msk $0xffff, v4  }
0x3da: {  	v4 =	vld [tilespmem:s6+$0xE20];
	_ =	sdelay $0x3  }
0x3db: {  	s12 =	simm.s32 $0xC420  }
0x3dc: {  	[tilespmem:s12+$0x0] =	vst.add.f32.msk $0xffff, v4  }
0x3dd: {  	v4 =	vld [tilespmem:s6+$0xE30];
	_ =	sdelay $0x3  }
0x3de: {  	s13 =	simm.s32 $0xC430  }
0x3df: {  	[tilespmem:s13+$0x0] =	vst.add.f32.msk $0xffff, v4  }
0x3e0: {  	v4 =	vld [tilespmem:s6+$0xE40];
	_ =	sdelay $0x3  }
0x3e1: {  	s17 =	simm.s32 $0xC440  }
0x3e2: {  	[tilespmem:s17+$0x0] =	vst.add.f32.msk $0xffff, v4  }
0x3e3: {  	v4 =	vld [tilespmem:s6+$0xE50];
	_ =	sdelay $0x3  }
0x3e4: {  	s14 =	simm.s32 $0xC450  }
0x3e5: {  	[tilespmem:s14+$0x0] =	vst.add.f32.msk $0xffff, v4  }
0x3e6: {  	v4 =	vld [tilespmem:s6+$0xE60];
	_ =	sdelay $0x3  }
0x3e7: {  	s15 =	simm.s32 $0xC460  }
0x3e8: {  	[tilespmem:s15+$0x0] =	vst.add.f32.msk $0xffff, v4  }
0x3e9: {  	v4 =	vld [tilespmem:s6+$0xE70];
	_ =	sdelay $0x3  }
0x3ea: {  	s2 =	simm.s32 $0xC470  }
0x3eb: {  	[tilespmem:s2+$0x0] =	vst.add.f32.msk $0xffff, v4  }
0x3ec: {  	v4 =	vld [tilespmem:s6+$0x1200];
	_ =	sdelay $0x3  }
0x3ed: {  	s7 =	simm.s32 $0xC480  }
0x3ee: {  	[tilespmem:s7+$0x0] =	vst.add.f32.msk $0xffff, v4  }
0x3ef: {  	v4 =	vld [tilespmem:s6+$0x1210];
	_ =	sdelay $0x3  }
0x3f0: {  	s9 =	simm.s32 $0xC490  }
0x3f1: {  	[tilespmem:s9+$0x0] =	vst.add.f32.msk $0xffff, v4  }
0x3f2: {  	v4 =	vld [tilespmem:s6+$0x1220];
	_ =	sdelay $0x3  }
0x3f3: {  	s3 =	simm.s32 $0xC4A0  }
0x3f4: {  	[tilespmem:s3+$0x0] =	vst.add.f32.msk $0xffff, v4  }
0x3f5: {  	v4 =	vld [tilespmem:s6+$0x1230];
	_ =	sdelay $0x3  }
0x3f6: {  	s8 =	simm.s32 $0xC4B0  }
0x3f7: {  	[tilespmem:s8+$0x0] =	vst.add.f32.msk $0xffff, v4  }
0x3f8: {  	v4 =	vld [tilespmem:s6+$0x1240];
	_ =	sdelay $0x3  }
0x3f9: {  	s18 =	simm.s32 $0xC4C0  }
0x3fa: {  	[tilespmem:s18+$0x0] =	vst.add.f32.msk $0xffff, v4  }
0x3fb: {  	v4 =	vld [tilespmem:s6+$0x1250];
	_ =	sdelay $0x3  }
0x3fc: {  	s19 =	simm.s32 $0xC4D0  }
0x3fd: {  	[tilespmem:s19+$0x0] =	vst.add.f32.msk $0xffff, v4  }
0x3fe: {  	v4 =	vld [tilespmem:s6+$0x1260];
	_ =	sdelay $0x3  }
0x3ff: {  	s20 =	simm.s32 $0xC4E0  }
0x400: {  	[tilespmem:s20+$0x0] =	vst.add.f32.msk $0xffff, v4  }
0x401: {  	v4 =	vld [tilespmem:s6+$0x1270];
	_ =	sdelay $0x3  }
0x402: {  	s21 =	simm.s32 $0xC4F0  }
0x403: {  	[tilespmem:s21+$0x0] =	vst.add.f32.msk $0xffff, v4  }
0x404: {  	v4 =	vld [tilespmem:s6+$0x1600];
	_ =	sdelay $0x3  }
0x405: {  	s22 =	simm.s32 $0xC500  }
0x406: {  	[tilespmem:s22+$0x0] =	vst.add.f32.msk $0xffff, v4  }
0x407: {  	v4 =	vld [tilespmem:s6+$0x1610];
	_ =	sdelay $0x3  }
0x408: {  	s23 =	simm.s32 $0xC510  }
0x409: {  	[tilespmem:s23+$0x0] =	vst.add.f32.msk $0xffff, v4  }
0x40a: {  	v4 =	vld [tilespmem:s6+$0x1620];
	_ =	sdelay $0x3  }
0x40b: {  	s24 =	simm.s32 $0xC520  }
0x40c: {  	[tilespmem:s24+$0x0] =	vst.add.f32.msk $0xffff, v4  }
0x40d: {  	v4 =	vld [tilespmem:s6+$0x1630];
	_ =	sdelay $0x3  }
0x40e: {  	s25 =	simm.s32 $0xC530  }
0x40f: {  	[tilespmem:s25+$0x0] =	vst.add.f32.msk $0xffff, v4  }
0x410: {  	v4 =	vld [tilespmem:s6+$0x1640];
	_ =	sdelay $0x3  }
0x411: {  	s26 =	simm.s32 $0xC540  }
0x412: {  	[tilespmem:s26+$0x0] =	vst.add.f32.msk $0xffff, v4  }
0x413: {  	v4 =	vld [tilespmem:s6+$0x1650];
	_ =	sdelay $0x3  }
0x414: {  	s28 =	simm.s32 $0xC550;
	s5 =	smin.u32 s5, $0x40  }
0x415: {  	[dreg:$0x7] =	wrdreg s5;
	[tilespmem:s28+$0x0] =	vst.add.f32.msk $0xffff, v4  }
0x416: {  	s5 =	rddreg [dreg:$0x7];
	v4 =	vld [tilespmem:s6+$0x1660]  }
0x417: {  	p0 =	sne.s32 s5, $0x1  }
.Ltmp9:
0x418: {  	_ = 	snop;
	(pc) =	sbr.rel @!p0 .LBB2_12-.Ltmp9, $4  }
0x419: {  	_ = 	snop  }
0x41a: {  	s29 =	simm.s32 $0xC560  }
0x41b: {  	[tilespmem:s29+$0x0] =	vst.add.f32.msk $0xffff, v4  }
0x41c: {  	s30 =	simm.s32 $0xC570;
	s5 =	simm.s32 $0x1;
	v4 =	vld [tilespmem:s6+$0x1670]  }
.LBB2_11:
0x41d: {  	s6 =	sshrl.u32 s5, $0x3  }
0x41e: {  	s6 =	smul.u32 $0x6000, s6  }
0x41f: {  	s4 =	sadd.s32 $0x80, s4  }
0x420: {  	s11 =	sand.u32 $0x380, s4;
	s6 =	sshra.s32 s6, $0x2  }
0x421: {  	s6 =	sor.u32 s11, s6;
	[tilespmem:s30+$0x0] =	vst.add.f32.msk $0xffff, v4  }
0x422: {  	v4 =	vld [tilespmem:s6+$0x200];
	_ =	sdelay $0x3  }
0x423: {  	s11 =	simm.s32 $0xC280  }
0x424: {  	[tilespmem:s11+$0x0] =	vst.add.f32.msk $0xffff, v4  }
0x425: {  	v4 =	vld [tilespmem:s6+$0x210];
	_ =	sdelay $0x3  }
0x426: {  	s11 =	simm.s32 $0xC290  }
0x427: {  	[tilespmem:s11+$0x0] =	vst.add.f32.msk $0xffff, v4  }
0x428: {  	v4 =	vld [tilespmem:s6+$0x220];
	_ =	sdelay $0x3  }
0x429: {  	s11 =	simm.s32 $0xC2A0  }
0x42a: {  	[tilespmem:s11+$0x0] =	vst.add.f32.msk $0xffff, v4  }
0x42b: {  	v4 =	vld [tilespmem:s6+$0x230];
	_ =	sdelay $0x3  }
0x42c: {  	s11 =	simm.s32 $0xC2B0  }
0x42d: {  	[tilespmem:s11+$0x0] =	vst.add.f32.msk $0xffff, v4  }
0x42e: {  	v4 =	vld [tilespmem:s6+$0x240];
	_ =	sdelay $0x3  }
0x42f: {  	s11 =	simm.s32 $0xC2C0  }
0x430: {  	[tilespmem:s11+$0x0] =	vst.add.f32.msk $0xffff, v4  }
0x431: {  	v4 =	vld [tilespmem:s6+$0x250];
	_ =	sdelay $0x3  }
0x432: {  	s11 =	simm.s32 $0xC2D0  }
0x433: {  	[tilespmem:s11+$0x0] =	vst.add.f32.msk $0xffff, v4  }
0x434: {  	v4 =	vld [tilespmem:s6+$0x260];
	_ =	sdelay $0x3  }
0x435: {  	s11 =	simm.s32 $0xC2E0  }
0x436: {  	[tilespmem:s11+$0x0] =	vst.add.f32.msk $0xffff, v4  }
0x437: {  	v4 =	vld [tilespmem:s6+$0x270];
	_ =	sdelay $0x3  }
0x438: {  	s11 =	simm.s32 $0xC2F0  }
0x439: {  	[tilespmem:s11+$0x0] =	vst.add.f32.msk $0xffff, v4  }
0x43a: {  	v4 =	vld [tilespmem:s6+$0x600];
	_ =	sdelay $0x3  }
0x43b: {  	s11 =	simm.s32 $0xC300  }
0x43c: {  	[tilespmem:s11+$0x0] =	vst.add.f32.msk $0xffff, v4  }
0x43d: {  	v4 =	vld [tilespmem:s6+$0x610];
	_ =	sdelay $0x3  }
0x43e: {  	s11 =	simm.s32 $0xC310  }
0x43f: {  	[tilespmem:s11+$0x0] =	vst.add.f32.msk $0xffff, v4  }
0x440: {  	v4 =	vld [tilespmem:s6+$0x620];
	_ =	sdelay $0x3  }
0x441: {  	s11 =	simm.s32 $0xC320  }
0x442: {  	[tilespmem:s11+$0x0] =	vst.add.f32.msk $0xffff, v4  }
0x443: {  	v4 =	vld [tilespmem:s6+$0x630];
	_ =	sdelay $0x3  }
0x444: {  	s11 =	simm.s32 $0xC330  }
0x445: {  	[tilespmem:s11+$0x0] =	vst.add.f32.msk $0xffff, v4  }
0x446: {  	v4 =	vld [tilespmem:s6+$0x640];
	_ =	sdelay $0x3  }
0x447: {  	s11 =	simm.s32 $0xC340  }
0x448: {  	[tilespmem:s11+$0x0] =	vst.add.f32.msk $0xffff, v4  }
0x449: {  	v4 =	vld [tilespmem:s6+$0x650];
	_ =	sdelay $0x3  }
0x44a: {  	s11 =	simm.s32 $0xC350  }
0x44b: {  	[tilespmem:s11+$0x0] =	vst.add.f32.msk $0xffff, v4  }
0x44c: {  	v4 =	vld [tilespmem:s6+$0x660];
	_ =	sdelay $0x3  }
0x44d: {  	s11 =	simm.s32 $0xC360  }
0x44e: {  	[tilespmem:s11+$0x0] =	vst.add.f32.msk $0xffff, v4  }
0x44f: {  	v4 =	vld [tilespmem:s6+$0x670];
	_ =	sdelay $0x3  }
0x450: {  	s11 =	simm.s32 $0xC370  }
0x451: {  	[tilespmem:s11+$0x0] =	vst.add.f32.msk $0xffff, v4  }
0x452: {  	v4 =	vld [tilespmem:s6+$0xA00];
	_ =	sdelay $0x3  }
0x453: {  	s11 =	simm.s32 $0xC380  }
0x454: {  	[tilespmem:s11+$0x0] =	vst.add.f32.msk $0xffff, v4  }
0x455: {  	v4 =	vld [tilespmem:s6+$0xA10];
	_ =	sdelay $0x3  }
0x456: {  	s11 =	simm.s32 $0xC390  }
0x457: {  	[tilespmem:s11+$0x0] =	vst.add.f32.msk $0xffff, v4  }
0x458: {  	v4 =	vld [tilespmem:s6+$0xA20];
	_ =	sdelay $0x3  }
0x459: {  	s11 =	simm.s32 $0xC3A0  }
0x45a: {  	[tilespmem:s11+$0x0] =	vst.add.f32.msk $0xffff, v4  }
0x45b: {  	v4 =	vld [tilespmem:s6+$0xA30];
	_ =	sdelay $0x3  }
0x45c: {  	s11 =	simm.s32 $0xC3B0  }
0x45d: {  	[tilespmem:s11+$0x0] =	vst.add.f32.msk $0xffff, v4  }
0x45e: {  	v4 =	vld [tilespmem:s6+$0xA40];
	_ =	sdelay $0x3  }
0x45f: {  	s11 =	simm.s32 $0xC3C0  }
0x460: {  	[tilespmem:s11+$0x0] =	vst.add.f32.msk $0xffff, v4  }
0x461: {  	v4 =	vld [tilespmem:s6+$0xA50];
	_ =	sdelay $0x3  }
0x462: {  	s11 =	simm.s32 $0xC3D0  }
0x463: {  	[tilespmem:s11+$0x0] =	vst.add.f32.msk $0xffff, v4  }
0x464: {  	v4 =	vld [tilespmem:s6+$0xA60];
	_ =	sdelay $0x4  }
0x465: {  	[tilespmem:s31+$0x0] =	vst.add.f32.msk $0xffff, v4  }
0x466: {  	v4 =	vld [tilespmem:s6+$0xA70];
	_ =	sdelay $0x4  }
0x467: {  	[tilespmem:s1+$0x0] =	vst.add.f32.msk $0xffff, v4  }
0x468: {  	v4 =	vld [tilespmem:s6+$0xE00];
	_ =	sdelay $0x4  }
0x469: {  	[tilespmem:s0+$0x0] =	vst.add.f32.msk $0xffff, v4  }
0x46a: {  	v4 =	vld [tilespmem:s6+$0xE10];
	_ =	sdelay $0x4  }
0x46b: {  	[tilespmem:s16+$0x0] =	vst.add.f32.msk $0xffff, v4  }
0x46c: {  	v4 =	vld [tilespmem:s6+$0xE20];
	_ =	sdelay $0x4  }
0x46d: {  	[tilespmem:s12+$0x0] =	vst.add.f32.msk $0xffff, v4  }
0x46e: {  	v4 =	vld [tilespmem:s6+$0xE30];
	_ =	sdelay $0x4  }
0x46f: {  	[tilespmem:s13+$0x0] =	vst.add.f32.msk $0xffff, v4  }
0x470: {  	v4 =	vld [tilespmem:s6+$0xE40];
	_ =	sdelay $0x4  }
0x471: {  	[tilespmem:s17+$0x0] =	vst.add.f32.msk $0xffff, v4  }
0x472: {  	v4 =	vld [tilespmem:s6+$0xE50];
	_ =	sdelay $0x4  }
0x473: {  	[tilespmem:s14+$0x0] =	vst.add.f32.msk $0xffff, v4  }
0x474: {  	v4 =	vld [tilespmem:s6+$0xE60];
	_ =	sdelay $0x4  }
0x475: {  	[tilespmem:s15+$0x0] =	vst.add.f32.msk $0xffff, v4  }
0x476: {  	v4 =	vld [tilespmem:s6+$0xE70];
	_ =	sdelay $0x4  }
0x477: {  	[tilespmem:s2+$0x0] =	vst.add.f32.msk $0xffff, v4  }
0x478: {  	v4 =	vld [tilespmem:s6+$0x1200];
	_ =	sdelay $0x4  }
0x479: {  	[tilespmem:s7+$0x0] =	vst.add.f32.msk $0xffff, v4  }
0x47a: {  	v4 =	vld [tilespmem:s6+$0x1210];
	_ =	sdelay $0x4  }
0x47b: {  	[tilespmem:s9+$0x0] =	vst.add.f32.msk $0xffff, v4  }
0x47c: {  	v4 =	vld [tilespmem:s6+$0x1220];
	_ =	sdelay $0x4  }
0x47d: {  	[tilespmem:s3+$0x0] =	vst.add.f32.msk $0xffff, v4  }
0x47e: {  	v4 =	vld [tilespmem:s6+$0x1230];
	_ =	sdelay $0x4  }
0x47f: {  	[tilespmem:s8+$0x0] =	vst.add.f32.msk $0xffff, v4  }
0x480: {  	v4 =	vld [tilespmem:s6+$0x1240];
	_ =	sdelay $0x4  }
0x481: {  	[tilespmem:s18+$0x0] =	vst.add.f32.msk $0xffff, v4  }
0x482: {  	v4 =	vld [tilespmem:s6+$0x1250];
	_ =	sdelay $0x4  }
0x483: {  	[tilespmem:s19+$0x0] =	vst.add.f32.msk $0xffff, v4  }
0x484: {  	v4 =	vld [tilespmem:s6+$0x1260];
	_ =	sdelay $0x4  }
0x485: {  	[tilespmem:s20+$0x0] =	vst.add.f32.msk $0xffff, v4  }
0x486: {  	v4 =	vld [tilespmem:s6+$0x1270];
	_ =	sdelay $0x4  }
0x487: {  	[tilespmem:s21+$0x0] =	vst.add.f32.msk $0xffff, v4  }
0x488: {  	v4 =	vld [tilespmem:s6+$0x1600];
	_ =	sdelay $0x4  }
0x489: {  	[tilespmem:s22+$0x0] =	vst.add.f32.msk $0xffff, v4  }
0x48a: {  	v4 =	vld [tilespmem:s6+$0x1610];
	_ =	sdelay $0x4  }
0x48b: {  	[tilespmem:s23+$0x0] =	vst.add.f32.msk $0xffff, v4  }
0x48c: {  	v4 =	vld [tilespmem:s6+$0x1620];
	_ =	sdelay $0x4  }
0x48d: {  	[tilespmem:s24+$0x0] =	vst.add.f32.msk $0xffff, v4  }
0x48e: {  	v4 =	vld [tilespmem:s6+$0x1630];
	_ =	sdelay $0x4  }
0x48f: {  	[tilespmem:s25+$0x0] =	vst.add.f32.msk $0xffff, v4  }
0x490: {  	v4 =	vld [tilespmem:s6+$0x1640];
	_ =	sdelay $0x4  }
0x491: {  	[tilespmem:s26+$0x0] =	vst.add.f32.msk $0xffff, v4  }
0x492: {  	v4 =	vld [tilespmem:s6+$0x1650];
	_ =	sdelay $0x4  }
0x493: {  	[tilespmem:s28+$0x0] =	vst.add.f32.msk $0xffff, v4  }
0x494: {  	s10 =	rddreg [dreg:$0x7];
	s5 =	sadd.s32 $0x1, s5;
	v4 =	vld [tilespmem:s6+$0x1660]  }
0x495: {  	p0 =	sne.s32 s10, s5  }
.Ltmp10:
0x496: {  	_ = 	snop;
	(pc) =	sbr.rel @p0 .LBB2_11-.Ltmp10, $3  }
0x497: {  	_ =	sdelay $0x1  }
0x498: {  	[tilespmem:s29+$0x0] =	vst.add.f32.msk $0xffff, v4  }
0x499: {  	v4 =	vld [tilespmem:s6+$0x1670]  }
.LBB2_12:
0x49a: {  	_ =	sdelay $0x3  }
0x49b: {  	s12 =	simm.s32 $0x2;
	s29 =	rddreg [dreg:$0x15];
	[tilespmem:s30+$0x0] =	vst.add.f32.msk $0xffff, v4  }
.LBB2_13:
0x49c: {  	v4 =	vld [tilespmem:$0x180];
	_ =	sdelay $0x4  }
0x49d: {  	v5 =	vshrl.u32 v4, $0x3  }
0x49e: {  	v5 =	vmul.u32 $0x30, v5  }
0x49f: {  	v4 =	vand.u32 $0x7, v4  }
0x4a0: {  	v4 =	vor.u32 v4, v5  }
0x4a1: {  	v5 =	vperm.xlane v4, v1;
	_ =	sdelay $0x1  }
0x4a2: {  	v5 =	vadd.s32 v2, v5;
	_ =	sdelay $0x3  }
0x4a3: {  	s4 =	rddreg [dreg:$0x2];
	s5 =	simm.s32 $0x0;
	s0 =	simm.s32 $0x200;
	v4 =	vperm.xlane v4, v3  }
0x4a4: {  	[tilespmem:s0], [sflag:$0x1] =	stream.indirect_vreg.gather [hbm4b:s4+s5], $0x80, v5, vm0, $0xb8;
	[tilespmem:$0xC580] =	vst v63  }
0x4a5: {  	s6 =	rddreg [dreg:$0xc];
	s10 =	simm.s32 $0xA00;
	v4 =	vadd.s32 v2, v4  }
0x4a6: {  	[tilespmem:s10], [sflag:$0x1] =	stream.indirect_vreg.gather [hbm4b:s6+s5], $0x80, v5, vm0, $0xb8;
	[tilespmem:$0xC580] =	vst v63  }
0x4a7: {  	s11 =	simm.s32 $0x1200;
	s10 =	rddreg [dreg:$0xe]  }
0x4a8: {  	[tilespmem:s11], [sflag:$0x1] =	stream.indirect_vreg.gather [hbm4b:s10+s5], $0x80, v5, vm0, $0xb8;
	[tilespmem:$0xC580] =	vst v63  }
0x4a9: {  	s24 =	simm.s32 $0x1A00  }
0x4aa: {  	[tilespmem:s24], [sflag:$0x1] =	stream.indirect_vreg.gather [hbm4b:s4+s5], $0x80, v4, vm0, $0xb8;
	[tilespmem:$0xC580] =	vst v63  }
0x4ab: {  	s25 =	simm.s32 $0x2200  }
0x4ac: {  	[tilespmem:s25], [sflag:$0x1] =	stream.indirect_vreg.gather [hbm4b:s6+s5], $0x80, v4, vm0, $0xb8;
	[tilespmem:$0xC580] =	vst v63  }
0x4ad: {  	s26 =	simm.s32 $0x2A00  }
0x4ae: {  	[tilespmem:s26], [sflag:$0x1] =	stream.indirect_vreg.gather [hbm4b:s10+s5], $0x80, v4, vm0, $0xb8;
	[tilespmem:$0xC580] =	vst v63  }
0x4af: {  	v4 =	vld [tilespmem:$0x190];
	_ =	sdelay $0x4  }
0x4b0: {  	v5 =	vshrl.u32 v4, $0x3  }
0x4b1: {  	v5 =	vmul.u32 $0x30, v5  }
0x4b2: {  	v4 =	vand.u32 $0x7, v4  }
0x4b3: {  	v4 =	vor.u32 v4, v5  }
0x4b4: {  	v5 =	vperm.xlane v4, v1;
	_ =	sdelay $0x1  }
0x4b5: {  	v5 =	vadd.s32 v2, v5;
	_ =	sdelay $0x3  }
0x4b6: {  	s1 =	simm.s32 $0x3200;
	v4 =	vperm.xlane v4, v3  }
0x4b7: {  	[tilespmem:s1], [sflag:$0x1] =	stream.indirect_vreg.gather [hbm4b:s4+s5], $0x80, v5, vm0, $0xb8;
	[tilespmem:$0xC580] =	vst v63  }
0x4b8: {  	s2 =	simm.s32 $0x3A00;
	v4 =	vadd.s32 v2, v4  }
0x4b9: {  	[tilespmem:s2], [sflag:$0x1] =	stream.indirect_vreg.gather [hbm4b:s6+s5], $0x80, v5, vm0, $0xb8;
	[tilespmem:$0xC580] =	vst v63  }
0x4ba: {  	s3 =	simm.s32 $0x4200  }
0x4bb: {  	[tilespmem:s3], [sflag:$0x1] =	stream.indirect_vreg.gather [hbm4b:s10+s5], $0x80, v5, vm0, $0xb8;
	[tilespmem:$0xC580] =	vst v63  }
0x4bc: {  	s7 =	simm.s32 $0x4A00  }
0x4bd: {  	[tilespmem:s7], [sflag:$0x1] =	stream.indirect_vreg.gather [hbm4b:s4+s5], $0x80, v4, vm0, $0xb8;
	[tilespmem:$0xC580] =	vst v63  }
0x4be: {  	s8 =	simm.s32 $0x5200  }
0x4bf: {  	[tilespmem:s8], [sflag:$0x1] =	stream.indirect_vreg.gather [hbm4b:s6+s5], $0x80, v4, vm0, $0xb8;
	[tilespmem:$0xC580] =	vst v63  }
0x4c0: {  	s9 =	simm.s32 $0x5A00  }
0x4c1: {  	[tilespmem:s9], [sflag:$0x1] =	stream.indirect_vreg.gather [hbm4b:s10+s5], $0x80, v4, vm0, $0xb8;
	[tilespmem:$0xC580] =	vst v63  }
0x4c2: {  	v4 =	vld [tilespmem:$0x1A0];
	_ =	sdelay $0x4  }
0x4c3: {  	v5 =	vshrl.u32 v4, $0x3  }
0x4c4: {  	v5 =	vmul.u32 $0x30, v5  }
0x4c5: {  	v4 =	vand.u32 $0x7, v4  }
0x4c6: {  	v4 =	vor.u32 v4, v5  }
0x4c7: {  	v5 =	vperm.xlane v4, v1;
	_ =	sdelay $0x1  }
0x4c8: {  	v5 =	vadd.s32 v2, v5;
	_ =	sdelay $0x3  }
0x4c9: {  	s13 =	simm.s32 $0x6200;
	v4 =	vperm.xlane v4, v3  }
0x4ca: {  	[tilespmem:s13], [sflag:$0x1] =	stream.indirect_vreg.gather [hbm4b:s4+s5], $0x80, v5, vm0, $0xb8;
	[tilespmem:$0xC580] =	vst v63  }
0x4cb: {  	s14 =	simm.s32 $0x6A00;
	v4 =	vadd.s32 v2, v4  }
0x4cc: {  	[tilespmem:s14], [sflag:$0x1] =	stream.indirect_vreg.gather [hbm4b:s6+s5], $0x80, v5, vm0, $0xb8;
	[tilespmem:$0xC580] =	vst v63  }
0x4cd: {  	s15 =	simm.s32 $0x7200  }
0x4ce: {  	[tilespmem:s15], [sflag:$0x1] =	stream.indirect_vreg.gather [hbm4b:s10+s5], $0x80, v5, vm0, $0xb8;
	[tilespmem:$0xC580] =	vst v63  }
0x4cf: {  	s16 =	simm.s32 $0x7A00  }
0x4d0: {  	[tilespmem:s16], [sflag:$0x1] =	stream.indirect_vreg.gather [hbm4b:s4+s5], $0x80, v4, vm0, $0xb8;
	[tilespmem:$0xC580] =	vst v63  }
0x4d1: {  	s17 =	simm.s32 $0x8200  }
0x4d2: {  	[tilespmem:s17], [sflag:$0x1] =	stream.indirect_vreg.gather [hbm4b:s6+s5], $0x80, v4, vm0, $0xb8;
	[tilespmem:$0xC580] =	vst v63  }
0x4d3: {  	s18 =	simm.s32 $0x8A00  }
0x4d4: {  	[tilespmem:s18], [sflag:$0x1] =	stream.indirect_vreg.gather [hbm4b:s10+s5], $0x80, v4, vm0, $0xb8;
	[tilespmem:$0xC580] =	vst v63  }
0x4d5: {  	v4 =	vld [tilespmem:$0x1B0];
	_ =	sdelay $0x4  }
0x4d6: {  	v5 =	vshrl.u32 v4, $0x3  }
0x4d7: {  	v5 =	vmul.u32 $0x30, v5  }
0x4d8: {  	v4 =	vand.u32 $0x7, v4  }
0x4d9: {  	v4 =	vor.u32 v4, v5  }
0x4da: {  	v5 =	vperm.xlane v4, v1;
	_ =	sdelay $0x1  }
0x4db: {  	v5 =	vadd.s32 v2, v5;
	_ =	sdelay $0x3  }
0x4dc: {  	s19 =	simm.s32 $0x9200;
	v4 =	vperm.xlane v4, v3  }
0x4dd: {  	[tilespmem:s19], [sflag:$0x1] =	stream.indirect_vreg.gather [hbm4b:s4+s5], $0x80, v5, vm0, $0xb8;
	[tilespmem:$0xC580] =	vst v63  }
0x4de: {  	s20 =	simm.s32 $0x9A00;
	v4 =	vadd.s32 v2, v4  }
0x4df: {  	[tilespmem:s20], [sflag:$0x1] =	stream.indirect_vreg.gather [hbm4b:s6+s5], $0x80, v5, vm0, $0xb8;
	[tilespmem:$0xC580] =	vst v63  }
0x4e0: {  	s21 =	simm.s32 $0xA200;
	s22 =	simm.s32 $0xAA00  }
0x4e1: {  	[tilespmem:s21], [sflag:$0x1] =	stream.indirect_vreg.gather [hbm4b:s10+s5], $0x80, v5, vm0, $0xb8;
	[tilespmem:$0xC580] =	vst v63  }
0x4e2: {  	s23 =	simm.s32 $0xB200;
	s28 =	simm.s32 $0xC3C0;
	s30 =	simm.s32 $0xC3E0  }
0x4e3: {  	[tilespmem:s22], [sflag:$0x1] =	stream.indirect_vreg.gather [hbm4b:s4+s5], $0x80, v4, vm0, $0xb8;
	[tilespmem:$0xC580] =	vst v63  }
0x4e4: {  	s31 =	simm.s32 $0xC3F0;
	s11 =	simm.s32 $0xC280;
	s24 =	simm.s32 $0xBA00  }
0x4e5: {  	[tilespmem:s23], [sflag:$0x1] =	stream.indirect_vreg.gather [hbm4b:s6+s5], $0x80, v4, vm0, $0xb8;
	[tilespmem:$0xC580] =	vst v63  }
0x4e6: {  	s25 =	simm.s32 $0x1;
	s1 =	simm.s32 $0xC400;
	s2 =	simm.s32 $0xC2E0  }
0x4e7: {  	[tilespmem:s24], [sflag:$0x1] =	stream.indirect_vreg.gather [hbm4b:s10+s5], $0x80, v4, vm0, $0xb8;
	[tilespmem:$0xC580] =	vst v63  }
0x4e8: {  	s3 =	simm.s32 $0xC310;
	s7 =	simm.s32 $0xC2F0;
	_ =	swait.ge [sflag:s25], $0xC000  }
0x4e9: {  	s8 =	simm.s32 $0xC320;
	s9 =	simm.s32 $0xC300;
	[sflag:s25] =	ssyncset.done $0x0  }
0x4ea: {  	s14 =	simm.s32 $0xC2C0;
	s26 =	rddreg [dreg:$0x11];
	[sflag:s25] =	ssyncadd.s32 $0xFFFF4000  }
0x4eb: {  	[hbm4b:s26+s5] =	stream.linear.scatter [tilespmem:s0], [sflag:$0x2], $0xC000, $0x38;
	[tilespmem:$0xC580] =	vst v63  }
0x4ec: {  	s15 =	simm.s32 $0xC2D0;
	s16 =	simm.s32 $0xC420;
	s5 =	sadd.s32 $0xFFFFFF40, s29  }
0x4ed: {  	s17 =	simm.s32 $0xC2B0;
	s18 =	simm.s32 $0xC330;
	p0 =	slt.s32 s5, $0x1  }
.Ltmp11:
0x4ee: {  	s19 =	simm.s32 $0xC340;
	s20 =	simm.s32 $0xC350;
	(pc) =	sbr.rel @p0 .LBB2_17-.Ltmp11, $4  }
0x4ef: {  	s21 =	simm.s32 $0xC360;
	s22 =	simm.s32 $0xC370;
	s23 =	simm.s32 $0xC380  }
0x4f0: {  	s24 =	simm.s32 $0xC390;
	s25 =	simm.s32 $0xC3A0;
	_ =	swait.ge [sflag:s12], $0xC000  }
0x4f1: {  	s26 =	simm.s32 $0xC3B0;
	s29 =	simm.s32 $0xC3D0;
	[sflag:s12] =	ssyncset.done $0x0  }
0x4f2: {  	s0 =	simm.s32 $0xC410;
	s10 =	rddreg [dreg:$0x14];
	[sflag:s12] =	ssyncadd.s32 $0xFFFF4000  }
0x4f3: {  	s4 =	simm.s32 $0x0  }
0x4f4: {  	s6 =	smul.u32 $0x6000, s4  }
0x4f5: {  	s4 =	simm.s32 $0x0  }
0x4f6: {  	s10 =	sand.u32 $0x380, s4;
	s6 =	sshra.s32 s6, $0x2  }
0x4f7: {  	s6 =	sor.u32 s10, s6  }
0x4f8: {  	v4 =	vld [tilespmem:s6+$0x200];
	_ =	sdelay $0x4  }
0x4f9: {  	[tilespmem:s11+$0x0] =	vst.add.f32.msk $0xffff, v4  }
0x4fa: {  	v4 =	vld [tilespmem:s6+$0x210];
	_ =	sdelay $0x3  }
0x4fb: {  	s12 =	simm.s32 $0xC290  }
0x4fc: {  	[tilespmem:s12+$0x0] =	vst.add.f32.msk $0xffff, v4  }
0x4fd: {  	v4 =	vld [tilespmem:s6+$0x220];
	_ =	sdelay $0x3  }
0x4fe: {  	s13 =	simm.s32 $0xC2A0  }
0x4ff: {  	[tilespmem:s13+$0x0] =	vst.add.f32.msk $0xffff, v4  }
0x500: {  	v4 =	vld [tilespmem:s6+$0x230];
	_ =	sdelay $0x4  }
0x501: {  	[tilespmem:s17+$0x0] =	vst.add.f32.msk $0xffff, v4  }
0x502: {  	v4 =	vld [tilespmem:s6+$0x240];
	_ =	sdelay $0x4  }
0x503: {  	[tilespmem:s14+$0x0] =	vst.add.f32.msk $0xffff, v4  }
0x504: {  	v4 =	vld [tilespmem:s6+$0x250];
	_ =	sdelay $0x4  }
0x505: {  	[tilespmem:s15+$0x0] =	vst.add.f32.msk $0xffff, v4  }
0x506: {  	v4 =	vld [tilespmem:s6+$0x260];
	_ =	sdelay $0x4  }
0x507: {  	[tilespmem:s2+$0x0] =	vst.add.f32.msk $0xffff, v4  }
0x508: {  	v4 =	vld [tilespmem:s6+$0x270];
	_ =	sdelay $0x4  }
0x509: {  	[tilespmem:s7+$0x0] =	vst.add.f32.msk $0xffff, v4  }
0x50a: {  	v4 =	vld [tilespmem:s6+$0x600];
	_ =	sdelay $0x4  }
0x50b: {  	[tilespmem:s9+$0x0] =	vst.add.f32.msk $0xffff, v4  }
0x50c: {  	v4 =	vld [tilespmem:s6+$0x610];
	_ =	sdelay $0x4  }
0x50d: {  	[tilespmem:s3+$0x0] =	vst.add.f32.msk $0xffff, v4  }
0x50e: {  	v4 =	vld [tilespmem:s6+$0x620];
	_ =	sdelay $0x4  }
0x50f: {  	[tilespmem:s8+$0x0] =	vst.add.f32.msk $0xffff, v4  }
0x510: {  	v4 =	vld [tilespmem:s6+$0x630];
	_ =	sdelay $0x4  }
0x511: {  	[tilespmem:s18+$0x0] =	vst.add.f32.msk $0xffff, v4  }
0x512: {  	v4 =	vld [tilespmem:s6+$0x640];
	_ =	sdelay $0x4  }
0x513: {  	[tilespmem:s19+$0x0] =	vst.add.f32.msk $0xffff, v4  }
0x514: {  	v4 =	vld [tilespmem:s6+$0x650];
	_ =	sdelay $0x4  }
0x515: {  	[tilespmem:s20+$0x0] =	vst.add.f32.msk $0xffff, v4  }
0x516: {  	v4 =	vld [tilespmem:s6+$0x660];
	_ =	sdelay $0x4  }
0x517: {  	[tilespmem:s21+$0x0] =	vst.add.f32.msk $0xffff, v4  }
0x518: {  	v4 =	vld [tilespmem:s6+$0x670];
	_ =	sdelay $0x4  }
0x519: {  	[tilespmem:s22+$0x0] =	vst.add.f32.msk $0xffff, v4  }
0x51a: {  	v4 =	vld [tilespmem:s6+$0xA00];
	_ =	sdelay $0x4  }
0x51b: {  	[tilespmem:s23+$0x0] =	vst.add.f32.msk $0xffff, v4  }
0x51c: {  	v4 =	vld [tilespmem:s6+$0xA10];
	_ =	sdelay $0x4  }
0x51d: {  	[tilespmem:s24+$0x0] =	vst.add.f32.msk $0xffff, v4  }
0x51e: {  	v4 =	vld [tilespmem:s6+$0xA20];
	_ =	sdelay $0x4  }
0x51f: {  	[tilespmem:s25+$0x0] =	vst.add.f32.msk $0xffff, v4  }
0x520: {  	v4 =	vld [tilespmem:s6+$0xA30];
	_ =	sdelay $0x4  }
0x521: {  	[tilespmem:s26+$0x0] =	vst.add.f32.msk $0xffff, v4  }
0x522: {  	v4 =	vld [tilespmem:s6+$0xA40];
	_ =	sdelay $0x4  }
0x523: {  	[tilespmem:s28+$0x0] =	vst.add.f32.msk $0xffff, v4  }
0x524: {  	v4 =	vld [tilespmem:s6+$0xA50];
	_ =	sdelay $0x4  }
0x525: {  	[tilespmem:s29+$0x0] =	vst.add.f32.msk $0xffff, v4  }
0x526: {  	v4 =	vld [tilespmem:s6+$0xA60];
	_ =	sdelay $0x4  }
0x527: {  	[tilespmem:s30+$0x0] =	vst.add.f32.msk $0xffff, v4  }
0x528: {  	v4 =	vld [tilespmem:s6+$0xA70];
	_ =	sdelay $0x4  }
0x529: {  	[tilespmem:s31+$0x0] =	vst.add.f32.msk $0xffff, v4  }
0x52a: {  	v4 =	vld [tilespmem:s6+$0xE00];
	_ =	sdelay $0x4  }
0x52b: {  	[tilespmem:s1+$0x0] =	vst.add.f32.msk $0xffff, v4  }
0x52c: {  	v4 =	vld [tilespmem:s6+$0xE10];
	_ =	sdelay $0x4  }
0x52d: {  	[tilespmem:s0+$0x0] =	vst.add.f32.msk $0xffff, v4  }
0x52e: {  	v4 =	vld [tilespmem:s6+$0xE20];
	_ =	sdelay $0x4  }
0x52f: {  	[tilespmem:s16+$0x0] =	vst.add.f32.msk $0xffff, v4  }
0x530: {  	v4 =	vld [tilespmem:s6+$0xE30];
	_ =	sdelay $0x3  }
0x531: {  	s12 =	simm.s32 $0xC430  }
0x532: {  	[tilespmem:s12+$0x0] =	vst.add.f32.msk $0xffff, v4  }
0x533: {  	v4 =	vld [tilespmem:s6+$0xE40];
	_ =	sdelay $0x3  }
0x534: {  	s13 =	simm.s32 $0xC440  }
0x535: {  	[tilespmem:s13+$0x0] =	vst.add.f32.msk $0xffff, v4  }
0x536: {  	v4 =	vld [tilespmem:s6+$0xE50];
	_ =	sdelay $0x3  }
0x537: {  	s12 =	simm.s32 $0xC450  }
0x538: {  	[tilespmem:s12+$0x0] =	vst.add.f32.msk $0xffff, v4  }
0x539: {  	v4 =	vld [tilespmem:s6+$0xE60];
	_ =	sdelay $0x3  }
0x53a: {  	s13 =	simm.s32 $0xC460  }
0x53b: {  	[tilespmem:s13+$0x0] =	vst.add.f32.msk $0xffff, v4  }
0x53c: {  	v4 =	vld [tilespmem:s6+$0xE70];
	_ =	sdelay $0x3  }
0x53d: {  	s12 =	simm.s32 $0xC470  }
0x53e: {  	[tilespmem:s12+$0x0] =	vst.add.f32.msk $0xffff, v4  }
0x53f: {  	v4 =	vld [tilespmem:s6+$0x1200];
	_ =	sdelay $0x3  }
0x540: {  	s13 =	simm.s32 $0xC480  }
0x541: {  	[tilespmem:s13+$0x0] =	vst.add.f32.msk $0xffff, v4  }
0x542: {  	v4 =	vld [tilespmem:s6+$0x1210];
	_ =	sdelay $0x3  }
0x543: {  	s12 =	simm.s32 $0xC490  }
0x544: {  	[tilespmem:s12+$0x0] =	vst.add.f32.msk $0xffff, v4  }
0x545: {  	v4 =	vld [tilespmem:s6+$0x1220];
	_ =	sdelay $0x3  }
0x546: {  	s13 =	simm.s32 $0xC4A0  }
0x547: {  	[tilespmem:s13+$0x0] =	vst.add.f32.msk $0xffff, v4  }
0x548: {  	v4 =	vld [tilespmem:s6+$0x1230];
	_ =	sdelay $0x3  }
0x549: {  	s12 =	simm.s32 $0xC4B0  }
0x54a: {  	[tilespmem:s12+$0x0] =	vst.add.f32.msk $0xffff, v4  }
0x54b: {  	v4 =	vld [tilespmem:s6+$0x1240];
	_ =	sdelay $0x3  }
0x54c: {  	s13 =	simm.s32 $0xC4C0  }
0x54d: {  	[tilespmem:s13+$0x0] =	vst.add.f32.msk $0xffff, v4  }
0x54e: {  	v4 =	vld [tilespmem:s6+$0x1250];
	_ =	sdelay $0x3  }
0x54f: {  	s12 =	simm.s32 $0xC4D0  }
0x550: {  	[tilespmem:s12+$0x0] =	vst.add.f32.msk $0xffff, v4  }
0x551: {  	v4 =	vld [tilespmem:s6+$0x1260];
	_ =	sdelay $0x3  }
0x552: {  	s13 =	simm.s32 $0xC4E0  }
0x553: {  	[tilespmem:s13+$0x0] =	vst.add.f32.msk $0xffff, v4  }
0x554: {  	v4 =	vld [tilespmem:s6+$0x1270];
	_ =	sdelay $0x3  }
0x555: {  	s12 =	simm.s32 $0xC4F0  }
0x556: {  	[tilespmem:s12+$0x0] =	vst.add.f32.msk $0xffff, v4  }
0x557: {  	v4 =	vld [tilespmem:s6+$0x1600];
	_ =	sdelay $0x3  }
0x558: {  	s13 =	simm.s32 $0xC500  }
0x559: {  	[tilespmem:s13+$0x0] =	vst.add.f32.msk $0xffff, v4  }
0x55a: {  	v4 =	vld [tilespmem:s6+$0x1610];
	_ =	sdelay $0x3  }
0x55b: {  	s12 =	simm.s32 $0xC510  }
0x55c: {  	[tilespmem:s12+$0x0] =	vst.add.f32.msk $0xffff, v4  }
0x55d: {  	v4 =	vld [tilespmem:s6+$0x1620];
	_ =	sdelay $0x3  }
0x55e: {  	s13 =	simm.s32 $0xC520  }
0x55f: {  	[tilespmem:s13+$0x0] =	vst.add.f32.msk $0xffff, v4  }
0x560: {  	v4 =	vld [tilespmem:s6+$0x1630];
	_ =	sdelay $0x3  }
0x561: {  	s12 =	simm.s32 $0xC530  }
0x562: {  	[tilespmem:s12+$0x0] =	vst.add.f32.msk $0xffff, v4  }
0x563: {  	v4 =	vld [tilespmem:s6+$0x1640];
	_ =	sdelay $0x3  }
0x564: {  	s13 =	simm.s32 $0xC540  }
0x565: {  	[tilespmem:s13+$0x0] =	vst.add.f32.msk $0xffff, v4  }
0x566: {  	v4 =	vld [tilespmem:s6+$0x1650];
	_ =	sdelay $0x3  }
0x567: {  	s12 =	simm.s32 $0xC550  }
0x568: {  	[tilespmem:s12+$0x0] =	vst.add.f32.msk $0xffff, v4  }
0x569: {  	v4 =	vld [tilespmem:s6+$0x1660];
	_ =	sdelay $0x1  }
0x56a: {  	s5 =	smin.u32 s5, $0x40  }
0x56b: {  	[dreg:$0x8] =	wrdreg s5  }
0x56c: {  	s5 =	rddreg [dreg:$0x8];
	s13 =	simm.s32 $0xC560  }
0x56d: {  	p0 =	sne.s32 s5, $0x1;
	[tilespmem:s13+$0x0] =	vst.add.f32.msk $0xffff, v4  }
.Ltmp12:
0x56e: {  	v4 =	vld [tilespmem:s6+$0x1670];
	(pc) =	sbr.rel @!p0 .LBB2_16-.Ltmp12, $2  }
0x56f: {  	_ =	sdelay $0x2  }
0x570: {  	s5 =	simm.s32 $0x1;
	s12 =	simm.s32 $0xC570  }
.LBB2_15:
0x571: {  	s6 =	sshrl.u32 s5, $0x3  }
0x572: {  	s6 =	smul.u32 $0x6000, s6  }
0x573: {  	s4 =	sadd.s32 $0x80, s4  }
0x574: {  	s11 =	sand.u32 $0x380, s4;
	s6 =	sshra.s32 s6, $0x2  }
0x575: {  	[tilespmem:s12+$0x0] =	vst.add.f32.msk $0xffff, v4;
	s6 =	sor.u32 s11, s6  }
0x576: {  	v4 =	vld [tilespmem:s6+$0x200];
	_ =	sdelay $0x3  }
0x577: {  	s11 =	simm.s32 $0xC280  }
0x578: {  	[tilespmem:s11+$0x0] =	vst.add.f32.msk $0xffff, v4  }
0x579: {  	v4 =	vld [tilespmem:s6+$0x210];
	_ =	sdelay $0x3  }
0x57a: {  	s13 =	simm.s32 $0xC290  }
0x57b: {  	[tilespmem:s13+$0x0] =	vst.add.f32.msk $0xffff, v4  }
0x57c: {  	v4 =	vld [tilespmem:s6+$0x220];
	_ =	sdelay $0x3  }
0x57d: {  	s13 =	simm.s32 $0xC2A0  }
0x57e: {  	[tilespmem:s13+$0x0] =	vst.add.f32.msk $0xffff, v4  }
0x57f: {  	v4 =	vld [tilespmem:s6+$0x230];
	_ =	sdelay $0x4  }
0x580: {  	[tilespmem:s17+$0x0] =	vst.add.f32.msk $0xffff, v4  }
0x581: {  	v4 =	vld [tilespmem:s6+$0x240];
	_ =	sdelay $0x4  }
0x582: {  	[tilespmem:s14+$0x0] =	vst.add.f32.msk $0xffff, v4  }
0x583: {  	v4 =	vld [tilespmem:s6+$0x250];
	_ =	sdelay $0x4  }
0x584: {  	[tilespmem:s15+$0x0] =	vst.add.f32.msk $0xffff, v4  }
0x585: {  	v4 =	vld [tilespmem:s6+$0x260];
	_ =	sdelay $0x4  }
0x586: {  	[tilespmem:s2+$0x0] =	vst.add.f32.msk $0xffff, v4  }
0x587: {  	v4 =	vld [tilespmem:s6+$0x270];
	_ =	sdelay $0x4  }
0x588: {  	[tilespmem:s7+$0x0] =	vst.add.f32.msk $0xffff, v4  }
0x589: {  	v4 =	vld [tilespmem:s6+$0x600];
	_ =	sdelay $0x4  }
0x58a: {  	[tilespmem:s9+$0x0] =	vst.add.f32.msk $0xffff, v4  }
0x58b: {  	v4 =	vld [tilespmem:s6+$0x610];
	_ =	sdelay $0x4  }
0x58c: {  	[tilespmem:s3+$0x0] =	vst.add.f32.msk $0xffff, v4  }
0x58d: {  	v4 =	vld [tilespmem:s6+$0x620];
	_ =	sdelay $0x4  }
0x58e: {  	[tilespmem:s8+$0x0] =	vst.add.f32.msk $0xffff, v4  }
0x58f: {  	v4 =	vld [tilespmem:s6+$0x630];
	_ =	sdelay $0x4  }
0x590: {  	[tilespmem:s18+$0x0] =	vst.add.f32.msk $0xffff, v4  }
0x591: {  	v4 =	vld [tilespmem:s6+$0x640];
	_ =	sdelay $0x4  }
0x592: {  	[tilespmem:s19+$0x0] =	vst.add.f32.msk $0xffff, v4  }
0x593: {  	v4 =	vld [tilespmem:s6+$0x650];
	_ =	sdelay $0x4  }
0x594: {  	[tilespmem:s20+$0x0] =	vst.add.f32.msk $0xffff, v4  }
0x595: {  	v4 =	vld [tilespmem:s6+$0x660];
	_ =	sdelay $0x4  }
0x596: {  	[tilespmem:s21+$0x0] =	vst.add.f32.msk $0xffff, v4  }
0x597: {  	v4 =	vld [tilespmem:s6+$0x670];
	_ =	sdelay $0x4  }
0x598: {  	[tilespmem:s22+$0x0] =	vst.add.f32.msk $0xffff, v4  }
0x599: {  	v4 =	vld [tilespmem:s6+$0xA00];
	_ =	sdelay $0x4  }
0x59a: {  	[tilespmem:s23+$0x0] =	vst.add.f32.msk $0xffff, v4  }
0x59b: {  	v4 =	vld [tilespmem:s6+$0xA10];
	_ =	sdelay $0x4  }
0x59c: {  	[tilespmem:s24+$0x0] =	vst.add.f32.msk $0xffff, v4  }
0x59d: {  	v4 =	vld [tilespmem:s6+$0xA20];
	_ =	sdelay $0x4  }
0x59e: {  	[tilespmem:s25+$0x0] =	vst.add.f32.msk $0xffff, v4  }
0x59f: {  	v4 =	vld [tilespmem:s6+$0xA30];
	_ =	sdelay $0x4  }
0x5a0: {  	[tilespmem:s26+$0x0] =	vst.add.f32.msk $0xffff, v4  }
0x5a1: {  	v4 =	vld [tilespmem:s6+$0xA40];
	_ =	sdelay $0x4  }
0x5a2: {  	[tilespmem:s28+$0x0] =	vst.add.f32.msk $0xffff, v4  }
0x5a3: {  	v4 =	vld [tilespmem:s6+$0xA50];
	_ =	sdelay $0x4  }
0x5a4: {  	[tilespmem:s29+$0x0] =	vst.add.f32.msk $0xffff, v4  }
0x5a5: {  	v4 =	vld [tilespmem:s6+$0xA60];
	_ =	sdelay $0x4  }
0x5a6: {  	[tilespmem:s30+$0x0] =	vst.add.f32.msk $0xffff, v4  }
0x5a7: {  	v4 =	vld [tilespmem:s6+$0xA70];
	_ =	sdelay $0x4  }
0x5a8: {  	[tilespmem:s31+$0x0] =	vst.add.f32.msk $0xffff, v4  }
0x5a9: {  	v4 =	vld [tilespmem:s6+$0xE00];
	_ =	sdelay $0x4  }
0x5aa: {  	[tilespmem:s1+$0x0] =	vst.add.f32.msk $0xffff, v4  }
0x5ab: {  	v4 =	vld [tilespmem:s6+$0xE10];
	_ =	sdelay $0x4  }
0x5ac: {  	[tilespmem:s0+$0x0] =	vst.add.f32.msk $0xffff, v4  }
0x5ad: {  	v4 =	vld [tilespmem:s6+$0xE20];
	_ =	sdelay $0x4  }
0x5ae: {  	[tilespmem:s16+$0x0] =	vst.add.f32.msk $0xffff, v4  }
0x5af: {  	v4 =	vld [tilespmem:s6+$0xE30];
	_ =	sdelay $0x2  }
0x5b0: {  	s10 =	rddreg [dreg:$0x8];
	s5 =	sadd.s32 $0x1, s5  }
0x5b1: {  	p0 =	sne.s32 s10, s5;
	s10 =	simm.s32 $0xC430  }
0x5b2: {  	[tilespmem:s10+$0x0] =	vst.add.f32.msk $0xffff, v4  }
0x5b3: {  	v4 =	vld [tilespmem:s6+$0xE40];
	_ =	sdelay $0x3  }
0x5b4: {  	s13 =	simm.s32 $0xC440  }
0x5b5: {  	[tilespmem:s13+$0x0] =	vst.add.f32.msk $0xffff, v4  }
0x5b6: {  	v4 =	vld [tilespmem:s6+$0xE50];
	_ =	sdelay $0x3  }
0x5b7: {  	s13 =	simm.s32 $0xC450  }
0x5b8: {  	[tilespmem:s13+$0x0] =	vst.add.f32.msk $0xffff, v4  }
0x5b9: {  	v4 =	vld [tilespmem:s6+$0xE60];
	_ =	sdelay $0x3  }
0x5ba: {  	s13 =	simm.s32 $0xC460  }
0x5bb: {  	[tilespmem:s13+$0x0] =	vst.add.f32.msk $0xffff, v4  }
0x5bc: {  	v4 =	vld [tilespmem:s6+$0xE70];
	_ =	sdelay $0x3  }
0x5bd: {  	s13 =	simm.s32 $0xC470  }
0x5be: {  	[tilespmem:s13+$0x0] =	vst.add.f32.msk $0xffff, v4  }
0x5bf: {  	v4 =	vld [tilespmem:s6+$0x1200];
	_ =	sdelay $0x3  }
0x5c0: {  	s13 =	simm.s32 $0xC480  }
0x5c1: {  	[tilespmem:s13+$0x0] =	vst.add.f32.msk $0xffff, v4  }
0x5c2: {  	v4 =	vld [tilespmem:s6+$0x1210];
	_ =	sdelay $0x3  }
0x5c3: {  	s13 =	simm.s32 $0xC490  }
0x5c4: {  	[tilespmem:s13+$0x0] =	vst.add.f32.msk $0xffff, v4  }
0x5c5: {  	v4 =	vld [tilespmem:s6+$0x1220];
	_ =	sdelay $0x3  }
0x5c6: {  	s13 =	simm.s32 $0xC4A0  }
0x5c7: {  	[tilespmem:s13+$0x0] =	vst.add.f32.msk $0xffff, v4  }
0x5c8: {  	v4 =	vld [tilespmem:s6+$0x1230];
	_ =	sdelay $0x3  }
0x5c9: {  	s13 =	simm.s32 $0xC4B0  }
0x5ca: {  	[tilespmem:s13+$0x0] =	vst.add.f32.msk $0xffff, v4  }
0x5cb: {  	v4 =	vld [tilespmem:s6+$0x1240];
	_ =	sdelay $0x3  }
0x5cc: {  	s13 =	simm.s32 $0xC4C0  }
0x5cd: {  	[tilespmem:s13+$0x0] =	vst.add.f32.msk $0xffff, v4  }
0x5ce: {  	v4 =	vld [tilespmem:s6+$0x1250];
	_ =	sdelay $0x3  }
0x5cf: {  	s13 =	simm.s32 $0xC4D0  }
0x5d0: {  	[tilespmem:s13+$0x0] =	vst.add.f32.msk $0xffff, v4  }
0x5d1: {  	v4 =	vld [tilespmem:s6+$0x1260];
	_ =	sdelay $0x3  }
0x5d2: {  	s13 =	simm.s32 $0xC4E0  }
0x5d3: {  	[tilespmem:s13+$0x0] =	vst.add.f32.msk $0xffff, v4  }
0x5d4: {  	v4 =	vld [tilespmem:s6+$0x1270];
	_ =	sdelay $0x3  }
0x5d5: {  	s13 =	simm.s32 $0xC4F0  }
0x5d6: {  	[tilespmem:s13+$0x0] =	vst.add.f32.msk $0xffff, v4  }
0x5d7: {  	v4 =	vld [tilespmem:s6+$0x1600];
	_ =	sdelay $0x3  }
0x5d8: {  	s13 =	simm.s32 $0xC500  }
0x5d9: {  	[tilespmem:s13+$0x0] =	vst.add.f32.msk $0xffff, v4  }
0x5da: {  	v4 =	vld [tilespmem:s6+$0x1610];
	_ =	sdelay $0x3  }
0x5db: {  	s13 =	simm.s32 $0xC510  }
0x5dc: {  	[tilespmem:s13+$0x0] =	vst.add.f32.msk $0xffff, v4  }
0x5dd: {  	v4 =	vld [tilespmem:s6+$0x1620];
	_ =	sdelay $0x3  }
0x5de: {  	s13 =	simm.s32 $0xC520  }
0x5df: {  	[tilespmem:s13+$0x0] =	vst.add.f32.msk $0xffff, v4  }
0x5e0: {  	v4 =	vld [tilespmem:s6+$0x1630];
	_ =	sdelay $0x3  }
0x5e1: {  	s13 =	simm.s32 $0xC530  }
0x5e2: {  	[tilespmem:s13+$0x0] =	vst.add.f32.msk $0xffff, v4  }
0x5e3: {  	v4 =	vld [tilespmem:s6+$0x1640];
	_ =	sdelay $0x3  }
0x5e4: {  	s13 =	simm.s32 $0xC540  }
0x5e5: {  	[tilespmem:s13+$0x0] =	vst.add.f32.msk $0xffff, v4  }
0x5e6: {  	v4 =	vld [tilespmem:s6+$0x1650];
	_ =	sdelay $0x3  }
0x5e7: {  	s13 =	simm.s32 $0xC550  }
0x5e8: {  	[tilespmem:s13+$0x0] =	vst.add.f32.msk $0xffff, v4  }
0x5e9: {  	v4 =	vld [tilespmem:s6+$0x1660];
	_ =	sdelay $0x1  }
.Ltmp13:
0x5ea: {  	_ = 	snop;
	(pc) =	sbr.rel @p0 .LBB2_15-.Ltmp13, $4  }
0x5eb: {  	_ = 	snop  }
0x5ec: {  	s13 =	simm.s32 $0xC560  }
0x5ed: {  	[tilespmem:s13+$0x0] =	vst.add.f32.msk $0xffff, v4  }
0x5ee: {  	v4 =	vld [tilespmem:s6+$0x1670]  }
.Ltmp14:
0x5ef: {  	_ = 	snop;
	(pc) =	sbr.rel .LBB2_16-.Ltmp14, $1  }
0x5f0: {  	_ =	sdelay $0x3  }
.LBB2_18:
0x5f1: {  	_ =	sfence.sel $0x180000  }
0x5f2: {  	[bflag:$0x0] =	sbarrier.arrive $0xFFFF  }
0x5f3: {  	_ =	strace $0x90000047  }
0x5f4: {  	s0 =	stileid.u32;
	[bflag:$0x2] =	sbarrier.arrive $0xFFFF  }
0x5f5: {  	p0 =	sne.s32 s0, $0x0;
	s0 =	rddreg [dreg:$0x4]  }
0x5f6: {  	s0 =	sadd.s32 @!p0 $0x100000, s0  }
0x5f7: {  	[sflag:s0] =	ssyncadd.tile.s32 @!p0 $0x1;
	_ =	shalt  }
.Lfunc_end2:
_tile_overlayer_lowered:
.L_overlay_start_2:
0x5f8: {  	(tag) =	ssettag $0x2  }
0x5f9: {  	s0 =	rddreg [dreg:$0x0];
	s2 =	stileid.u32  }
0x5fa: {  	s1 =	rddreg [dreg:$0x1];
	p0 =	sne.s32 s2, $0x0  }
0x5fb: {  	s3 =	rddreg [dreg:$0x2];
	[bflag:$0x3] =	sbarrier.arrive $0xFFFF;
	s2 =	simm.s32 @!p0 $0x1C02  }
0x5fc: {  	[timem:s3], [sflag:s2] =	dma.local @!p0 [hbm:s0], s1  }
0x5fd: {  	s0 =	simm.s32 @!p0 $0x2  }
0x5fe: {  	_ =	swait.ge @!p0 [sflag:s0], s1  }
0x5ff: {  	s1 =	ssub.s32 @!p0 $0x0, s1;
	[sflag:s0] =	ssyncset.done @!p0 $0x0  }
0x600: {  	[sflag:s0] =	ssyncadd.s32 @!p0 s1  }
0x601: {  	[bflag:$0x3] =	sbarrier.arrive $0xFFFF  }
0x602: {  	_ =	shalt  }

</sc_bundles>
